<compile_context>
chip_gen: v7x
topology: tpu7x:2x2x1
jax: 0.10.2.dev20260603
libtpu: 0.0.44.dev20260713+nightly
codegen_flags: <defaults>
</compile_context>

<pallas_src>
import functools

import jax
import jax.numpy as jnp
from jax import lax
from jax.experimental import pallas as pl
from jax.experimental.pallas import tpu as pltpu
from jax.experimental.pallas import tpu_sc as plsc

N = 10000
NPAD = 10240
STRIPE = NPAD // 16
CW = 128
B = 128
NB = 80
EPAD = 16 * NB * B
DEGW = 128
BLK = 1000

_mesh = plsc.VectorSubcoreMesh(core_axis_name="c", subcore_axis_name="s")


@functools.partial(
    pl.kernel,
    out_type=jax.ShapeDtypeStruct((2 * NPAD, DEGW), jnp.float32),
    mesh=_mesh,
    scratch_types=[
        pltpu.VMEM((NB // 2, B), jnp.int32),
        pltpu.VMEM((B, DEGW), jnp.float32),
        pltpu.VMEM((B, DEGW), jnp.float32),
        pltpu.VMEM_SHARED((NPAD, DEGW), jnp.float32),
    ],
)
def _deg_kernel(ddeg, ones_h, zero_h, out, idxv, ones_v, bncd, dacc):
    c = lax.axis_index("c")
    s = lax.axis_index("s")
    w = c * 16 + s
    pltpu.sync_copy(ddeg.at[w], idxv)
    pltpu.sync_copy(ones_h, ones_v)
    pltpu.sync_copy(zero_h, bncd)

    def z_body(i, carry):
        pltpu.sync_copy(bncd, dacc.at[pl.ds(s * STRIPE + i * B, B)])
        return carry

    lax.fori_loop(0, STRIPE // B, z_body, 0)
    plsc.subcore_barrier()

    def e_body(j, carry):
        pltpu.sync_copy(ones_v, dacc.at[idxv.at[j]], add=True)
        return carry

    lax.fori_loop(0, NB // 2, e_body, 0)
    plsc.subcore_barrier()

    def out_b(i, carry):
        pltpu.sync_copy(dacc.at[pl.ds(s * STRIPE + i * B, B)], bncd)
        pltpu.sync_copy(bncd, out.at[pl.ds(c * NPAD + s * STRIPE + i * B, B)])
        return carry

    lax.fori_loop(0, STRIPE // B, out_b, 0)


def _make_scatter(P):
    pc = P // 2
    W = 40

    @functools.partial(
        pl.kernel,
        out_type=jax.ShapeDtypeStruct((P * NPAD, CW), jnp.float32),
        mesh=_mesh,
        scratch_types=[
            pltpu.VMEM((W, B), jnp.int32),
            pltpu.VMEM((W, B), jnp.int32),
            pltpu.VMEM((2, B, CW), jnp.float32),
            pltpu.VMEM_SHARED((NPAD, CW), jnp.float32),
            pltpu.SemaphoreType.DMA,
            pltpu.SemaphoreType.DMA,
            pltpu.SemaphoreType.DMA,
            pltpu.SemaphoreType.DMA,
        ],
    )
    def _scatter(xs, srcr, dstr, out, idxg, idxd, msg, acc, g0, g1, s0, s1):
        c = lax.axis_index("c")
        s = lax.axis_index("s")
        for pi in range(pc):
            p = c * pc + pi
            base = p * NPAD

            def init_b(i, carry):
                pltpu.sync_copy(xs.at[pl.ds(base + s * STRIPE + i * B, B)],
                                msg.at[0])
                pltpu.sync_copy(msg.at[0], acc.at[pl.ds(s * STRIPE + i * B, B)])
                return carry

            lax.fori_loop(0, STRIPE // B, init_b, 0)
            plsc.subcore_barrier()

            for wi in range(NB // W):
                pltpu.sync_copy(srcr.at[s].at[pl.ds(wi * W, W)], idxg)
                pltpu.sync_copy(dstr.at[s].at[pl.ds(wi * W, W)], idxd)

                def off_r(r, carry):
                    def off_k(k, carry2):
                        idxg[r, pl.ds(k * 16, 16)] = (
                            idxg[r, pl.ds(k * 16, 16)] + base)
                        return carry2
                    return lax.fori_loop(0, B // 16, off_k, carry)

                lax.fori_loop(0, W, off_r, 0)

                pltpu.async_copy(xs.at[idxg.at[0]], msg.at[0], g0)
                pltpu.async_copy(xs.at[idxg.at[1]], msg.at[1], g1)

                def t_body(t, carry):
                    j0 = 2 * t
                    j1 = j0 + 1
                    pltpu.make_async_copy(
                        xs.at[idxg.at[j0]], msg.at[0], g0).wait()
                    pltpu.async_copy(msg.at[0], acc.at[idxd.at[j0]], s0,
                                     add=True)
                    pltpu.make_async_copy(
                        xs.at[idxg.at[j1]], msg.at[1], g1).wait()
                    pltpu.async_copy(msg.at[1], acc.at[idxd.at[j1]], s1,
                                     add=True)

                    @pl.when(t < W // 2 - 1)
                    def _refill():
                        pltpu.make_async_copy(
                            msg.at[0], acc.at[idxd.at[j0]], s0).wait()
                        pltpu.async_copy(xs.at[idxg.at[j0 + 2]], msg.at[0], g0)
                        pltpu.make_async_copy(
                            msg.at[1], acc.at[idxd.at[j1]], s1).wait()
                        pltpu.async_copy(xs.at[idxg.at[j1 + 2]], msg.at[1], g1)

                    return carry

                lax.fori_loop(0, W // 2, t_body, 0)
                pltpu.make_async_copy(
                    msg.at[0], acc.at[idxd.at[W - 2]], s0).wait()
                pltpu.make_async_copy(
                    msg.at[1], acc.at[idxd.at[W - 1]], s1).wait()

            plsc.subcore_barrier()

            def out_b(i, carry):
                pltpu.sync_copy(acc.at[pl.ds(s * STRIPE + i * B, B)], msg.at[0])
                pltpu.sync_copy(msg.at[0],
                                out.at[pl.ds(base + s * STRIPE + i * B, B)])
                return carry

            lax.fori_loop(0, STRIPE // B, out_b, 0)

    return _scatter


_scatter2 = _make_scatter(2)
_scatter4 = _make_scatter(4)


def _dis_of(degp_ref):
    deg = jnp.sum(degp_ref[0] + degp_ref[1], axis=1) * (1.0 / DEGW) + 1.0
    return 1.0 / jnp.sqrt(deg)


def _k0_body(degp_ref, x_ref, xs1_ref):
    dis = _dis_of(degp_ref)
    xs = x_ref[...] * dis[:, None]
    for k in range(2):
        xs1_ref[k] = xs[:, k * CW:(k + 1) * CW]


def _ka_body(degp_ref, acc1_ref, w1_ref, b1_ref, w2_ref, xs2_ref):
    dis = _dis_of(degp_ref)
    s1 = jnp.concatenate([acc1_ref[k] for k in range(2)], axis=1) * dis[:, None]
    h = jnp.dot(s1.astype(jnp.bfloat16), w1_ref[...].astype(jnp.bfloat16),
                preferred_element_type=jnp.float32) + b1_ref[...]
    h = jnp.maximum(h, 0.0)
    xw2 = jnp.dot(h.astype(jnp.bfloat16), w2_ref[...].astype(jnp.bfloat16),
                  preferred_element_type=jnp.float32)
    xs2 = xw2 * dis[:, None]
    for k in range(4):
        xs2_ref[k] = xs2[:, k * CW:(k + 1) * CW]


def _kb_body(degp_ref, acc2_ref, b2_ref, wr_ref, bo_ref, out_ref):
    dis = _dis_of(degp_ref)
    s2 = jnp.concatenate([acc2_ref[k] for k in range(4)], axis=1) * dis[:, None]
    h = jnp.maximum(s2 + b2_ref[...], 0.0)
    hg = h.reshape(BLK // 100, 100, 512).astype(jnp.bfloat16).astype(jnp.float32)
    wr = wr_ref[...].astype(jnp.bfloat16).astype(jnp.float32)
    vals = jnp.sum(hg * wr[None], axis=(1, 2))
    out_ref[0] = jnp.broadcast_to(vals[:, None], (BLK // 100, 128)) + bo_ref[0, 0]


_degp_spec = pl.BlockSpec((2, BLK, DEGW), lambda i: (0, i, 0))


def _k0(degp, x):
    return pl.pallas_call(
        _k0_body,
        grid=(N // BLK,),
        in_specs=[_degp_spec, pl.BlockSpec((BLK, 256), lambda i: (i, 0))],
        out_specs=pl.BlockSpec((2, BLK, CW), lambda i: (0, i, 0)),
        out_shape=jax.ShapeDtypeStruct((2, NPAD, CW), jnp.float32),
    )(degp, x)


def _ka(degp, acc1, W1, b1, W2):
    return pl.pallas_call(
        _ka_body,
        grid=(N // BLK,),
        in_specs=[
            _degp_spec,
            pl.BlockSpec((2, BLK, CW), lambda i: (0, i, 0)),
            pl.BlockSpec((256, 512), lambda i: (0, 0)),
            pl.BlockSpec((1, 512), lambda i: (0, 0)),
            pl.BlockSpec((512, 512), lambda i: (0, 0)),
        ],
        out_specs=pl.BlockSpec((4, BLK, CW), lambda i: (0, i, 0)),
        out_shape=jax.ShapeDtypeStruct((4, NPAD, CW), jnp.float32),
    )(degp, acc1, W1, b1, W2)


def _kb(degp, acc2, b2, wr, bo):
    return pl.pallas_call(
        _kb_body,
        grid=(N // BLK,),
        in_specs=[
            _degp_spec,
            pl.BlockSpec((4, BLK, CW), lambda i: (0, i, 0)),
            pl.BlockSpec((1, 512), lambda i: (0, 0)),
            pl.BlockSpec((100, 512), lambda i: (0, 0)),
            pl.BlockSpec((1, 1), lambda i: (0, 0)),
        ],
        out_specs=pl.BlockSpec((1, BLK // 100, 128), lambda i: (i, 0, 0)),
        out_shape=jax.ShapeDtypeStruct((N // BLK, BLK // 100, 128), jnp.float32),
    )(degp, acc2, b2, wr, bo)


def kernel(x, edge_index, W1, b1, W2, b2, W_out, b_out):
    src = edge_index[0].astype(jnp.int32)
    dst = edge_index[1].astype(jnp.int32)
    npad = EPAD - src.shape[0]
    src_p = jnp.concatenate([src, jnp.zeros((npad,), jnp.int32)])
    dst_p = jnp.concatenate([dst, jnp.full((npad,), N, jnp.int32)])
    srcr = src_p.reshape(16, NB, B)
    dstr = dst_p.reshape(16, NB, B)
    ddeg = dst_p.reshape(32, NB // 2, B)

    ones_h = jnp.ones((B, DEGW), jnp.float32)
    zero_h = jnp.zeros((B, DEGW), jnp.float32)
    degp = _deg_kernel(ddeg, ones_h, zero_h).reshape(2, NPAD, DEGW)
    xs1 = _k0(degp, x).reshape(2 * NPAD, CW)
    acc1 = _scatter2(xs1, srcr, dstr).reshape(2, NPAD, CW)
    xs2 = _ka(degp, acc1, W1, b1.reshape(1, 512), W2).reshape(4 * NPAD, CW)
    acc2 = _scatter4(xs2, srcr, dstr).reshape(4, NPAD, CW)
    res = _kb(degp, acc2, b2.reshape(1, 512),
              W_out.reshape(100, 512), b_out.reshape(1, 1))
    return res.reshape(100, 128)[:, :1]

# --- scband reference (transcript-rebuilt; emitter-appended) ---
"""Pipeline reference for scband-gcn-72026601554165 (READ-ONLY COPY).

The authoritative reference and input builder live on the scoring server;
editing this copy changes nothing except your own understanding.
"""

import jax, jax.numpy as jnp
import numpy as np

N_NODES = 10000
D_IN = 256
D_HID = 512
SUB = 100


def gcn_conv(x, edge_index, W, b, num_nodes):
    # x @ W (PyG GCNConv lin has no bias; bias added after aggregation)
    xw = x @ W
    src = edge_index[0]
    dst = edge_index[1]
    # add self-loops
    loop = jnp.arange(num_nodes, dtype=src.dtype)
    src = jnp.concatenate([src, loop])
    dst = jnp.concatenate([dst, loop])
    ew = jnp.ones(src.shape[0], dtype=xw.dtype)
    # symmetric normalization: deg computed on dst (col)
    deg = jnp.zeros(num_nodes, dtype=xw.dtype).at[dst].add(ew)
    deg_inv_sqrt = jnp.where(deg > 0, 1.0 / jnp.sqrt(deg), 0.0)
    norm = deg_inv_sqrt[src] * deg_inv_sqrt[dst]
    # message passing: out[dst] += norm * xw[src]
    msgs = norm[:, None] * jnp.take(xw, src, axis=0)
    out = jnp.zeros_like(xw).at[dst].add(msgs)
    return out + b


def setup_inputs(seed: int = 0) -> dict:
    key = jax.random.key(seed)
    ks = jax.random.split(key, 8)
    x = jax.random.normal(ks[0], (N_NODES, D_IN), dtype=jnp.float32)
    edge_index = jax.random.randint(ks[1], (2, 160000), 0, N_NODES, dtype=jnp.int64)
    W1 = jax.random.normal(ks[2], (D_IN, D_HID), dtype=jnp.float32) * (1.0 / np.sqrt(D_IN))
    b1 = jnp.zeros((D_HID,), dtype=jnp.float32)
    W2 = jax.random.normal(ks[3], (D_HID, D_HID), dtype=jnp.float32) * (1.0 / np.sqrt(D_HID))
    b2 = jnp.zeros((D_HID,), dtype=jnp.float32)
    W_out = jax.random.normal(ks[4], (D_HID * SUB, 1), dtype=jnp.float32) * (1.0 / np.sqrt(D_HID * SUB))
    b_out = jnp.zeros((1,), dtype=jnp.float32)
    return {"x": x, "edge_index": edge_index, "W1": W1, "b1": b1, "W2": W2, "b2": b2, "W_out": W_out, "b_out": b_out}


def reference(x, edge_index, W1, b1, W2, b2, W_out, b_out):
    num_nodes = x.shape[0]
    h = gcn_conv(x, edge_index, W1, b1, num_nodes)
    h = jax.nn.relu(h)
    # dropout p=0.5 is identity in eval mode
    h = gcn_conv(h, edge_index, W2, b2, num_nodes)
    h = jax.nn.relu(h)
    n_rows = num_nodes // SUB
    n_cols = (num_nodes * h.shape[1]) // n_rows
    h = jnp.reshape(h, (n_rows, n_cols))
    out = h @ W_out + b_out
    return out

if __name__ == "__main__":
    import jax
    _d = setup_inputs()
    print(jax.jit(kernel)(*tuple(_d.values())))

</pallas_src>

<mosaic_0001>
#map = affine_map<(d0, d1) -> (0, 0, 0)>
#map1 = affine_map<(d0, d1) -> (0, 0)>
module attributes {stable_mosaic.version = 14 : i64} {
  func.func @_deg_kernel(%arg0: i32, %arg1: i32, %arg2: memref<32x40x128xi32, #tpu.memory_space<hbm>>, %arg3: memref<128x128xf32, #tpu.memory_space<hbm>>, %arg4: memref<128x128xf32, #tpu.memory_space<hbm>>, %arg5: memref<20480x128xf32, #tpu.memory_space<hbm>>, %arg6: memref<40x128xi32, #tpu.memory_space<vmem>>, %arg7: memref<128x128xf32, #tpu.memory_space<vmem>>, %arg8: memref<128x128xf32, #tpu.memory_space<vmem>>, %arg9: memref<10240x128xf32, #tpu.memory_space<vmem_shared>>) attributes {dimension_semantics = [#tpu.dimension_semantics<core_parallel>, #tpu.dimension_semantics<subcore_parallel>], iteration_bounds = array<i64: 2, 16>, scalar_prefetch = 0 : i64, scratch_operands = 4 : i64, tpu.core_type = #tpu.core_type<sc_vector_subcore>, window_params = [{transform_indices = #map}, {transform_indices = #map1}, {transform_indices = #map1}, {transform_indices = #map1}]} {
    %mul3A = arith.constant 16 : i32
    %mul3A_0 = arith.muli %arg0, %mul3A : i32
    %add3A = arith.addi %mul3A_0, %arg1 : i32
    "tpu.region"() ({
      %run_scoped3A = tpu.sem_alloc : memref<!tpu.dma_semaphore, #tpu.memory_space<semaphore_mem>>
      %dma_start3A = arith.constant 0 : i32
      %dma_start3A_19 = arith.constant 0 : i32
      %dma_start3A_20 = tpu.memref_slice %arg2[%add3A, %dma_start3A, %dma_start3A_19] : memref<32x40x128xi32, #tpu.memory_space<hbm>> -> memref<1x40x128xi32, #tpu.memory_space<hbm>>
      %dma_start3A_21 = tpu.memref_squeeze %dma_start3A_20 : memref<1x40x128xi32, #tpu.memory_space<hbm>> -> memref<40x128xi32, #tpu.memory_space<hbm>>
      %dma_start3A_22 = arith.constant 0 : i32
      %dma_start3A_23 = arith.constant 0 : i32
      %dma_start3A_24 = tpu.memref_slice %arg2[%add3A, %dma_start3A_22, %dma_start3A_23] : memref<32x40x128xi32, #tpu.memory_space<hbm>> -> memref<1x40x128xi32, #tpu.memory_space<hbm>>
      %dma_start3A_25 = tpu.memref_squeeze %dma_start3A_24 : memref<1x40x128xi32, #tpu.memory_space<hbm>> -> memref<40x128xi32, #tpu.memory_space<hbm>>
      tpu.enqueue_dma source(%dma_start3A_25 : memref<40x128xi32, #tpu.memory_space<hbm>>) target(%arg6 : memref<40x128xi32, #tpu.memory_space<vmem>>) target_semaphore(%run_scoped3A : memref<!tpu.dma_semaphore, #tpu.memory_space<semaphore_mem>>)
      %dma_wait3A = arith.constant 0 : i32
      %dma_wait3A_26 = arith.constant 0 : i32
      %dma_wait3A_27 = tpu.memref_slice %arg2[%add3A, %dma_wait3A, %dma_wait3A_26] : memref<32x40x128xi32, #tpu.memory_space<hbm>> -> memref<1x40x128xi32, #tpu.memory_space<hbm>>
      %dma_wait3A_28 = tpu.memref_squeeze %dma_wait3A_27 : memref<1x40x128xi32, #tpu.memory_space<hbm>> -> memref<40x128xi32, #tpu.memory_space<hbm>>
      %dma_wait3A_29 = arith.constant 0 : i32
      %dma_wait3A_30 = arith.constant 0 : i32
      %dma_wait3A_31 = tpu.memref_slice %arg2[%add3A, %dma_wait3A_29, %dma_wait3A_30] : memref<32x40x128xi32, #tpu.memory_space<hbm>> -> memref<1x40x128xi32, #tpu.memory_space<hbm>>
      %dma_wait3A_32 = tpu.memref_squeeze %dma_wait3A_31 : memref<1x40x128xi32, #tpu.memory_space<hbm>> -> memref<40x128xi32, #tpu.memory_space<hbm>>
      tpu.wait_dma2 semaphore(%run_scoped3A : memref<!tpu.dma_semaphore, #tpu.memory_space<semaphore_mem>>) src(%dma_wait3A_32 : memref<40x128xi32, #tpu.memory_space<hbm>>) dst(%arg6 : memref<40x128xi32, #tpu.memory_space<vmem>>)
      tpu.yield
    }) : () -> ()
    "tpu.region"() ({
      %run_scoped3A = tpu.sem_alloc : memref<!tpu.dma_semaphore, #tpu.memory_space<semaphore_mem>>
      tpu.enqueue_dma source(%arg3 : memref<128x128xf32, #tpu.memory_space<hbm>>) target(%arg7 : memref<128x128xf32, #tpu.memory_space<vmem>>) target_semaphore(%run_scoped3A : memref<!tpu.dma_semaphore, #tpu.memory_space<semaphore_mem>>)
      tpu.wait_dma2 semaphore(%run_scoped3A : memref<!tpu.dma_semaphore, #tpu.memory_space<semaphore_mem>>) src(%arg3 : memref<128x128xf32, #tpu.memory_space<hbm>>) dst(%arg7 : memref<128x128xf32, #tpu.memory_space<vmem>>)
      tpu.yield
    }) : () -> ()
    "tpu.region"() ({
      %run_scoped3A = tpu.sem_alloc : memref<!tpu.dma_semaphore, #tpu.memory_space<semaphore_mem>>
      tpu.enqueue_dma source(%arg4 : memref<128x128xf32, #tpu.memory_space<hbm>>) target(%arg8 : memref<128x128xf32, #tpu.memory_space<vmem>>) target_semaphore(%run_scoped3A : memref<!tpu.dma_semaphore, #tpu.memory_space<semaphore_mem>>)
      tpu.wait_dma2 semaphore(%run_scoped3A : memref<!tpu.dma_semaphore, #tpu.memory_space<semaphore_mem>>) src(%arg4 : memref<128x128xf32, #tpu.memory_space<hbm>>) dst(%arg8 : memref<128x128xf32, #tpu.memory_space<vmem>>)
      tpu.yield
    }) : () -> ()
    %scan3A = arith.constant 0 : i32
    %scan3A_1 = arith.constant 0 : i32
    %scan3A_2 = arith.constant 5 : i32
    %scan3A_3 = arith.addi %scan3A_1, %scan3A_2 : i32
    %scan3A_4 = arith.constant 1 : i32
    scf.for %scan3A_19 = %scan3A_1 to %scan3A_3 step %scan3A_4  : i32 {
      %mul3A_20 = arith.constant 640 : i32
      %mul3A_21 = arith.muli %arg1, %mul3A_20 : i32
      %mul3A_22 = arith.constant 128 : i32
      %mul3A_23 = arith.muli %scan3A_19, %mul3A_22 : i32
      %add3A_24 = arith.addi %mul3A_21, %mul3A_23 : i32
      "tpu.region"() ({
        %run_scoped3A = tpu.sem_alloc : memref<!tpu.dma_semaphore, #tpu.memory_space<semaphore_mem>>
        %dma_start3A = arith.constant 0 : i32
        %dma_start3A_25 = tpu.memref_slice %arg9[%add3A_24, %dma_start3A] : memref<10240x128xf32, #tpu.memory_space<vmem_shared>> -> memref<128x128xf32, #tpu.memory_space<vmem_shared>>
        %dma_start3A_26 = arith.constant 0 : i32
        %dma_start3A_27 = tpu.memref_slice %arg9[%add3A_24, %dma_start3A_26] : memref<10240x128xf32, #tpu.memory_space<vmem_shared>> -> memref<128x128xf32, #tpu.memory_space<vmem_shared>>
        tpu.enqueue_dma source(%arg8 : memref<128x128xf32, #tpu.memory_space<vmem>>) target(%dma_start3A_27 : memref<128x128xf32, #tpu.memory_space<vmem_shared>>) target_semaphore(%run_scoped3A : memref<!tpu.dma_semaphore, #tpu.memory_space<semaphore_mem>>)
        %dma_wait3A = arith.constant 0 : i32
        %dma_wait3A_28 = tpu.memref_slice %arg9[%add3A_24, %dma_wait3A] : memref<10240x128xf32, #tpu.memory_space<vmem_shared>> -> memref<128x128xf32, #tpu.memory_space<vmem_shared>>
        %dma_wait3A_29 = arith.constant 0 : i32
        %dma_wait3A_30 = tpu.memref_slice %arg9[%add3A_24, %dma_wait3A_29] : memref<10240x128xf32, #tpu.memory_space<vmem_shared>> -> memref<128x128xf32, #tpu.memory_space<vmem_shared>>
        tpu.wait_dma2 semaphore(%run_scoped3A : memref<!tpu.dma_semaphore, #tpu.memory_space<semaphore_mem>>) src(%arg8 : memref<128x128xf32, #tpu.memory_space<vmem>>) dst(%dma_wait3A_30 : memref<128x128xf32, #tpu.memory_space<vmem_shared>>)
        tpu.yield
      }) : () -> ()
    }
    %scan3A_5 = arith.constant 5 : i32
    %barrier3A = arith.constant 0 : index
    tpu.barrier barrier_id(%barrier3A)
    %scan3A_6 = arith.constant 0 : i32
    %scan3A_7 = arith.constant 0 : i32
    %scan3A_8 = arith.constant 40 : i32
    %scan3A_9 = arith.addi %scan3A_7, %scan3A_8 : i32
    %scan3A_10 = arith.constant 1 : i32
    scf.for %scan3A_19 = %scan3A_7 to %scan3A_9 step %scan3A_10  : i32 {
      "tpu.region"() ({
        %run_scoped3A = tpu.sem_alloc : memref<!tpu.dma_semaphore, #tpu.memory_space<semaphore_mem>>
        %dma_start3A = arith.constant 0 : i32
        %dma_start3A_20 = tpu.memref_slice %arg6[%scan3A_19, %dma_start3A] : memref<40x128xi32, #tpu.memory_space<vmem>> -> memref<1x128xi32, #tpu.memory_space<vmem>>
        %dma_start3A_21 = tpu.memref_squeeze %dma_start3A_20 : memref<1x128xi32, #tpu.memory_space<vmem>> -> memref<128xi32, #tpu.memory_space<vmem>>
        %dma_start3A_22 = arith.constant 0 : i32
        %dma_start3A_23 = arith.constant 0 : i32
        %dma_start3A_24 = tpu.memref_slice %arg9[%dma_start3A_22, %dma_start3A_23] : memref<10240x128xf32, #tpu.memory_space<vmem_shared>> -> memref<10240x128xf32, #tpu.memory_space<vmem_shared>>
        tpu.enqueue_indirect_dma source(%arg7 : memref<128x128xf32, #tpu.memory_space<vmem>>) target(%dma_start3A_24 : memref<10240x128xf32, #tpu.memory_space<vmem_shared>>) offsets(%dma_start3A_21 : memref<128xi32, #tpu.memory_space<vmem>>) semaphore(%run_scoped3A : memref<!tpu.dma_semaphore, #tpu.memory_space<semaphore_mem>>) {add = true}
        %dma_wait3A = arith.constant 0 : i32
        %dma_wait3A_25 = tpu.memref_slice %arg6[%scan3A_19, %dma_wait3A] : memref<40x128xi32, #tpu.memory_space<vmem>> -> memref<1x128xi32, #tpu.memory_space<vmem>>
        %dma_wait3A_26 = tpu.memref_squeeze %dma_wait3A_25 : memref<1x128xi32, #tpu.memory_space<vmem>> -> memref<128xi32, #tpu.memory_space<vmem>>
        %dma_wait3A_27 = arith.constant 0 : i32
        %dma_wait3A_28 = arith.constant 0 : i32
        %dma_wait3A_29 = tpu.memref_slice %arg9[%dma_wait3A_27, %dma_wait3A_28] : memref<10240x128xf32, #tpu.memory_space<vmem_shared>> -> memref<10240x128xf32, #tpu.memory_space<vmem_shared>>
        tpu.wait_indirect_dma semaphore(%run_scoped3A : memref<!tpu.dma_semaphore, #tpu.memory_space<semaphore_mem>>) src(%arg7 : memref<128x128xf32, #tpu.memory_space<vmem>>) dst(%dma_wait3A_29 : memref<10240x128xf32, #tpu.memory_space<vmem_shared>>)
        tpu.yield
      }) : () -> ()
    }
    %scan3A_11 = arith.constant 40 : i32
    %barrier3A_12 = arith.constant 0 : index
    tpu.barrier barrier_id(%barrier3A_12)
    %scan3A_13 = arith.constant 0 : i32
    %scan3A_14 = arith.constant 0 : i32
    %scan3A_15 = arith.constant 5 : i32
    %scan3A_16 = arith.addi %scan3A_14, %scan3A_15 : i32
    %scan3A_17 = arith.constant 1 : i32
    scf.for %scan3A_19 = %scan3A_14 to %scan3A_16 step %scan3A_17  : i32 {
      %mul3A_20 = arith.constant 640 : i32
      %mul3A_21 = arith.muli %arg1, %mul3A_20 : i32
      %mul3A_22 = arith.constant 128 : i32
      %mul3A_23 = arith.muli %scan3A_19, %mul3A_22 : i32
      %add3A_24 = arith.addi %mul3A_21, %mul3A_23 : i32
      "tpu.region"() ({
        %run_scoped3A = tpu.sem_alloc : memref<!tpu.dma_semaphore, #tpu.memory_space<semaphore_mem>>
        %dma_start3A = arith.constant 0 : i32
        %dma_start3A_33 = tpu.memref_slice %arg9[%add3A_24, %dma_start3A] : memref<10240x128xf32, #tpu.memory_space<vmem_shared>> -> memref<128x128xf32, #tpu.memory_space<vmem_shared>>
        %dma_start3A_34 = arith.constant 0 : i32
        %dma_start3A_35 = tpu.memref_slice %arg9[%add3A_24, %dma_start3A_34] : memref<10240x128xf32, #tpu.memory_space<vmem_shared>> -> memref<128x128xf32, #tpu.memory_space<vmem_shared>>
        tpu.enqueue_dma source(%dma_start3A_35 : memref<128x128xf32, #tpu.memory_space<vmem_shared>>) target(%arg8 : memref<128x128xf32, #tpu.memory_space<vmem>>) target_semaphore(%run_scoped3A : memref<!tpu.dma_semaphore, #tpu.memory_space<semaphore_mem>>)
        %dma_wait3A = arith.constant 0 : i32
        %dma_wait3A_36 = tpu.memref_slice %arg9[%add3A_24, %dma_wait3A] : memref<10240x128xf32, #tpu.memory_space<vmem_shared>> -> memref<128x128xf32, #tpu.memory_space<vmem_shared>>
        %dma_wait3A_37 = arith.constant 0 : i32
        %dma_wait3A_38 = tpu.memref_slice %arg9[%add3A_24, %dma_wait3A_37] : memref<10240x128xf32, #tpu.memory_space<vmem_shared>> -> memref<128x128xf32, #tpu.memory_space<vmem_shared>>
        tpu.wait_dma2 semaphore(%run_scoped3A : memref<!tpu.dma_semaphore, #tpu.memory_space<semaphore_mem>>) src(%dma_wait3A_38 : memref<128x128xf32, #tpu.memory_space<vmem_shared>>) dst(%arg8 : memref<128x128xf32, #tpu.memory_space<vmem>>)
        tpu.yield
      }) : () -> ()
      %mul3A_25 = arith.constant 10240 : i32
      %mul3A_26 = arith.muli %arg0, %mul3A_25 : i32
      %mul3A_27 = arith.constant 640 : i32
      %mul3A_28 = arith.muli %arg1, %mul3A_27 : i32
      %add3A_29 = arith.addi %mul3A_26, %mul3A_28 : i32
      %mul3A_30 = arith.constant 128 : i32
      %mul3A_31 = arith.muli %scan3A_19, %mul3A_30 : i32
      %add3A_32 = arith.addi %add3A_29, %mul3A_31 : i32
      "tpu.region"() ({
        %run_scoped3A = tpu.sem_alloc : memref<!tpu.dma_semaphore, #tpu.memory_space<semaphore_mem>>
        %dma_start3A = arith.constant 0 : i32
        %dma_start3A_33 = tpu.memref_slice %arg5[%add3A_32, %dma_start3A] : memref<20480x128xf32, #tpu.memory_space<hbm>> -> memref<128x128xf32, #tpu.memory_space<hbm>>
        %dma_start3A_34 = arith.constant 0 : i32
        %dma_start3A_35 = tpu.memref_slice %arg5[%add3A_32, %dma_start3A_34] : memref<20480x128xf32, #tpu.memory_space<hbm>> -> memref<128x128xf32, #tpu.memory_space<hbm>>
        tpu.enqueue_dma source(%arg8 : memref<128x128xf32, #tpu.memory_space<vmem>>) target(%dma_start3A_35 : memref<128x128xf32, #tpu.memory_space<hbm>>) target_semaphore(%run_scoped3A : memref<!tpu.dma_semaphore, #tpu.memory_space<semaphore_mem>>)
        %dma_wait3A = arith.constant 0 : i32
        %dma_wait3A_36 = tpu.memref_slice %arg5[%add3A_32, %dma_wait3A] : memref<20480x128xf32, #tpu.memory_space<hbm>> -> memref<128x128xf32, #tpu.memory_space<hbm>>
        %dma_wait3A_37 = arith.constant 0 : i32
        %dma_wait3A_38 = tpu.memref_slice %arg5[%add3A_32, %dma_wait3A_37] : memref<20480x128xf32, #tpu.memory_space<hbm>> -> memref<128x128xf32, #tpu.memory_space<hbm>>
        tpu.wait_dma2 semaphore(%run_scoped3A : memref<!tpu.dma_semaphore, #tpu.memory_space<semaphore_mem>>) src(%arg8 : memref<128x128xf32, #tpu.memory_space<vmem>>) dst(%dma_wait3A_38 : memref<128x128xf32, #tpu.memory_space<hbm>>)
        tpu.yield
      }) : () -> ()
    }
    %scan3A_18 = arith.constant 5 : i32
    return
  }
}

#map = affine_map<(d0, d1) -> (0, 0)>
#map1 = affine_map<(d0, d1) -> (0, 0, 0)>
module attributes {stable_mosaic.version = 14 : i64} {
  func.func @_scatter(%arg0: i32, %arg1: i32, %arg2: memref<40960x128xf32, #tpu.memory_space<hbm>>, %arg3: memref<16x80x128xi32, #tpu.memory_space<hbm>>, %arg4: memref<16x80x128xi32, #tpu.memory_space<hbm>>, %arg5: memref<40960x128xf32, #tpu.memory_space<hbm>>, %arg6: memref<40x128xi32, #tpu.memory_space<vmem>>, %arg7: memref<40x128xi32, #tpu.memory_space<vmem>>, %arg8: memref<2x128x128xf32, #tpu.memory_space<vmem>>, %arg9: memref<10240x128xf32, #tpu.memory_space<vmem_shared>>, %arg10: memref<!tpu.dma_semaphore, #tpu.memory_space<semaphore_mem>>, %arg11: memref<!tpu.dma_semaphore, #tpu.memory_space<semaphore_mem>>, %arg12: memref<!tpu.dma_semaphore, #tpu.memory_space<semaphore_mem>>, %arg13: memref<!tpu.dma_semaphore, #tpu.memory_space<semaphore_mem>>) attributes {dimension_semantics = [#tpu.dimension_semantics<core_parallel>, #tpu.dimension_semantics<subcore_parallel>], iteration_bounds = array<i64: 2, 16>, scalar_prefetch = 0 : i64, scratch_operands = 8 : i64, tpu.core_type = #tpu.core_type<sc_vector_subcore>, window_params = [{transform_indices = #map}, {transform_indices = #map1}, {transform_indices = #map1}, {transform_indices = #map}]} {
    %mul3A = arith.constant 2 : i32
    %mul3A_0 = arith.muli %arg0, %mul3A : i32
    %add3A = arith.constant 0 : i32
    %add3A_1 = arith.addi %mul3A_0, %add3A : i32
    %mul3A_2 = arith.constant 10240 : i32
    %mul3A_3 = arith.muli %add3A_1, %mul3A_2 : i32
    %scan3A = arith.constant 0 : i32
    %scan3A_4 = arith.constant 0 : i32
    %scan3A_5 = arith.constant 5 : i32
    %scan3A_6 = arith.addi %scan3A_4, %scan3A_5 : i32
    %scan3A_7 = arith.constant 1 : i32
    scf.for %scan3A_274 = %scan3A_4 to %scan3A_6 step %scan3A_7  : i32 {
      %mul3A_275 = arith.constant 640 : i32
      %mul3A_276 = arith.muli %arg1, %mul3A_275 : i32
      %add3A_277 = arith.addi %mul3A_3, %mul3A_276 : i32
      %mul3A_278 = arith.constant 128 : i32
      %mul3A_279 = arith.muli %scan3A_274, %mul3A_278 : i32
      %add3A_280 = arith.addi %add3A_277, %mul3A_279 : i32
      %run_scoped3A = arith.constant 0 : i32
      "tpu.region"() ({
        %run_scoped3A_287 = tpu.sem_alloc : memref<!tpu.dma_semaphore, #tpu.memory_space<semaphore_mem>>
        %dma_start3A_288 = arith.constant 0 : i32
        %dma_start3A_289 = arith.constant 0 : i32
        %dma_start3A_290 = tpu.memref_slice %arg8[%run_scoped3A, %dma_start3A_288, %dma_start3A_289] : memref<2x128x128xf32, #tpu.memory_space<vmem>> -> memref<1x128x128xf32, #tpu.memory_space<vmem>>
        %dma_start3A_291 = tpu.memref_squeeze %dma_start3A_290 : memref<1x128x128xf32, #tpu.memory_space<vmem>> -> memref<128x128xf32, #tpu.memory_space<vmem>>
        %dma_start3A_292 = arith.constant 0 : i32
        %dma_start3A_293 = tpu.memref_slice %arg2[%add3A_280, %dma_start3A_292] : memref<40960x128xf32, #tpu.memory_space<hbm>> -> memref<128x128xf32, #tpu.memory_space<hbm>>
        %dma_start3A_294 = arith.constant 0 : i32
        %dma_start3A_295 = arith.constant 0 : i32
        %dma_start3A_296 = tpu.memref_slice %arg8[%run_scoped3A, %dma_start3A_294, %dma_start3A_295] : memref<2x128x128xf32, #tpu.memory_space<vmem>> -> memref<1x128x128xf32, #tpu.memory_space<vmem>>
        %dma_start3A_297 = tpu.memref_squeeze %dma_start3A_296 : memref<1x128x128xf32, #tpu.memory_space<vmem>> -> memref<128x128xf32, #tpu.memory_space<vmem>>
        %dma_start3A_298 = arith.constant 0 : i32
        %dma_start3A_299 = tpu.memref_slice %arg2[%add3A_280, %dma_start3A_298] : memref<40960x128xf32, #tpu.memory_space<hbm>> -> memref<128x128xf32, #tpu.memory_space<hbm>>
        tpu.enqueue_dma source(%dma_start3A_299 : memref<128x128xf32, #tpu.memory_space<hbm>>) target(%dma_start3A_297 : memref<128x128xf32, #tpu.memory_space<vmem>>) target_semaphore(%run_scoped3A_287 : memref<!tpu.dma_semaphore, #tpu.memory_space<semaphore_mem>>)
        %dma_wait3A_300 = arith.constant 0 : i32
        %dma_wait3A_301 = arith.constant 0 : i32
        %dma_wait3A_302 = tpu.memref_slice %arg8[%run_scoped3A, %dma_wait3A_300, %dma_wait3A_301] : memref<2x128x128xf32, #tpu.memory_space<vmem>> -> memref<1x128x128xf32, #tpu.memory_space<vmem>>
        %dma_wait3A_303 = tpu.memref_squeeze %dma_wait3A_302 : memref<1x128x128xf32, #tpu.memory_space<vmem>> -> memref<128x128xf32, #tpu.memory_space<vmem>>
        %dma_wait3A_304 = arith.constant 0 : i32
        %dma_wait3A_305 = tpu.memref_slice %arg2[%add3A_280, %dma_wait3A_304] : memref<40960x128xf32, #tpu.memory_space<hbm>> -> memref<128x128xf32, #tpu.memory_space<hbm>>
        %dma_wait3A_306 = arith.constant 0 : i32
        %dma_wait3A_307 = arith.constant 0 : i32
        %dma_wait3A_308 = tpu.memref_slice %arg8[%run_scoped3A, %dma_wait3A_306, %dma_wait3A_307] : memref<2x128x128xf32, #tpu.memory_space<vmem>> -> memref<1x128x128xf32, #tpu.memory_space<vmem>>
        %dma_wait3A_309 = tpu.memref_squeeze %dma_wait3A_308 : memref<1x128x128xf32, #tpu.memory_space<vmem>> -> memref<128x128xf32, #tpu.memory_space<vmem>>
        %dma_wait3A_310 = arith.constant 0 : i32
        %dma_wait3A_311 = tpu.memref_slice %arg2[%add3A_280, %dma_wait3A_310] : memref<40960x128xf32, #tpu.memory_space<hbm>> -> memref<128x128xf32, #tpu.memory_space<hbm>>
        tpu.wait_dma2 semaphore(%run_scoped3A_287 : memref<!tpu.dma_semaphore, #tpu.memory_space<semaphore_mem>>) src(%dma_wait3A_311 : memref<128x128xf32, #tpu.memory_space<hbm>>) dst(%dma_wait3A_309 : memref<128x128xf32, #tpu.memory_space<vmem>>)
        tpu.yield
      }) : () -> ()
      %mul3A_281 = arith.constant 640 : i32
      %mul3A_282 = arith.muli %arg1, %mul3A_281 : i32
      %mul3A_283 = arith.constant 128 : i32
      %mul3A_284 = arith.muli %scan3A_274, %mul3A_283 : i32
      %add3A_285 = arith.addi %mul3A_282, %mul3A_284 : i32
      %run_scoped3A_286 = arith.constant 0 : i32
      "tpu.region"() ({
        %run_scoped3A_287 = tpu.sem_alloc : memref<!tpu.dma_semaphore, #tpu.memory_space<semaphore_mem>>
        %dma_start3A_288 = arith.constant 0 : i32
        %dma_start3A_289 = arith.constant 0 : i32
        %dma_start3A_290 = tpu.memref_slice %arg8[%run_scoped3A_286, %dma_start3A_288, %dma_start3A_289] : memref<2x128x128xf32, #tpu.memory_space<vmem>> -> memref<1x128x128xf32, #tpu.memory_space<vmem>>
        %dma_start3A_291 = tpu.memref_squeeze %dma_start3A_290 : memref<1x128x128xf32, #tpu.memory_space<vmem>> -> memref<128x128xf32, #tpu.memory_space<vmem>>
        %dma_start3A_292 = arith.constant 0 : i32
        %dma_start3A_293 = tpu.memref_slice %arg9[%add3A_285, %dma_start3A_292] : memref<10240x128xf32, #tpu.memory_space<vmem_shared>> -> memref<128x128xf32, #tpu.memory_space<vmem_shared>>
        %dma_start3A_294 = arith.constant 0 : i32
        %dma_start3A_295 = tpu.memref_slice %arg9[%add3A_285, %dma_start3A_294] : memref<10240x128xf32, #tpu.memory_space<vmem_shared>> -> memref<128x128xf32, #tpu.memory_space<vmem_shared>>
        %dma_start3A_296 = arith.constant 0 : i32
        %dma_start3A_297 = arith.constant 0 : i32
        %dma_start3A_298 = tpu.memref_slice %arg8[%run_scoped3A_286, %dma_start3A_296, %dma_start3A_297] : memref<2x128x128xf32, #tpu.memory_space<vmem>> -> memref<1x128x128xf32, #tpu.memory_space<vmem>>
        %dma_start3A_299 = tpu.memref_squeeze %dma_start3A_298 : memref<1x128x128xf32, #tpu.memory_space<vmem>> -> memref<128x128xf32, #tpu.memory_space<vmem>>
        tpu.enqueue_dma source(%dma_start3A_299 : memref<128x128xf32, #tpu.memory_space<vmem>>) target(%dma_start3A_295 : memref<128x128xf32, #tpu.memory_space<vmem_shared>>) target_semaphore(%run_scoped3A_287 : memref<!tpu.dma_semaphore, #tpu.memory_space<semaphore_mem>>)
        %dma_wait3A_300 = arith.constant 0 : i32
        %dma_wait3A_301 = arith.constant 0 : i32
        %dma_wait3A_302 = tpu.memref_slice %arg8[%run_scoped3A_286, %dma_wait3A_300, %dma_wait3A_301] : memref<2x128x128xf32, #tpu.memory_space<vmem>> -> memref<1x128x128xf32, #tpu.memory_space<vmem>>
        %dma_wait3A_303 = tpu.memref_squeeze %dma_wait3A_302 : memref<1x128x128xf32, #tpu.memory_space<vmem>> -> memref<128x128xf32, #tpu.memory_space<vmem>>
        %dma_wait3A_304 = arith.constant 0 : i32
        %dma_wait3A_305 = tpu.memref_slice %arg9[%add3A_285, %dma_wait3A_304] : memref<10240x128xf32, #tpu.memory_space<vmem_shared>> -> memref<128x128xf32, #tpu.memory_space<vmem_shared>>
        %dma_wait3A_306 = arith.constant 0 : i32
        %dma_wait3A_307 = tpu.memref_slice %arg9[%add3A_285, %dma_wait3A_306] : memref<10240x128xf32, #tpu.memory_space<vmem_shared>> -> memref<128x128xf32, #tpu.memory_space<vmem_shared>>
        %dma_wait3A_308 = arith.constant 0 : i32
        %dma_wait3A_309 = arith.constant 0 : i32
        %dma_wait3A_310 = tpu.memref_slice %arg8[%run_scoped3A_286, %dma_wait3A_308, %dma_wait3A_309] : memref<2x128x128xf32, #tpu.memory_space<vmem>> -> memref<1x128x128xf32, #tpu.memory_space<vmem>>
        %dma_wait3A_311 = tpu.memref_squeeze %dma_wait3A_310 : memref<1x128x128xf32, #tpu.memory_space<vmem>> -> memref<128x128xf32, #tpu.memory_space<vmem>>
        tpu.wait_dma2 semaphore(%run_scoped3A_287 : memref<!tpu.dma_semaphore, #tpu.memory_space<semaphore_mem>>) src(%dma_wait3A_311 : memref<128x128xf32, #tpu.memory_space<vmem>>) dst(%dma_wait3A_307 : memref<128x128xf32, #tpu.memory_space<vmem_shared>>)
        tpu.yield
      }) : () -> ()
    }
    %scan3A_8 = arith.constant 5 : i32
    %barrier3A = arith.constant 0 : index
    tpu.barrier barrier_id(%barrier3A)
    "tpu.region"() ({
      %run_scoped3A = tpu.sem_alloc : memref<!tpu.dma_semaphore, #tpu.memory_space<semaphore_mem>>
      %dma_start3A_274 = arith.constant 0 : i32
      %dma_start3A_275 = arith.constant 0 : i32
      %dma_start3A_276 = tpu.memref_slice %arg3[%arg1, %dma_start3A_274, %dma_start3A_275] : memref<16x80x128xi32, #tpu.memory_space<hbm>> -> memref<1x80x128xi32, #tpu.memory_space<hbm>>
      %dma_start3A_277 = tpu.memref_squeeze %dma_start3A_276 : memref<1x80x128xi32, #tpu.memory_space<hbm>> -> memref<80x128xi32, #tpu.memory_space<hbm>>
      %dma_start3A_278 = arith.constant 0 : i32
      %dma_start3A_279 = arith.constant 0 : i32
      %dma_start3A_280 = tpu.memref_slice %dma_start3A_277[%dma_start3A_278, %dma_start3A_279] : memref<80x128xi32, #tpu.memory_space<hbm>> -> memref<40x128xi32, #tpu.memory_space<hbm>>
      %dma_start3A_281 = arith.constant 0 : i32
      %dma_start3A_282 = arith.constant 0 : i32
      %dma_start3A_283 = tpu.memref_slice %arg3[%arg1, %dma_start3A_281, %dma_start3A_282] : memref<16x80x128xi32, #tpu.memory_space<hbm>> -> memref<1x80x128xi32, #tpu.memory_space<hbm>>
      %dma_start3A_284 = tpu.memref_squeeze %dma_start3A_283 : memref<1x80x128xi32, #tpu.memory_space<hbm>> -> memref<80x128xi32, #tpu.memory_space<hbm>>
      %dma_start3A_285 = arith.constant 0 : i32
      %dma_start3A_286 = arith.constant 0 : i32
      %dma_start3A_287 = tpu.memref_slice %dma_start3A_284[%dma_start3A_285, %dma_start3A_286] : memref<80x128xi32, #tpu.memory_space<hbm>> -> memref<40x128xi32, #tpu.memory_space<hbm>>
      tpu.enqueue_dma source(%dma_start3A_287 : memref<40x128xi32, #tpu.memory_space<hbm>>) target(%arg6 : memref<40x128xi32, #tpu.memory_space<vmem>>) target_semaphore(%run_scoped3A : memref<!tpu.dma_semaphore, #tpu.memory_space<semaphore_mem>>)
      %dma_wait3A_288 = arith.constant 0 : i32
      %dma_wait3A_289 = arith.constant 0 : i32
      %dma_wait3A_290 = tpu.memref_slice %arg3[%arg1, %dma_wait3A_288, %dma_wait3A_289] : memref<16x80x128xi32, #tpu.memory_space<hbm>> -> memref<1x80x128xi32, #tpu.memory_space<hbm>>
      %dma_wait3A_291 = tpu.memref_squeeze %dma_wait3A_290 : memref<1x80x128xi32, #tpu.memory_space<hbm>> -> memref<80x128xi32, #tpu.memory_space<hbm>>
      %dma_wait3A_292 = arith.constant 0 : i32
      %dma_wait3A_293 = arith.constant 0 : i32
      %dma_wait3A_294 = tpu.memref_slice %dma_wait3A_291[%dma_wait3A_292, %dma_wait3A_293] : memref<80x128xi32, #tpu.memory_space<hbm>> -> memref<40x128xi32, #tpu.memory_space<hbm>>
      %dma_wait3A_295 = arith.constant 0 : i32
      %dma_wait3A_296 = arith.constant 0 : i32
      %dma_wait3A_297 = tpu.memref_slice %arg3[%arg1, %dma_wait3A_295, %dma_wait3A_296] : memref<16x80x128xi32, #tpu.memory_space<hbm>> -> memref<1x80x128xi32, #tpu.memory_space<hbm>>
      %dma_wait3A_298 = tpu.memref_squeeze %dma_wait3A_297 : memref<1x80x128xi32, #tpu.memory_space<hbm>> -> memref<80x128xi32, #tpu.memory_space<hbm>>
      %dma_wait3A_299 = arith.constant 0 : i32
      %dma_wait3A_300 = arith.constant 0 : i32
      %dma_wait3A_301 = tpu.memref_slice %dma_wait3A_298[%dma_wait3A_299, %dma_wait3A_300] : memref<80x128xi32, #tpu.memory_space<hbm>> -> memref<40x128xi32, #tpu.memory_space<hbm>>
      tpu.wait_dma2 semaphore(%run_scoped3A : memref<!tpu.dma_semaphore, #tpu.memory_space<semaphore_mem>>) src(%dma_wait3A_301 : memref<40x128xi32, #tpu.memory_space<hbm>>) dst(%arg6 : memref<40x128xi32, #tpu.memory_space<vmem>>)
      tpu.yield
    }) : () -> ()
    "tpu.region"() ({
      %run_scoped3A = tpu.sem_alloc : memref<!tpu.dma_semaphore, #tpu.memory_space<semaphore_mem>>
      %dma_start3A_274 = arith.constant 0 : i32
      %dma_start3A_275 = arith.constant 0 : i32
      %dma_start3A_276 = tpu.memref_slice %arg4[%arg1, %dma_start3A_274, %dma_start3A_275] : memref<16x80x128xi32, #tpu.memory_space<hbm>> -> memref<1x80x128xi32, #tpu.memory_space<hbm>>
      %dma_start3A_277 = tpu.memref_squeeze %dma_start3A_276 : memref<1x80x128xi32, #tpu.memory_space<hbm>> -> memref<80x128xi32, #tpu.memory_space<hbm>>
      %dma_start3A_278 = arith.constant 0 : i32
      %dma_start3A_279 = arith.constant 0 : i32
      %dma_start3A_280 = tpu.memref_slice %dma_start3A_277[%dma_start3A_278, %dma_start3A_279] : memref<80x128xi32, #tpu.memory_space<hbm>> -> memref<40x128xi32, #tpu.memory_space<hbm>>
      %dma_start3A_281 = arith.constant 0 : i32
      %dma_start3A_282 = arith.constant 0 : i32
      %dma_start3A_283 = tpu.memref_slice %arg4[%arg1, %dma_start3A_281, %dma_start3A_282] : memref<16x80x128xi32, #tpu.memory_space<hbm>> -> memref<1x80x128xi32, #tpu.memory_space<hbm>>
      %dma_start3A_284 = tpu.memref_squeeze %dma_start3A_283 : memref<1x80x128xi32, #tpu.memory_space<hbm>> -> memref<80x128xi32, #tpu.memory_space<hbm>>
      %dma_start3A_285 = arith.constant 0 : i32
      %dma_start3A_286 = arith.constant 0 : i32
      %dma_start3A_287 = tpu.memref_slice %dma_start3A_284[%dma_start3A_285, %dma_start3A_286] : memref<80x128xi32, #tpu.memory_space<hbm>> -> memref<40x128xi32, #tpu.memory_space<hbm>>
      tpu.enqueue_dma source(%dma_start3A_287 : memref<40x128xi32, #tpu.memory_space<hbm>>) target(%arg7 : memref<40x128xi32, #tpu.memory_space<vmem>>) target_semaphore(%run_scoped3A : memref<!tpu.dma_semaphore, #tpu.memory_space<semaphore_mem>>)
      %dma_wait3A_288 = arith.constant 0 : i32
      %dma_wait3A_289 = arith.constant 0 : i32
      %dma_wait3A_290 = tpu.memref_slice %arg4[%arg1, %dma_wait3A_288, %dma_wait3A_289] : memref<16x80x128xi32, #tpu.memory_space<hbm>> -> memref<1x80x128xi32, #tpu.memory_space<hbm>>
      %dma_wait3A_291 = tpu.memref_squeeze %dma_wait3A_290 : memref<1x80x128xi32, #tpu.memory_space<hbm>> -> memref<80x128xi32, #tpu.memory_space<hbm>>
      %dma_wait3A_292 = arith.constant 0 : i32
      %dma_wait3A_293 = arith.constant 0 : i32
      %dma_wait3A_294 = tpu.memref_slice %dma_wait3A_291[%dma_wait3A_292, %dma_wait3A_293] : memref<80x128xi32, #tpu.memory_space<hbm>> -> memref<40x128xi32, #tpu.memory_space<hbm>>
      %dma_wait3A_295 = arith.constant 0 : i32
      %dma_wait3A_296 = arith.constant 0 : i32
      %dma_wait3A_297 = tpu.memref_slice %arg4[%arg1, %dma_wait3A_295, %dma_wait3A_296] : memref<16x80x128xi32, #tpu.memory_space<hbm>> -> memref<1x80x128xi32, #tpu.memory_space<hbm>>
      %dma_wait3A_298 = tpu.memref_squeeze %dma_wait3A_297 : memref<1x80x128xi32, #tpu.memory_space<hbm>> -> memref<80x128xi32, #tpu.memory_space<hbm>>
      %dma_wait3A_299 = arith.constant 0 : i32
      %dma_wait3A_300 = arith.constant 0 : i32
      %dma_wait3A_301 = tpu.memref_slice %dma_wait3A_298[%dma_wait3A_299, %dma_wait3A_300] : memref<80x128xi32, #tpu.memory_space<hbm>> -> memref<40x128xi32, #tpu.memory_space<hbm>>
      tpu.wait_dma2 semaphore(%run_scoped3A : memref<!tpu.dma_semaphore, #tpu.memory_space<semaphore_mem>>) src(%dma_wait3A_301 : memref<40x128xi32, #tpu.memory_space<hbm>>) dst(%arg7 : memref<40x128xi32, #tpu.memory_space<vmem>>)
      tpu.yield
    }) : () -> ()
    %scan3A_9 = arith.constant 0 : i32
    %scan3A_10 = arith.constant 0 : i32
    %scan3A_11 = arith.constant 40 : i32
    %scan3A_12 = arith.addi %scan3A_10, %scan3A_11 : i32
    %scan3A_13 = arith.constant 1 : i32
    scf.for %scan3A_274 = %scan3A_10 to %scan3A_12 step %scan3A_13  : i32 {
      %scan3A_275 = arith.constant 0 : i32
      %scan3A_276 = arith.constant 8 : i32
      %scan3A_277 = arith.addi %scan3A_275, %scan3A_276 : i32
      %scan3A_278 = arith.constant 1 : i32
      scf.for %scan3A_280 = %scan3A_275 to %scan3A_277 step %scan3A_278  : i32 {
        %mul3A_281 = arith.constant 16 : i32
        %mul3A_282 = arith.muli %scan3A_280, %mul3A_281 : i32
        %get3A = arith.index_cast %scan3A_274 : i32 to index
        %get3A_283 = arith.index_cast %mul3A_282 : i32 to index
        %get3A_284 = tpu.vector_load %arg6[%get3A, %get3A_283] {strides = array<i32>} : memref<40x128xi32, #tpu.memory_space<vmem>>, vector<1x16xi32>,
        %get3A_285 = vector.shape_cast %get3A_284 : vector<1x16xi32> to vector<16xi32>
        %add3A_286 = vector.broadcast %mul3A_3 : i32 to vector<16xi32>
        %add3A_287 = arith.addi %get3A_285, %add3A_286 : vector<16xi32>
        %mul3A_288 = arith.constant 16 : i32
        %mul3A_289 = arith.muli %scan3A_280, %mul3A_288 : i32
        %swap3A = arith.index_cast %scan3A_274 : i32 to index
        %swap3A_290 = arith.index_cast %mul3A_289 : i32 to index
        %swap3A_291 = tpu.vector_load %arg6[%swap3A, %swap3A_290] {strides = array<i32>} : memref<40x128xi32, #tpu.memory_space<vmem>>, vector<1x16xi32>,
        %swap3A_292 = vector.shape_cast %swap3A_291 : vector<1x16xi32> to vector<16xi32>
        %swap3A_293 = vector.shape_cast %add3A_287 : vector<16xi32> to vector<1x16xi32>
        tpu.vector_store %arg6[%swap3A, %swap3A_290], %swap3A_293 {strides = array<i32>} : memref<40x128xi32, #tpu.memory_space<vmem>>, vector<1x16xi32>,
      }
      %scan3A_279 = arith.constant 8 : i32
    }
    %scan3A_14 = arith.constant 40 : i32
    %dma_start3A = arith.constant 0 : i32
    %dma_start3A_15 = arith.constant 0 : i32
    %dma_start3A_16 = arith.constant 0 : i32
    %dma_start3A_17 = arith.constant 0 : i32
    %dma_start3A_18 = tpu.memref_slice %arg8[%dma_start3A_15, %dma_start3A_16, %dma_start3A_17] : memref<2x128x128xf32, #tpu.memory_space<vmem>> -> memref<1x128x128xf32, #tpu.memory_space<vmem>>
    %dma_start3A_19 = tpu.memref_squeeze %dma_start3A_18 : memref<1x128x128xf32, #tpu.memory_space<vmem>> -> memref<128x128xf32, #tpu.memory_space<vmem>>
    %dma_start3A_20 = arith.constant 0 : i32
    %dma_start3A_21 = tpu.memref_slice %arg6[%dma_start3A, %dma_start3A_20] : memref<40x128xi32, #tpu.memory_space<vmem>> -> memref<1x128xi32, #tpu.memory_space<vmem>>
    %dma_start3A_22 = tpu.memref_squeeze %dma_start3A_21 : memref<1x128xi32, #tpu.memory_space<vmem>> -> memref<128xi32, #tpu.memory_space<vmem>>
    %dma_start3A_23 = arith.constant 0 : i32
    %dma_start3A_24 = arith.constant 0 : i32
    %dma_start3A_25 = tpu.memref_slice %arg2[%dma_start3A_23, %dma_start3A_24] : memref<40960x128xf32, #tpu.memory_space<hbm>> -> memref<40960x128xf32, #tpu.memory_space<hbm>>
    tpu.enqueue_indirect_dma source(%dma_start3A_25 : memref<40960x128xf32, #tpu.memory_space<hbm>>) target(%dma_start3A_19 : memref<128x128xf32, #tpu.memory_space<vmem>>) offsets(%dma_start3A_22 : memref<128xi32, #tpu.memory_space<vmem>>) semaphore(%arg10 : memref<!tpu.dma_semaphore, #tpu.memory_space<semaphore_mem>>)
    %dma_start3A_26 = arith.constant 1 : i32
    %dma_start3A_27 = arith.constant 1 : i32
    %dma_start3A_28 = arith.constant 0 : i32
    %dma_start3A_29 = arith.constant 0 : i32
    %dma_start3A_30 = tpu.memref_slice %arg8[%dma_start3A_27, %dma_start3A_28, %dma_start3A_29] : memref<2x128x128xf32, #tpu.memory_space<vmem>> -> memref<1x128x128xf32, #tpu.memory_space<vmem>>
    %dma_start3A_31 = tpu.memref_squeeze %dma_start3A_30 : memref<1x128x128xf32, #tpu.memory_space<vmem>> -> memref<128x128xf32, #tpu.memory_space<vmem>>
    %dma_start3A_32 = arith.constant 0 : i32
    %dma_start3A_33 = tpu.memref_slice %arg6[%dma_start3A_26, %dma_start3A_32] : memref<40x128xi32, #tpu.memory_space<vmem>> -> memref<1x128xi32, #tpu.memory_space<vmem>>
    %dma_start3A_34 = tpu.memref_squeeze %dma_start3A_33 : memref<1x128xi32, #tpu.memory_space<vmem>> -> memref<128xi32, #tpu.memory_space<vmem>>
    %dma_start3A_35 = arith.constant 0 : i32
    %dma_start3A_36 = arith.constant 0 : i32
    %dma_start3A_37 = tpu.memref_slice %arg2[%dma_start3A_35, %dma_start3A_36] : memref<40960x128xf32, #tpu.memory_space<hbm>> -> memref<40960x128xf32, #tpu.memory_space<hbm>>
    tpu.enqueue_indirect_dma source(%dma_start3A_37 : memref<40960x128xf32, #tpu.memory_space<hbm>>) target(%dma_start3A_31 : memref<128x128xf32, #tpu.memory_space<vmem>>) offsets(%dma_start3A_34 : memref<128xi32, #tpu.memory_space<vmem>>) semaphore(%arg11 : memref<!tpu.dma_semaphore, #tpu.memory_space<semaphore_mem>>)
    %scan3A_38 = arith.constant 0 : i32
    %scan3A_39 = arith.constant 0 : i32
    %scan3A_40 = arith.constant 20 : i32
    %scan3A_41 = arith.addi %scan3A_39, %scan3A_40 : i32
    %scan3A_42 = arith.constant 1 : i32
    scf.for %scan3A_274 = %scan3A_39 to %scan3A_41 step %scan3A_42  : i32 {
      %mul3A_275 = arith.constant 2 : i32
      %mul3A_276 = arith.muli %mul3A_275, %scan3A_274 : i32
      %add3A_277 = arith.constant 1 : i32
      %add3A_278 = arith.addi %mul3A_276, %add3A_277 : i32
      %dma_wait3A_279 = arith.constant 0 : i32
      %dma_wait3A_280 = arith.constant 0 : i32
      %dma_wait3A_281 = arith.constant 0 : i32
      %dma_wait3A_282 = tpu.memref_slice %arg8[%dma_wait3A_279, %dma_wait3A_280, %dma_wait3A_281] : memref<2x128x128xf32, #tpu.memory_space<vmem>> -> memref<1x128x128xf32, #tpu.memory_space<vmem>>
      %dma_wait3A_283 = tpu.memref_squeeze %dma_wait3A_282 : memref<1x128x128xf32, #tpu.memory_space<vmem>> -> memref<128x128xf32, #tpu.memory_space<vmem>>
      %dma_wait3A_284 = arith.constant 0 : i32
      %dma_wait3A_285 = tpu.memref_slice %arg6[%mul3A_276, %dma_wait3A_284] : memref<40x128xi32, #tpu.memory_space<vmem>> -> memref<1x128xi32, #tpu.memory_space<vmem>>
      %dma_wait3A_286 = tpu.memref_squeeze %dma_wait3A_285 : memref<1x128xi32, #tpu.memory_space<vmem>> -> memref<128xi32, #tpu.memory_space<vmem>>
      %dma_wait3A_287 = arith.constant 0 : i32
      %dma_wait3A_288 = arith.constant 0 : i32
      %dma_wait3A_289 = tpu.memref_slice %arg2[%dma_wait3A_287, %dma_wait3A_288] : memref<40960x128xf32, #tpu.memory_space<hbm>> -> memref<40960x128xf32, #tpu.memory_space<hbm>>
      tpu.wait_indirect_dma semaphore(%arg10 : memref<!tpu.dma_semaphore, #tpu.memory_space<semaphore_mem>>) src(%dma_wait3A_289 : memref<40960x128xf32, #tpu.memory_space<hbm>>) dst(%dma_wait3A_283 : memref<128x128xf32, #tpu.memory_space<vmem>>)
      %dma_start3A_290 = arith.constant 0 : i32
      %dma_start3A_291 = arith.constant 0 : i32
      %dma_start3A_292 = arith.constant 0 : i32
      %dma_start3A_293 = tpu.memref_slice %arg8[%dma_start3A_290, %dma_start3A_291, %dma_start3A_292] : memref<2x128x128xf32, #tpu.memory_space<vmem>> -> memref<1x128x128xf32, #tpu.memory_space<vmem>>
      %dma_start3A_294 = tpu.memref_squeeze %dma_start3A_293 : memref<1x128x128xf32, #tpu.memory_space<vmem>> -> memref<128x128xf32, #tpu.memory_space<vmem>>
      %dma_start3A_295 = arith.constant 0 : i32
      %dma_start3A_296 = tpu.memref_slice %arg7[%mul3A_276, %dma_start3A_295] : memref<40x128xi32, #tpu.memory_space<vmem>> -> memref<1x128xi32, #tpu.memory_space<vmem>>
      %dma_start3A_297 = tpu.memref_squeeze %dma_start3A_296 : memref<1x128xi32, #tpu.memory_space<vmem>> -> memref<128xi32, #tpu.memory_space<vmem>>
      %dma_start3A_298 = arith.constant 0 : i32
      %dma_start3A_299 = arith.constant 0 : i32
      %dma_start3A_300 = tpu.memref_slice %arg9[%dma_start3A_298, %dma_start3A_299] : memref<10240x128xf32, #tpu.memory_space<vmem_shared>> -> memref<10240x128xf32, #tpu.memory_space<vmem_shared>>
      tpu.enqueue_indirect_dma source(%dma_start3A_294 : memref<128x128xf32, #tpu.memory_space<vmem>>) target(%dma_start3A_300 : memref<10240x128xf32, #tpu.memory_space<vmem_shared>>) offsets(%dma_start3A_297 : memref<128xi32, #tpu.memory_space<vmem>>) semaphore(%arg12 : memref<!tpu.dma_semaphore, #tpu.memory_space<semaphore_mem>>) {add = true}
      %dma_wait3A_301 = arith.constant 1 : i32
      %dma_wait3A_302 = arith.constant 0 : i32
      %dma_wait3A_303 = arith.constant 0 : i32
      %dma_wait3A_304 = tpu.memref_slice %arg8[%dma_wait3A_301, %dma_wait3A_302, %dma_wait3A_303] : memref<2x128x128xf32, #tpu.memory_space<vmem>> -> memref<1x128x128xf32, #tpu.memory_space<vmem>>
      %dma_wait3A_305 = tpu.memref_squeeze %dma_wait3A_304 : memref<1x128x128xf32, #tpu.memory_space<vmem>> -> memref<128x128xf32, #tpu.memory_space<vmem>>
      %dma_wait3A_306 = arith.constant 0 : i32
      %dma_wait3A_307 = tpu.memref_slice %arg6[%add3A_278, %dma_wait3A_306] : memref<40x128xi32, #tpu.memory_space<vmem>> -> memref<1x128xi32, #tpu.memory_space<vmem>>
      %dma_wait3A_308 = tpu.memref_squeeze %dma_wait3A_307 : memref<1x128xi32, #tpu.memory_space<vmem>> -> memref<128xi32, #tpu.memory_space<vmem>>
      %dma_wait3A_309 = arith.constant 0 : i32
      %dma_wait3A_310 = arith.constant 0 : i32
      %dma_wait3A_311 = tpu.memref_slice %arg2[%dma_wait3A_309, %dma_wait3A_310] : memref<40960x128xf32, #tpu.memory_space<hbm>> -> memref<40960x128xf32, #tpu.memory_space<hbm>>
      tpu.wait_indirect_dma semaphore(%arg11 : memref<!tpu.dma_semaphore, #tpu.memory_space<semaphore_mem>>) src(%dma_wait3A_311 : memref<40960x128xf32, #tpu.memory_space<hbm>>) dst(%dma_wait3A_305 : memref<128x128xf32, #tpu.memory_space<vmem>>)
      %dma_start3A_312 = arith.constant 1 : i32
      %dma_start3A_313 = arith.constant 0 : i32
      %dma_start3A_314 = arith.constant 0 : i32
      %dma_start3A_315 = tpu.memref_slice %arg8[%dma_start3A_312, %dma_start3A_313, %dma_start3A_314] : memref<2x128x128xf32, #tpu.memory_space<vmem>> -> memref<1x128x128xf32, #tpu.memory_space<vmem>>
      %dma_start3A_316 = tpu.memref_squeeze %dma_start3A_315 : memref<1x128x128xf32, #tpu.memory_space<vmem>> -> memref<128x128xf32, #tpu.memory_space<vmem>>
      %dma_start3A_317 = arith.constant 0 : i32
      %dma_start3A_318 = tpu.memref_slice %arg7[%add3A_278, %dma_start3A_317] : memref<40x128xi32, #tpu.memory_space<vmem>> -> memref<1x128xi32, #tpu.memory_space<vmem>>
      %dma_start3A_319 = tpu.memref_squeeze %dma_start3A_318 : memref<1x128xi32, #tpu.memory_space<vmem>> -> memref<128xi32, #tpu.memory_space<vmem>>
      %dma_start3A_320 = arith.constant 0 : i32
      %dma_start3A_321 = arith.constant 0 : i32
      %dma_start3A_322 = tpu.memref_slice %arg9[%dma_start3A_320, %dma_start3A_321] : memref<10240x128xf32, #tpu.memory_space<vmem_shared>> -> memref<10240x128xf32, #tpu.memory_space<vmem_shared>>
      tpu.enqueue_indirect_dma source(%dma_start3A_316 : memref<128x128xf32, #tpu.memory_space<vmem>>) target(%dma_start3A_322 : memref<10240x128xf32, #tpu.memory_space<vmem_shared>>) offsets(%dma_start3A_319 : memref<128xi32, #tpu.memory_space<vmem>>) semaphore(%arg13 : memref<!tpu.dma_semaphore, #tpu.memory_space<semaphore_mem>>) {add = true}
      %lt3A = arith.constant 19 : i32
      %lt3A_323 = arith.cmpi slt, %scan3A_274, %lt3A : i32
      %convert_element_type3A = arith.extui %lt3A_323 : i1 to i32
      %cond3A = arith.constant 0 : i32
      %cond3A_324 = arith.cmpi ne, %convert_element_type3A, %cond3A : i32
      scf.if %cond3A_324 {
        %dma_wait3A_325 = arith.constant 0 : i32
        %dma_wait3A_326 = arith.constant 0 : i32
        %dma_wait3A_327 = arith.constant 0 : i32
        %dma_wait3A_328 = tpu.memref_slice %arg8[%dma_wait3A_325, %dma_wait3A_326, %dma_wait3A_327] : memref<2x128x128xf32, #tpu.memory_space<vmem>> -> memref<1x128x128xf32, #tpu.memory_space<vmem>>
        %dma_wait3A_329 = tpu.memref_squeeze %dma_wait3A_328 : memref<1x128x128xf32, #tpu.memory_space<vmem>> -> memref<128x128xf32, #tpu.memory_space<vmem>>
        %dma_wait3A_330 = arith.constant 0 : i32
        %dma_wait3A_331 = tpu.memref_slice %arg7[%mul3A_276, %dma_wait3A_330] : memref<40x128xi32, #tpu.memory_space<vmem>> -> memref<1x128xi32, #tpu.memory_space<vmem>>
        %dma_wait3A_332 = tpu.memref_squeeze %dma_wait3A_331 : memref<1x128xi32, #tpu.memory_space<vmem>> -> memref<128xi32, #tpu.memory_space<vmem>>
        %dma_wait3A_333 = arith.constant 0 : i32
        %dma_wait3A_334 = arith.constant 0 : i32
        %dma_wait3A_335 = tpu.memref_slice %arg9[%dma_wait3A_333, %dma_wait3A_334] : memref<10240x128xf32, #tpu.memory_space<vmem_shared>> -> memref<10240x128xf32, #tpu.memory_space<vmem_shared>>
        tpu.wait_indirect_dma semaphore(%arg12 : memref<!tpu.dma_semaphore, #tpu.memory_space<semaphore_mem>>) src(%dma_wait3A_329 : memref<128x128xf32, #tpu.memory_space<vmem>>) dst(%dma_wait3A_335 : memref<10240x128xf32, #tpu.memory_space<vmem_shared>>)
        %add3A_336 = arith.constant 2 : i32
        %add3A_337 = arith.addi %mul3A_276, %add3A_336 : i32
        %dma_start3A_338 = arith.constant 0 : i32
        %dma_start3A_339 = arith.constant 0 : i32
        %dma_start3A_340 = arith.constant 0 : i32
        %dma_start3A_341 = tpu.memref_slice %arg8[%dma_start3A_338, %dma_start3A_339, %dma_start3A_340] : memref<2x128x128xf32, #tpu.memory_space<vmem>> -> memref<1x128x128xf32, #tpu.memory_space<vmem>>
        %dma_start3A_342 = tpu.memref_squeeze %dma_start3A_341 : memref<1x128x128xf32, #tpu.memory_space<vmem>> -> memref<128x128xf32, #tpu.memory_space<vmem>>
        %dma_start3A_343 = arith.constant 0 : i32
        %dma_start3A_344 = tpu.memref_slice %arg6[%add3A_337, %dma_start3A_343] : memref<40x128xi32, #tpu.memory_space<vmem>> -> memref<1x128xi32, #tpu.memory_space<vmem>>
        %dma_start3A_345 = tpu.memref_squeeze %dma_start3A_344 : memref<1x128xi32, #tpu.memory_space<vmem>> -> memref<128xi32, #tpu.memory_space<vmem>>
        %dma_start3A_346 = arith.constant 0 : i32
        %dma_start3A_347 = arith.constant 0 : i32
        %dma_start3A_348 = tpu.memref_slice %arg2[%dma_start3A_346, %dma_start3A_347] : memref<40960x128xf32, #tpu.memory_space<hbm>> -> memref<40960x128xf32, #tpu.memory_space<hbm>>
        tpu.enqueue_indirect_dma source(%dma_start3A_348 : memref<40960x128xf32, #tpu.memory_space<hbm>>) target(%dma_start3A_342 : memref<128x128xf32, #tpu.memory_space<vmem>>) offsets(%dma_start3A_345 : memref<128xi32, #tpu.memory_space<vmem>>) semaphore(%arg10 : memref<!tpu.dma_semaphore, #tpu.memory_space<semaphore_mem>>)
        %dma_wait3A_349 = arith.constant 1 : i32
        %dma_wait3A_350 = arith.constant 0 : i32
        %dma_wait3A_351 = arith.constant 0 : i32
        %dma_wait3A_352 = tpu.memref_slice %arg8[%dma_wait3A_349, %dma_wait3A_350, %dma_wait3A_351] : memref<2x128x128xf32, #tpu.memory_space<vmem>> -> memref<1x128x128xf32, #tpu.memory_space<vmem>>
        %dma_wait3A_353 = tpu.memref_squeeze %dma_wait3A_352 : memref<1x128x128xf32, #tpu.memory_space<vmem>> -> memref<128x128xf32, #tpu.memory_space<vmem>>
        %dma_wait3A_354 = arith.constant 0 : i32
        %dma_wait3A_355 = tpu.memref_slice %arg7[%add3A_278, %dma_wait3A_354] : memref<40x128xi32, #tpu.memory_space<vmem>> -> memref<1x128xi32, #tpu.memory_space<vmem>>
        %dma_wait3A_356 = tpu.memref_squeeze %dma_wait3A_355 : memref<1x128xi32, #tpu.memory_space<vmem>> -> memref<128xi32, #tpu.memory_space<vmem>>
        %dma_wait3A_357 = arith.constant 0 : i32
        %dma_wait3A_358 = arith.constant 0 : i32
        %dma_wait3A_359 = tpu.memref_slice %arg9[%dma_wait3A_357, %dma_wait3A_358] : memref<10240x128xf32, #tpu.memory_space<vmem_shared>> -> memref<10240x128xf32, #tpu.memory_space<vmem_shared>>
        tpu.wait_indirect_dma semaphore(%arg13 : memref<!tpu.dma_semaphore, #tpu.memory_space<semaphore_mem>>) src(%dma_wait3A_353 : memref<128x128xf32, #tpu.memory_space<vmem>>) dst(%dma_wait3A_359 : memref<10240x128xf32, #tpu.memory_space<vmem_shared>>)
        %add3A_360 = arith.constant 2 : i32
        %add3A_361 = arith.addi %add3A_278, %add3A_360 : i32
        %dma_start3A_362 = arith.constant 1 : i32
        %dma_start3A_363 = arith.constant 0 : i32
        %dma_start3A_364 = arith.constant 0 : i32
        %dma_start3A_365 = tpu.memref_slice %arg8[%dma_start3A_362, %dma_start3A_363, %dma_start3A_364] : memref<2x128x128xf32, #tpu.memory_space<vmem>> -> memref<1x128x128xf32, #tpu.memory_space<vmem>>
        %dma_start3A_366 = tpu.memref_squeeze %dma_start3A_365 : memref<1x128x128xf32, #tpu.memory_space<vmem>> -> memref<128x128xf32, #tpu.memory_space<vmem>>
        %dma_start3A_367 = arith.constant 0 : i32
        %dma_start3A_368 = tpu.memref_slice %arg6[%add3A_361, %dma_start3A_367] : memref<40x128xi32, #tpu.memory_space<vmem>> -> memref<1x128xi32, #tpu.memory_space<vmem>>
        %dma_start3A_369 = tpu.memref_squeeze %dma_start3A_368 : memref<1x128xi32, #tpu.memory_space<vmem>> -> memref<128xi32, #tpu.memory_space<vmem>>
        %dma_start3A_370 = arith.constant 0 : i32
        %dma_start3A_371 = arith.constant 0 : i32
        %dma_start3A_372 = tpu.memref_slice %arg2[%dma_start3A_370, %dma_start3A_371] : memref<40960x128xf32, #tpu.memory_space<hbm>> -> memref<40960x128xf32, #tpu.memory_space<hbm>>
        tpu.enqueue_indirect_dma source(%dma_start3A_372 : memref<40960x128xf32, #tpu.memory_space<hbm>>) target(%dma_start3A_366 : memref<128x128xf32, #tpu.memory_space<vmem>>) offsets(%dma_start3A_369 : memref<128xi32, #tpu.memory_space<vmem>>) semaphore(%arg11 : memref<!tpu.dma_semaphore, #tpu.memory_space<semaphore_mem>>)
      } else {
      }
    }
    %scan3A_43 = arith.constant 20 : i32
    %dma_wait3A = arith.constant 0 : i32
    %dma_wait3A_44 = arith.constant 38 : i32
    %dma_wait3A_45 = arith.constant 0 : i32
    %dma_wait3A_46 = arith.constant 0 : i32
    %dma_wait3A_47 = tpu.memref_slice %arg8[%dma_wait3A, %dma_wait3A_45, %dma_wait3A_46] : memref<2x128x128xf32, #tpu.memory_space<vmem>> -> memref<1x128x128xf32, #tpu.memory_space<vmem>>
    %dma_wait3A_48 = tpu.memref_squeeze %dma_wait3A_47 : memref<1x128x128xf32, #tpu.memory_space<vmem>> -> memref<128x128xf32, #tpu.memory_space<vmem>>
    %dma_wait3A_49 = arith.constant 0 : i32
    %dma_wait3A_50 = tpu.memref_slice %arg7[%dma_wait3A_44, %dma_wait3A_49] : memref<40x128xi32, #tpu.memory_space<vmem>> -> memref<1x128xi32, #tpu.memory_space<vmem>>
    %dma_wait3A_51 = tpu.memref_squeeze %dma_wait3A_50 : memref<1x128xi32, #tpu.memory_space<vmem>> -> memref<128xi32, #tpu.memory_space<vmem>>
    %dma_wait3A_52 = arith.constant 0 : i32
    %dma_wait3A_53 = arith.constant 0 : i32
    %dma_wait3A_54 = tpu.memref_slice %arg9[%dma_wait3A_52, %dma_wait3A_53] : memref<10240x128xf32, #tpu.memory_space<vmem_shared>> -> memref<10240x128xf32, #tpu.memory_space<vmem_shared>>
    tpu.wait_indirect_dma semaphore(%arg12 : memref<!tpu.dma_semaphore, #tpu.memory_space<semaphore_mem>>) src(%dma_wait3A_48 : memref<128x128xf32, #tpu.memory_space<vmem>>) dst(%dma_wait3A_54 : memref<10240x128xf32, #tpu.memory_space<vmem_shared>>)
    %dma_wait3A_55 = arith.constant 1 : i32
    %dma_wait3A_56 = arith.constant 39 : i32
    %dma_wait3A_57 = arith.constant 0 : i32
    %dma_wait3A_58 = arith.constant 0 : i32
    %dma_wait3A_59 = tpu.memref_slice %arg8[%dma_wait3A_55, %dma_wait3A_57, %dma_wait3A_58] : memref<2x128x128xf32, #tpu.memory_space<vmem>> -> memref<1x128x128xf32, #tpu.memory_space<vmem>>
    %dma_wait3A_60 = tpu.memref_squeeze %dma_wait3A_59 : memref<1x128x128xf32, #tpu.memory_space<vmem>> -> memref<128x128xf32, #tpu.memory_space<vmem>>
    %dma_wait3A_61 = arith.constant 0 : i32
    %dma_wait3A_62 = tpu.memref_slice %arg7[%dma_wait3A_56, %dma_wait3A_61] : memref<40x128xi32, #tpu.memory_space<vmem>> -> memref<1x128xi32, #tpu.memory_space<vmem>>
    %dma_wait3A_63 = tpu.memref_squeeze %dma_wait3A_62 : memref<1x128xi32, #tpu.memory_space<vmem>> -> memref<128xi32, #tpu.memory_space<vmem>>
    %dma_wait3A_64 = arith.constant 0 : i32
    %dma_wait3A_65 = arith.constant 0 : i32
    %dma_wait3A_66 = tpu.memref_slice %arg9[%dma_wait3A_64, %dma_wait3A_65] : memref<10240x128xf32, #tpu.memory_space<vmem_shared>> -> memref<10240x128xf32, #tpu.memory_space<vmem_shared>>
    tpu.wait_indirect_dma semaphore(%arg13 : memref<!tpu.dma_semaphore, #tpu.memory_space<semaphore_mem>>) src(%dma_wait3A_60 : memref<128x128xf32, #tpu.memory_space<vmem>>) dst(%dma_wait3A_66 : memref<10240x128xf32, #tpu.memory_space<vmem_shared>>)
    "tpu.region"() ({
      %run_scoped3A = tpu.sem_alloc : memref<!tpu.dma_semaphore, #tpu.memory_space<semaphore_mem>>
      %dma_start3A_274 = arith.constant 0 : i32
      %dma_start3A_275 = arith.constant 0 : i32
      %dma_start3A_276 = tpu.memref_slice %arg3[%arg1, %dma_start3A_274, %dma_start3A_275] : memref<16x80x128xi32, #tpu.memory_space<hbm>> -> memref<1x80x128xi32, #tpu.memory_space<hbm>>
      %dma_start3A_277 = tpu.memref_squeeze %dma_start3A_276 : memref<1x80x128xi32, #tpu.memory_space<hbm>> -> memref<80x128xi32, #tpu.memory_space<hbm>>
      %dma_start3A_278 = arith.constant 40 : i32
      %dma_start3A_279 = arith.constant 0 : i32
      %dma_start3A_280 = tpu.memref_slice %dma_start3A_277[%dma_start3A_278, %dma_start3A_279] : memref<80x128xi32, #tpu.memory_space<hbm>> -> memref<40x128xi32, #tpu.memory_space<hbm>>
      %dma_start3A_281 = arith.constant 0 : i32
      %dma_start3A_282 = arith.constant 0 : i32
      %dma_start3A_283 = tpu.memref_slice %arg3[%arg1, %dma_start3A_281, %dma_start3A_282] : memref<16x80x128xi32, #tpu.memory_space<hbm>> -> memref<1x80x128xi32, #tpu.memory_space<hbm>>
      %dma_start3A_284 = tpu.memref_squeeze %dma_start3A_283 : memref<1x80x128xi32, #tpu.memory_space<hbm>> -> memref<80x128xi32, #tpu.memory_space<hbm>>
      %dma_start3A_285 = arith.constant 40 : i32
      %dma_start3A_286 = arith.constant 0 : i32
      %dma_start3A_287 = tpu.memref_slice %dma_start3A_284[%dma_start3A_285, %dma_start3A_286] : memref<80x128xi32, #tpu.memory_space<hbm>> -> memref<40x128xi32, #tpu.memory_space<hbm>>
      tpu.enqueue_dma source(%dma_start3A_287 : memref<40x128xi32, #tpu.memory_space<hbm>>) target(%arg6 : memref<40x128xi32, #tpu.memory_space<vmem>>) target_semaphore(%run_scoped3A : memref<!tpu.dma_semaphore, #tpu.memory_space<semaphore_mem>>)
      %dma_wait3A_288 = arith.constant 0 : i32
      %dma_wait3A_289 = arith.constant 0 : i32
      %dma_wait3A_290 = tpu.memref_slice %arg3[%arg1, %dma_wait3A_288, %dma_wait3A_289] : memref<16x80x128xi32, #tpu.memory_space<hbm>> -> memref<1x80x128xi32, #tpu.memory_space<hbm>>
      %dma_wait3A_291 = tpu.memref_squeeze %dma_wait3A_290 : memref<1x80x128xi32, #tpu.memory_space<hbm>> -> memref<80x128xi32, #tpu.memory_space<hbm>>
      %dma_wait3A_292 = arith.constant 40 : i32
      %dma_wait3A_293 = arith.constant 0 : i32
      %dma_wait3A_294 = tpu.memref_slice %dma_wait3A_291[%dma_wait3A_292, %dma_wait3A_293] : memref<80x128xi32, #tpu.memory_space<hbm>> -> memref<40x128xi32, #tpu.memory_space<hbm>>
      %dma_wait3A_295 = arith.constant 0 : i32
      %dma_wait3A_296 = arith.constant 0 : i32
      %dma_wait3A_297 = tpu.memref_slice %arg3[%arg1, %dma_wait3A_295, %dma_wait3A_296] : memref<16x80x128xi32, #tpu.memory_space<hbm>> -> memref<1x80x128xi32, #tpu.memory_space<hbm>>
      %dma_wait3A_298 = tpu.memref_squeeze %dma_wait3A_297 : memref<1x80x128xi32, #tpu.memory_space<hbm>> -> memref<80x128xi32, #tpu.memory_space<hbm>>
      %dma_wait3A_299 = arith.constant 40 : i32
      %dma_wait3A_300 = arith.constant 0 : i32
      %dma_wait3A_301 = tpu.memref_slice %dma_wait3A_298[%dma_wait3A_299, %dma_wait3A_300] : memref<80x128xi32, #tpu.memory_space<hbm>> -> memref<40x128xi32, #tpu.memory_space<hbm>>
      tpu.wait_dma2 semaphore(%run_scoped3A : memref<!tpu.dma_semaphore, #tpu.memory_space<semaphore_mem>>) src(%dma_wait3A_301 : memref<40x128xi32, #tpu.memory_space<hbm>>) dst(%arg6 : memref<40x128xi32, #tpu.memory_space<vmem>>)
      tpu.yield
    }) : () -> ()
    "tpu.region"() ({
      %run_scoped3A = tpu.sem_alloc : memref<!tpu.dma_semaphore, #tpu.memory_space<semaphore_mem>>
      %dma_start3A_274 = arith.constant 0 : i32
      %dma_start3A_275 = arith.constant 0 : i32
      %dma_start3A_276 = tpu.memref_slice %arg4[%arg1, %dma_start3A_274, %dma_start3A_275] : memref<16x80x128xi32, #tpu.memory_space<hbm>> -> memref<1x80x128xi32, #tpu.memory_space<hbm>>
      %dma_start3A_277 = tpu.memref_squeeze %dma_start3A_276 : memref<1x80x128xi32, #tpu.memory_space<hbm>> -> memref<80x128xi32, #tpu.memory_space<hbm>>
      %dma_start3A_278 = arith.constant 40 : i32
      %dma_start3A_279 = arith.constant 0 : i32
      %dma_start3A_280 = tpu.memref_slice %dma_start3A_277[%dma_start3A_278, %dma_start3A_279] : memref<80x128xi32, #tpu.memory_space<hbm>> -> memref<40x128xi32, #tpu.memory_space<hbm>>
      %dma_start3A_281 = arith.constant 0 : i32
      %dma_start3A_282 = arith.constant 0 : i32
      %dma_start3A_283 = tpu.memref_slice %arg4[%arg1, %dma_start3A_281, %dma_start3A_282] : memref<16x80x128xi32, #tpu.memory_space<hbm>> -> memref<1x80x128xi32, #tpu.memory_space<hbm>>
      %dma_start3A_284 = tpu.memref_squeeze %dma_start3A_283 : memref<1x80x128xi32, #tpu.memory_space<hbm>> -> memref<80x128xi32, #tpu.memory_space<hbm>>
      %dma_start3A_285 = arith.constant 40 : i32
      %dma_start3A_286 = arith.constant 0 : i32
      %dma_start3A_287 = tpu.memref_slice %dma_start3A_284[%dma_start3A_285, %dma_start3A_286] : memref<80x128xi32, #tpu.memory_space<hbm>> -> memref<40x128xi32, #tpu.memory_space<hbm>>
      tpu.enqueue_dma source(%dma_start3A_287 : memref<40x128xi32, #tpu.memory_space<hbm>>) target(%arg7 : memref<40x128xi32, #tpu.memory_space<vmem>>) target_semaphore(%run_scoped3A : memref<!tpu.dma_semaphore, #tpu.memory_space<semaphore_mem>>)
      %dma_wait3A_288 = arith.constant 0 : i32
      %dma_wait3A_289 = arith.constant 0 : i32
      %dma_wait3A_290 = tpu.memref_slice %arg4[%arg1, %dma_wait3A_288, %dma_wait3A_289] : memref<16x80x128xi32, #tpu.memory_space<hbm>> -> memref<1x80x128xi32, #tpu.memory_space<hbm>>
      %dma_wait3A_291 = tpu.memref_squeeze %dma_wait3A_290 : memref<1x80x128xi32, #tpu.memory_space<hbm>> -> memref<80x128xi32, #tpu.memory_space<hbm>>
      %dma_wait3A_292 = arith.constant 40 : i32
      %dma_wait3A_293 = arith.constant 0 : i32
      %dma_wait3A_294 = tpu.memref_slice %dma_wait3A_291[%dma_wait3A_292, %dma_wait3A_293] : memref<80x128xi32, #tpu.memory_space<hbm>> -> memref<40x128xi32, #tpu.memory_space<hbm>>
      %dma_wait3A_295 = arith.constant 0 : i32
      %dma_wait3A_296 = arith.constant 0 : i32
      %dma_wait3A_297 = tpu.memref_slice %arg4[%arg1, %dma_wait3A_295, %dma_wait3A_296] : memref<16x80x128xi32, #tpu.memory_space<hbm>> -> memref<1x80x128xi32, #tpu.memory_space<hbm>>
      %dma_wait3A_298 = tpu.memref_squeeze %dma_wait3A_297 : memref<1x80x128xi32, #tpu.memory_space<hbm>> -> memref<80x128xi32, #tpu.memory_space<hbm>>
      %dma_wait3A_299 = arith.constant 40 : i32
      %dma_wait3A_300 = arith.constant 0 : i32
      %dma_wait3A_301 = tpu.memref_slice %dma_wait3A_298[%dma_wait3A_299, %dma_wait3A_300] : memref<80x128xi32, #tpu.memory_space<hbm>> -> memref<40x128xi32, #tpu.memory_space<hbm>>
      tpu.wait_dma2 semaphore(%run_scoped3A : memref<!tpu.dma_semaphore, #tpu.memory_space<semaphore_mem>>) src(%dma_wait3A_301 : memref<40x128xi32, #tpu.memory_space<hbm>>) dst(%arg7 : memref<40x128xi32, #tpu.memory_space<vmem>>)
      tpu.yield
    }) : () -> ()
    %scan3A_67 = arith.constant 0 : i32
    %scan3A_68 = arith.constant 0 : i32
    %scan3A_69 = arith.constant 40 : i32
    %scan3A_70 = arith.addi %scan3A_68, %scan3A_69 : i32
    %scan3A_71 = arith.constant 1 : i32
    scf.for %scan3A_274 = %scan3A_68 to %scan3A_70 step %scan3A_71  : i32 {
      %scan3A_275 = arith.constant 0 : i32
      %scan3A_276 = arith.constant 8 : i32
      %scan3A_277 = arith.addi %scan3A_275, %scan3A_276 : i32
      %scan3A_278 = arith.constant 1 : i32
      scf.for %scan3A_280 = %scan3A_275 to %scan3A_277 step %scan3A_278  : i32 {
        %mul3A_281 = arith.constant 16 : i32
        %mul3A_282 = arith.muli %scan3A_280, %mul3A_281 : i32
        %get3A = arith.index_cast %scan3A_274 : i32 to index
        %get3A_283 = arith.index_cast %mul3A_282 : i32 to index
        %get3A_284 = tpu.vector_load %arg6[%get3A, %get3A_283] {strides = array<i32>} : memref<40x128xi32, #tpu.memory_space<vmem>>, vector<1x16xi32>,
        %get3A_285 = vector.shape_cast %get3A_284 : vector<1x16xi32> to vector<16xi32>
        %add3A_286 = vector.broadcast %mul3A_3 : i32 to vector<16xi32>
        %add3A_287 = arith.addi %get3A_285, %add3A_286 : vector<16xi32>
        %mul3A_288 = arith.constant 16 : i32
        %mul3A_289 = arith.muli %scan3A_280, %mul3A_288 : i32
        %swap3A = arith.index_cast %scan3A_274 : i32 to index
        %swap3A_290 = arith.index_cast %mul3A_289 : i32 to index
        %swap3A_291 = tpu.vector_load %arg6[%swap3A, %swap3A_290] {strides = array<i32>} : memref<40x128xi32, #tpu.memory_space<vmem>>, vector<1x16xi32>,
        %swap3A_292 = vector.shape_cast %swap3A_291 : vector<1x16xi32> to vector<16xi32>
        %swap3A_293 = vector.shape_cast %add3A_287 : vector<16xi32> to vector<1x16xi32>
        tpu.vector_store %arg6[%swap3A, %swap3A_290], %swap3A_293 {strides = array<i32>} : memref<40x128xi32, #tpu.memory_space<vmem>>, vector<1x16xi32>,
      }
      %scan3A_279 = arith.constant 8 : i32
    }
    %scan3A_72 = arith.constant 40 : i32
    %dma_start3A_73 = arith.constant 0 : i32
    %dma_start3A_74 = arith.constant 0 : i32
    %dma_start3A_75 = arith.constant 0 : i32
    %dma_start3A_76 = arith.constant 0 : i32
    %dma_start3A_77 = tpu.memref_slice %arg8[%dma_start3A_74, %dma_start3A_75, %dma_start3A_76] : memref<2x128x128xf32, #tpu.memory_space<vmem>> -> memref<1x128x128xf32, #tpu.memory_space<vmem>>
    %dma_start3A_78 = tpu.memref_squeeze %dma_start3A_77 : memref<1x128x128xf32, #tpu.memory_space<vmem>> -> memref<128x128xf32, #tpu.memory_space<vmem>>
    %dma_start3A_79 = arith.constant 0 : i32
    %dma_start3A_80 = tpu.memref_slice %arg6[%dma_start3A_73, %dma_start3A_79] : memref<40x128xi32, #tpu.memory_space<vmem>> -> memref<1x128xi32, #tpu.memory_space<vmem>>
    %dma_start3A_81 = tpu.memref_squeeze %dma_start3A_80 : memref<1x128xi32, #tpu.memory_space<vmem>> -> memref<128xi32, #tpu.memory_space<vmem>>
    %dma_start3A_82 = arith.constant 0 : i32
    %dma_start3A_83 = arith.constant 0 : i32
    %dma_start3A_84 = tpu.memref_slice %arg2[%dma_start3A_82, %dma_start3A_83] : memref<40960x128xf32, #tpu.memory_space<hbm>> -> memref<40960x128xf32, #tpu.memory_space<hbm>>
    tpu.enqueue_indirect_dma source(%dma_start3A_84 : memref<40960x128xf32, #tpu.memory_space<hbm>>) target(%dma_start3A_78 : memref<128x128xf32, #tpu.memory_space<vmem>>) offsets(%dma_start3A_81 : memref<128xi32, #tpu.memory_space<vmem>>) semaphore(%arg10 : memref<!tpu.dma_semaphore, #tpu.memory_space<semaphore_mem>>)
    %dma_start3A_85 = arith.constant 1 : i32
    %dma_start3A_86 = arith.constant 1 : i32
    %dma_start3A_87 = arith.constant 0 : i32
    %dma_start3A_88 = arith.constant 0 : i32
    %dma_start3A_89 = tpu.memref_slice %arg8[%dma_start3A_86, %dma_start3A_87, %dma_start3A_88] : memref<2x128x128xf32, #tpu.memory_space<vmem>> -> memref<1x128x128xf32, #tpu.memory_space<vmem>>
    %dma_start3A_90 = tpu.memref_squeeze %dma_start3A_89 : memref<1x128x128xf32, #tpu.memory_space<vmem>> -> memref<128x128xf32, #tpu.memory_space<vmem>>
    %dma_start3A_91 = arith.constant 0 : i32
    %dma_start3A_92 = tpu.memref_slice %arg6[%dma_start3A_85, %dma_start3A_91] : memref<40x128xi32, #tpu.memory_space<vmem>> -> memref<1x128xi32, #tpu.memory_space<vmem>>
    %dma_start3A_93 = tpu.memref_squeeze %dma_start3A_92 : memref<1x128xi32, #tpu.memory_space<vmem>> -> memref<128xi32, #tpu.memory_space<vmem>>
    %dma_start3A_94 = arith.constant 0 : i32
    %dma_start3A_95 = arith.constant 0 : i32
    %dma_start3A_96 = tpu.memref_slice %arg2[%dma_start3A_94, %dma_start3A_95] : memref<40960x128xf32, #tpu.memory_space<hbm>> -> memref<40960x128xf32, #tpu.memory_space<hbm>>
    tpu.enqueue_indirect_dma source(%dma_start3A_96 : memref<40960x128xf32, #tpu.memory_space<hbm>>) target(%dma_start3A_90 : memref<128x128xf32, #tpu.memory_space<vmem>>) offsets(%dma_start3A_93 : memref<128xi32, #tpu.memory_space<vmem>>) semaphore(%arg11 : memref<!tpu.dma_semaphore, #tpu.memory_space<semaphore_mem>>)
    %scan3A_97 = arith.constant 0 : i32
    %scan3A_98 = arith.constant 0 : i32
    %scan3A_99 = arith.constant 20 : i32
    %scan3A_100 = arith.addi %scan3A_98, %scan3A_99 : i32
    %scan3A_101 = arith.constant 1 : i32
    scf.for %scan3A_274 = %scan3A_98 to %scan3A_100 step %scan3A_101  : i32 {
      %mul3A_275 = arith.constant 2 : i32
      %mul3A_276 = arith.muli %mul3A_275, %scan3A_274 : i32
      %add3A_277 = arith.constant 1 : i32
      %add3A_278 = arith.addi %mul3A_276, %add3A_277 : i32
      %dma_wait3A_279 = arith.constant 0 : i32
      %dma_wait3A_280 = arith.constant 0 : i32
      %dma_wait3A_281 = arith.constant 0 : i32
      %dma_wait3A_282 = tpu.memref_slice %arg8[%dma_wait3A_279, %dma_wait3A_280, %dma_wait3A_281] : memref<2x128x128xf32, #tpu.memory_space<vmem>> -> memref<1x128x128xf32, #tpu.memory_space<vmem>>
      %dma_wait3A_283 = tpu.memref_squeeze %dma_wait3A_282 : memref<1x128x128xf32, #tpu.memory_space<vmem>> -> memref<128x128xf32, #tpu.memory_space<vmem>>
      %dma_wait3A_284 = arith.constant 0 : i32
      %dma_wait3A_285 = tpu.memref_slice %arg6[%mul3A_276, %dma_wait3A_284] : memref<40x128xi32, #tpu.memory_space<vmem>> -> memref<1x128xi32, #tpu.memory_space<vmem>>
      %dma_wait3A_286 = tpu.memref_squeeze %dma_wait3A_285 : memref<1x128xi32, #tpu.memory_space<vmem>> -> memref<128xi32, #tpu.memory_space<vmem>>
      %dma_wait3A_287 = arith.constant 0 : i32
      %dma_wait3A_288 = arith.constant 0 : i32
      %dma_wait3A_289 = tpu.memref_slice %arg2[%dma_wait3A_287, %dma_wait3A_288] : memref<40960x128xf32, #tpu.memory_space<hbm>> -> memref<40960x128xf32, #tpu.memory_space<hbm>>
      tpu.wait_indirect_dma semaphore(%arg10 : memref<!tpu.dma_semaphore, #tpu.memory_space<semaphore_mem>>) src(%dma_wait3A_289 : memref<40960x128xf32, #tpu.memory_space<hbm>>) dst(%dma_wait3A_283 : memref<128x128xf32, #tpu.memory_space<vmem>>)
      %dma_start3A_290 = arith.constant 0 : i32
      %dma_start3A_291 = arith.constant 0 : i32
      %dma_start3A_292 = arith.constant 0 : i32
      %dma_start3A_293 = tpu.memref_slice %arg8[%dma_start3A_290, %dma_start3A_291, %dma_start3A_292] : memref<2x128x128xf32, #tpu.memory_space<vmem>> -> memref<1x128x128xf32, #tpu.memory_space<vmem>>
      %dma_start3A_294 = tpu.memref_squeeze %dma_start3A_293 : memref<1x128x128xf32, #tpu.memory_space<vmem>> -> memref<128x128xf32, #tpu.memory_space<vmem>>
      %dma_start3A_295 = arith.constant 0 : i32
      %dma_start3A_296 = tpu.memref_slice %arg7[%mul3A_276, %dma_start3A_295] : memref<40x128xi32, #tpu.memory_space<vmem>> -> memref<1x128xi32, #tpu.memory_space<vmem>>
      %dma_start3A_297 = tpu.memref_squeeze %dma_start3A_296 : memref<1x128xi32, #tpu.memory_space<vmem>> -> memref<128xi32, #tpu.memory_space<vmem>>
      %dma_start3A_298 = arith.constant 0 : i32
      %dma_start3A_299 = arith.constant 0 : i32
      %dma_start3A_300 = tpu.memref_slice %arg9[%dma_start3A_298, %dma_start3A_299] : memref<10240x128xf32, #tpu.memory_space<vmem_shared>> -> memref<10240x128xf32, #tpu.memory_space<vmem_shared>>
      tpu.enqueue_indirect_dma source(%dma_start3A_294 : memref<128x128xf32, #tpu.memory_space<vmem>>) target(%dma_start3A_300 : memref<10240x128xf32, #tpu.memory_space<vmem_shared>>) offsets(%dma_start3A_297 : memref<128xi32, #tpu.memory_space<vmem>>) semaphore(%arg12 : memref<!tpu.dma_semaphore, #tpu.memory_space<semaphore_mem>>) {add = true}
      %dma_wait3A_301 = arith.constant 1 : i32
      %dma_wait3A_302 = arith.constant 0 : i32
      %dma_wait3A_303 = arith.constant 0 : i32
      %dma_wait3A_304 = tpu.memref_slice %arg8[%dma_wait3A_301, %dma_wait3A_302, %dma_wait3A_303] : memref<2x128x128xf32, #tpu.memory_space<vmem>> -> memref<1x128x128xf32, #tpu.memory_space<vmem>>
      %dma_wait3A_305 = tpu.memref_squeeze %dma_wait3A_304 : memref<1x128x128xf32, #tpu.memory_space<vmem>> -> memref<128x128xf32, #tpu.memory_space<vmem>>
      %dma_wait3A_306 = arith.constant 0 : i32
      %dma_wait3A_307 = tpu.memref_slice %arg6[%add3A_278, %dma_wait3A_306] : memref<40x128xi32, #tpu.memory_space<vmem>> -> memref<1x128xi32, #tpu.memory_space<vmem>>
      %dma_wait3A_308 = tpu.memref_squeeze %dma_wait3A_307 : memref<1x128xi32, #tpu.memory_space<vmem>> -> memref<128xi32, #tpu.memory_space<vmem>>
      %dma_wait3A_309 = arith.constant 0 : i32
      %dma_wait3A_310 = arith.constant 0 : i32
      %dma_wait3A_311 = tpu.memref_slice %arg2[%dma_wait3A_309, %dma_wait3A_310] : memref<40960x128xf32, #tpu.memory_space<hbm>> -> memref<40960x128xf32, #tpu.memory_space<hbm>>
      tpu.wait_indirect_dma semaphore(%arg11 : memref<!tpu.dma_semaphore, #tpu.memory_space<semaphore_mem>>) src(%dma_wait3A_311 : memref<40960x128xf32, #tpu.memory_space<hbm>>) dst(%dma_wait3A_305 : memref<128x128xf32, #tpu.memory_space<vmem>>)
      %dma_start3A_312 = arith.constant 1 : i32
      %dma_start3A_313 = arith.constant 0 : i32
      %dma_start3A_314 = arith.constant 0 : i32
      %dma_start3A_315 = tpu.memref_slice %arg8[%dma_start3A_312, %dma_start3A_313, %dma_start3A_314] : memref<2x128x128xf32, #tpu.memory_space<vmem>> -> memref<1x128x128xf32, #tpu.memory_space<vmem>>
      %dma_start3A_316 = tpu.memref_squeeze %dma_start3A_315 : memref<1x128x128xf32, #tpu.memory_space<vmem>> -> memref<128x128xf32, #tpu.memory_space<vmem>>
      %dma_start3A_317 = arith.constant 0 : i32
      %dma_start3A_318 = tpu.memref_slice %arg7[%add3A_278, %dma_start3A_317] : memref<40x128xi32, #tpu.memory_space<vmem>> -> memref<1x128xi32, #tpu.memory_space<vmem>>
      %dma_start3A_319 = tpu.memref_squeeze %dma_start3A_318 : memref<1x128xi32, #tpu.memory_space<vmem>> -> memref<128xi32, #tpu.memory_space<vmem>>
      %dma_start3A_320 = arith.constant 0 : i32
      %dma_start3A_321 = arith.constant 0 : i32
      %dma_start3A_322 = tpu.memref_slice %arg9[%dma_start3A_320, %dma_start3A_321] : memref<10240x128xf32, #tpu.memory_space<vmem_shared>> -> memref<10240x128xf32, #tpu.memory_space<vmem_shared>>
      tpu.enqueue_indirect_dma source(%dma_start3A_316 : memref<128x128xf32, #tpu.memory_space<vmem>>) target(%dma_start3A_322 : memref<10240x128xf32, #tpu.memory_space<vmem_shared>>) offsets(%dma_start3A_319 : memref<128xi32, #tpu.memory_space<vmem>>) semaphore(%arg13 : memref<!tpu.dma_semaphore, #tpu.memory_space<semaphore_mem>>) {add = true}
      %lt3A = arith.constant 19 : i32
      %lt3A_323 = arith.cmpi slt, %scan3A_274, %lt3A : i32
      %convert_element_type3A = arith.extui %lt3A_323 : i1 to i32
      %cond3A = arith.constant 0 : i32
      %cond3A_324 = arith.cmpi ne, %convert_element_type3A, %cond3A : i32
      scf.if %cond3A_324 {
        %dma_wait3A_325 = arith.constant 0 : i32
        %dma_wait3A_326 = arith.constant 0 : i32
        %dma_wait3A_327 = arith.constant 0 : i32
        %dma_wait3A_328 = tpu.memref_slice %arg8[%dma_wait3A_325, %dma_wait3A_326, %dma_wait3A_327] : memref<2x128x128xf32, #tpu.memory_space<vmem>> -> memref<1x128x128xf32, #tpu.memory_space<vmem>>
        %dma_wait3A_329 = tpu.memref_squeeze %dma_wait3A_328 : memref<1x128x128xf32, #tpu.memory_space<vmem>> -> memref<128x128xf32, #tpu.memory_space<vmem>>
        %dma_wait3A_330 = arith.constant 0 : i32
        %dma_wait3A_331 = tpu.memref_slice %arg7[%mul3A_276, %dma_wait3A_330] : memref<40x128xi32, #tpu.memory_space<vmem>> -> memref<1x128xi32, #tpu.memory_space<vmem>>
        %dma_wait3A_332 = tpu.memref_squeeze %dma_wait3A_331 : memref<1x128xi32, #tpu.memory_space<vmem>> -> memref<128xi32, #tpu.memory_space<vmem>>
        %dma_wait3A_333 = arith.constant 0 : i32
        %dma_wait3A_334 = arith.constant 0 : i32
        %dma_wait3A_335 = tpu.memref_slice %arg9[%dma_wait3A_333, %dma_wait3A_334] : memref<10240x128xf32, #tpu.memory_space<vmem_shared>> -> memref<10240x128xf32, #tpu.memory_space<vmem_shared>>
        tpu.wait_indirect_dma semaphore(%arg12 : memref<!tpu.dma_semaphore, #tpu.memory_space<semaphore_mem>>) src(%dma_wait3A_329 : memref<128x128xf32, #tpu.memory_space<vmem>>) dst(%dma_wait3A_335 : memref<10240x128xf32, #tpu.memory_space<vmem_shared>>)
        %add3A_336 = arith.constant 2 : i32
        %add3A_337 = arith.addi %mul3A_276, %add3A_336 : i32
        %dma_start3A_338 = arith.constant 0 : i32
        %dma_start3A_339 = arith.constant 0 : i32
        %dma_start3A_340 = arith.constant 0 : i32
        %dma_start3A_341 = tpu.memref_slice %arg8[%dma_start3A_338, %dma_start3A_339, %dma_start3A_340] : memref<2x128x128xf32, #tpu.memory_space<vmem>> -> memref<1x128x128xf32, #tpu.memory_space<vmem>>
        %dma_start3A_342 = tpu.memref_squeeze %dma_start3A_341 : memref<1x128x128xf32, #tpu.memory_space<vmem>> -> memref<128x128xf32, #tpu.memory_space<vmem>>
        %dma_start3A_343 = arith.constant 0 : i32
        %dma_start3A_344 = tpu.memref_slice %arg6[%add3A_337, %dma_start3A_343] : memref<40x128xi32, #tpu.memory_space<vmem>> -> memref<1x128xi32, #tpu.memory_space<vmem>>
        %dma_start3A_345 = tpu.memref_squeeze %dma_start3A_344 : memref<1x128xi32, #tpu.memory_space<vmem>> -> memref<128xi32, #tpu.memory_space<vmem>>
        %dma_start3A_346 = arith.constant 0 : i32
        %dma_start3A_347 = arith.constant 0 : i32
        %dma_start3A_348 = tpu.memref_slice %arg2[%dma_start3A_346, %dma_start3A_347] : memref<40960x128xf32, #tpu.memory_space<hbm>> -> memref<40960x128xf32, #tpu.memory_space<hbm>>
        tpu.enqueue_indirect_dma source(%dma_start3A_348 : memref<40960x128xf32, #tpu.memory_space<hbm>>) target(%dma_start3A_342 : memref<128x128xf32, #tpu.memory_space<vmem>>) offsets(%dma_start3A_345 : memref<128xi32, #tpu.memory_space<vmem>>) semaphore(%arg10 : memref<!tpu.dma_semaphore, #tpu.memory_space<semaphore_mem>>)
        %dma_wait3A_349 = arith.constant 1 : i32
        %dma_wait3A_350 = arith.constant 0 : i32
        %dma_wait3A_351 = arith.constant 0 : i32
        %dma_wait3A_352 = tpu.memref_slice %arg8[%dma_wait3A_349, %dma_wait3A_350, %dma_wait3A_351] : memref<2x128x128xf32, #tpu.memory_space<vmem>> -> memref<1x128x128xf32, #tpu.memory_space<vmem>>
        %dma_wait3A_353 = tpu.memref_squeeze %dma_wait3A_352 : memref<1x128x128xf32, #tpu.memory_space<vmem>> -> memref<128x128xf32, #tpu.memory_space<vmem>>
        %dma_wait3A_354 = arith.constant 0 : i32
        %dma_wait3A_355 = tpu.memref_slice %arg7[%add3A_278, %dma_wait3A_354] : memref<40x128xi32, #tpu.memory_space<vmem>> -> memref<1x128xi32, #tpu.memory_space<vmem>>
        %dma_wait3A_356 = tpu.memref_squeeze %dma_wait3A_355 : memref<1x128xi32, #tpu.memory_space<vmem>> -> memref<128xi32, #tpu.memory_space<vmem>>
        %dma_wait3A_357 = arith.constant 0 : i32
        %dma_wait3A_358 = arith.constant 0 : i32
        %dma_wait3A_359 = tpu.memref_slice %arg9[%dma_wait3A_357, %dma_wait3A_358] : memref<10240x128xf32, #tpu.memory_space<vmem_shared>> -> memref<10240x128xf32, #tpu.memory_space<vmem_shared>>
        tpu.wait_indirect_dma semaphore(%arg13 : memref<!tpu.dma_semaphore, #tpu.memory_space<semaphore_mem>>) src(%dma_wait3A_353 : memref<128x128xf32, #tpu.memory_space<vmem>>) dst(%dma_wait3A_359 : memref<10240x128xf32, #tpu.memory_space<vmem_shared>>)
        %add3A_360 = arith.constant 2 : i32
        %add3A_361 = arith.addi %add3A_278, %add3A_360 : i32
        %dma_start3A_362 = arith.constant 1 : i32
        %dma_start3A_363 = arith.constant 0 : i32
        %dma_start3A_364 = arith.constant 0 : i32
        %dma_start3A_365 = tpu.memref_slice %arg8[%dma_start3A_362, %dma_start3A_363, %dma_start3A_364] : memref<2x128x128xf32, #tpu.memory_space<vmem>> -> memref<1x128x128xf32, #tpu.memory_space<vmem>>
        %dma_start3A_366 = tpu.memref_squeeze %dma_start3A_365 : memref<1x128x128xf32, #tpu.memory_space<vmem>> -> memref<128x128xf32, #tpu.memory_space<vmem>>
        %dma_start3A_367 = arith.constant 0 : i32
        %dma_start3A_368 = tpu.memref_slice %arg6[%add3A_361, %dma_start3A_367] : memref<40x128xi32, #tpu.memory_space<vmem>> -> memref<1x128xi32, #tpu.memory_space<vmem>>
        %dma_start3A_369 = tpu.memref_squeeze %dma_start3A_368 : memref<1x128xi32, #tpu.memory_space<vmem>> -> memref<128xi32, #tpu.memory_space<vmem>>
        %dma_start3A_370 = arith.constant 0 : i32
        %dma_start3A_371 = arith.constant 0 : i32
        %dma_start3A_372 = tpu.memref_slice %arg2[%dma_start3A_370, %dma_start3A_371] : memref<40960x128xf32, #tpu.memory_space<hbm>> -> memref<40960x128xf32, #tpu.memory_space<hbm>>
        tpu.enqueue_indirect_dma source(%dma_start3A_372 : memref<40960x128xf32, #tpu.memory_space<hbm>>) target(%dma_start3A_366 : memref<128x128xf32, #tpu.memory_space<vmem>>) offsets(%dma_start3A_369 : memref<128xi32, #tpu.memory_space<vmem>>) semaphore(%arg11 : memref<!tpu.dma_semaphore, #tpu.memory_space<semaphore_mem>>)
      } else {
      }
    }
    %scan3A_102 = arith.constant 20 : i32
    %dma_wait3A_103 = arith.constant 0 : i32
    %dma_wait3A_104 = arith.constant 38 : i32
    %dma_wait3A_105 = arith.constant 0 : i32
    %dma_wait3A_106 = arith.constant 0 : i32
    %dma_wait3A_107 = tpu.memref_slice %arg8[%dma_wait3A_103, %dma_wait3A_105, %dma_wait3A_106] : memref<2x128x128xf32, #tpu.memory_space<vmem>> -> memref<1x128x128xf32, #tpu.memory_space<vmem>>
    %dma_wait3A_108 = tpu.memref_squeeze %dma_wait3A_107 : memref<1x128x128xf32, #tpu.memory_space<vmem>> -> memref<128x128xf32, #tpu.memory_space<vmem>>
    %dma_wait3A_109 = arith.constant 0 : i32
    %dma_wait3A_110 = tpu.memref_slice %arg7[%dma_wait3A_104, %dma_wait3A_109] : memref<40x128xi32, #tpu.memory_space<vmem>> -> memref<1x128xi32, #tpu.memory_space<vmem>>
    %dma_wait3A_111 = tpu.memref_squeeze %dma_wait3A_110 : memref<1x128xi32, #tpu.memory_space<vmem>> -> memref<128xi32, #tpu.memory_space<vmem>>
    %dma_wait3A_112 = arith.constant 0 : i32
    %dma_wait3A_113 = arith.constant 0 : i32
    %dma_wait3A_114 = tpu.memref_slice %arg9[%dma_wait3A_112, %dma_wait3A_113] : memref<10240x128xf32, #tpu.memory_space<vmem_shared>> -> memref<10240x128xf32, #tpu.memory_space<vmem_shared>>
    tpu.wait_indirect_dma semaphore(%arg12 : memref<!tpu.dma_semaphore, #tpu.memory_space<semaphore_mem>>) src(%dma_wait3A_108 : memref<128x128xf32, #tpu.memory_space<vmem>>) dst(%dma_wait3A_114 : memref<10240x128xf32, #tpu.memory_space<vmem_shared>>)
    %dma_wait3A_115 = arith.constant 1 : i32
    %dma_wait3A_116 = arith.constant 39 : i32
    %dma_wait3A_117 = arith.constant 0 : i32
    %dma_wait3A_118 = arith.constant 0 : i32
    %dma_wait3A_119 = tpu.memref_slice %arg8[%dma_wait3A_115, %dma_wait3A_117, %dma_wait3A_118] : memref<2x128x128xf32, #tpu.memory_space<vmem>> -> memref<1x128x128xf32, #tpu.memory_space<vmem>>
    %dma_wait3A_120 = tpu.memref_squeeze %dma_wait3A_119 : memref<1x128x128xf32, #tpu.memory_space<vmem>> -> memref<128x128xf32, #tpu.memory_space<vmem>>
    %dma_wait3A_121 = arith.constant 0 : i32
    %dma_wait3A_122 = tpu.memref_slice %arg7[%dma_wait3A_116, %dma_wait3A_121] : memref<40x128xi32, #tpu.memory_space<vmem>> -> memref<1x128xi32, #tpu.memory_space<vmem>>
    %dma_wait3A_123 = tpu.memref_squeeze %dma_wait3A_122 : memref<1x128xi32, #tpu.memory_space<vmem>> -> memref<128xi32, #tpu.memory_space<vmem>>
    %dma_wait3A_124 = arith.constant 0 : i32
    %dma_wait3A_125 = arith.constant 0 : i32
    %dma_wait3A_126 = tpu.memref_slice %arg9[%dma_wait3A_124, %dma_wait3A_125] : memref<10240x128xf32, #tpu.memory_space<vmem_shared>> -> memref<10240x128xf32, #tpu.memory_space<vmem_shared>>
    tpu.wait_indirect_dma semaphore(%arg13 : memref<!tpu.dma_semaphore, #tpu.memory_space<semaphore_mem>>) src(%dma_wait3A_120 : memref<128x128xf32, #tpu.memory_space<vmem>>) dst(%dma_wait3A_126 : memref<10240x128xf32, #tpu.memory_space<vmem_shared>>)
    %barrier3A_127 = arith.constant 0 : index
    tpu.barrier barrier_id(%barrier3A_127)
    %scan3A_128 = arith.constant 0 : i32
    %scan3A_129 = arith.constant 0 : i32
    %scan3A_130 = arith.constant 5 : i32
    %scan3A_131 = arith.addi %scan3A_129, %scan3A_130 : i32
    %scan3A_132 = arith.constant 1 : i32
    scf.for %scan3A_274 = %scan3A_129 to %scan3A_131 step %scan3A_132  : i32 {
      %mul3A_275 = arith.constant 640 : i32
      %mul3A_276 = arith.muli %arg1, %mul3A_275 : i32
      %mul3A_277 = arith.constant 128 : i32
      %mul3A_278 = arith.muli %scan3A_274, %mul3A_277 : i32
      %add3A_279 = arith.addi %mul3A_276, %mul3A_278 : i32
      %run_scoped3A = arith.constant 0 : i32
      "tpu.region"() ({
        %run_scoped3A_287 = tpu.sem_alloc : memref<!tpu.dma_semaphore, #tpu.memory_space<semaphore_mem>>
        %dma_start3A_288 = arith.constant 0 : i32
        %dma_start3A_289 = arith.constant 0 : i32
        %dma_start3A_290 = tpu.memref_slice %arg8[%run_scoped3A, %dma_start3A_288, %dma_start3A_289] : memref<2x128x128xf32, #tpu.memory_space<vmem>> -> memref<1x128x128xf32, #tpu.memory_space<vmem>>
        %dma_start3A_291 = tpu.memref_squeeze %dma_start3A_290 : memref<1x128x128xf32, #tpu.memory_space<vmem>> -> memref<128x128xf32, #tpu.memory_space<vmem>>
        %dma_start3A_292 = arith.constant 0 : i32
        %dma_start3A_293 = tpu.memref_slice %arg9[%add3A_279, %dma_start3A_292] : memref<10240x128xf32, #tpu.memory_space<vmem_shared>> -> memref<128x128xf32, #tpu.memory_space<vmem_shared>>
        %dma_start3A_294 = arith.constant 0 : i32
        %dma_start3A_295 = arith.constant 0 : i32
        %dma_start3A_296 = tpu.memref_slice %arg8[%run_scoped3A, %dma_start3A_294, %dma_start3A_295] : memref<2x128x128xf32, #tpu.memory_space<vmem>> -> memref<1x128x128xf32, #tpu.memory_space<vmem>>
        %dma_start3A_297 = tpu.memref_squeeze %dma_start3A_296 : memref<1x128x128xf32, #tpu.memory_space<vmem>> -> memref<128x128xf32, #tpu.memory_space<vmem>>
        %dma_start3A_298 = arith.constant 0 : i32
        %dma_start3A_299 = tpu.memref_slice %arg9[%add3A_279, %dma_start3A_298] : memref<10240x128xf32, #tpu.memory_space<vmem_shared>> -> memref<128x128xf32, #tpu.memory_space<vmem_shared>>
        tpu.enqueue_dma source(%dma_start3A_299 : memref<128x128xf32, #tpu.memory_space<vmem_shared>>) target(%dma_start3A_297 : memref<128x128xf32, #tpu.memory_space<vmem>>) target_semaphore(%run_scoped3A_287 : memref<!tpu.dma_semaphore, #tpu.memory_space<semaphore_mem>>)
        %dma_wait3A_300 = arith.constant 0 : i32
        %dma_wait3A_301 = arith.constant 0 : i32
        %dma_wait3A_302 = tpu.memref_slice %arg8[%run_scoped3A, %dma_wait3A_300, %dma_wait3A_301] : memref<2x128x128xf32, #tpu.memory_space<vmem>> -> memref<1x128x128xf32, #tpu.memory_space<vmem>>
        %dma_wait3A_303 = tpu.memref_squeeze %dma_wait3A_302 : memref<1x128x128xf32, #tpu.memory_space<vmem>> -> memref<128x128xf32, #tpu.memory_space<vmem>>
        %dma_wait3A_304 = arith.constant 0 : i32
        %dma_wait3A_305 = tpu.memref_slice %arg9[%add3A_279, %dma_wait3A_304] : memref<10240x128xf32, #tpu.memory_space<vmem_shared>> -> memref<128x128xf32, #tpu.memory_space<vmem_shared>>
        %dma_wait3A_306 = arith.constant 0 : i32
        %dma_wait3A_307 = arith.constant 0 : i32
        %dma_wait3A_308 = tpu.memref_slice %arg8[%run_scoped3A, %dma_wait3A_306, %dma_wait3A_307] : memref<2x128x128xf32, #tpu.memory_space<vmem>> -> memref<1x128x128xf32, #tpu.memory_space<vmem>>
        %dma_wait3A_309 = tpu.memref_squeeze %dma_wait3A_308 : memref<1x128x128xf32, #tpu.memory_space<vmem>> -> memref<128x128xf32, #tpu.memory_space<vmem>>
        %dma_wait3A_310 = arith.constant 0 : i32
        %dma_wait3A_311 = tpu.memref_slice %arg9[%add3A_279, %dma_wait3A_310] : memref<10240x128xf32, #tpu.memory_space<vmem_shared>> -> memref<128x128xf32, #tpu.memory_space<vmem_shared>>
        tpu.wait_dma2 semaphore(%run_scoped3A_287 : memref<!tpu.dma_semaphore, #tpu.memory_space<semaphore_mem>>) src(%dma_wait3A_311 : memref<128x128xf32, #tpu.memory_space<vmem_shared>>) dst(%dma_wait3A_309 : memref<128x128xf32, #tpu.memory_space<vmem>>)
        tpu.yield
      }) : () -> ()
      %mul3A_280 = arith.constant 640 : i32
      %mul3A_281 = arith.muli %arg1, %mul3A_280 : i32
      %add3A_282 = arith.addi %mul3A_3, %mul3A_281 : i32
      %mul3A_283 = arith.constant 128 : i32
      %mul3A_284 = arith.muli %scan3A_274, %mul3A_283 : i32
      %add3A_285 = arith.addi %add3A_282, %mul3A_284 : i32
      %run_scoped3A_286 = arith.constant 0 : i32
      "tpu.region"() ({
        %run_scoped3A_287 = tpu.sem_alloc : memref<!tpu.dma_semaphore, #tpu.memory_space<semaphore_mem>>
        %dma_start3A_288 = arith.constant 0 : i32
        %dma_start3A_289 = arith.constant 0 : i32
        %dma_start3A_290 = tpu.memref_slice %arg8[%run_scoped3A_286, %dma_start3A_288, %dma_start3A_289] : memref<2x128x128xf32, #tpu.memory_space<vmem>> -> memref<1x128x128xf32, #tpu.memory_space<vmem>>
        %dma_start3A_291 = tpu.memref_squeeze %dma_start3A_290 : memref<1x128x128xf32, #tpu.memory_space<vmem>> -> memref<128x128xf32, #tpu.memory_space<vmem>>
        %dma_start3A_292 = arith.constant 0 : i32
        %dma_start3A_293 = tpu.memref_slice %arg5[%add3A_285, %dma_start3A_292] : memref<40960x128xf32, #tpu.memory_space<hbm>> -> memref<128x128xf32, #tpu.memory_space<hbm>>
        %dma_start3A_294 = arith.constant 0 : i32
        %dma_start3A_295 = tpu.memref_slice %arg5[%add3A_285, %dma_start3A_294] : memref<40960x128xf32, #tpu.memory_space<hbm>> -> memref<128x128xf32, #tpu.memory_space<hbm>>
        %dma_start3A_296 = arith.constant 0 : i32
        %dma_start3A_297 = arith.constant 0 : i32
        %dma_start3A_298 = tpu.memref_slice %arg8[%run_scoped3A_286, %dma_start3A_296, %dma_start3A_297] : memref<2x128x128xf32, #tpu.memory_space<vmem>> -> memref<1x128x128xf32, #tpu.memory_space<vmem>>
        %dma_start3A_299 = tpu.memref_squeeze %dma_start3A_298 : memref<1x128x128xf32, #tpu.memory_space<vmem>> -> memref<128x128xf32, #tpu.memory_space<vmem>>
        tpu.enqueue_dma source(%dma_start3A_299 : memref<128x128xf32, #tpu.memory_space<vmem>>) target(%dma_start3A_295 : memref<128x128xf32, #tpu.memory_space<hbm>>) target_semaphore(%run_scoped3A_287 : memref<!tpu.dma_semaphore, #tpu.memory_space<semaphore_mem>>)
        %dma_wait3A_300 = arith.constant 0 : i32
        %dma_wait3A_301 = arith.constant 0 : i32
        %dma_wait3A_302 = tpu.memref_slice %arg8[%run_scoped3A_286, %dma_wait3A_300, %dma_wait3A_301] : memref<2x128x128xf32, #tpu.memory_space<vmem>> -> memref<1x128x128xf32, #tpu.memory_space<vmem>>
        %dma_wait3A_303 = tpu.memref_squeeze %dma_wait3A_302 : memref<1x128x128xf32, #tpu.memory_space<vmem>> -> memref<128x128xf32, #tpu.memory_space<vmem>>
        %dma_wait3A_304 = arith.constant 0 : i32
        %dma_wait3A_305 = tpu.memref_slice %arg5[%add3A_285, %dma_wait3A_304] : memref<40960x128xf32, #tpu.memory_space<hbm>> -> memref<128x128xf32, #tpu.memory_space<hbm>>
        %dma_wait3A_306 = arith.constant 0 : i32
        %dma_wait3A_307 = tpu.memref_slice %arg5[%add3A_285, %dma_wait3A_306] : memref<40960x128xf32, #tpu.memory_space<hbm>> -> memref<128x128xf32, #tpu.memory_space<hbm>>
        %dma_wait3A_308 = arith.constant 0 : i32
        %dma_wait3A_309 = arith.constant 0 : i32
        %dma_wait3A_310 = tpu.memref_slice %arg8[%run_scoped3A_286, %dma_wait3A_308, %dma_wait3A_309] : memref<2x128x128xf32, #tpu.memory_space<vmem>> -> memref<1x128x128xf32, #tpu.memory_space<vmem>>
        %dma_wait3A_311 = tpu.memref_squeeze %dma_wait3A_310 : memref<1x128x128xf32, #tpu.memory_space<vmem>> -> memref<128x128xf32, #tpu.memory_space<vmem>>
        tpu.wait_dma2 semaphore(%run_scoped3A_287 : memref<!tpu.dma_semaphore, #tpu.memory_space<semaphore_mem>>) src(%dma_wait3A_311 : memref<128x128xf32, #tpu.memory_space<vmem>>) dst(%dma_wait3A_307 : memref<128x128xf32, #tpu.memory_space<hbm>>)
        tpu.yield
      }) : () -> ()
    }
    %scan3A_133 = arith.constant 5 : i32
    %mul3A_134 = arith.constant 2 : i32
    %mul3A_135 = arith.muli %arg0, %mul3A_134 : i32
    %add3A_136 = arith.constant 1 : i32
    %add3A_137 = arith.addi %mul3A_135, %add3A_136 : i32
    %mul3A_138 = arith.constant 10240 : i32
    %mul3A_139 = arith.muli %add3A_137, %mul3A_138 : i32
    %scan3A_140 = arith.constant 0 : i32
    %scan3A_141 = arith.constant 0 : i32
    %scan3A_142 = arith.constant 5 : i32
    %scan3A_143 = arith.addi %scan3A_141, %scan3A_142 : i32
    %scan3A_144 = arith.constant 1 : i32
    scf.for %scan3A_274 = %scan3A_141 to %scan3A_143 step %scan3A_144  : i32 {
      %mul3A_275 = arith.constant 640 : i32
      %mul3A_276 = arith.muli %arg1, %mul3A_275 : i32
      %add3A_277 = arith.addi %mul3A_139, %mul3A_276 : i32
      %mul3A_278 = arith.constant 128 : i32
      %mul3A_279 = arith.muli %scan3A_274, %mul3A_278 : i32
      %add3A_280 = arith.addi %add3A_277, %mul3A_279 : i32
      %run_scoped3A = arith.constant 0 : i32
      "tpu.region"() ({
        %run_scoped3A_287 = tpu.sem_alloc : memref<!tpu.dma_semaphore, #tpu.memory_space<semaphore_mem>>
        %dma_start3A_288 = arith.constant 0 : i32
        %dma_start3A_289 = arith.constant 0 : i32
        %dma_start3A_290 = tpu.memref_slice %arg8[%run_scoped3A, %dma_start3A_288, %dma_start3A_289] : memref<2x128x128xf32, #tpu.memory_space<vmem>> -> memref<1x128x128xf32, #tpu.memory_space<vmem>>
        %dma_start3A_291 = tpu.memref_squeeze %dma_start3A_290 : memref<1x128x128xf32, #tpu.memory_space<vmem>> -> memref<128x128xf32, #tpu.memory_space<vmem>>
        %dma_start3A_292 = arith.constant 0 : i32
        %dma_start3A_293 = tpu.memref_slice %arg2[%add3A_280, %dma_start3A_292] : memref<40960x128xf32, #tpu.memory_space<hbm>> -> memref<128x128xf32, #tpu.memory_space<hbm>>
        %dma_start3A_294 = arith.constant 0 : i32
        %dma_start3A_295 = arith.constant 0 : i32
        %dma_start3A_296 = tpu.memref_slice %arg8[%run_scoped3A, %dma_start3A_294, %dma_start3A_295] : memref<2x128x128xf32, #tpu.memory_space<vmem>> -> memref<1x128x128xf32, #tpu.memory_space<vmem>>
        %dma_start3A_297 = tpu.memref_squeeze %dma_start3A_296 : memref<1x128x128xf32, #tpu.memory_space<vmem>> -> memref<128x128xf32, #tpu.memory_space<vmem>>
        %dma_start3A_298 = arith.constant 0 : i32
        %dma_start3A_299 = tpu.memref_slice %arg2[%add3A_280, %dma_start3A_298] : memref<40960x128xf32, #tpu.memory_space<hbm>> -> memref<128x128xf32, #tpu.memory_space<hbm>>
        tpu.enqueue_dma source(%dma_start3A_299 : memref<128x128xf32, #tpu.memory_space<hbm>>) target(%dma_start3A_297 : memref<128x128xf32, #tpu.memory_space<vmem>>) target_semaphore(%run_scoped3A_287 : memref<!tpu.dma_semaphore, #tpu.memory_space<semaphore_mem>>)
        %dma_wait3A_300 = arith.constant 0 : i32
        %dma_wait3A_301 = arith.constant 0 : i32
        %dma_wait3A_302 = tpu.memref_slice %arg8[%run_scoped3A, %dma_wait3A_300, %dma_wait3A_301] : memref<2x128x128xf32, #tpu.memory_space<vmem>> -> memref<1x128x128xf32, #tpu.memory_space<vmem>>
        %dma_wait3A_303 = tpu.memref_squeeze %dma_wait3A_302 : memref<1x128x128xf32, #tpu.memory_space<vmem>> -> memref<128x128xf32, #tpu.memory_space<vmem>>
        %dma_wait3A_304 = arith.constant 0 : i32
        %dma_wait3A_305 = tpu.memref_slice %arg2[%add3A_280, %dma_wait3A_304] : memref<40960x128xf32, #tpu.memory_space<hbm>> -> memref<128x128xf32, #tpu.memory_space<hbm>>
        %dma_wait3A_306 = arith.constant 0 : i32
        %dma_wait3A_307 = arith.constant 0 : i32
        %dma_wait3A_308 = tpu.memref_slice %arg8[%run_scoped3A, %dma_wait3A_306, %dma_wait3A_307] : memref<2x128x128xf32, #tpu.memory_space<vmem>> -> memref<1x128x128xf32, #tpu.memory_space<vmem>>
        %dma_wait3A_309 = tpu.memref_squeeze %dma_wait3A_308 : memref<1x128x128xf32, #tpu.memory_space<vmem>> -> memref<128x128xf32, #tpu.memory_space<vmem>>
        %dma_wait3A_310 = arith.constant 0 : i32
        %dma_wait3A_311 = tpu.memref_slice %arg2[%add3A_280, %dma_wait3A_310] : memref<40960x128xf32, #tpu.memory_space<hbm>> -> memref<128x128xf32, #tpu.memory_space<hbm>>
        tpu.wait_dma2 semaphore(%run_scoped3A_287 : memref<!tpu.dma_semaphore, #tpu.memory_space<semaphore_mem>>) src(%dma_wait3A_311 : memref<128x128xf32, #tpu.memory_space<hbm>>) dst(%dma_wait3A_309 : memref<128x128xf32, #tpu.memory_space<vmem>>)
        tpu.yield
      }) : () -> ()
      %mul3A_281 = arith.constant 640 : i32
      %mul3A_282 = arith.muli %arg1, %mul3A_281 : i32
      %mul3A_283 = arith.constant 128 : i32
      %mul3A_284 = arith.muli %scan3A_274, %mul3A_283 : i32
      %add3A_285 = arith.addi %mul3A_282, %mul3A_284 : i32
      %run_scoped3A_286 = arith.constant 0 : i32
      "tpu.region"() ({
        %run_scoped3A_287 = tpu.sem_alloc : memref<!tpu.dma_semaphore, #tpu.memory_space<semaphore_mem>>
        %dma_start3A_288 = arith.constant 0 : i32
        %dma_start3A_289 = arith.constant 0 : i32
        %dma_start3A_290 = tpu.memref_slice %arg8[%run_scoped3A_286, %dma_start3A_288, %dma_start3A_289] : memref<2x128x128xf32, #tpu.memory_space<vmem>> -> memref<1x128x128xf32, #tpu.memory_space<vmem>>
        %dma_start3A_291 = tpu.memref_squeeze %dma_start3A_290 : memref<1x128x128xf32, #tpu.memory_space<vmem>> -> memref<128x128xf32, #tpu.memory_space<vmem>>
        %dma_start3A_292 = arith.constant 0 : i32
        %dma_start3A_293 = tpu.memref_slice %arg9[%add3A_285, %dma_start3A_292] : memref<10240x128xf32, #tpu.memory_space<vmem_shared>> -> memref<128x128xf32, #tpu.memory_space<vmem_shared>>
        %dma_start3A_294 = arith.constant 0 : i32
        %dma_start3A_295 = tpu.memref_slice %arg9[%add3A_285, %dma_start3A_294] : memref<10240x128xf32, #tpu.memory_space<vmem_shared>> -> memref<128x128xf32, #tpu.memory_space<vmem_shared>>
        %dma_start3A_296 = arith.constant 0 : i32
        %dma_start3A_297 = arith.constant 0 : i32
        %dma_start3A_298 = tpu.memref_slice %arg8[%run_scoped3A_286, %dma_start3A_296, %dma_start3A_297] : memref<2x128x128xf32, #tpu.memory_space<vmem>> -> memref<1x128x128xf32, #tpu.memory_space<vmem>>
        %dma_start3A_299 = tpu.memref_squeeze %dma_start3A_298 : memref<1x128x128xf32, #tpu.memory_space<vmem>> -> memref<128x128xf32, #tpu.memory_space<vmem>>
        tpu.enqueue_dma source(%dma_start3A_299 : memref<128x128xf32, #tpu.memory_space<vmem>>) target(%dma_start3A_295 : memref<128x128xf32, #tpu.memory_space<vmem_shared>>) target_semaphore(%run_scoped3A_287 : memref<!tpu.dma_semaphore, #tpu.memory_space<semaphore_mem>>)
        %dma_wait3A_300 = arith.constant 0 : i32
        %dma_wait3A_301 = arith.constant 0 : i32
        %dma_wait3A_302 = tpu.memref_slice %arg8[%run_scoped3A_286, %dma_wait3A_300, %dma_wait3A_301] : memref<2x128x128xf32, #tpu.memory_space<vmem>> -> memref<1x128x128xf32, #tpu.memory_space<vmem>>
        %dma_wait3A_303 = tpu.memref_squeeze %dma_wait3A_302 : memref<1x128x128xf32, #tpu.memory_space<vmem>> -> memref<128x128xf32, #tpu.memory_space<vmem>>
        %dma_wait3A_304 = arith.constant 0 : i32
        %dma_wait3A_305 = tpu.memref_slice %arg9[%add3A_285, %dma_wait3A_304] : memref<10240x128xf32, #tpu.memory_space<vmem_shared>> -> memref<128x128xf32, #tpu.memory_space<vmem_shared>>
        %dma_wait3A_306 = arith.constant 0 : i32
        %dma_wait3A_307 = tpu.memref_slice %arg9[%add3A_285, %dma_wait3A_306] : memref<10240x128xf32, #tpu.memory_space<vmem_shared>> -> memref<128x128xf32, #tpu.memory_space<vmem_shared>>
        %dma_wait3A_308 = arith.constant 0 : i32
        %dma_wait3A_309 = arith.constant 0 : i32
        %dma_wait3A_310 = tpu.memref_slice %arg8[%run_scoped3A_286, %dma_wait3A_308, %dma_wait3A_309] : memref<2x128x128xf32, #tpu.memory_space<vmem>> -> memref<1x128x128xf32, #tpu.memory_space<vmem>>
        %dma_wait3A_311 = tpu.memref_squeeze %dma_wait3A_310 : memref<1x128x128xf32, #tpu.memory_space<vmem>> -> memref<128x128xf32, #tpu.memory_space<vmem>>
        tpu.wait_dma2 semaphore(%run_scoped3A_287 : memref<!tpu.dma_semaphore, #tpu.memory_space<semaphore_mem>>) src(%dma_wait3A_311 : memref<128x128xf32, #tpu.memory_space<vmem>>) dst(%dma_wait3A_307 : memref<128x128xf32, #tpu.memory_space<vmem_shared>>)
        tpu.yield
      }) : () -> ()
    }
    %scan3A_145 = arith.constant 5 : i32
    %barrier3A_146 = arith.constant 0 : index
    tpu.barrier barrier_id(%barrier3A_146)
    "tpu.region"() ({
      %run_scoped3A = tpu.sem_alloc : memref<!tpu.dma_semaphore, #tpu.memory_space<semaphore_mem>>
      %dma_start3A_274 = arith.constant 0 : i32
      %dma_start3A_275 = arith.constant 0 : i32
      %dma_start3A_276 = tpu.memref_slice %arg3[%arg1, %dma_start3A_274, %dma_start3A_275] : memref<16x80x128xi32, #tpu.memory_space<hbm>> -> memref<1x80x128xi32, #tpu.memory_space<hbm>>
      %dma_start3A_277 = tpu.memref_squeeze %dma_start3A_276 : memref<1x80x128xi32, #tpu.memory_space<hbm>> -> memref<80x128xi32, #tpu.memory_space<hbm>>
      %dma_start3A_278 = arith.constant 0 : i32
      %dma_start3A_279 = arith.constant 0 : i32
      %dma_start3A_280 = tpu.memref_slice %dma_start3A_277[%dma_start3A_278, %dma_start3A_279] : memref<80x128xi32, #tpu.memory_space<hbm>> -> memref<40x128xi32, #tpu.memory_space<hbm>>
      %dma_start3A_281 = arith.constant 0 : i32
      %dma_start3A_282 = arith.constant 0 : i32
      %dma_start3A_283 = tpu.memref_slice %arg3[%arg1, %dma_start3A_281, %dma_start3A_282] : memref<16x80x128xi32, #tpu.memory_space<hbm>> -> memref<1x80x128xi32, #tpu.memory_space<hbm>>
      %dma_start3A_284 = tpu.memref_squeeze %dma_start3A_283 : memref<1x80x128xi32, #tpu.memory_space<hbm>> -> memref<80x128xi32, #tpu.memory_space<hbm>>
      %dma_start3A_285 = arith.constant 0 : i32
      %dma_start3A_286 = arith.constant 0 : i32
      %dma_start3A_287 = tpu.memref_slice %dma_start3A_284[%dma_start3A_285, %dma_start3A_286] : memref<80x128xi32, #tpu.memory_space<hbm>> -> memref<40x128xi32, #tpu.memory_space<hbm>>
      tpu.enqueue_dma source(%dma_start3A_287 : memref<40x128xi32, #tpu.memory_space<hbm>>) target(%arg6 : memref<40x128xi32, #tpu.memory_space<vmem>>) target_semaphore(%run_scoped3A : memref<!tpu.dma_semaphore, #tpu.memory_space<semaphore_mem>>)
      %dma_wait3A_288 = arith.constant 0 : i32
      %dma_wait3A_289 = arith.constant 0 : i32
      %dma_wait3A_290 = tpu.memref_slice %arg3[%arg1, %dma_wait3A_288, %dma_wait3A_289] : memref<16x80x128xi32, #tpu.memory_space<hbm>> -> memref<1x80x128xi32, #tpu.memory_space<hbm>>
      %dma_wait3A_291 = tpu.memref_squeeze %dma_wait3A_290 : memref<1x80x128xi32, #tpu.memory_space<hbm>> -> memref<80x128xi32, #tpu.memory_space<hbm>>
      %dma_wait3A_292 = arith.constant 0 : i32
      %dma_wait3A_293 = arith.constant 0 : i32
      %dma_wait3A_294 = tpu.memref_slice %dma_wait3A_291[%dma_wait3A_292, %dma_wait3A_293] : memref<80x128xi32, #tpu.memory_space<hbm>> -> memref<40x128xi32, #tpu.memory_space<hbm>>
      %dma_wait3A_295 = arith.constant 0 : i32
      %dma_wait3A_296 = arith.constant 0 : i32
      %dma_wait3A_297 = tpu.memref_slice %arg3[%arg1, %dma_wait3A_295, %dma_wait3A_296] : memref<16x80x128xi32, #tpu.memory_space<hbm>> -> memref<1x80x128xi32, #tpu.memory_space<hbm>>
      %dma_wait3A_298 = tpu.memref_squeeze %dma_wait3A_297 : memref<1x80x128xi32, #tpu.memory_space<hbm>> -> memref<80x128xi32, #tpu.memory_space<hbm>>
      %dma_wait3A_299 = arith.constant 0 : i32
      %dma_wait3A_300 = arith.constant 0 : i32
      %dma_wait3A_301 = tpu.memref_slice %dma_wait3A_298[%dma_wait3A_299, %dma_wait3A_300] : memref<80x128xi32, #tpu.memory_space<hbm>> -> memref<40x128xi32, #tpu.memory_space<hbm>>
      tpu.wait_dma2 semaphore(%run_scoped3A : memref<!tpu.dma_semaphore, #tpu.memory_space<semaphore_mem>>) src(%dma_wait3A_301 : memref<40x128xi32, #tpu.memory_space<hbm>>) dst(%arg6 : memref<40x128xi32, #tpu.memory_space<vmem>>)
      tpu.yield
    }) : () -> ()
    "tpu.region"() ({
      %run_scoped3A = tpu.sem_alloc : memref<!tpu.dma_semaphore, #tpu.memory_space<semaphore_mem>>
      %dma_start3A_274 = arith.constant 0 : i32
      %dma_start3A_275 = arith.constant 0 : i32
      %dma_start3A_276 = tpu.memref_slice %arg4[%arg1, %dma_start3A_274, %dma_start3A_275] : memref<16x80x128xi32, #tpu.memory_space<hbm>> -> memref<1x80x128xi32, #tpu.memory_space<hbm>>
      %dma_start3A_277 = tpu.memref_squeeze %dma_start3A_276 : memref<1x80x128xi32, #tpu.memory_space<hbm>> -> memref<80x128xi32, #tpu.memory_space<hbm>>
      %dma_start3A_278 = arith.constant 0 : i32
      %dma_start3A_279 = arith.constant 0 : i32
      %dma_start3A_280 = tpu.memref_slice %dma_start3A_277[%dma_start3A_278, %dma_start3A_279] : memref<80x128xi32, #tpu.memory_space<hbm>> -> memref<40x128xi32, #tpu.memory_space<hbm>>
      %dma_start3A_281 = arith.constant 0 : i32
      %dma_start3A_282 = arith.constant 0 : i32
      %dma_start3A_283 = tpu.memref_slice %arg4[%arg1, %dma_start3A_281, %dma_start3A_282] : memref<16x80x128xi32, #tpu.memory_space<hbm>> -> memref<1x80x128xi32, #tpu.memory_space<hbm>>
      %dma_start3A_284 = tpu.memref_squeeze %dma_start3A_283 : memref<1x80x128xi32, #tpu.memory_space<hbm>> -> memref<80x128xi32, #tpu.memory_space<hbm>>
      %dma_start3A_285 = arith.constant 0 : i32
      %dma_start3A_286 = arith.constant 0 : i32
      %dma_start3A_287 = tpu.memref_slice %dma_start3A_284[%dma_start3A_285, %dma_start3A_286] : memref<80x128xi32, #tpu.memory_space<hbm>> -> memref<40x128xi32, #tpu.memory_space<hbm>>
      tpu.enqueue_dma source(%dma_start3A_287 : memref<40x128xi32, #tpu.memory_space<hbm>>) target(%arg7 : memref<40x128xi32, #tpu.memory_space<vmem>>) target_semaphore(%run_scoped3A : memref<!tpu.dma_semaphore, #tpu.memory_space<semaphore_mem>>)
      %dma_wait3A_288 = arith.constant 0 : i32
      %dma_wait3A_289 = arith.constant 0 : i32
      %dma_wait3A_290 = tpu.memref_slice %arg4[%arg1, %dma_wait3A_288, %dma_wait3A_289] : memref<16x80x128xi32, #tpu.memory_space<hbm>> -> memref<1x80x128xi32, #tpu.memory_space<hbm>>
      %dma_wait3A_291 = tpu.memref_squeeze %dma_wait3A_290 : memref<1x80x128xi32, #tpu.memory_space<hbm>> -> memref<80x128xi32, #tpu.memory_space<hbm>>
      %dma_wait3A_292 = arith.constant 0 : i32
      %dma_wait3A_293 = arith.constant 0 : i32
      %dma_wait3A_294 = tpu.memref_slice %dma_wait3A_291[%dma_wait3A_292, %dma_wait3A_293] : memref<80x128xi32, #tpu.memory_space<hbm>> -> memref<40x128xi32, #tpu.memory_space<hbm>>
      %dma_wait3A_295 = arith.constant 0 : i32
      %dma_wait3A_296 = arith.constant 0 : i32
      %dma_wait3A_297 = tpu.memref_slice %arg4[%arg1, %dma_wait3A_295, %dma_wait3A_296] : memref<16x80x128xi32, #tpu.memory_space<hbm>> -> memref<1x80x128xi32, #tpu.memory_space<hbm>>
      %dma_wait3A_298 = tpu.memref_squeeze %dma_wait3A_297 : memref<1x80x128xi32, #tpu.memory_space<hbm>> -> memref<80x128xi32, #tpu.memory_space<hbm>>
      %dma_wait3A_299 = arith.constant 0 : i32
      %dma_wait3A_300 = arith.constant 0 : i32
      %dma_wait3A_301 = tpu.memref_slice %dma_wait3A_298[%dma_wait3A_299, %dma_wait3A_300] : memref<80x128xi32, #tpu.memory_space<hbm>> -> memref<40x128xi32, #tpu.memory_space<hbm>>
      tpu.wait_dma2 semaphore(%run_scoped3A : memref<!tpu.dma_semaphore, #tpu.memory_space<semaphore_mem>>) src(%dma_wait3A_301 : memref<40x128xi32, #tpu.memory_space<hbm>>) dst(%arg7 : memref<40x128xi32, #tpu.memory_space<vmem>>)
      tpu.yield
    }) : () -> ()
    %scan3A_147 = arith.constant 0 : i32
    %scan3A_148 = arith.constant 0 : i32
    %scan3A_149 = arith.constant 40 : i32
    %scan3A_150 = arith.addi %scan3A_148, %scan3A_149 : i32
    %scan3A_151 = arith.constant 1 : i32
    scf.for %scan3A_274 = %scan3A_148 to %scan3A_150 step %scan3A_151  : i32 {
      %scan3A_275 = arith.constant 0 : i32
      %scan3A_276 = arith.constant 8 : i32
      %scan3A_277 = arith.addi %scan3A_275, %scan3A_276 : i32
      %scan3A_278 = arith.constant 1 : i32
      scf.for %scan3A_280 = %scan3A_275 to %scan3A_277 step %scan3A_278  : i32 {
        %mul3A_281 = arith.constant 16 : i32
        %mul3A_282 = arith.muli %scan3A_280, %mul3A_281 : i32
        %get3A = arith.index_cast %scan3A_274 : i32 to index
        %get3A_283 = arith.index_cast %mul3A_282 : i32 to index
        %get3A_284 = tpu.vector_load %arg6[%get3A, %get3A_283] {strides = array<i32>} : memref<40x128xi32, #tpu.memory_space<vmem>>, vector<1x16xi32>,
        %get3A_285 = vector.shape_cast %get3A_284 : vector<1x16xi32> to vector<16xi32>
        %add3A_286 = vector.broadcast %mul3A_139 : i32 to vector<16xi32>
        %add3A_287 = arith.addi %get3A_285, %add3A_286 : vector<16xi32>
        %mul3A_288 = arith.constant 16 : i32
        %mul3A_289 = arith.muli %scan3A_280, %mul3A_288 : i32
        %swap3A = arith.index_cast %scan3A_274 : i32 to index
        %swap3A_290 = arith.index_cast %mul3A_289 : i32 to index
        %swap3A_291 = tpu.vector_load %arg6[%swap3A, %swap3A_290] {strides = array<i32>} : memref<40x128xi32, #tpu.memory_space<vmem>>, vector<1x16xi32>,
        %swap3A_292 = vector.shape_cast %swap3A_291 : vector<1x16xi32> to vector<16xi32>
        %swap3A_293 = vector.shape_cast %add3A_287 : vector<16xi32> to vector<1x16xi32>
        tpu.vector_store %arg6[%swap3A, %swap3A_290], %swap3A_293 {strides = array<i32>} : memref<40x128xi32, #tpu.memory_space<vmem>>, vector<1x16xi32>,
      }
      %scan3A_279 = arith.constant 8 : i32
    }
    %scan3A_152 = arith.constant 40 : i32
    %dma_start3A_153 = arith.constant 0 : i32
    %dma_start3A_154 = arith.constant 0 : i32
    %dma_start3A_155 = arith.constant 0 : i32
    %dma_start3A_156 = arith.constant 0 : i32
    %dma_start3A_157 = tpu.memref_slice %arg8[%dma_start3A_154, %dma_start3A_155, %dma_start3A_156] : memref<2x128x128xf32, #tpu.memory_space<vmem>> -> memref<1x128x128xf32, #tpu.memory_space<vmem>>
    %dma_start3A_158 = tpu.memref_squeeze %dma_start3A_157 : memref<1x128x128xf32, #tpu.memory_space<vmem>> -> memref<128x128xf32, #tpu.memory_space<vmem>>
    %dma_start3A_159 = arith.constant 0 : i32
    %dma_start3A_160 = tpu.memref_slice %arg6[%dma_start3A_153, %dma_start3A_159] : memref<40x128xi32, #tpu.memory_space<vmem>> -> memref<1x128xi32, #tpu.memory_space<vmem>>
    %dma_start3A_161 = tpu.memref_squeeze %dma_start3A_160 : memref<1x128xi32, #tpu.memory_space<vmem>> -> memref<128xi32, #tpu.memory_space<vmem>>
    %dma_start3A_162 = arith.constant 0 : i32
    %dma_start3A_163 = arith.constant 0 : i32
    %dma_start3A_164 = tpu.memref_slice %arg2[%dma_start3A_162, %dma_start3A_163] : memref<40960x128xf32, #tpu.memory_space<hbm>> -> memref<40960x128xf32, #tpu.memory_space<hbm>>
    tpu.enqueue_indirect_dma source(%dma_start3A_164 : memref<40960x128xf32, #tpu.memory_space<hbm>>) target(%dma_start3A_158 : memref<128x128xf32, #tpu.memory_space<vmem>>) offsets(%dma_start3A_161 : memref<128xi32, #tpu.memory_space<vmem>>) semaphore(%arg10 : memref<!tpu.dma_semaphore, #tpu.memory_space<semaphore_mem>>)
    %dma_start3A_165 = arith.constant 1 : i32
    %dma_start3A_166 = arith.constant 1 : i32
    %dma_start3A_167 = arith.constant 0 : i32
    %dma_start3A_168 = arith.constant 0 : i32
    %dma_start3A_169 = tpu.memref_slice %arg8[%dma_start3A_166, %dma_start3A_167, %dma_start3A_168] : memref<2x128x128xf32, #tpu.memory_space<vmem>> -> memref<1x128x128xf32, #tpu.memory_space<vmem>>
    %dma_start3A_170 = tpu.memref_squeeze %dma_start3A_169 : memref<1x128x128xf32, #tpu.memory_space<vmem>> -> memref<128x128xf32, #tpu.memory_space<vmem>>
    %dma_start3A_171 = arith.constant 0 : i32
    %dma_start3A_172 = tpu.memref_slice %arg6[%dma_start3A_165, %dma_start3A_171] : memref<40x128xi32, #tpu.memory_space<vmem>> -> memref<1x128xi32, #tpu.memory_space<vmem>>
    %dma_start3A_173 = tpu.memref_squeeze %dma_start3A_172 : memref<1x128xi32, #tpu.memory_space<vmem>> -> memref<128xi32, #tpu.memory_space<vmem>>
    %dma_start3A_174 = arith.constant 0 : i32
    %dma_start3A_175 = arith.constant 0 : i32
    %dma_start3A_176 = tpu.memref_slice %arg2[%dma_start3A_174, %dma_start3A_175] : memref<40960x128xf32, #tpu.memory_space<hbm>> -> memref<40960x128xf32, #tpu.memory_space<hbm>>
    tpu.enqueue_indirect_dma source(%dma_start3A_176 : memref<40960x128xf32, #tpu.memory_space<hbm>>) target(%dma_start3A_170 : memref<128x128xf32, #tpu.memory_space<vmem>>) offsets(%dma_start3A_173 : memref<128xi32, #tpu.memory_space<vmem>>) semaphore(%arg11 : memref<!tpu.dma_semaphore, #tpu.memory_space<semaphore_mem>>)
    %scan3A_177 = arith.constant 0 : i32
    %scan3A_178 = arith.constant 0 : i32
    %scan3A_179 = arith.constant 20 : i32
    %scan3A_180 = arith.addi %scan3A_178, %scan3A_179 : i32
    %scan3A_181 = arith.constant 1 : i32
    scf.for %scan3A_274 = %scan3A_178 to %scan3A_180 step %scan3A_181  : i32 {
      %mul3A_275 = arith.constant 2 : i32
      %mul3A_276 = arith.muli %mul3A_275, %scan3A_274 : i32
      %add3A_277 = arith.constant 1 : i32
      %add3A_278 = arith.addi %mul3A_276, %add3A_277 : i32
      %dma_wait3A_279 = arith.constant 0 : i32
      %dma_wait3A_280 = arith.constant 0 : i32
      %dma_wait3A_281 = arith.constant 0 : i32
      %dma_wait3A_282 = tpu.memref_slice %arg8[%dma_wait3A_279, %dma_wait3A_280, %dma_wait3A_281] : memref<2x128x128xf32, #tpu.memory_space<vmem>> -> memref<1x128x128xf32, #tpu.memory_space<vmem>>
      %dma_wait3A_283 = tpu.memref_squeeze %dma_wait3A_282 : memref<1x128x128xf32, #tpu.memory_space<vmem>> -> memref<128x128xf32, #tpu.memory_space<vmem>>
      %dma_wait3A_284 = arith.constant 0 : i32
      %dma_wait3A_285 = tpu.memref_slice %arg6[%mul3A_276, %dma_wait3A_284] : memref<40x128xi32, #tpu.memory_space<vmem>> -> memref<1x128xi32, #tpu.memory_space<vmem>>
      %dma_wait3A_286 = tpu.memref_squeeze %dma_wait3A_285 : memref<1x128xi32, #tpu.memory_space<vmem>> -> memref<128xi32, #tpu.memory_space<vmem>>
      %dma_wait3A_287 = arith.constant 0 : i32
      %dma_wait3A_288 = arith.constant 0 : i32
      %dma_wait3A_289 = tpu.memref_slice %arg2[%dma_wait3A_287, %dma_wait3A_288] : memref<40960x128xf32, #tpu.memory_space<hbm>> -> memref<40960x128xf32, #tpu.memory_space<hbm>>
      tpu.wait_indirect_dma semaphore(%arg10 : memref<!tpu.dma_semaphore, #tpu.memory_space<semaphore_mem>>) src(%dma_wait3A_289 : memref<40960x128xf32, #tpu.memory_space<hbm>>) dst(%dma_wait3A_283 : memref<128x128xf32, #tpu.memory_space<vmem>>)
      %dma_start3A_290 = arith.constant 0 : i32
      %dma_start3A_291 = arith.constant 0 : i32
      %dma_start3A_292 = arith.constant 0 : i32
      %dma_start3A_293 = tpu.memref_slice %arg8[%dma_start3A_290, %dma_start3A_291, %dma_start3A_292] : memref<2x128x128xf32, #tpu.memory_space<vmem>> -> memref<1x128x128xf32, #tpu.memory_space<vmem>>
      %dma_start3A_294 = tpu.memref_squeeze %dma_start3A_293 : memref<1x128x128xf32, #tpu.memory_space<vmem>> -> memref<128x128xf32, #tpu.memory_space<vmem>>
      %dma_start3A_295 = arith.constant 0 : i32
      %dma_start3A_296 = tpu.memref_slice %arg7[%mul3A_276, %dma_start3A_295] : memref<40x128xi32, #tpu.memory_space<vmem>> -> memref<1x128xi32, #tpu.memory_space<vmem>>
      %dma_start3A_297 = tpu.memref_squeeze %dma_start3A_296 : memref<1x128xi32, #tpu.memory_space<vmem>> -> memref<128xi32, #tpu.memory_space<vmem>>
      %dma_start3A_298 = arith.constant 0 : i32
      %dma_start3A_299 = arith.constant 0 : i32
      %dma_start3A_300 = tpu.memref_slice %arg9[%dma_start3A_298, %dma_start3A_299] : memref<10240x128xf32, #tpu.memory_space<vmem_shared>> -> memref<10240x128xf32, #tpu.memory_space<vmem_shared>>
      tpu.enqueue_indirect_dma source(%dma_start3A_294 : memref<128x128xf32, #tpu.memory_space<vmem>>) target(%dma_start3A_300 : memref<10240x128xf32, #tpu.memory_space<vmem_shared>>) offsets(%dma_start3A_297 : memref<128xi32, #tpu.memory_space<vmem>>) semaphore(%arg12 : memref<!tpu.dma_semaphore, #tpu.memory_space<semaphore_mem>>) {add = true}
      %dma_wait3A_301 = arith.constant 1 : i32
      %dma_wait3A_302 = arith.constant 0 : i32
      %dma_wait3A_303 = arith.constant 0 : i32
      %dma_wait3A_304 = tpu.memref_slice %arg8[%dma_wait3A_301, %dma_wait3A_302, %dma_wait3A_303] : memref<2x128x128xf32, #tpu.memory_space<vmem>> -> memref<1x128x128xf32, #tpu.memory_space<vmem>>
      %dma_wait3A_305 = tpu.memref_squeeze %dma_wait3A_304 : memref<1x128x128xf32, #tpu.memory_space<vmem>> -> memref<128x128xf32, #tpu.memory_space<vmem>>
      %dma_wait3A_306 = arith.constant 0 : i32
      %dma_wait3A_307 = tpu.memref_slice %arg6[%add3A_278, %dma_wait3A_306] : memref<40x128xi32, #tpu.memory_space<vmem>> -> memref<1x128xi32, #tpu.memory_space<vmem>>
      %dma_wait3A_308 = tpu.memref_squeeze %dma_wait3A_307 : memref<1x128xi32, #tpu.memory_space<vmem>> -> memref<128xi32, #tpu.memory_space<vmem>>
      %dma_wait3A_309 = arith.constant 0 : i32
      %dma_wait3A_310 = arith.constant 0 : i32
      %dma_wait3A_311 = tpu.memref_slice %arg2[%dma_wait3A_309, %dma_wait3A_310] : memref<40960x128xf32, #tpu.memory_space<hbm>> -> memref<40960x128xf32, #tpu.memory_space<hbm>>
      tpu.wait_indirect_dma semaphore(%arg11 : memref<!tpu.dma_semaphore, #tpu.memory_space<semaphore_mem>>) src(%dma_wait3A_311 : memref<40960x128xf32, #tpu.memory_space<hbm>>) dst(%dma_wait3A_305 : memref<128x128xf32, #tpu.memory_space<vmem>>)
      %dma_start3A_312 = arith.constant 1 : i32
      %dma_start3A_313 = arith.constant 0 : i32
      %dma_start3A_314 = arith.constant 0 : i32
      %dma_start3A_315 = tpu.memref_slice %arg8[%dma_start3A_312, %dma_start3A_313, %dma_start3A_314] : memref<2x128x128xf32, #tpu.memory_space<vmem>> -> memref<1x128x128xf32, #tpu.memory_space<vmem>>
      %dma_start3A_316 = tpu.memref_squeeze %dma_start3A_315 : memref<1x128x128xf32, #tpu.memory_space<vmem>> -> memref<128x128xf32, #tpu.memory_space<vmem>>
      %dma_start3A_317 = arith.constant 0 : i32
      %dma_start3A_318 = tpu.memref_slice %arg7[%add3A_278, %dma_start3A_317] : memref<40x128xi32, #tpu.memory_space<vmem>> -> memref<1x128xi32, #tpu.memory_space<vmem>>
      %dma_start3A_319 = tpu.memref_squeeze %dma_start3A_318 : memref<1x128xi32, #tpu.memory_space<vmem>> -> memref<128xi32, #tpu.memory_space<vmem>>
      %dma_start3A_320 = arith.constant 0 : i32
      %dma_start3A_321 = arith.constant 0 : i32
      %dma_start3A_322 = tpu.memref_slice %arg9[%dma_start3A_320, %dma_start3A_321] : memref<10240x128xf32, #tpu.memory_space<vmem_shared>> -> memref<10240x128xf32, #tpu.memory_space<vmem_shared>>
      tpu.enqueue_indirect_dma source(%dma_start3A_316 : memref<128x128xf32, #tpu.memory_space<vmem>>) target(%dma_start3A_322 : memref<10240x128xf32, #tpu.memory_space<vmem_shared>>) offsets(%dma_start3A_319 : memref<128xi32, #tpu.memory_space<vmem>>) semaphore(%arg13 : memref<!tpu.dma_semaphore, #tpu.memory_space<semaphore_mem>>) {add = true}
      %lt3A = arith.constant 19 : i32
      %lt3A_323 = arith.cmpi slt, %scan3A_274, %lt3A : i32
      %convert_element_type3A = arith.extui %lt3A_323 : i1 to i32
      %cond3A = arith.constant 0 : i32
      %cond3A_324 = arith.cmpi ne, %convert_element_type3A, %cond3A : i32
      scf.if %cond3A_324 {
        %dma_wait3A_325 = arith.constant 0 : i32
        %dma_wait3A_326 = arith.constant 0 : i32
        %dma_wait3A_327 = arith.constant 0 : i32
        %dma_wait3A_328 = tpu.memref_slice %arg8[%dma_wait3A_325, %dma_wait3A_326, %dma_wait3A_327] : memref<2x128x128xf32, #tpu.memory_space<vmem>> -> memref<1x128x128xf32, #tpu.memory_space<vmem>>
        %dma_wait3A_329 = tpu.memref_squeeze %dma_wait3A_328 : memref<1x128x128xf32, #tpu.memory_space<vmem>> -> memref<128x128xf32, #tpu.memory_space<vmem>>
        %dma_wait3A_330 = arith.constant 0 : i32
        %dma_wait3A_331 = tpu.memref_slice %arg7[%mul3A_276, %dma_wait3A_330] : memref<40x128xi32, #tpu.memory_space<vmem>> -> memref<1x128xi32, #tpu.memory_space<vmem>>
        %dma_wait3A_332 = tpu.memref_squeeze %dma_wait3A_331 : memref<1x128xi32, #tpu.memory_space<vmem>> -> memref<128xi32, #tpu.memory_space<vmem>>
        %dma_wait3A_333 = arith.constant 0 : i32
        %dma_wait3A_334 = arith.constant 0 : i32
        %dma_wait3A_335 = tpu.memref_slice %arg9[%dma_wait3A_333, %dma_wait3A_334] : memref<10240x128xf32, #tpu.memory_space<vmem_shared>> -> memref<10240x128xf32, #tpu.memory_space<vmem_shared>>
        tpu.wait_indirect_dma semaphore(%arg12 : memref<!tpu.dma_semaphore, #tpu.memory_space<semaphore_mem>>) src(%dma_wait3A_329 : memref<128x128xf32, #tpu.memory_space<vmem>>) dst(%dma_wait3A_335 : memref<10240x128xf32, #tpu.memory_space<vmem_shared>>)
        %add3A_336 = arith.constant 2 : i32
        %add3A_337 = arith.addi %mul3A_276, %add3A_336 : i32
        %dma_start3A_338 = arith.constant 0 : i32
        %dma_start3A_339 = arith.constant 0 : i32
        %dma_start3A_340 = arith.constant 0 : i32
        %dma_start3A_341 = tpu.memref_slice %arg8[%dma_start3A_338, %dma_start3A_339, %dma_start3A_340] : memref<2x128x128xf32, #tpu.memory_space<vmem>> -> memref<1x128x128xf32, #tpu.memory_space<vmem>>
        %dma_start3A_342 = tpu.memref_squeeze %dma_start3A_341 : memref<1x128x128xf32, #tpu.memory_space<vmem>> -> memref<128x128xf32, #tpu.memory_space<vmem>>
        %dma_start3A_343 = arith.constant 0 : i32
        %dma_start3A_344 = tpu.memref_slice %arg6[%add3A_337, %dma_start3A_343] : memref<40x128xi32, #tpu.memory_space<vmem>> -> memref<1x128xi32, #tpu.memory_space<vmem>>
        %dma_start3A_345 = tpu.memref_squeeze %dma_start3A_344 : memref<1x128xi32, #tpu.memory_space<vmem>> -> memref<128xi32, #tpu.memory_space<vmem>>
        %dma_start3A_346 = arith.constant 0 : i32
        %dma_start3A_347 = arith.constant 0 : i32
        %dma_start3A_348 = tpu.memref_slice %arg2[%dma_start3A_346, %dma_start3A_347] : memref<40960x128xf32, #tpu.memory_space<hbm>> -> memref<40960x128xf32, #tpu.memory_space<hbm>>
        tpu.enqueue_indirect_dma source(%dma_start3A_348 : memref<40960x128xf32, #tpu.memory_space<hbm>>) target(%dma_start3A_342 : memref<128x128xf32, #tpu.memory_space<vmem>>) offsets(%dma_start3A_345 : memref<128xi32, #tpu.memory_space<vmem>>) semaphore(%arg10 : memref<!tpu.dma_semaphore, #tpu.memory_space<semaphore_mem>>)
        %dma_wait3A_349 = arith.constant 1 : i32
        %dma_wait3A_350 = arith.constant 0 : i32
        %dma_wait3A_351 = arith.constant 0 : i32
        %dma_wait3A_352 = tpu.memref_slice %arg8[%dma_wait3A_349, %dma_wait3A_350, %dma_wait3A_351] : memref<2x128x128xf32, #tpu.memory_space<vmem>> -> memref<1x128x128xf32, #tpu.memory_space<vmem>>
        %dma_wait3A_353 = tpu.memref_squeeze %dma_wait3A_352 : memref<1x128x128xf32, #tpu.memory_space<vmem>> -> memref<128x128xf32, #tpu.memory_space<vmem>>
        %dma_wait3A_354 = arith.constant 0 : i32
        %dma_wait3A_355 = tpu.memref_slice %arg7[%add3A_278, %dma_wait3A_354] : memref<40x128xi32, #tpu.memory_space<vmem>> -> memref<1x128xi32, #tpu.memory_space<vmem>>
        %dma_wait3A_356 = tpu.memref_squeeze %dma_wait3A_355 : memref<1x128xi32, #tpu.memory_space<vmem>> -> memref<128xi32, #tpu.memory_space<vmem>>
        %dma_wait3A_357 = arith.constant 0 : i32
        %dma_wait3A_358 = arith.constant 0 : i32
        %dma_wait3A_359 = tpu.memref_slice %arg9[%dma_wait3A_357, %dma_wait3A_358] : memref<10240x128xf32, #tpu.memory_space<vmem_shared>> -> memref<10240x128xf32, #tpu.memory_space<vmem_shared>>
        tpu.wait_indirect_dma semaphore(%arg13 : memref<!tpu.dma_semaphore, #tpu.memory_space<semaphore_mem>>) src(%dma_wait3A_353 : memref<128x128xf32, #tpu.memory_space<vmem>>) dst(%dma_wait3A_359 : memref<10240x128xf32, #tpu.memory_space<vmem_shared>>)
        %add3A_360 = arith.constant 2 : i32
        %add3A_361 = arith.addi %add3A_278, %add3A_360 : i32
        %dma_start3A_362 = arith.constant 1 : i32
        %dma_start3A_363 = arith.constant 0 : i32
        %dma_start3A_364 = arith.constant 0 : i32
        %dma_start3A_365 = tpu.memref_slice %arg8[%dma_start3A_362, %dma_start3A_363, %dma_start3A_364] : memref<2x128x128xf32, #tpu.memory_space<vmem>> -> memref<1x128x128xf32, #tpu.memory_space<vmem>>
        %dma_start3A_366 = tpu.memref_squeeze %dma_start3A_365 : memref<1x128x128xf32, #tpu.memory_space<vmem>> -> memref<128x128xf32, #tpu.memory_space<vmem>>
        %dma_start3A_367 = arith.constant 0 : i32
        %dma_start3A_368 = tpu.memref_slice %arg6[%add3A_361, %dma_start3A_367] : memref<40x128xi32, #tpu.memory_space<vmem>> -> memref<1x128xi32, #tpu.memory_space<vmem>>
        %dma_start3A_369 = tpu.memref_squeeze %dma_start3A_368 : memref<1x128xi32, #tpu.memory_space<vmem>> -> memref<128xi32, #tpu.memory_space<vmem>>
        %dma_start3A_370 = arith.constant 0 : i32
        %dma_start3A_371 = arith.constant 0 : i32
        %dma_start3A_372 = tpu.memref_slice %arg2[%dma_start3A_370, %dma_start3A_371] : memref<40960x128xf32, #tpu.memory_space<hbm>> -> memref<40960x128xf32, #tpu.memory_space<hbm>>
        tpu.enqueue_indirect_dma source(%dma_start3A_372 : memref<40960x128xf32, #tpu.memory_space<hbm>>) target(%dma_start3A_366 : memref<128x128xf32, #tpu.memory_space<vmem>>) offsets(%dma_start3A_369 : memref<128xi32, #tpu.memory_space<vmem>>) semaphore(%arg11 : memref<!tpu.dma_semaphore, #tpu.memory_space<semaphore_mem>>)
      } else {
      }
    }
    %scan3A_182 = arith.constant 20 : i32
    %dma_wait3A_183 = arith.constant 0 : i32
    %dma_wait3A_184 = arith.constant 38 : i32
    %dma_wait3A_185 = arith.constant 0 : i32
    %dma_wait3A_186 = arith.constant 0 : i32
    %dma_wait3A_187 = tpu.memref_slice %arg8[%dma_wait3A_183, %dma_wait3A_185, %dma_wait3A_186] : memref<2x128x128xf32, #tpu.memory_space<vmem>> -> memref<1x128x128xf32, #tpu.memory_space<vmem>>
    %dma_wait3A_188 = tpu.memref_squeeze %dma_wait3A_187 : memref<1x128x128xf32, #tpu.memory_space<vmem>> -> memref<128x128xf32, #tpu.memory_space<vmem>>
    %dma_wait3A_189 = arith.constant 0 : i32
    %dma_wait3A_190 = tpu.memref_slice %arg7[%dma_wait3A_184, %dma_wait3A_189] : memref<40x128xi32, #tpu.memory_space<vmem>> -> memref<1x128xi32, #tpu.memory_space<vmem>>
    %dma_wait3A_191 = tpu.memref_squeeze %dma_wait3A_190 : memref<1x128xi32, #tpu.memory_space<vmem>> -> memref<128xi32, #tpu.memory_space<vmem>>
    %dma_wait3A_192 = arith.constant 0 : i32
    %dma_wait3A_193 = arith.constant 0 : i32
    %dma_wait3A_194 = tpu.memref_slice %arg9[%dma_wait3A_192, %dma_wait3A_193] : memref<10240x128xf32, #tpu.memory_space<vmem_shared>> -> memref<10240x128xf32, #tpu.memory_space<vmem_shared>>
    tpu.wait_indirect_dma semaphore(%arg12 : memref<!tpu.dma_semaphore, #tpu.memory_space<semaphore_mem>>) src(%dma_wait3A_188 : memref<128x128xf32, #tpu.memory_space<vmem>>) dst(%dma_wait3A_194 : memref<10240x128xf32, #tpu.memory_space<vmem_shared>>)
    %dma_wait3A_195 = arith.constant 1 : i32
    %dma_wait3A_196 = arith.constant 39 : i32
    %dma_wait3A_197 = arith.constant 0 : i32
    %dma_wait3A_198 = arith.constant 0 : i32
    %dma_wait3A_199 = tpu.memref_slice %arg8[%dma_wait3A_195, %dma_wait3A_197, %dma_wait3A_198] : memref<2x128x128xf32, #tpu.memory_space<vmem>> -> memref<1x128x128xf32, #tpu.memory_space<vmem>>
    %dma_wait3A_200 = tpu.memref_squeeze %dma_wait3A_199 : memref<1x128x128xf32, #tpu.memory_space<vmem>> -> memref<128x128xf32, #tpu.memory_space<vmem>>
    %dma_wait3A_201 = arith.constant 0 : i32
    %dma_wait3A_202 = tpu.memref_slice %arg7[%dma_wait3A_196, %dma_wait3A_201] : memref<40x128xi32, #tpu.memory_space<vmem>> -> memref<1x128xi32, #tpu.memory_space<vmem>>
    %dma_wait3A_203 = tpu.memref_squeeze %dma_wait3A_202 : memref<1x128xi32, #tpu.memory_space<vmem>> -> memref<128xi32, #tpu.memory_space<vmem>>
    %dma_wait3A_204 = arith.constant 0 : i32
    %dma_wait3A_205 = arith.constant 0 : i32
    %dma_wait3A_206 = tpu.memref_slice %arg9[%dma_wait3A_204, %dma_wait3A_205] : memref<10240x128xf32, #tpu.memory_space<vmem_shared>> -> memref<10240x128xf32, #tpu.memory_space<vmem_shared>>
    tpu.wait_indirect_dma semaphore(%arg13 : memref<!tpu.dma_semaphore, #tpu.memory_space<semaphore_mem>>) src(%dma_wait3A_200 : memref<128x128xf32, #tpu.memory_space<vmem>>) dst(%dma_wait3A_206 : memref<10240x128xf32, #tpu.memory_space<vmem_shared>>)
    "tpu.region"() ({
      %run_scoped3A = tpu.sem_alloc : memref<!tpu.dma_semaphore, #tpu.memory_space<semaphore_mem>>
      %dma_start3A_274 = arith.constant 0 : i32
      %dma_start3A_275 = arith.constant 0 : i32
      %dma_start3A_276 = tpu.memref_slice %arg3[%arg1, %dma_start3A_274, %dma_start3A_275] : memref<16x80x128xi32, #tpu.memory_space<hbm>> -> memref<1x80x128xi32, #tpu.memory_space<hbm>>
      %dma_start3A_277 = tpu.memref_squeeze %dma_start3A_276 : memref<1x80x128xi32, #tpu.memory_space<hbm>> -> memref<80x128xi32, #tpu.memory_space<hbm>>
      %dma_start3A_278 = arith.constant 40 : i32
      %dma_start3A_279 = arith.constant 0 : i32
      %dma_start3A_280 = tpu.memref_slice %dma_start3A_277[%dma_start3A_278, %dma_start3A_279] : memref<80x128xi32, #tpu.memory_space<hbm>> -> memref<40x128xi32, #tpu.memory_space<hbm>>
      %dma_start3A_281 = arith.constant 0 : i32
      %dma_start3A_282 = arith.constant 0 : i32
      %dma_start3A_283 = tpu.memref_slice %arg3[%arg1, %dma_start3A_281, %dma_start3A_282] : memref<16x80x128xi32, #tpu.memory_space<hbm>> -> memref<1x80x128xi32, #tpu.memory_space<hbm>>
      %dma_start3A_284 = tpu.memref_squeeze %dma_start3A_283 : memref<1x80x128xi32, #tpu.memory_space<hbm>> -> memref<80x128xi32, #tpu.memory_space<hbm>>
      %dma_start3A_285 = arith.constant 40 : i32
      %dma_start3A_286 = arith.constant 0 : i32
      %dma_start3A_287 = tpu.memref_slice %dma_start3A_284[%dma_start3A_285, %dma_start3A_286] : memref<80x128xi32, #tpu.memory_space<hbm>> -> memref<40x128xi32, #tpu.memory_space<hbm>>
      tpu.enqueue_dma source(%dma_start3A_287 : memref<40x128xi32, #tpu.memory_space<hbm>>) target(%arg6 : memref<40x128xi32, #tpu.memory_space<vmem>>) target_semaphore(%run_scoped3A : memref<!tpu.dma_semaphore, #tpu.memory_space<semaphore_mem>>)
      %dma_wait3A_288 = arith.constant 0 : i32
      %dma_wait3A_289 = arith.constant 0 : i32
      %dma_wait3A_290 = tpu.memref_slice %arg3[%arg1, %dma_wait3A_288, %dma_wait3A_289] : memref<16x80x128xi32, #tpu.memory_space<hbm>> -> memref<1x80x128xi32, #tpu.memory_space<hbm>>
      %dma_wait3A_291 = tpu.memref_squeeze %dma_wait3A_290 : memref<1x80x128xi32, #tpu.memory_space<hbm>> -> memref<80x128xi32, #tpu.memory_space<hbm>>
      %dma_wait3A_292 = arith.constant 40 : i32
      %dma_wait3A_293 = arith.constant 0 : i32
      %dma_wait3A_294 = tpu.memref_slice %dma_wait3A_291[%dma_wait3A_292, %dma_wait3A_293] : memref<80x128xi32, #tpu.memory_space<hbm>> -> memref<40x128xi32, #tpu.memory_space<hbm>>
      %dma_wait3A_295 = arith.constant 0 : i32
      %dma_wait3A_296 = arith.constant 0 : i32
      %dma_wait3A_297 = tpu.memref_slice %arg3[%arg1, %dma_wait3A_295, %dma_wait3A_296] : memref<16x80x128xi32, #tpu.memory_space<hbm>> -> memref<1x80x128xi32, #tpu.memory_space<hbm>>
      %dma_wait3A_298 = tpu.memref_squeeze %dma_wait3A_297 : memref<1x80x128xi32, #tpu.memory_space<hbm>> -> memref<80x128xi32, #tpu.memory_space<hbm>>
      %dma_wait3A_299 = arith.constant 40 : i32
      %dma_wait3A_300 = arith.constant 0 : i32
      %dma_wait3A_301 = tpu.memref_slice %dma_wait3A_298[%dma_wait3A_299, %dma_wait3A_300] : memref<80x128xi32, #tpu.memory_space<hbm>> -> memref<40x128xi32, #tpu.memory_space<hbm>>
      tpu.wait_dma2 semaphore(%run_scoped3A : memref<!tpu.dma_semaphore, #tpu.memory_space<semaphore_mem>>) src(%dma_wait3A_301 : memref<40x128xi32, #tpu.memory_space<hbm>>) dst(%arg6 : memref<40x128xi32, #tpu.memory_space<vmem>>)
      tpu.yield
    }) : () -> ()
    "tpu.region"() ({
      %run_scoped3A = tpu.sem_alloc : memref<!tpu.dma_semaphore, #tpu.memory_space<semaphore_mem>>
      %dma_start3A_274 = arith.constant 0 : i32
      %dma_start3A_275 = arith.constant 0 : i32
      %dma_start3A_276 = tpu.memref_slice %arg4[%arg1, %dma_start3A_274, %dma_start3A_275] : memref<16x80x128xi32, #tpu.memory_space<hbm>> -> memref<1x80x128xi32, #tpu.memory_space<hbm>>
      %dma_start3A_277 = tpu.memref_squeeze %dma_start3A_276 : memref<1x80x128xi32, #tpu.memory_space<hbm>> -> memref<80x128xi32, #tpu.memory_space<hbm>>
      %dma_start3A_278 = arith.constant 40 : i32
      %dma_start3A_279 = arith.constant 0 : i32
      %dma_start3A_280 = tpu.memref_slice %dma_start3A_277[%dma_start3A_278, %dma_start3A_279] : memref<80x128xi32, #tpu.memory_space<hbm>> -> memref<40x128xi32, #tpu.memory_space<hbm>>
      %dma_start3A_281 = arith.constant 0 : i32
      %dma_start3A_282 = arith.constant 0 : i32
      %dma_start3A_283 = tpu.memref_slice %arg4[%arg1, %dma_start3A_281, %dma_start3A_282] : memref<16x80x128xi32, #tpu.memory_space<hbm>> -> memref<1x80x128xi32, #tpu.memory_space<hbm>>
      %dma_start3A_284 = tpu.memref_squeeze %dma_start3A_283 : memref<1x80x128xi32, #tpu.memory_space<hbm>> -> memref<80x128xi32, #tpu.memory_space<hbm>>
      %dma_start3A_285 = arith.constant 40 : i32
      %dma_start3A_286 = arith.constant 0 : i32
      %dma_start3A_287 = tpu.memref_slice %dma_start3A_284[%dma_start3A_285, %dma_start3A_286] : memref<80x128xi32, #tpu.memory_space<hbm>> -> memref<40x128xi32, #tpu.memory_space<hbm>>
      tpu.enqueue_dma source(%dma_start3A_287 : memref<40x128xi32, #tpu.memory_space<hbm>>) target(%arg7 : memref<40x128xi32, #tpu.memory_space<vmem>>) target_semaphore(%run_scoped3A : memref<!tpu.dma_semaphore, #tpu.memory_space<semaphore_mem>>)
      %dma_wait3A_288 = arith.constant 0 : i32
      %dma_wait3A_289 = arith.constant 0 : i32
      %dma_wait3A_290 = tpu.memref_slice %arg4[%arg1, %dma_wait3A_288, %dma_wait3A_289] : memref<16x80x128xi32, #tpu.memory_space<hbm>> -> memref<1x80x128xi32, #tpu.memory_space<hbm>>
      %dma_wait3A_291 = tpu.memref_squeeze %dma_wait3A_290 : memref<1x80x128xi32, #tpu.memory_space<hbm>> -> memref<80x128xi32, #tpu.memory_space<hbm>>
      %dma_wait3A_292 = arith.constant 40 : i32
      %dma_wait3A_293 = arith.constant 0 : i32
      %dma_wait3A_294 = tpu.memref_slice %dma_wait3A_291[%dma_wait3A_292, %dma_wait3A_293] : memref<80x128xi32, #tpu.memory_space<hbm>> -> memref<40x128xi32, #tpu.memory_space<hbm>>
      %dma_wait3A_295 = arith.constant 0 : i32
      %dma_wait3A_296 = arith.constant 0 : i32
      %dma_wait3A_297 = tpu.memref_slice %arg4[%arg1, %dma_wait3A_295, %dma_wait3A_296] : memref<16x80x128xi32, #tpu.memory_space<hbm>> -> memref<1x80x128xi32, #tpu.memory_space<hbm>>
      %dma_wait3A_298 = tpu.memref_squeeze %dma_wait3A_297 : memref<1x80x128xi32, #tpu.memory_space<hbm>> -> memref<80x128xi32, #tpu.memory_space<hbm>>
      %dma_wait3A_299 = arith.constant 40 : i32
      %dma_wait3A_300 = arith.constant 0 : i32
      %dma_wait3A_301 = tpu.memref_slice %dma_wait3A_298[%dma_wait3A_299, %dma_wait3A_300] : memref<80x128xi32, #tpu.memory_space<hbm>> -> memref<40x128xi32, #tpu.memory_space<hbm>>
      tpu.wait_dma2 semaphore(%run_scoped3A : memref<!tpu.dma_semaphore, #tpu.memory_space<semaphore_mem>>) src(%dma_wait3A_301 : memref<40x128xi32, #tpu.memory_space<hbm>>) dst(%arg7 : memref<40x128xi32, #tpu.memory_space<vmem>>)
      tpu.yield
    }) : () -> ()
    %scan3A_207 = arith.constant 0 : i32
    %scan3A_208 = arith.constant 0 : i32
    %scan3A_209 = arith.constant 40 : i32
    %scan3A_210 = arith.addi %scan3A_208, %scan3A_209 : i32
    %scan3A_211 = arith.constant 1 : i32
    scf.for %scan3A_274 = %scan3A_208 to %scan3A_210 step %scan3A_211  : i32 {
      %scan3A_275 = arith.constant 0 : i32
      %scan3A_276 = arith.constant 8 : i32
      %scan3A_277 = arith.addi %scan3A_275, %scan3A_276 : i32
      %scan3A_278 = arith.constant 1 : i32
      scf.for %scan3A_280 = %scan3A_275 to %scan3A_277 step %scan3A_278  : i32 {
        %mul3A_281 = arith.constant 16 : i32
        %mul3A_282 = arith.muli %scan3A_280, %mul3A_281 : i32
        %get3A = arith.index_cast %scan3A_274 : i32 to index
        %get3A_283 = arith.index_cast %mul3A_282 : i32 to index
        %get3A_284 = tpu.vector_load %arg6[%get3A, %get3A_283] {strides = array<i32>} : memref<40x128xi32, #tpu.memory_space<vmem>>, vector<1x16xi32>,
        %get3A_285 = vector.shape_cast %get3A_284 : vector<1x16xi32> to vector<16xi32>
        %add3A_286 = vector.broadcast %mul3A_139 : i32 to vector<16xi32>
        %add3A_287 = arith.addi %get3A_285, %add3A_286 : vector<16xi32>
        %mul3A_288 = arith.constant 16 : i32
        %mul3A_289 = arith.muli %scan3A_280, %mul3A_288 : i32
        %swap3A = arith.index_cast %scan3A_274 : i32 to index
        %swap3A_290 = arith.index_cast %mul3A_289 : i32 to index
        %swap3A_291 = tpu.vector_load %arg6[%swap3A, %swap3A_290] {strides = array<i32>} : memref<40x128xi32, #tpu.memory_space<vmem>>, vector<1x16xi32>,
        %swap3A_292 = vector.shape_cast %swap3A_291 : vector<1x16xi32> to vector<16xi32>
        %swap3A_293 = vector.shape_cast %add3A_287 : vector<16xi32> to vector<1x16xi32>
        tpu.vector_store %arg6[%swap3A, %swap3A_290], %swap3A_293 {strides = array<i32>} : memref<40x128xi32, #tpu.memory_space<vmem>>, vector<1x16xi32>,
      }
      %scan3A_279 = arith.constant 8 : i32
    }
    %scan3A_212 = arith.constant 40 : i32
    %dma_start3A_213 = arith.constant 0 : i32
    %dma_start3A_214 = arith.constant 0 : i32
    %dma_start3A_215 = arith.constant 0 : i32
    %dma_start3A_216 = arith.constant 0 : i32
    %dma_start3A_217 = tpu.memref_slice %arg8[%dma_start3A_214, %dma_start3A_215, %dma_start3A_216] : memref<2x128x128xf32, #tpu.memory_space<vmem>> -> memref<1x128x128xf32, #tpu.memory_space<vmem>>
    %dma_start3A_218 = tpu.memref_squeeze %dma_start3A_217 : memref<1x128x128xf32, #tpu.memory_space<vmem>> -> memref<128x128xf32, #tpu.memory_space<vmem>>
    %dma_start3A_219 = arith.constant 0 : i32
    %dma_start3A_220 = tpu.memref_slice %arg6[%dma_start3A_213, %dma_start3A_219] : memref<40x128xi32, #tpu.memory_space<vmem>> -> memref<1x128xi32, #tpu.memory_space<vmem>>
    %dma_start3A_221 = tpu.memref_squeeze %dma_start3A_220 : memref<1x128xi32, #tpu.memory_space<vmem>> -> memref<128xi32, #tpu.memory_space<vmem>>
    %dma_start3A_222 = arith.constant 0 : i32
    %dma_start3A_223 = arith.constant 0 : i32
    %dma_start3A_224 = tpu.memref_slice %arg2[%dma_start3A_222, %dma_start3A_223] : memref<40960x128xf32, #tpu.memory_space<hbm>> -> memref<40960x128xf32, #tpu.memory_space<hbm>>
    tpu.enqueue_indirect_dma source(%dma_start3A_224 : memref<40960x128xf32, #tpu.memory_space<hbm>>) target(%dma_start3A_218 : memref<128x128xf32, #tpu.memory_space<vmem>>) offsets(%dma_start3A_221 : memref<128xi32, #tpu.memory_space<vmem>>) semaphore(%arg10 : memref<!tpu.dma_semaphore, #tpu.memory_space<semaphore_mem>>)
    %dma_start3A_225 = arith.constant 1 : i32
    %dma_start3A_226 = arith.constant 1 : i32
    %dma_start3A_227 = arith.constant 0 : i32
    %dma_start3A_228 = arith.constant 0 : i32
    %dma_start3A_229 = tpu.memref_slice %arg8[%dma_start3A_226, %dma_start3A_227, %dma_start3A_228] : memref<2x128x128xf32, #tpu.memory_space<vmem>> -> memref<1x128x128xf32, #tpu.memory_space<vmem>>
    %dma_start3A_230 = tpu.memref_squeeze %dma_start3A_229 : memref<1x128x128xf32, #tpu.memory_space<vmem>> -> memref<128x128xf32, #tpu.memory_space<vmem>>
    %dma_start3A_231 = arith.constant 0 : i32
    %dma_start3A_232 = tpu.memref_slice %arg6[%dma_start3A_225, %dma_start3A_231] : memref<40x128xi32, #tpu.memory_space<vmem>> -> memref<1x128xi32, #tpu.memory_space<vmem>>
    %dma_start3A_233 = tpu.memref_squeeze %dma_start3A_232 : memref<1x128xi32, #tpu.memory_space<vmem>> -> memref<128xi32, #tpu.memory_space<vmem>>
    %dma_start3A_234 = arith.constant 0 : i32
    %dma_start3A_235 = arith.constant 0 : i32
    %dma_start3A_236 = tpu.memref_slice %arg2[%dma_start3A_234, %dma_start3A_235] : memref<40960x128xf32, #tpu.memory_space<hbm>> -> memref<40960x128xf32, #tpu.memory_space<hbm>>
    tpu.enqueue_indirect_dma source(%dma_start3A_236 : memref<40960x128xf32, #tpu.memory_space<hbm>>) target(%dma_start3A_230 : memref<128x128xf32, #tpu.memory_space<vmem>>) offsets(%dma_start3A_233 : memref<128xi32, #tpu.memory_space<vmem>>) semaphore(%arg11 : memref<!tpu.dma_semaphore, #tpu.memory_space<semaphore_mem>>)
    %scan3A_237 = arith.constant 0 : i32
    %scan3A_238 = arith.constant 0 : i32
    %scan3A_239 = arith.constant 20 : i32
    %scan3A_240 = arith.addi %scan3A_238, %scan3A_239 : i32
    %scan3A_241 = arith.constant 1 : i32
    scf.for %scan3A_274 = %scan3A_238 to %scan3A_240 step %scan3A_241  : i32 {
      %mul3A_275 = arith.constant 2 : i32
      %mul3A_276 = arith.muli %mul3A_275, %scan3A_274 : i32
      %add3A_277 = arith.constant 1 : i32
      %add3A_278 = arith.addi %mul3A_276, %add3A_277 : i32
      %dma_wait3A_279 = arith.constant 0 : i32
      %dma_wait3A_280 = arith.constant 0 : i32
      %dma_wait3A_281 = arith.constant 0 : i32
      %dma_wait3A_282 = tpu.memref_slice %arg8[%dma_wait3A_279, %dma_wait3A_280, %dma_wait3A_281] : memref<2x128x128xf32, #tpu.memory_space<vmem>> -> memref<1x128x128xf32, #tpu.memory_space<vmem>>
      %dma_wait3A_283 = tpu.memref_squeeze %dma_wait3A_282 : memref<1x128x128xf32, #tpu.memory_space<vmem>> -> memref<128x128xf32, #tpu.memory_space<vmem>>
      %dma_wait3A_284 = arith.constant 0 : i32
      %dma_wait3A_285 = tpu.memref_slice %arg6[%mul3A_276, %dma_wait3A_284] : memref<40x128xi32, #tpu.memory_space<vmem>> -> memref<1x128xi32, #tpu.memory_space<vmem>>
      %dma_wait3A_286 = tpu.memref_squeeze %dma_wait3A_285 : memref<1x128xi32, #tpu.memory_space<vmem>> -> memref<128xi32, #tpu.memory_space<vmem>>
      %dma_wait3A_287 = arith.constant 0 : i32
      %dma_wait3A_288 = arith.constant 0 : i32
      %dma_wait3A_289 = tpu.memref_slice %arg2[%dma_wait3A_287, %dma_wait3A_288] : memref<40960x128xf32, #tpu.memory_space<hbm>> -> memref<40960x128xf32, #tpu.memory_space<hbm>>
      tpu.wait_indirect_dma semaphore(%arg10 : memref<!tpu.dma_semaphore, #tpu.memory_space<semaphore_mem>>) src(%dma_wait3A_289 : memref<40960x128xf32, #tpu.memory_space<hbm>>) dst(%dma_wait3A_283 : memref<128x128xf32, #tpu.memory_space<vmem>>)
      %dma_start3A_290 = arith.constant 0 : i32
      %dma_start3A_291 = arith.constant 0 : i32
      %dma_start3A_292 = arith.constant 0 : i32
      %dma_start3A_293 = tpu.memref_slice %arg8[%dma_start3A_290, %dma_start3A_291, %dma_start3A_292] : memref<2x128x128xf32, #tpu.memory_space<vmem>> -> memref<1x128x128xf32, #tpu.memory_space<vmem>>
      %dma_start3A_294 = tpu.memref_squeeze %dma_start3A_293 : memref<1x128x128xf32, #tpu.memory_space<vmem>> -> memref<128x128xf32, #tpu.memory_space<vmem>>
      %dma_start3A_295 = arith.constant 0 : i32
      %dma_start3A_296 = tpu.memref_slice %arg7[%mul3A_276, %dma_start3A_295] : memref<40x128xi32, #tpu.memory_space<vmem>> -> memref<1x128xi32, #tpu.memory_space<vmem>>
      %dma_start3A_297 = tpu.memref_squeeze %dma_start3A_296 : memref<1x128xi32, #tpu.memory_space<vmem>> -> memref<128xi32, #tpu.memory_space<vmem>>
      %dma_start3A_298 = arith.constant 0 : i32
      %dma_start3A_299 = arith.constant 0 : i32
      %dma_start3A_300 = tpu.memref_slice %arg9[%dma_start3A_298, %dma_start3A_299] : memref<10240x128xf32, #tpu.memory_space<vmem_shared>> -> memref<10240x128xf32, #tpu.memory_space<vmem_shared>>
      tpu.enqueue_indirect_dma source(%dma_start3A_294 : memref<128x128xf32, #tpu.memory_space<vmem>>) target(%dma_start3A_300 : memref<10240x128xf32, #tpu.memory_space<vmem_shared>>) offsets(%dma_start3A_297 : memref<128xi32, #tpu.memory_space<vmem>>) semaphore(%arg12 : memref<!tpu.dma_semaphore, #tpu.memory_space<semaphore_mem>>) {add = true}
      %dma_wait3A_301 = arith.constant 1 : i32
      %dma_wait3A_302 = arith.constant 0 : i32
      %dma_wait3A_303 = arith.constant 0 : i32
      %dma_wait3A_304 = tpu.memref_slice %arg8[%dma_wait3A_301, %dma_wait3A_302, %dma_wait3A_303] : memref<2x128x128xf32, #tpu.memory_space<vmem>> -> memref<1x128x128xf32, #tpu.memory_space<vmem>>
      %dma_wait3A_305 = tpu.memref_squeeze %dma_wait3A_304 : memref<1x128x128xf32, #tpu.memory_space<vmem>> -> memref<128x128xf32, #tpu.memory_space<vmem>>
      %dma_wait3A_306 = arith.constant 0 : i32
      %dma_wait3A_307 = tpu.memref_slice %arg6[%add3A_278, %dma_wait3A_306] : memref<40x128xi32, #tpu.memory_space<vmem>> -> memref<1x128xi32, #tpu.memory_space<vmem>>
      %dma_wait3A_308 = tpu.memref_squeeze %dma_wait3A_307 : memref<1x128xi32, #tpu.memory_space<vmem>> -> memref<128xi32, #tpu.memory_space<vmem>>
      %dma_wait3A_309 = arith.constant 0 : i32
      %dma_wait3A_310 = arith.constant 0 : i32
      %dma_wait3A_311 = tpu.memref_slice %arg2[%dma_wait3A_309, %dma_wait3A_310] : memref<40960x128xf32, #tpu.memory_space<hbm>> -> memref<40960x128xf32, #tpu.memory_space<hbm>>
      tpu.wait_indirect_dma semaphore(%arg11 : memref<!tpu.dma_semaphore, #tpu.memory_space<semaphore_mem>>) src(%dma_wait3A_311 : memref<40960x128xf32, #tpu.memory_space<hbm>>) dst(%dma_wait3A_305 : memref<128x128xf32, #tpu.memory_space<vmem>>)
      %dma_start3A_312 = arith.constant 1 : i32
      %dma_start3A_313 = arith.constant 0 : i32
      %dma_start3A_314 = arith.constant 0 : i32
      %dma_start3A_315 = tpu.memref_slice %arg8[%dma_start3A_312, %dma_start3A_313, %dma_start3A_314] : memref<2x128x128xf32, #tpu.memory_space<vmem>> -> memref<1x128x128xf32, #tpu.memory_space<vmem>>
      %dma_start3A_316 = tpu.memref_squeeze %dma_start3A_315 : memref<1x128x128xf32, #tpu.memory_space<vmem>> -> memref<128x128xf32, #tpu.memory_space<vmem>>
      %dma_start3A_317 = arith.constant 0 : i32
      %dma_start3A_318 = tpu.memref_slice %arg7[%add3A_278, %dma_start3A_317] : memref<40x128xi32, #tpu.memory_space<vmem>> -> memref<1x128xi32, #tpu.memory_space<vmem>>
      %dma_start3A_319 = tpu.memref_squeeze %dma_start3A_318 : memref<1x128xi32, #tpu.memory_space<vmem>> -> memref<128xi32, #tpu.memory_space<vmem>>
      %dma_start3A_320 = arith.constant 0 : i32
      %dma_start3A_321 = arith.constant 0 : i32
      %dma_start3A_322 = tpu.memref_slice %arg9[%dma_start3A_320, %dma_start3A_321] : memref<10240x128xf32, #tpu.memory_space<vmem_shared>> -> memref<10240x128xf32, #tpu.memory_space<vmem_shared>>
      tpu.enqueue_indirect_dma source(%dma_start3A_316 : memref<128x128xf32, #tpu.memory_space<vmem>>) target(%dma_start3A_322 : memref<10240x128xf32, #tpu.memory_space<vmem_shared>>) offsets(%dma_start3A_319 : memref<128xi32, #tpu.memory_space<vmem>>) semaphore(%arg13 : memref<!tpu.dma_semaphore, #tpu.memory_space<semaphore_mem>>) {add = true}
      %lt3A = arith.constant 19 : i32
      %lt3A_323 = arith.cmpi slt, %scan3A_274, %lt3A : i32
      %convert_element_type3A = arith.extui %lt3A_323 : i1 to i32
      %cond3A = arith.constant 0 : i32
      %cond3A_324 = arith.cmpi ne, %convert_element_type3A, %cond3A : i32
      scf.if %cond3A_324 {
        %dma_wait3A_325 = arith.constant 0 : i32
        %dma_wait3A_326 = arith.constant 0 : i32
        %dma_wait3A_327 = arith.constant 0 : i32
        %dma_wait3A_328 = tpu.memref_slice %arg8[%dma_wait3A_325, %dma_wait3A_326, %dma_wait3A_327] : memref<2x128x128xf32, #tpu.memory_space<vmem>> -> memref<1x128x128xf32, #tpu.memory_space<vmem>>
        %dma_wait3A_329 = tpu.memref_squeeze %dma_wait3A_328 : memref<1x128x128xf32, #tpu.memory_space<vmem>> -> memref<128x128xf32, #tpu.memory_space<vmem>>
        %dma_wait3A_330 = arith.constant 0 : i32
        %dma_wait3A_331 = tpu.memref_slice %arg7[%mul3A_276, %dma_wait3A_330] : memref<40x128xi32, #tpu.memory_space<vmem>> -> memref<1x128xi32, #tpu.memory_space<vmem>>
        %dma_wait3A_332 = tpu.memref_squeeze %dma_wait3A_331 : memref<1x128xi32, #tpu.memory_space<vmem>> -> memref<128xi32, #tpu.memory_space<vmem>>
        %dma_wait3A_333 = arith.constant 0 : i32
        %dma_wait3A_334 = arith.constant 0 : i32
        %dma_wait3A_335 = tpu.memref_slice %arg9[%dma_wait3A_333, %dma_wait3A_334] : memref<10240x128xf32, #tpu.memory_space<vmem_shared>> -> memref<10240x128xf32, #tpu.memory_space<vmem_shared>>
        tpu.wait_indirect_dma semaphore(%arg12 : memref<!tpu.dma_semaphore, #tpu.memory_space<semaphore_mem>>) src(%dma_wait3A_329 : memref<128x128xf32, #tpu.memory_space<vmem>>) dst(%dma_wait3A_335 : memref<10240x128xf32, #tpu.memory_space<vmem_shared>>)
        %add3A_336 = arith.constant 2 : i32
        %add3A_337 = arith.addi %mul3A_276, %add3A_336 : i32
        %dma_start3A_338 = arith.constant 0 : i32
        %dma_start3A_339 = arith.constant 0 : i32
        %dma_start3A_340 = arith.constant 0 : i32
        %dma_start3A_341 = tpu.memref_slice %arg8[%dma_start3A_338, %dma_start3A_339, %dma_start3A_340] : memref<2x128x128xf32, #tpu.memory_space<vmem>> -> memref<1x128x128xf32, #tpu.memory_space<vmem>>
        %dma_start3A_342 = tpu.memref_squeeze %dma_start3A_341 : memref<1x128x128xf32, #tpu.memory_space<vmem>> -> memref<128x128xf32, #tpu.memory_space<vmem>>
        %dma_start3A_343 = arith.constant 0 : i32
        %dma_start3A_344 = tpu.memref_slice %arg6[%add3A_337, %dma_start3A_343] : memref<40x128xi32, #tpu.memory_space<vmem>> -> memref<1x128xi32, #tpu.memory_space<vmem>>
        %dma_start3A_345 = tpu.memref_squeeze %dma_start3A_344 : memref<1x128xi32, #tpu.memory_space<vmem>> -> memref<128xi32, #tpu.memory_space<vmem>>
        %dma_start3A_346 = arith.constant 0 : i32
        %dma_start3A_347 = arith.constant 0 : i32
        %dma_start3A_348 = tpu.memref_slice %arg2[%dma_start3A_346, %dma_start3A_347] : memref<40960x128xf32, #tpu.memory_space<hbm>> -> memref<40960x128xf32, #tpu.memory_space<hbm>>
        tpu.enqueue_indirect_dma source(%dma_start3A_348 : memref<40960x128xf32, #tpu.memory_space<hbm>>) target(%dma_start3A_342 : memref<128x128xf32, #tpu.memory_space<vmem>>) offsets(%dma_start3A_345 : memref<128xi32, #tpu.memory_space<vmem>>) semaphore(%arg10 : memref<!tpu.dma_semaphore, #tpu.memory_space<semaphore_mem>>)
        %dma_wait3A_349 = arith.constant 1 : i32
        %dma_wait3A_350 = arith.constant 0 : i32
        %dma_wait3A_351 = arith.constant 0 : i32
        %dma_wait3A_352 = tpu.memref_slice %arg8[%dma_wait3A_349, %dma_wait3A_350, %dma_wait3A_351] : memref<2x128x128xf32, #tpu.memory_space<vmem>> -> memref<1x128x128xf32, #tpu.memory_space<vmem>>
        %dma_wait3A_353 = tpu.memref_squeeze %dma_wait3A_352 : memref<1x128x128xf32, #tpu.memory_space<vmem>> -> memref<128x128xf32, #tpu.memory_space<vmem>>
        %dma_wait3A_354 = arith.constant 0 : i32
        %dma_wait3A_355 = tpu.memref_slice %arg7[%add3A_278, %dma_wait3A_354] : memref<40x128xi32, #tpu.memory_space<vmem>> -> memref<1x128xi32, #tpu.memory_space<vmem>>
        %dma_wait3A_356 = tpu.memref_squeeze %dma_wait3A_355 : memref<1x128xi32, #tpu.memory_space<vmem>> -> memref<128xi32, #tpu.memory_space<vmem>>
        %dma_wait3A_357 = arith.constant 0 : i32
        %dma_wait3A_358 = arith.constant 0 : i32
        %dma_wait3A_359 = tpu.memref_slice %arg9[%dma_wait3A_357, %dma_wait3A_358] : memref<10240x128xf32, #tpu.memory_space<vmem_shared>> -> memref<10240x128xf32, #tpu.memory_space<vmem_shared>>
        tpu.wait_indirect_dma semaphore(%arg13 : memref<!tpu.dma_semaphore, #tpu.memory_space<semaphore_mem>>) src(%dma_wait3A_353 : memref<128x128xf32, #tpu.memory_space<vmem>>) dst(%dma_wait3A_359 : memref<10240x128xf32, #tpu.memory_space<vmem_shared>>)
        %add3A_360 = arith.constant 2 : i32
        %add3A_361 = arith.addi %add3A_278, %add3A_360 : i32
        %dma_start3A_362 = arith.constant 1 : i32
        %dma_start3A_363 = arith.constant 0 : i32
        %dma_start3A_364 = arith.constant 0 : i32
        %dma_start3A_365 = tpu.memref_slice %arg8[%dma_start3A_362, %dma_start3A_363, %dma_start3A_364] : memref<2x128x128xf32, #tpu.memory_space<vmem>> -> memref<1x128x128xf32, #tpu.memory_space<vmem>>
        %dma_start3A_366 = tpu.memref_squeeze %dma_start3A_365 : memref<1x128x128xf32, #tpu.memory_space<vmem>> -> memref<128x128xf32, #tpu.memory_space<vmem>>
        %dma_start3A_367 = arith.constant 0 : i32
        %dma_start3A_368 = tpu.memref_slice %arg6[%add3A_361, %dma_start3A_367] : memref<40x128xi32, #tpu.memory_space<vmem>> -> memref<1x128xi32, #tpu.memory_space<vmem>>
        %dma_start3A_369 = tpu.memref_squeeze %dma_start3A_368 : memref<1x128xi32, #tpu.memory_space<vmem>> -> memref<128xi32, #tpu.memory_space<vmem>>
        %dma_start3A_370 = arith.constant 0 : i32
        %dma_start3A_371 = arith.constant 0 : i32
        %dma_start3A_372 = tpu.memref_slice %arg2[%dma_start3A_370, %dma_start3A_371] : memref<40960x128xf32, #tpu.memory_space<hbm>> -> memref<40960x128xf32, #tpu.memory_space<hbm>>
        tpu.enqueue_indirect_dma source(%dma_start3A_372 : memref<40960x128xf32, #tpu.memory_space<hbm>>) target(%dma_start3A_366 : memref<128x128xf32, #tpu.memory_space<vmem>>) offsets(%dma_start3A_369 : memref<128xi32, #tpu.memory_space<vmem>>) semaphore(%arg11 : memref<!tpu.dma_semaphore, #tpu.memory_space<semaphore_mem>>)
      } else {
      }
    }
    %scan3A_242 = arith.constant 20 : i32
    %dma_wait3A_243 = arith.constant 0 : i32
    %dma_wait3A_244 = arith.constant 38 : i32
    %dma_wait3A_245 = arith.constant 0 : i32
    %dma_wait3A_246 = arith.constant 0 : i32
    %dma_wait3A_247 = tpu.memref_slice %arg8[%dma_wait3A_243, %dma_wait3A_245, %dma_wait3A_246] : memref<2x128x128xf32, #tpu.memory_space<vmem>> -> memref<1x128x128xf32, #tpu.memory_space<vmem>>
    %dma_wait3A_248 = tpu.memref_squeeze %dma_wait3A_247 : memref<1x128x128xf32, #tpu.memory_space<vmem>> -> memref<128x128xf32, #tpu.memory_space<vmem>>
    %dma_wait3A_249 = arith.constant 0 : i32
    %dma_wait3A_250 = tpu.memref_slice %arg7[%dma_wait3A_244, %dma_wait3A_249] : memref<40x128xi32, #tpu.memory_space<vmem>> -> memref<1x128xi32, #tpu.memory_space<vmem>>
    %dma_wait3A_251 = tpu.memref_squeeze %dma_wait3A_250 : memref<1x128xi32, #tpu.memory_space<vmem>> -> memref<128xi32, #tpu.memory_space<vmem>>
    %dma_wait3A_252 = arith.constant 0 : i32
    %dma_wait3A_253 = arith.constant 0 : i32
    %dma_wait3A_254 = tpu.memref_slice %arg9[%dma_wait3A_252, %dma_wait3A_253] : memref<10240x128xf32, #tpu.memory_space<vmem_shared>> -> memref<10240x128xf32, #tpu.memory_space<vmem_shared>>
    tpu.wait_indirect_dma semaphore(%arg12 : memref<!tpu.dma_semaphore, #tpu.memory_space<semaphore_mem>>) src(%dma_wait3A_248 : memref<128x128xf32, #tpu.memory_space<vmem>>) dst(%dma_wait3A_254 : memref<10240x128xf32, #tpu.memory_space<vmem_shared>>)
    %dma_wait3A_255 = arith.constant 1 : i32
    %dma_wait3A_256 = arith.constant 39 : i32
    %dma_wait3A_257 = arith.constant 0 : i32
    %dma_wait3A_258 = arith.constant 0 : i32
    %dma_wait3A_259 = tpu.memref_slice %arg8[%dma_wait3A_255, %dma_wait3A_257, %dma_wait3A_258] : memref<2x128x128xf32, #tpu.memory_space<vmem>> -> memref<1x128x128xf32, #tpu.memory_space<vmem>>
    %dma_wait3A_260 = tpu.memref_squeeze %dma_wait3A_259 : memref<1x128x128xf32, #tpu.memory_space<vmem>> -> memref<128x128xf32, #tpu.memory_space<vmem>>
    %dma_wait3A_261 = arith.constant 0 : i32
    %dma_wait3A_262 = tpu.memref_slice %arg7[%dma_wait3A_256, %dma_wait3A_261] : memref<40x128xi32, #tpu.memory_space<vmem>> -> memref<1x128xi32, #tpu.memory_space<vmem>>
    %dma_wait3A_263 = tpu.memref_squeeze %dma_wait3A_262 : memref<1x128xi32, #tpu.memory_space<vmem>> -> memref<128xi32, #tpu.memory_space<vmem>>
    %dma_wait3A_264 = arith.constant 0 : i32
    %dma_wait3A_265 = arith.constant 0 : i32
    %dma_wait3A_266 = tpu.memref_slice %arg9[%dma_wait3A_264, %dma_wait3A_265] : memref<10240x128xf32, #tpu.memory_space<vmem_shared>> -> memref<10240x128xf32, #tpu.memory_space<vmem_shared>>
    tpu.wait_indirect_dma semaphore(%arg13 : memref<!tpu.dma_semaphore, #tpu.memory_space<semaphore_mem>>) src(%dma_wait3A_260 : memref<128x128xf32, #tpu.memory_space<vmem>>) dst(%dma_wait3A_266 : memref<10240x128xf32, #tpu.memory_space<vmem_shared>>)
    %barrier3A_267 = arith.constant 0 : index
    tpu.barrier barrier_id(%barrier3A_267)
    %scan3A_268 = arith.constant 0 : i32
    %scan3A_269 = arith.constant 0 : i32
    %scan3A_270 = arith.constant 5 : i32
    %scan3A_271 = arith.addi %scan3A_269, %scan3A_270 : i32
    %scan3A_272 = arith.constant 1 : i32
    scf.for %scan3A_274 = %scan3A_269 to %scan3A_271 step %scan3A_272  : i32 {
      %mul3A_275 = arith.constant 640 : i32
      %mul3A_276 = arith.muli %arg1, %mul3A_275 : i32
      %mul3A_277 = arith.constant 128 : i32
      %mul3A_278 = arith.muli %scan3A_274, %mul3A_277 : i32
      %add3A_279 = arith.addi %mul3A_276, %mul3A_278 : i32
      %run_scoped3A = arith.constant 0 : i32
      "tpu.region"() ({
        %run_scoped3A_287 = tpu.sem_alloc : memref<!tpu.dma_semaphore, #tpu.memory_space<semaphore_mem>>
        %dma_start3A_288 = arith.constant 0 : i32
        %dma_start3A_289 = arith.constant 0 : i32
        %dma_start3A_290 = tpu.memref_slice %arg8[%run_scoped3A, %dma_start3A_288, %dma_start3A_289] : memref<2x128x128xf32, #tpu.memory_space<vmem>> -> memref<1x128x128xf32, #tpu.memory_space<vmem>>
        %dma_start3A_291 = tpu.memref_squeeze %dma_start3A_290 : memref<1x128x128xf32, #tpu.memory_space<vmem>> -> memref<128x128xf32, #tpu.memory_space<vmem>>
        %dma_start3A_292 = arith.constant 0 : i32
        %dma_start3A_293 = tpu.memref_slice %arg9[%add3A_279, %dma_start3A_292] : memref<10240x128xf32, #tpu.memory_space<vmem_shared>> -> memref<128x128xf32, #tpu.memory_space<vmem_shared>>
        %dma_start3A_294 = arith.constant 0 : i32
        %dma_start3A_295 = arith.constant 0 : i32
        %dma_start3A_296 = tpu.memref_slice %arg8[%run_scoped3A, %dma_start3A_294, %dma_start3A_295] : memref<2x128x128xf32, #tpu.memory_space<vmem>> -> memref<1x128x128xf32, #tpu.memory_space<vmem>>
        %dma_start3A_297 = tpu.memref_squeeze %dma_start3A_296 : memref<1x128x128xf32, #tpu.memory_space<vmem>> -> memref<128x128xf32, #tpu.memory_space<vmem>>
        %dma_start3A_298 = arith.constant 0 : i32
        %dma_start3A_299 = tpu.memref_slice %arg9[%add3A_279, %dma_start3A_298] : memref<10240x128xf32, #tpu.memory_space<vmem_shared>> -> memref<128x128xf32, #tpu.memory_space<vmem_shared>>
        tpu.enqueue_dma source(%dma_start3A_299 : memref<128x128xf32, #tpu.memory_space<vmem_shared>>) target(%dma_start3A_297 : memref<128x128xf32, #tpu.memory_space<vmem>>) target_semaphore(%run_scoped3A_287 : memref<!tpu.dma_semaphore, #tpu.memory_space<semaphore_mem>>)
        %dma_wait3A_300 = arith.constant 0 : i32
        %dma_wait3A_301 = arith.constant 0 : i32
        %dma_wait3A_302 = tpu.memref_slice %arg8[%run_scoped3A, %dma_wait3A_300, %dma_wait3A_301] : memref<2x128x128xf32, #tpu.memory_space<vmem>> -> memref<1x128x128xf32, #tpu.memory_space<vmem>>
        %dma_wait3A_303 = tpu.memref_squeeze %dma_wait3A_302 : memref<1x128x128xf32, #tpu.memory_space<vmem>> -> memref<128x128xf32, #tpu.memory_space<vmem>>
        %dma_wait3A_304 = arith.constant 0 : i32
        %dma_wait3A_305 = tpu.memref_slice %arg9[%add3A_279, %dma_wait3A_304] : memref<10240x128xf32, #tpu.memory_space<vmem_shared>> -> memref<128x128xf32, #tpu.memory_space<vmem_shared>>
        %dma_wait3A_306 = arith.constant 0 : i32
        %dma_wait3A_307 = arith.constant 0 : i32
        %dma_wait3A_308 = tpu.memref_slice %arg8[%run_scoped3A, %dma_wait3A_306, %dma_wait3A_307] : memref<2x128x128xf32, #tpu.memory_space<vmem>> -> memref<1x128x128xf32, #tpu.memory_space<vmem>>
        %dma_wait3A_309 = tpu.memref_squeeze %dma_wait3A_308 : memref<1x128x128xf32, #tpu.memory_space<vmem>> -> memref<128x128xf32, #tpu.memory_space<vmem>>
        %dma_wait3A_310 = arith.constant 0 : i32
        %dma_wait3A_311 = tpu.memref_slice %arg9[%add3A_279, %dma_wait3A_310] : memref<10240x128xf32, #tpu.memory_space<vmem_shared>> -> memref<128x128xf32, #tpu.memory_space<vmem_shared>>
        tpu.wait_dma2 semaphore(%run_scoped3A_287 : memref<!tpu.dma_semaphore, #tpu.memory_space<semaphore_mem>>) src(%dma_wait3A_311 : memref<128x128xf32, #tpu.memory_space<vmem_shared>>) dst(%dma_wait3A_309 : memref<128x128xf32, #tpu.memory_space<vmem>>)
        tpu.yield
      }) : () -> ()
      %mul3A_280 = arith.constant 640 : i32
      %mul3A_281 = arith.muli %arg1, %mul3A_280 : i32
      %add3A_282 = arith.addi %mul3A_139, %mul3A_281 : i32
      %mul3A_283 = arith.constant 128 : i32
      %mul3A_284 = arith.muli %scan3A_274, %mul3A_283 : i32
      %add3A_285 = arith.addi %add3A_282, %mul3A_284 : i32
      %run_scoped3A_286 = arith.constant 0 : i32
      "tpu.region"() ({
        %run_scoped3A_287 = tpu.sem_alloc : memref<!tpu.dma_semaphore, #tpu.memory_space<semaphore_mem>>
        %dma_start3A_288 = arith.constant 0 : i32
        %dma_start3A_289 = arith.constant 0 : i32
        %dma_start3A_290 = tpu.memref_slice %arg8[%run_scoped3A_286, %dma_start3A_288, %dma_start3A_289] : memref<2x128x128xf32, #tpu.memory_space<vmem>> -> memref<1x128x128xf32, #tpu.memory_space<vmem>>
        %dma_start3A_291 = tpu.memref_squeeze %dma_start3A_290 : memref<1x128x128xf32, #tpu.memory_space<vmem>> -> memref<128x128xf32, #tpu.memory_space<vmem>>
        %dma_start3A_292 = arith.constant 0 : i32
        %dma_start3A_293 = tpu.memref_slice %arg5[%add3A_285, %dma_start3A_292] : memref<40960x128xf32, #tpu.memory_space<hbm>> -> memref<128x128xf32, #tpu.memory_space<hbm>>
        %dma_start3A_294 = arith.constant 0 : i32
        %dma_start3A_295 = tpu.memref_slice %arg5[%add3A_285, %dma_start3A_294] : memref<40960x128xf32, #tpu.memory_space<hbm>> -> memref<128x128xf32, #tpu.memory_space<hbm>>
        %dma_start3A_296 = arith.constant 0 : i32
        %dma_start3A_297 = arith.constant 0 : i32
        %dma_start3A_298 = tpu.memref_slice %arg8[%run_scoped3A_286, %dma_start3A_296, %dma_start3A_297] : memref<2x128x128xf32, #tpu.memory_space<vmem>> -> memref<1x128x128xf32, #tpu.memory_space<vmem>>
        %dma_start3A_299 = tpu.memref_squeeze %dma_start3A_298 : memref<1x128x128xf32, #tpu.memory_space<vmem>> -> memref<128x128xf32, #tpu.memory_space<vmem>>
        tpu.enqueue_dma source(%dma_start3A_299 : memref<128x128xf32, #tpu.memory_space<vmem>>) target(%dma_start3A_295 : memref<128x128xf32, #tpu.memory_space<hbm>>) target_semaphore(%run_scoped3A_287 : memref<!tpu.dma_semaphore, #tpu.memory_space<semaphore_mem>>)
        %dma_wait3A_300 = arith.constant 0 : i32
        %dma_wait3A_301 = arith.constant 0 : i32
        %dma_wait3A_302 = tpu.memref_slice %arg8[%run_scoped3A_286, %dma_wait3A_300, %dma_wait3A_301] : memref<2x128x128xf32, #tpu.memory_space<vmem>> -> memref<1x128x128xf32, #tpu.memory_space<vmem>>
        %dma_wait3A_303 = tpu.memref_squeeze %dma_wait3A_302 : memref<1x128x128xf32, #tpu.memory_space<vmem>> -> memref<128x128xf32, #tpu.memory_space<vmem>>
        %dma_wait3A_304 = arith.constant 0 : i32
        %dma_wait3A_305 = tpu.memref_slice %arg5[%add3A_285, %dma_wait3A_304] : memref<40960x128xf32, #tpu.memory_space<hbm>> -> memref<128x128xf32, #tpu.memory_space<hbm>>
        %dma_wait3A_306 = arith.constant 0 : i32
        %dma_wait3A_307 = tpu.memref_slice %arg5[%add3A_285, %dma_wait3A_306] : memref<40960x128xf32, #tpu.memory_space<hbm>> -> memref<128x128xf32, #tpu.memory_space<hbm>>
        %dma_wait3A_308 = arith.constant 0 : i32
        %dma_wait3A_309 = arith.constant 0 : i32
        %dma_wait3A_310 = tpu.memref_slice %arg8[%run_scoped3A_286, %dma_wait3A_308, %dma_wait3A_309] : memref<2x128x128xf32, #tpu.memory_space<vmem>> -> memref<1x128x128xf32, #tpu.memory_space<vmem>>
        %dma_wait3A_311 = tpu.memref_squeeze %dma_wait3A_310 : memref<1x128x128xf32, #tpu.memory_space<vmem>> -> memref<128x128xf32, #tpu.memory_space<vmem>>
        tpu.wait_dma2 semaphore(%run_scoped3A_287 : memref<!tpu.dma_semaphore, #tpu.memory_space<semaphore_mem>>) src(%dma_wait3A_311 : memref<128x128xf32, #tpu.memory_space<vmem>>) dst(%dma_wait3A_307 : memref<128x128xf32, #tpu.memory_space<hbm>>)
        tpu.yield
      }) : () -> ()
    }
    %scan3A_273 = arith.constant 5 : i32
    return
  }
}

#map = affine_map<(d0, d1) -> (0, 0)>
#map1 = affine_map<(d0, d1) -> (0, 0, 0)>
module attributes {stable_mosaic.version = 14 : i64} {
  func.func @_scatter(%arg0: i32, %arg1: i32, %arg2: memref<20480x128xf32, #tpu.memory_space<hbm>>, %arg3: memref<16x80x128xi32, #tpu.memory_space<hbm>>, %arg4: memref<16x80x128xi32, #tpu.memory_space<hbm>>, %arg5: memref<20480x128xf32, #tpu.memory_space<hbm>>, %arg6: memref<40x128xi32, #tpu.memory_space<vmem>>, %arg7: memref<40x128xi32, #tpu.memory_space<vmem>>, %arg8: memref<2x128x128xf32, #tpu.memory_space<vmem>>, %arg9: memref<10240x128xf32, #tpu.memory_space<vmem_shared>>, %arg10: memref<!tpu.dma_semaphore, #tpu.memory_space<semaphore_mem>>, %arg11: memref<!tpu.dma_semaphore, #tpu.memory_space<semaphore_mem>>, %arg12: memref<!tpu.dma_semaphore, #tpu.memory_space<semaphore_mem>>, %arg13: memref<!tpu.dma_semaphore, #tpu.memory_space<semaphore_mem>>) attributes {dimension_semantics = [#tpu.dimension_semantics<core_parallel>, #tpu.dimension_semantics<subcore_parallel>], iteration_bounds = array<i64: 2, 16>, scalar_prefetch = 0 : i64, scratch_operands = 8 : i64, tpu.core_type = #tpu.core_type<sc_vector_subcore>, window_params = [{transform_indices = #map}, {transform_indices = #map1}, {transform_indices = #map1}, {transform_indices = #map}]} {
    %mul3A = arith.constant 1 : i32
    %mul3A_0 = arith.muli %arg0, %mul3A : i32
    %add3A = arith.constant 0 : i32
    %add3A_1 = arith.addi %mul3A_0, %add3A : i32
    %mul3A_2 = arith.constant 10240 : i32
    %mul3A_3 = arith.muli %add3A_1, %mul3A_2 : i32
    %scan3A = arith.constant 0 : i32
    %scan3A_4 = arith.constant 0 : i32
    %scan3A_5 = arith.constant 5 : i32
    %scan3A_6 = arith.addi %scan3A_4, %scan3A_5 : i32
    %scan3A_7 = arith.constant 1 : i32
    scf.for %scan3A_134 = %scan3A_4 to %scan3A_6 step %scan3A_7  : i32 {
      %mul3A_135 = arith.constant 640 : i32
      %mul3A_136 = arith.muli %arg1, %mul3A_135 : i32
      %add3A_137 = arith.addi %mul3A_3, %mul3A_136 : i32
      %mul3A_138 = arith.constant 128 : i32
      %mul3A_139 = arith.muli %scan3A_134, %mul3A_138 : i32
      %add3A_140 = arith.addi %add3A_137, %mul3A_139 : i32
      %run_scoped3A = arith.constant 0 : i32
      "tpu.region"() ({
        %run_scoped3A_147 = tpu.sem_alloc : memref<!tpu.dma_semaphore, #tpu.memory_space<semaphore_mem>>
        %dma_start3A_148 = arith.constant 0 : i32
        %dma_start3A_149 = arith.constant 0 : i32
        %dma_start3A_150 = tpu.memref_slice %arg8[%run_scoped3A, %dma_start3A_148, %dma_start3A_149] : memref<2x128x128xf32, #tpu.memory_space<vmem>> -> memref<1x128x128xf32, #tpu.memory_space<vmem>>
        %dma_start3A_151 = tpu.memref_squeeze %dma_start3A_150 : memref<1x128x128xf32, #tpu.memory_space<vmem>> -> memref<128x128xf32, #tpu.memory_space<vmem>>
        %dma_start3A_152 = arith.constant 0 : i32
        %dma_start3A_153 = tpu.memref_slice %arg2[%add3A_140, %dma_start3A_152] : memref<20480x128xf32, #tpu.memory_space<hbm>> -> memref<128x128xf32, #tpu.memory_space<hbm>>
        %dma_start3A_154 = arith.constant 0 : i32
        %dma_start3A_155 = arith.constant 0 : i32
        %dma_start3A_156 = tpu.memref_slice %arg8[%run_scoped3A, %dma_start3A_154, %dma_start3A_155] : memref<2x128x128xf32, #tpu.memory_space<vmem>> -> memref<1x128x128xf32, #tpu.memory_space<vmem>>
        %dma_start3A_157 = tpu.memref_squeeze %dma_start3A_156 : memref<1x128x128xf32, #tpu.memory_space<vmem>> -> memref<128x128xf32, #tpu.memory_space<vmem>>
        %dma_start3A_158 = arith.constant 0 : i32
        %dma_start3A_159 = tpu.memref_slice %arg2[%add3A_140, %dma_start3A_158] : memref<20480x128xf32, #tpu.memory_space<hbm>> -> memref<128x128xf32, #tpu.memory_space<hbm>>
        tpu.enqueue_dma source(%dma_start3A_159 : memref<128x128xf32, #tpu.memory_space<hbm>>) target(%dma_start3A_157 : memref<128x128xf32, #tpu.memory_space<vmem>>) target_semaphore(%run_scoped3A_147 : memref<!tpu.dma_semaphore, #tpu.memory_space<semaphore_mem>>)
        %dma_wait3A_160 = arith.constant 0 : i32
        %dma_wait3A_161 = arith.constant 0 : i32
        %dma_wait3A_162 = tpu.memref_slice %arg8[%run_scoped3A, %dma_wait3A_160, %dma_wait3A_161] : memref<2x128x128xf32, #tpu.memory_space<vmem>> -> memref<1x128x128xf32, #tpu.memory_space<vmem>>
        %dma_wait3A_163 = tpu.memref_squeeze %dma_wait3A_162 : memref<1x128x128xf32, #tpu.memory_space<vmem>> -> memref<128x128xf32, #tpu.memory_space<vmem>>
        %dma_wait3A_164 = arith.constant 0 : i32
        %dma_wait3A_165 = tpu.memref_slice %arg2[%add3A_140, %dma_wait3A_164] : memref<20480x128xf32, #tpu.memory_space<hbm>> -> memref<128x128xf32, #tpu.memory_space<hbm>>
        %dma_wait3A_166 = arith.constant 0 : i32
        %dma_wait3A_167 = arith.constant 0 : i32
        %dma_wait3A_168 = tpu.memref_slice %arg8[%run_scoped3A, %dma_wait3A_166, %dma_wait3A_167] : memref<2x128x128xf32, #tpu.memory_space<vmem>> -> memref<1x128x128xf32, #tpu.memory_space<vmem>>
        %dma_wait3A_169 = tpu.memref_squeeze %dma_wait3A_168 : memref<1x128x128xf32, #tpu.memory_space<vmem>> -> memref<128x128xf32, #tpu.memory_space<vmem>>
        %dma_wait3A_170 = arith.constant 0 : i32
        %dma_wait3A_171 = tpu.memref_slice %arg2[%add3A_140, %dma_wait3A_170] : memref<20480x128xf32, #tpu.memory_space<hbm>> -> memref<128x128xf32, #tpu.memory_space<hbm>>
        tpu.wait_dma2 semaphore(%run_scoped3A_147 : memref<!tpu.dma_semaphore, #tpu.memory_space<semaphore_mem>>) src(%dma_wait3A_171 : memref<128x128xf32, #tpu.memory_space<hbm>>) dst(%dma_wait3A_169 : memref<128x128xf32, #tpu.memory_space<vmem>>)
        tpu.yield
      }) : () -> ()
      %mul3A_141 = arith.constant 640 : i32
      %mul3A_142 = arith.muli %arg1, %mul3A_141 : i32
      %mul3A_143 = arith.constant 128 : i32
      %mul3A_144 = arith.muli %scan3A_134, %mul3A_143 : i32
      %add3A_145 = arith.addi %mul3A_142, %mul3A_144 : i32
      %run_scoped3A_146 = arith.constant 0 : i32
      "tpu.region"() ({
        %run_scoped3A_147 = tpu.sem_alloc : memref<!tpu.dma_semaphore, #tpu.memory_space<semaphore_mem>>
        %dma_start3A_148 = arith.constant 0 : i32
        %dma_start3A_149 = arith.constant 0 : i32
        %dma_start3A_150 = tpu.memref_slice %arg8[%run_scoped3A_146, %dma_start3A_148, %dma_start3A_149] : memref<2x128x128xf32, #tpu.memory_space<vmem>> -> memref<1x128x128xf32, #tpu.memory_space<vmem>>
        %dma_start3A_151 = tpu.memref_squeeze %dma_start3A_150 : memref<1x128x128xf32, #tpu.memory_space<vmem>> -> memref<128x128xf32, #tpu.memory_space<vmem>>
        %dma_start3A_152 = arith.constant 0 : i32
        %dma_start3A_153 = tpu.memref_slice %arg9[%add3A_145, %dma_start3A_152] : memref<10240x128xf32, #tpu.memory_space<vmem_shared>> -> memref<128x128xf32, #tpu.memory_space<vmem_shared>>
        %dma_start3A_154 = arith.constant 0 : i32
        %dma_start3A_155 = tpu.memref_slice %arg9[%add3A_145, %dma_start3A_154] : memref<10240x128xf32, #tpu.memory_space<vmem_shared>> -> memref<128x128xf32, #tpu.memory_space<vmem_shared>>
        %dma_start3A_156 = arith.constant 0 : i32
        %dma_start3A_157 = arith.constant 0 : i32
        %dma_start3A_158 = tpu.memref_slice %arg8[%run_scoped3A_146, %dma_start3A_156, %dma_start3A_157] : memref<2x128x128xf32, #tpu.memory_space<vmem>> -> memref<1x128x128xf32, #tpu.memory_space<vmem>>
        %dma_start3A_159 = tpu.memref_squeeze %dma_start3A_158 : memref<1x128x128xf32, #tpu.memory_space<vmem>> -> memref<128x128xf32, #tpu.memory_space<vmem>>
        tpu.enqueue_dma source(%dma_start3A_159 : memref<128x128xf32, #tpu.memory_space<vmem>>) target(%dma_start3A_155 : memref<128x128xf32, #tpu.memory_space<vmem_shared>>) target_semaphore(%run_scoped3A_147 : memref<!tpu.dma_semaphore, #tpu.memory_space<semaphore_mem>>)
        %dma_wait3A_160 = arith.constant 0 : i32
        %dma_wait3A_161 = arith.constant 0 : i32
        %dma_wait3A_162 = tpu.memref_slice %arg8[%run_scoped3A_146, %dma_wait3A_160, %dma_wait3A_161] : memref<2x128x128xf32, #tpu.memory_space<vmem>> -> memref<1x128x128xf32, #tpu.memory_space<vmem>>
        %dma_wait3A_163 = tpu.memref_squeeze %dma_wait3A_162 : memref<1x128x128xf32, #tpu.memory_space<vmem>> -> memref<128x128xf32, #tpu.memory_space<vmem>>
        %dma_wait3A_164 = arith.constant 0 : i32
        %dma_wait3A_165 = tpu.memref_slice %arg9[%add3A_145, %dma_wait3A_164] : memref<10240x128xf32, #tpu.memory_space<vmem_shared>> -> memref<128x128xf32, #tpu.memory_space<vmem_shared>>
        %dma_wait3A_166 = arith.constant 0 : i32
        %dma_wait3A_167 = tpu.memref_slice %arg9[%add3A_145, %dma_wait3A_166] : memref<10240x128xf32, #tpu.memory_space<vmem_shared>> -> memref<128x128xf32, #tpu.memory_space<vmem_shared>>
        %dma_wait3A_168 = arith.constant 0 : i32
        %dma_wait3A_169 = arith.constant 0 : i32
        %dma_wait3A_170 = tpu.memref_slice %arg8[%run_scoped3A_146, %dma_wait3A_168, %dma_wait3A_169] : memref<2x128x128xf32, #tpu.memory_space<vmem>> -> memref<1x128x128xf32, #tpu.memory_space<vmem>>
        %dma_wait3A_171 = tpu.memref_squeeze %dma_wait3A_170 : memref<1x128x128xf32, #tpu.memory_space<vmem>> -> memref<128x128xf32, #tpu.memory_space<vmem>>
        tpu.wait_dma2 semaphore(%run_scoped3A_147 : memref<!tpu.dma_semaphore, #tpu.memory_space<semaphore_mem>>) src(%dma_wait3A_171 : memref<128x128xf32, #tpu.memory_space<vmem>>) dst(%dma_wait3A_167 : memref<128x128xf32, #tpu.memory_space<vmem_shared>>)
        tpu.yield
      }) : () -> ()
    }
    %scan3A_8 = arith.constant 5 : i32
    %barrier3A = arith.constant 0 : index
    tpu.barrier barrier_id(%barrier3A)
    "tpu.region"() ({
      %run_scoped3A = tpu.sem_alloc : memref<!tpu.dma_semaphore, #tpu.memory_space<semaphore_mem>>
      %dma_start3A_134 = arith.constant 0 : i32
      %dma_start3A_135 = arith.constant 0 : i32
      %dma_start3A_136 = tpu.memref_slice %arg3[%arg1, %dma_start3A_134, %dma_start3A_135] : memref<16x80x128xi32, #tpu.memory_space<hbm>> -> memref<1x80x128xi32, #tpu.memory_space<hbm>>
      %dma_start3A_137 = tpu.memref_squeeze %dma_start3A_136 : memref<1x80x128xi32, #tpu.memory_space<hbm>> -> memref<80x128xi32, #tpu.memory_space<hbm>>
      %dma_start3A_138 = arith.constant 0 : i32
      %dma_start3A_139 = arith.constant 0 : i32
      %dma_start3A_140 = tpu.memref_slice %dma_start3A_137[%dma_start3A_138, %dma_start3A_139] : memref<80x128xi32, #tpu.memory_space<hbm>> -> memref<40x128xi32, #tpu.memory_space<hbm>>
      %dma_start3A_141 = arith.constant 0 : i32
      %dma_start3A_142 = arith.constant 0 : i32
      %dma_start3A_143 = tpu.memref_slice %arg3[%arg1, %dma_start3A_141, %dma_start3A_142] : memref<16x80x128xi32, #tpu.memory_space<hbm>> -> memref<1x80x128xi32, #tpu.memory_space<hbm>>
      %dma_start3A_144 = tpu.memref_squeeze %dma_start3A_143 : memref<1x80x128xi32, #tpu.memory_space<hbm>> -> memref<80x128xi32, #tpu.memory_space<hbm>>
      %dma_start3A_145 = arith.constant 0 : i32
      %dma_start3A_146 = arith.constant 0 : i32
      %dma_start3A_147 = tpu.memref_slice %dma_start3A_144[%dma_start3A_145, %dma_start3A_146] : memref<80x128xi32, #tpu.memory_space<hbm>> -> memref<40x128xi32, #tpu.memory_space<hbm>>
      tpu.enqueue_dma source(%dma_start3A_147 : memref<40x128xi32, #tpu.memory_space<hbm>>) target(%arg6 : memref<40x128xi32, #tpu.memory_space<vmem>>) target_semaphore(%run_scoped3A : memref<!tpu.dma_semaphore, #tpu.memory_space<semaphore_mem>>)
      %dma_wait3A_148 = arith.constant 0 : i32
      %dma_wait3A_149 = arith.constant 0 : i32
      %dma_wait3A_150 = tpu.memref_slice %arg3[%arg1, %dma_wait3A_148, %dma_wait3A_149] : memref<16x80x128xi32, #tpu.memory_space<hbm>> -> memref<1x80x128xi32, #tpu.memory_space<hbm>>
      %dma_wait3A_151 = tpu.memref_squeeze %dma_wait3A_150 : memref<1x80x128xi32, #tpu.memory_space<hbm>> -> memref<80x128xi32, #tpu.memory_space<hbm>>
      %dma_wait3A_152 = arith.constant 0 : i32
      %dma_wait3A_153 = arith.constant 0 : i32
      %dma_wait3A_154 = tpu.memref_slice %dma_wait3A_151[%dma_wait3A_152, %dma_wait3A_153] : memref<80x128xi32, #tpu.memory_space<hbm>> -> memref<40x128xi32, #tpu.memory_space<hbm>>
      %dma_wait3A_155 = arith.constant 0 : i32
      %dma_wait3A_156 = arith.constant 0 : i32
      %dma_wait3A_157 = tpu.memref_slice %arg3[%arg1, %dma_wait3A_155, %dma_wait3A_156] : memref<16x80x128xi32, #tpu.memory_space<hbm>> -> memref<1x80x128xi32, #tpu.memory_space<hbm>>
      %dma_wait3A_158 = tpu.memref_squeeze %dma_wait3A_157 : memref<1x80x128xi32, #tpu.memory_space<hbm>> -> memref<80x128xi32, #tpu.memory_space<hbm>>
      %dma_wait3A_159 = arith.constant 0 : i32
      %dma_wait3A_160 = arith.constant 0 : i32
      %dma_wait3A_161 = tpu.memref_slice %dma_wait3A_158[%dma_wait3A_159, %dma_wait3A_160] : memref<80x128xi32, #tpu.memory_space<hbm>> -> memref<40x128xi32, #tpu.memory_space<hbm>>
      tpu.wait_dma2 semaphore(%run_scoped3A : memref<!tpu.dma_semaphore, #tpu.memory_space<semaphore_mem>>) src(%dma_wait3A_161 : memref<40x128xi32, #tpu.memory_space<hbm>>) dst(%arg6 : memref<40x128xi32, #tpu.memory_space<vmem>>)
      tpu.yield
    }) : () -> ()
    "tpu.region"() ({
      %run_scoped3A = tpu.sem_alloc : memref<!tpu.dma_semaphore, #tpu.memory_space<semaphore_mem>>
      %dma_start3A_134 = arith.constant 0 : i32
      %dma_start3A_135 = arith.constant 0 : i32
      %dma_start3A_136 = tpu.memref_slice %arg4[%arg1, %dma_start3A_134, %dma_start3A_135] : memref<16x80x128xi32, #tpu.memory_space<hbm>> -> memref<1x80x128xi32, #tpu.memory_space<hbm>>
      %dma_start3A_137 = tpu.memref_squeeze %dma_start3A_136 : memref<1x80x128xi32, #tpu.memory_space<hbm>> -> memref<80x128xi32, #tpu.memory_space<hbm>>
      %dma_start3A_138 = arith.constant 0 : i32
      %dma_start3A_139 = arith.constant 0 : i32
      %dma_start3A_140 = tpu.memref_slice %dma_start3A_137[%dma_start3A_138, %dma_start3A_139] : memref<80x128xi32, #tpu.memory_space<hbm>> -> memref<40x128xi32, #tpu.memory_space<hbm>>
      %dma_start3A_141 = arith.constant 0 : i32
      %dma_start3A_142 = arith.constant 0 : i32
      %dma_start3A_143 = tpu.memref_slice %arg4[%arg1, %dma_start3A_141, %dma_start3A_142] : memref<16x80x128xi32, #tpu.memory_space<hbm>> -> memref<1x80x128xi32, #tpu.memory_space<hbm>>
      %dma_start3A_144 = tpu.memref_squeeze %dma_start3A_143 : memref<1x80x128xi32, #tpu.memory_space<hbm>> -> memref<80x128xi32, #tpu.memory_space<hbm>>
      %dma_start3A_145 = arith.constant 0 : i32
      %dma_start3A_146 = arith.constant 0 : i32
      %dma_start3A_147 = tpu.memref_slice %dma_start3A_144[%dma_start3A_145, %dma_start3A_146] : memref<80x128xi32, #tpu.memory_space<hbm>> -> memref<40x128xi32, #tpu.memory_space<hbm>>
      tpu.enqueue_dma source(%dma_start3A_147 : memref<40x128xi32, #tpu.memory_space<hbm>>) target(%arg7 : memref<40x128xi32, #tpu.memory_space<vmem>>) target_semaphore(%run_scoped3A : memref<!tpu.dma_semaphore, #tpu.memory_space<semaphore_mem>>)
      %dma_wait3A_148 = arith.constant 0 : i32
      %dma_wait3A_149 = arith.constant 0 : i32
      %dma_wait3A_150 = tpu.memref_slice %arg4[%arg1, %dma_wait3A_148, %dma_wait3A_149] : memref<16x80x128xi32, #tpu.memory_space<hbm>> -> memref<1x80x128xi32, #tpu.memory_space<hbm>>
      %dma_wait3A_151 = tpu.memref_squeeze %dma_wait3A_150 : memref<1x80x128xi32, #tpu.memory_space<hbm>> -> memref<80x128xi32, #tpu.memory_space<hbm>>
      %dma_wait3A_152 = arith.constant 0 : i32
      %dma_wait3A_153 = arith.constant 0 : i32
      %dma_wait3A_154 = tpu.memref_slice %dma_wait3A_151[%dma_wait3A_152, %dma_wait3A_153] : memref<80x128xi32, #tpu.memory_space<hbm>> -> memref<40x128xi32, #tpu.memory_space<hbm>>
      %dma_wait3A_155 = arith.constant 0 : i32
      %dma_wait3A_156 = arith.constant 0 : i32
      %dma_wait3A_157 = tpu.memref_slice %arg4[%arg1, %dma_wait3A_155, %dma_wait3A_156] : memref<16x80x128xi32, #tpu.memory_space<hbm>> -> memref<1x80x128xi32, #tpu.memory_space<hbm>>
      %dma_wait3A_158 = tpu.memref_squeeze %dma_wait3A_157 : memref<1x80x128xi32, #tpu.memory_space<hbm>> -> memref<80x128xi32, #tpu.memory_space<hbm>>
      %dma_wait3A_159 = arith.constant 0 : i32
      %dma_wait3A_160 = arith.constant 0 : i32
      %dma_wait3A_161 = tpu.memref_slice %dma_wait3A_158[%dma_wait3A_159, %dma_wait3A_160] : memref<80x128xi32, #tpu.memory_space<hbm>> -> memref<40x128xi32, #tpu.memory_space<hbm>>
      tpu.wait_dma2 semaphore(%run_scoped3A : memref<!tpu.dma_semaphore, #tpu.memory_space<semaphore_mem>>) src(%dma_wait3A_161 : memref<40x128xi32, #tpu.memory_space<hbm>>) dst(%arg7 : memref<40x128xi32, #tpu.memory_space<vmem>>)
      tpu.yield
    }) : () -> ()
    %scan3A_9 = arith.constant 0 : i32
    %scan3A_10 = arith.constant 0 : i32
    %scan3A_11 = arith.constant 40 : i32
    %scan3A_12 = arith.addi %scan3A_10, %scan3A_11 : i32
    %scan3A_13 = arith.constant 1 : i32
    scf.for %scan3A_134 = %scan3A_10 to %scan3A_12 step %scan3A_13  : i32 {
      %scan3A_135 = arith.constant 0 : i32
      %scan3A_136 = arith.constant 8 : i32
      %scan3A_137 = arith.addi %scan3A_135, %scan3A_136 : i32
      %scan3A_138 = arith.constant 1 : i32
      scf.for %scan3A_140 = %scan3A_135 to %scan3A_137 step %scan3A_138  : i32 {
        %mul3A_141 = arith.constant 16 : i32
        %mul3A_142 = arith.muli %scan3A_140, %mul3A_141 : i32
        %get3A = arith.index_cast %scan3A_134 : i32 to index
        %get3A_143 = arith.index_cast %mul3A_142 : i32 to index
        %get3A_144 = tpu.vector_load %arg6[%get3A, %get3A_143] {strides = array<i32>} : memref<40x128xi32, #tpu.memory_space<vmem>>, vector<1x16xi32>,
        %get3A_145 = vector.shape_cast %get3A_144 : vector<1x16xi32> to vector<16xi32>
        %add3A_146 = vector.broadcast %mul3A_3 : i32 to vector<16xi32>
        %add3A_147 = arith.addi %get3A_145, %add3A_146 : vector<16xi32>
        %mul3A_148 = arith.constant 16 : i32
        %mul3A_149 = arith.muli %scan3A_140, %mul3A_148 : i32
        %swap3A = arith.index_cast %scan3A_134 : i32 to index
        %swap3A_150 = arith.index_cast %mul3A_149 : i32 to index
        %swap3A_151 = tpu.vector_load %arg6[%swap3A, %swap3A_150] {strides = array<i32>} : memref<40x128xi32, #tpu.memory_space<vmem>>, vector<1x16xi32>,
        %swap3A_152 = vector.shape_cast %swap3A_151 : vector<1x16xi32> to vector<16xi32>
        %swap3A_153 = vector.shape_cast %add3A_147 : vector<16xi32> to vector<1x16xi32>
        tpu.vector_store %arg6[%swap3A, %swap3A_150], %swap3A_153 {strides = array<i32>} : memref<40x128xi32, #tpu.memory_space<vmem>>, vector<1x16xi32>,
      }
      %scan3A_139 = arith.constant 8 : i32
    }
    %scan3A_14 = arith.constant 40 : i32
    %dma_start3A = arith.constant 0 : i32
    %dma_start3A_15 = arith.constant 0 : i32
    %dma_start3A_16 = arith.constant 0 : i32
    %dma_start3A_17 = arith.constant 0 : i32
    %dma_start3A_18 = tpu.memref_slice %arg8[%dma_start3A_15, %dma_start3A_16, %dma_start3A_17] : memref<2x128x128xf32, #tpu.memory_space<vmem>> -> memref<1x128x128xf32, #tpu.memory_space<vmem>>
    %dma_start3A_19 = tpu.memref_squeeze %dma_start3A_18 : memref<1x128x128xf32, #tpu.memory_space<vmem>> -> memref<128x128xf32, #tpu.memory_space<vmem>>
    %dma_start3A_20 = arith.constant 0 : i32
    %dma_start3A_21 = tpu.memref_slice %arg6[%dma_start3A, %dma_start3A_20] : memref<40x128xi32, #tpu.memory_space<vmem>> -> memref<1x128xi32, #tpu.memory_space<vmem>>
    %dma_start3A_22 = tpu.memref_squeeze %dma_start3A_21 : memref<1x128xi32, #tpu.memory_space<vmem>> -> memref<128xi32, #tpu.memory_space<vmem>>
    %dma_start3A_23 = arith.constant 0 : i32
    %dma_start3A_24 = arith.constant 0 : i32
    %dma_start3A_25 = tpu.memref_slice %arg2[%dma_start3A_23, %dma_start3A_24] : memref<20480x128xf32, #tpu.memory_space<hbm>> -> memref<20480x128xf32, #tpu.memory_space<hbm>>
    tpu.enqueue_indirect_dma source(%dma_start3A_25 : memref<20480x128xf32, #tpu.memory_space<hbm>>) target(%dma_start3A_19 : memref<128x128xf32, #tpu.memory_space<vmem>>) offsets(%dma_start3A_22 : memref<128xi32, #tpu.memory_space<vmem>>) semaphore(%arg10 : memref<!tpu.dma_semaphore, #tpu.memory_space<semaphore_mem>>)
    %dma_start3A_26 = arith.constant 1 : i32
    %dma_start3A_27 = arith.constant 1 : i32
    %dma_start3A_28 = arith.constant 0 : i32
    %dma_start3A_29 = arith.constant 0 : i32
    %dma_start3A_30 = tpu.memref_slice %arg8[%dma_start3A_27, %dma_start3A_28, %dma_start3A_29] : memref<2x128x128xf32, #tpu.memory_space<vmem>> -> memref<1x128x128xf32, #tpu.memory_space<vmem>>
    %dma_start3A_31 = tpu.memref_squeeze %dma_start3A_30 : memref<1x128x128xf32, #tpu.memory_space<vmem>> -> memref<128x128xf32, #tpu.memory_space<vmem>>
    %dma_start3A_32 = arith.constant 0 : i32
    %dma_start3A_33 = tpu.memref_slice %arg6[%dma_start3A_26, %dma_start3A_32] : memref<40x128xi32, #tpu.memory_space<vmem>> -> memref<1x128xi32, #tpu.memory_space<vmem>>
    %dma_start3A_34 = tpu.memref_squeeze %dma_start3A_33 : memref<1x128xi32, #tpu.memory_space<vmem>> -> memref<128xi32, #tpu.memory_space<vmem>>
    %dma_start3A_35 = arith.constant 0 : i32
    %dma_start3A_36 = arith.constant 0 : i32
    %dma_start3A_37 = tpu.memref_slice %arg2[%dma_start3A_35, %dma_start3A_36] : memref<20480x128xf32, #tpu.memory_space<hbm>> -> memref<20480x128xf32, #tpu.memory_space<hbm>>
    tpu.enqueue_indirect_dma source(%dma_start3A_37 : memref<20480x128xf32, #tpu.memory_space<hbm>>) target(%dma_start3A_31 : memref<128x128xf32, #tpu.memory_space<vmem>>) offsets(%dma_start3A_34 : memref<128xi32, #tpu.memory_space<vmem>>) semaphore(%arg11 : memref<!tpu.dma_semaphore, #tpu.memory_space<semaphore_mem>>)
    %scan3A_38 = arith.constant 0 : i32
    %scan3A_39 = arith.constant 0 : i32
    %scan3A_40 = arith.constant 20 : i32
    %scan3A_41 = arith.addi %scan3A_39, %scan3A_40 : i32
    %scan3A_42 = arith.constant 1 : i32
    scf.for %scan3A_134 = %scan3A_39 to %scan3A_41 step %scan3A_42  : i32 {
      %mul3A_135 = arith.constant 2 : i32
      %mul3A_136 = arith.muli %mul3A_135, %scan3A_134 : i32
      %add3A_137 = arith.constant 1 : i32
      %add3A_138 = arith.addi %mul3A_136, %add3A_137 : i32
      %dma_wait3A_139 = arith.constant 0 : i32
      %dma_wait3A_140 = arith.constant 0 : i32
      %dma_wait3A_141 = arith.constant 0 : i32
      %dma_wait3A_142 = tpu.memref_slice %arg8[%dma_wait3A_139, %dma_wait3A_140, %dma_wait3A_141] : memref<2x128x128xf32, #tpu.memory_space<vmem>> -> memref<1x128x128xf32, #tpu.memory_space<vmem>>
      %dma_wait3A_143 = tpu.memref_squeeze %dma_wait3A_142 : memref<1x128x128xf32, #tpu.memory_space<vmem>> -> memref<128x128xf32, #tpu.memory_space<vmem>>
      %dma_wait3A_144 = arith.constant 0 : i32
      %dma_wait3A_145 = tpu.memref_slice %arg6[%mul3A_136, %dma_wait3A_144] : memref<40x128xi32, #tpu.memory_space<vmem>> -> memref<1x128xi32, #tpu.memory_space<vmem>>
      %dma_wait3A_146 = tpu.memref_squeeze %dma_wait3A_145 : memref<1x128xi32, #tpu.memory_space<vmem>> -> memref<128xi32, #tpu.memory_space<vmem>>
      %dma_wait3A_147 = arith.constant 0 : i32
      %dma_wait3A_148 = arith.constant 0 : i32
      %dma_wait3A_149 = tpu.memref_slice %arg2[%dma_wait3A_147, %dma_wait3A_148] : memref<20480x128xf32, #tpu.memory_space<hbm>> -> memref<20480x128xf32, #tpu.memory_space<hbm>>
      tpu.wait_indirect_dma semaphore(%arg10 : memref<!tpu.dma_semaphore, #tpu.memory_space<semaphore_mem>>) src(%dma_wait3A_149 : memref<20480x128xf32, #tpu.memory_space<hbm>>) dst(%dma_wait3A_143 : memref<128x128xf32, #tpu.memory_space<vmem>>)
      %dma_start3A_150 = arith.constant 0 : i32
      %dma_start3A_151 = arith.constant 0 : i32
      %dma_start3A_152 = arith.constant 0 : i32
      %dma_start3A_153 = tpu.memref_slice %arg8[%dma_start3A_150, %dma_start3A_151, %dma_start3A_152] : memref<2x128x128xf32, #tpu.memory_space<vmem>> -> memref<1x128x128xf32, #tpu.memory_space<vmem>>
      %dma_start3A_154 = tpu.memref_squeeze %dma_start3A_153 : memref<1x128x128xf32, #tpu.memory_space<vmem>> -> memref<128x128xf32, #tpu.memory_space<vmem>>
      %dma_start3A_155 = arith.constant 0 : i32
      %dma_start3A_156 = tpu.memref_slice %arg7[%mul3A_136, %dma_start3A_155] : memref<40x128xi32, #tpu.memory_space<vmem>> -> memref<1x128xi32, #tpu.memory_space<vmem>>
      %dma_start3A_157 = tpu.memref_squeeze %dma_start3A_156 : memref<1x128xi32, #tpu.memory_space<vmem>> -> memref<128xi32, #tpu.memory_space<vmem>>
      %dma_start3A_158 = arith.constant 0 : i32
      %dma_start3A_159 = arith.constant 0 : i32
      %dma_start3A_160 = tpu.memref_slice %arg9[%dma_start3A_158, %dma_start3A_159] : memref<10240x128xf32, #tpu.memory_space<vmem_shared>> -> memref<10240x128xf32, #tpu.memory_space<vmem_shared>>
      tpu.enqueue_indirect_dma source(%dma_start3A_154 : memref<128x128xf32, #tpu.memory_space<vmem>>) target(%dma_start3A_160 : memref<10240x128xf32, #tpu.memory_space<vmem_shared>>) offsets(%dma_start3A_157 : memref<128xi32, #tpu.memory_space<vmem>>) semaphore(%arg12 : memref<!tpu.dma_semaphore, #tpu.memory_space<semaphore_mem>>) {add = true}
      %dma_wait3A_161 = arith.constant 1 : i32
      %dma_wait3A_162 = arith.constant 0 : i32
      %dma_wait3A_163 = arith.constant 0 : i32
      %dma_wait3A_164 = tpu.memref_slice %arg8[%dma_wait3A_161, %dma_wait3A_162, %dma_wait3A_163] : memref<2x128x128xf32, #tpu.memory_space<vmem>> -> memref<1x128x128xf32, #tpu.memory_space<vmem>>
      %dma_wait3A_165 = tpu.memref_squeeze %dma_wait3A_164 : memref<1x128x128xf32, #tpu.memory_space<vmem>> -> memref<128x128xf32, #tpu.memory_space<vmem>>
      %dma_wait3A_166 = arith.constant 0 : i32
      %dma_wait3A_167 = tpu.memref_slice %arg6[%add3A_138, %dma_wait3A_166] : memref<40x128xi32, #tpu.memory_space<vmem>> -> memref<1x128xi32, #tpu.memory_space<vmem>>
      %dma_wait3A_168 = tpu.memref_squeeze %dma_wait3A_167 : memref<1x128xi32, #tpu.memory_space<vmem>> -> memref<128xi32, #tpu.memory_space<vmem>>
      %dma_wait3A_169 = arith.constant 0 : i32
      %dma_wait3A_170 = arith.constant 0 : i32
      %dma_wait3A_171 = tpu.memref_slice %arg2[%dma_wait3A_169, %dma_wait3A_170] : memref<20480x128xf32, #tpu.memory_space<hbm>> -> memref<20480x128xf32, #tpu.memory_space<hbm>>
      tpu.wait_indirect_dma semaphore(%arg11 : memref<!tpu.dma_semaphore, #tpu.memory_space<semaphore_mem>>) src(%dma_wait3A_171 : memref<20480x128xf32, #tpu.memory_space<hbm>>) dst(%dma_wait3A_165 : memref<128x128xf32, #tpu.memory_space<vmem>>)
      %dma_start3A_172 = arith.constant 1 : i32
      %dma_start3A_173 = arith.constant 0 : i32
      %dma_start3A_174 = arith.constant 0 : i32
      %dma_start3A_175 = tpu.memref_slice %arg8[%dma_start3A_172, %dma_start3A_173, %dma_start3A_174] : memref<2x128x128xf32, #tpu.memory_space<vmem>> -> memref<1x128x128xf32, #tpu.memory_space<vmem>>
      %dma_start3A_176 = tpu.memref_squeeze %dma_start3A_175 : memref<1x128x128xf32, #tpu.memory_space<vmem>> -> memref<128x128xf32, #tpu.memory_space<vmem>>
      %dma_start3A_177 = arith.constant 0 : i32
      %dma_start3A_178 = tpu.memref_slice %arg7[%add3A_138, %dma_start3A_177] : memref<40x128xi32, #tpu.memory_space<vmem>> -> memref<1x128xi32, #tpu.memory_space<vmem>>
      %dma_start3A_179 = tpu.memref_squeeze %dma_start3A_178 : memref<1x128xi32, #tpu.memory_space<vmem>> -> memref<128xi32, #tpu.memory_space<vmem>>
      %dma_start3A_180 = arith.constant 0 : i32
      %dma_start3A_181 = arith.constant 0 : i32
      %dma_start3A_182 = tpu.memref_slice %arg9[%dma_start3A_180, %dma_start3A_181] : memref<10240x128xf32, #tpu.memory_space<vmem_shared>> -> memref<10240x128xf32, #tpu.memory_space<vmem_shared>>
      tpu.enqueue_indirect_dma source(%dma_start3A_176 : memref<128x128xf32, #tpu.memory_space<vmem>>) target(%dma_start3A_182 : memref<10240x128xf32, #tpu.memory_space<vmem_shared>>) offsets(%dma_start3A_179 : memref<128xi32, #tpu.memory_space<vmem>>) semaphore(%arg13 : memref<!tpu.dma_semaphore, #tpu.memory_space<semaphore_mem>>) {add = true}
      %lt3A = arith.constant 19 : i32
      %lt3A_183 = arith.cmpi slt, %scan3A_134, %lt3A : i32
      %convert_element_type3A = arith.extui %lt3A_183 : i1 to i32
      %cond3A = arith.constant 0 : i32
      %cond3A_184 = arith.cmpi ne, %convert_element_type3A, %cond3A : i32
      scf.if %cond3A_184 {
        %dma_wait3A_185 = arith.constant 0 : i32
        %dma_wait3A_186 = arith.constant 0 : i32
        %dma_wait3A_187 = arith.constant 0 : i32
        %dma_wait3A_188 = tpu.memref_slice %arg8[%dma_wait3A_185, %dma_wait3A_186, %dma_wait3A_187] : memref<2x128x128xf32, #tpu.memory_space<vmem>> -> memref<1x128x128xf32, #tpu.memory_space<vmem>>
        %dma_wait3A_189 = tpu.memref_squeeze %dma_wait3A_188 : memref<1x128x128xf32, #tpu.memory_space<vmem>> -> memref<128x128xf32, #tpu.memory_space<vmem>>
        %dma_wait3A_190 = arith.constant 0 : i32
        %dma_wait3A_191 = tpu.memref_slice %arg7[%mul3A_136, %dma_wait3A_190] : memref<40x128xi32, #tpu.memory_space<vmem>> -> memref<1x128xi32, #tpu.memory_space<vmem>>
        %dma_wait3A_192 = tpu.memref_squeeze %dma_wait3A_191 : memref<1x128xi32, #tpu.memory_space<vmem>> -> memref<128xi32, #tpu.memory_space<vmem>>
        %dma_wait3A_193 = arith.constant 0 : i32
        %dma_wait3A_194 = arith.constant 0 : i32
        %dma_wait3A_195 = tpu.memref_slice %arg9[%dma_wait3A_193, %dma_wait3A_194] : memref<10240x128xf32, #tpu.memory_space<vmem_shared>> -> memref<10240x128xf32, #tpu.memory_space<vmem_shared>>
        tpu.wait_indirect_dma semaphore(%arg12 : memref<!tpu.dma_semaphore, #tpu.memory_space<semaphore_mem>>) src(%dma_wait3A_189 : memref<128x128xf32, #tpu.memory_space<vmem>>) dst(%dma_wait3A_195 : memref<10240x128xf32, #tpu.memory_space<vmem_shared>>)
        %add3A_196 = arith.constant 2 : i32
        %add3A_197 = arith.addi %mul3A_136, %add3A_196 : i32
        %dma_start3A_198 = arith.constant 0 : i32
        %dma_start3A_199 = arith.constant 0 : i32
        %dma_start3A_200 = arith.constant 0 : i32
        %dma_start3A_201 = tpu.memref_slice %arg8[%dma_start3A_198, %dma_start3A_199, %dma_start3A_200] : memref<2x128x128xf32, #tpu.memory_space<vmem>> -> memref<1x128x128xf32, #tpu.memory_space<vmem>>
        %dma_start3A_202 = tpu.memref_squeeze %dma_start3A_201 : memref<1x128x128xf32, #tpu.memory_space<vmem>> -> memref<128x128xf32, #tpu.memory_space<vmem>>
        %dma_start3A_203 = arith.constant 0 : i32
        %dma_start3A_204 = tpu.memref_slice %arg6[%add3A_197, %dma_start3A_203] : memref<40x128xi32, #tpu.memory_space<vmem>> -> memref<1x128xi32, #tpu.memory_space<vmem>>
        %dma_start3A_205 = tpu.memref_squeeze %dma_start3A_204 : memref<1x128xi32, #tpu.memory_space<vmem>> -> memref<128xi32, #tpu.memory_space<vmem>>
        %dma_start3A_206 = arith.constant 0 : i32
        %dma_start3A_207 = arith.constant 0 : i32
        %dma_start3A_208 = tpu.memref_slice %arg2[%dma_start3A_206, %dma_start3A_207] : memref<20480x128xf32, #tpu.memory_space<hbm>> -> memref<20480x128xf32, #tpu.memory_space<hbm>>
        tpu.enqueue_indirect_dma source(%dma_start3A_208 : memref<20480x128xf32, #tpu.memory_space<hbm>>) target(%dma_start3A_202 : memref<128x128xf32, #tpu.memory_space<vmem>>) offsets(%dma_start3A_205 : memref<128xi32, #tpu.memory_space<vmem>>) semaphore(%arg10 : memref<!tpu.dma_semaphore, #tpu.memory_space<semaphore_mem>>)
        %dma_wait3A_209 = arith.constant 1 : i32
        %dma_wait3A_210 = arith.constant 0 : i32
        %dma_wait3A_211 = arith.constant 0 : i32
        %dma_wait3A_212 = tpu.memref_slice %arg8[%dma_wait3A_209, %dma_wait3A_210, %dma_wait3A_211] : memref<2x128x128xf32, #tpu.memory_space<vmem>> -> memref<1x128x128xf32, #tpu.memory_space<vmem>>
        %dma_wait3A_213 = tpu.memref_squeeze %dma_wait3A_212 : memref<1x128x128xf32, #tpu.memory_space<vmem>> -> memref<128x128xf32, #tpu.memory_space<vmem>>
        %dma_wait3A_214 = arith.constant 0 : i32
        %dma_wait3A_215 = tpu.memref_slice %arg7[%add3A_138, %dma_wait3A_214] : memref<40x128xi32, #tpu.memory_space<vmem>> -> memref<1x128xi32, #tpu.memory_space<vmem>>
        %dma_wait3A_216 = tpu.memref_squeeze %dma_wait3A_215 : memref<1x128xi32, #tpu.memory_space<vmem>> -> memref<128xi32, #tpu.memory_space<vmem>>
        %dma_wait3A_217 = arith.constant 0 : i32
        %dma_wait3A_218 = arith.constant 0 : i32
        %dma_wait3A_219 = tpu.memref_slice %arg9[%dma_wait3A_217, %dma_wait3A_218] : memref<10240x128xf32, #tpu.memory_space<vmem_shared>> -> memref<10240x128xf32, #tpu.memory_space<vmem_shared>>
        tpu.wait_indirect_dma semaphore(%arg13 : memref<!tpu.dma_semaphore, #tpu.memory_space<semaphore_mem>>) src(%dma_wait3A_213 : memref<128x128xf32, #tpu.memory_space<vmem>>) dst(%dma_wait3A_219 : memref<10240x128xf32, #tpu.memory_space<vmem_shared>>)
        %add3A_220 = arith.constant 2 : i32
        %add3A_221 = arith.addi %add3A_138, %add3A_220 : i32
        %dma_start3A_222 = arith.constant 1 : i32
        %dma_start3A_223 = arith.constant 0 : i32
        %dma_start3A_224 = arith.constant 0 : i32
        %dma_start3A_225 = tpu.memref_slice %arg8[%dma_start3A_222, %dma_start3A_223, %dma_start3A_224] : memref<2x128x128xf32, #tpu.memory_space<vmem>> -> memref<1x128x128xf32, #tpu.memory_space<vmem>>
        %dma_start3A_226 = tpu.memref_squeeze %dma_start3A_225 : memref<1x128x128xf32, #tpu.memory_space<vmem>> -> memref<128x128xf32, #tpu.memory_space<vmem>>
        %dma_start3A_227 = arith.constant 0 : i32
        %dma_start3A_228 = tpu.memref_slice %arg6[%add3A_221, %dma_start3A_227] : memref<40x128xi32, #tpu.memory_space<vmem>> -> memref<1x128xi32, #tpu.memory_space<vmem>>
        %dma_start3A_229 = tpu.memref_squeeze %dma_start3A_228 : memref<1x128xi32, #tpu.memory_space<vmem>> -> memref<128xi32, #tpu.memory_space<vmem>>
        %dma_start3A_230 = arith.constant 0 : i32
        %dma_start3A_231 = arith.constant 0 : i32
        %dma_start3A_232 = tpu.memref_slice %arg2[%dma_start3A_230, %dma_start3A_231] : memref<20480x128xf32, #tpu.memory_space<hbm>> -> memref<20480x128xf32, #tpu.memory_space<hbm>>
        tpu.enqueue_indirect_dma source(%dma_start3A_232 : memref<20480x128xf32, #tpu.memory_space<hbm>>) target(%dma_start3A_226 : memref<128x128xf32, #tpu.memory_space<vmem>>) offsets(%dma_start3A_229 : memref<128xi32, #tpu.memory_space<vmem>>) semaphore(%arg11 : memref<!tpu.dma_semaphore, #tpu.memory_space<semaphore_mem>>)
      } else {
      }
    }
    %scan3A_43 = arith.constant 20 : i32
    %dma_wait3A = arith.constant 0 : i32
    %dma_wait3A_44 = arith.constant 38 : i32
    %dma_wait3A_45 = arith.constant 0 : i32
    %dma_wait3A_46 = arith.constant 0 : i32
    %dma_wait3A_47 = tpu.memref_slice %arg8[%dma_wait3A, %dma_wait3A_45, %dma_wait3A_46] : memref<2x128x128xf32, #tpu.memory_space<vmem>> -> memref<1x128x128xf32, #tpu.memory_space<vmem>>
    %dma_wait3A_48 = tpu.memref_squeeze %dma_wait3A_47 : memref<1x128x128xf32, #tpu.memory_space<vmem>> -> memref<128x128xf32, #tpu.memory_space<vmem>>
    %dma_wait3A_49 = arith.constant 0 : i32
    %dma_wait3A_50 = tpu.memref_slice %arg7[%dma_wait3A_44, %dma_wait3A_49] : memref<40x128xi32, #tpu.memory_space<vmem>> -> memref<1x128xi32, #tpu.memory_space<vmem>>
    %dma_wait3A_51 = tpu.memref_squeeze %dma_wait3A_50 : memref<1x128xi32, #tpu.memory_space<vmem>> -> memref<128xi32, #tpu.memory_space<vmem>>
    %dma_wait3A_52 = arith.constant 0 : i32
    %dma_wait3A_53 = arith.constant 0 : i32
    %dma_wait3A_54 = tpu.memref_slice %arg9[%dma_wait3A_52, %dma_wait3A_53] : memref<10240x128xf32, #tpu.memory_space<vmem_shared>> -> memref<10240x128xf32, #tpu.memory_space<vmem_shared>>
    tpu.wait_indirect_dma semaphore(%arg12 : memref<!tpu.dma_semaphore, #tpu.memory_space<semaphore_mem>>) src(%dma_wait3A_48 : memref<128x128xf32, #tpu.memory_space<vmem>>) dst(%dma_wait3A_54 : memref<10240x128xf32, #tpu.memory_space<vmem_shared>>)
    %dma_wait3A_55 = arith.constant 1 : i32
    %dma_wait3A_56 = arith.constant 39 : i32
    %dma_wait3A_57 = arith.constant 0 : i32
    %dma_wait3A_58 = arith.constant 0 : i32
    %dma_wait3A_59 = tpu.memref_slice %arg8[%dma_wait3A_55, %dma_wait3A_57, %dma_wait3A_58] : memref<2x128x128xf32, #tpu.memory_space<vmem>> -> memref<1x128x128xf32, #tpu.memory_space<vmem>>
    %dma_wait3A_60 = tpu.memref_squeeze %dma_wait3A_59 : memref<1x128x128xf32, #tpu.memory_space<vmem>> -> memref<128x128xf32, #tpu.memory_space<vmem>>
    %dma_wait3A_61 = arith.constant 0 : i32
    %dma_wait3A_62 = tpu.memref_slice %arg7[%dma_wait3A_56, %dma_wait3A_61] : memref<40x128xi32, #tpu.memory_space<vmem>> -> memref<1x128xi32, #tpu.memory_space<vmem>>
    %dma_wait3A_63 = tpu.memref_squeeze %dma_wait3A_62 : memref<1x128xi32, #tpu.memory_space<vmem>> -> memref<128xi32, #tpu.memory_space<vmem>>
    %dma_wait3A_64 = arith.constant 0 : i32
    %dma_wait3A_65 = arith.constant 0 : i32
    %dma_wait3A_66 = tpu.memref_slice %arg9[%dma_wait3A_64, %dma_wait3A_65] : memref<10240x128xf32, #tpu.memory_space<vmem_shared>> -> memref<10240x128xf32, #tpu.memory_space<vmem_shared>>
    tpu.wait_indirect_dma semaphore(%arg13 : memref<!tpu.dma_semaphore, #tpu.memory_space<semaphore_mem>>) src(%dma_wait3A_60 : memref<128x128xf32, #tpu.memory_space<vmem>>) dst(%dma_wait3A_66 : memref<10240x128xf32, #tpu.memory_space<vmem_shared>>)
    "tpu.region"() ({
      %run_scoped3A = tpu.sem_alloc : memref<!tpu.dma_semaphore, #tpu.memory_space<semaphore_mem>>
      %dma_start3A_134 = arith.constant 0 : i32
      %dma_start3A_135 = arith.constant 0 : i32
      %dma_start3A_136 = tpu.memref_slice %arg3[%arg1, %dma_start3A_134, %dma_start3A_135] : memref<16x80x128xi32, #tpu.memory_space<hbm>> -> memref<1x80x128xi32, #tpu.memory_space<hbm>>
      %dma_start3A_137 = tpu.memref_squeeze %dma_start3A_136 : memref<1x80x128xi32, #tpu.memory_space<hbm>> -> memref<80x128xi32, #tpu.memory_space<hbm>>
      %dma_start3A_138 = arith.constant 40 : i32
      %dma_start3A_139 = arith.constant 0 : i32
      %dma_start3A_140 = tpu.memref_slice %dma_start3A_137[%dma_start3A_138, %dma_start3A_139] : memref<80x128xi32, #tpu.memory_space<hbm>> -> memref<40x128xi32, #tpu.memory_space<hbm>>
      %dma_start3A_141 = arith.constant 0 : i32
      %dma_start3A_142 = arith.constant 0 : i32
      %dma_start3A_143 = tpu.memref_slice %arg3[%arg1, %dma_start3A_141, %dma_start3A_142] : memref<16x80x128xi32, #tpu.memory_space<hbm>> -> memref<1x80x128xi32, #tpu.memory_space<hbm>>
      %dma_start3A_144 = tpu.memref_squeeze %dma_start3A_143 : memref<1x80x128xi32, #tpu.memory_space<hbm>> -> memref<80x128xi32, #tpu.memory_space<hbm>>
      %dma_start3A_145 = arith.constant 40 : i32
      %dma_start3A_146 = arith.constant 0 : i32
      %dma_start3A_147 = tpu.memref_slice %dma_start3A_144[%dma_start3A_145, %dma_start3A_146] : memref<80x128xi32, #tpu.memory_space<hbm>> -> memref<40x128xi32, #tpu.memory_space<hbm>>
      tpu.enqueue_dma source(%dma_start3A_147 : memref<40x128xi32, #tpu.memory_space<hbm>>) target(%arg6 : memref<40x128xi32, #tpu.memory_space<vmem>>) target_semaphore(%run_scoped3A : memref<!tpu.dma_semaphore, #tpu.memory_space<semaphore_mem>>)
      %dma_wait3A_148 = arith.constant 0 : i32
      %dma_wait3A_149 = arith.constant 0 : i32
      %dma_wait3A_150 = tpu.memref_slice %arg3[%arg1, %dma_wait3A_148, %dma_wait3A_149] : memref<16x80x128xi32, #tpu.memory_space<hbm>> -> memref<1x80x128xi32, #tpu.memory_space<hbm>>
      %dma_wait3A_151 = tpu.memref_squeeze %dma_wait3A_150 : memref<1x80x128xi32, #tpu.memory_space<hbm>> -> memref<80x128xi32, #tpu.memory_space<hbm>>
      %dma_wait3A_152 = arith.constant 40 : i32
      %dma_wait3A_153 = arith.constant 0 : i32
      %dma_wait3A_154 = tpu.memref_slice %dma_wait3A_151[%dma_wait3A_152, %dma_wait3A_153] : memref<80x128xi32, #tpu.memory_space<hbm>> -> memref<40x128xi32, #tpu.memory_space<hbm>>
      %dma_wait3A_155 = arith.constant 0 : i32
      %dma_wait3A_156 = arith.constant 0 : i32
      %dma_wait3A_157 = tpu.memref_slice %arg3[%arg1, %dma_wait3A_155, %dma_wait3A_156] : memref<16x80x128xi32, #tpu.memory_space<hbm>> -> memref<1x80x128xi32, #tpu.memory_space<hbm>>
      %dma_wait3A_158 = tpu.memref_squeeze %dma_wait3A_157 : memref<1x80x128xi32, #tpu.memory_space<hbm>> -> memref<80x128xi32, #tpu.memory_space<hbm>>
      %dma_wait3A_159 = arith.constant 40 : i32
      %dma_wait3A_160 = arith.constant 0 : i32
      %dma_wait3A_161 = tpu.memref_slice %dma_wait3A_158[%dma_wait3A_159, %dma_wait3A_160] : memref<80x128xi32, #tpu.memory_space<hbm>> -> memref<40x128xi32, #tpu.memory_space<hbm>>
      tpu.wait_dma2 semaphore(%run_scoped3A : memref<!tpu.dma_semaphore, #tpu.memory_space<semaphore_mem>>) src(%dma_wait3A_161 : memref<40x128xi32, #tpu.memory_space<hbm>>) dst(%arg6 : memref<40x128xi32, #tpu.memory_space<vmem>>)
      tpu.yield
    }) : () -> ()
    "tpu.region"() ({
      %run_scoped3A = tpu.sem_alloc : memref<!tpu.dma_semaphore, #tpu.memory_space<semaphore_mem>>
      %dma_start3A_134 = arith.constant 0 : i32
      %dma_start3A_135 = arith.constant 0 : i32
      %dma_start3A_136 = tpu.memref_slice %arg4[%arg1, %dma_start3A_134, %dma_start3A_135] : memref<16x80x128xi32, #tpu.memory_space<hbm>> -> memref<1x80x128xi32, #tpu.memory_space<hbm>>
      %dma_start3A_137 = tpu.memref_squeeze %dma_start3A_136 : memref<1x80x128xi32, #tpu.memory_space<hbm>> -> memref<80x128xi32, #tpu.memory_space<hbm>>
      %dma_start3A_138 = arith.constant 40 : i32
      %dma_start3A_139 = arith.constant 0 : i32
      %dma_start3A_140 = tpu.memref_slice %dma_start3A_137[%dma_start3A_138, %dma_start3A_139] : memref<80x128xi32, #tpu.memory_space<hbm>> -> memref<40x128xi32, #tpu.memory_space<hbm>>
      %dma_start3A_141 = arith.constant 0 : i32
      %dma_start3A_142 = arith.constant 0 : i32
      %dma_start3A_143 = tpu.memref_slice %arg4[%arg1, %dma_start3A_141, %dma_start3A_142] : memref<16x80x128xi32, #tpu.memory_space<hbm>> -> memref<1x80x128xi32, #tpu.memory_space<hbm>>
      %dma_start3A_144 = tpu.memref_squeeze %dma_start3A_143 : memref<1x80x128xi32, #tpu.memory_space<hbm>> -> memref<80x128xi32, #tpu.memory_space<hbm>>
      %dma_start3A_145 = arith.constant 40 : i32
      %dma_start3A_146 = arith.constant 0 : i32
      %dma_start3A_147 = tpu.memref_slice %dma_start3A_144[%dma_start3A_145, %dma_start3A_146] : memref<80x128xi32, #tpu.memory_space<hbm>> -> memref<40x128xi32, #tpu.memory_space<hbm>>
      tpu.enqueue_dma source(%dma_start3A_147 : memref<40x128xi32, #tpu.memory_space<hbm>>) target(%arg7 : memref<40x128xi32, #tpu.memory_space<vmem>>) target_semaphore(%run_scoped3A : memref<!tpu.dma_semaphore, #tpu.memory_space<semaphore_mem>>)
      %dma_wait3A_148 = arith.constant 0 : i32
      %dma_wait3A_149 = arith.constant 0 : i32
      %dma_wait3A_150 = tpu.memref_slice %arg4[%arg1, %dma_wait3A_148, %dma_wait3A_149] : memref<16x80x128xi32, #tpu.memory_space<hbm>> -> memref<1x80x128xi32, #tpu.memory_space<hbm>>
      %dma_wait3A_151 = tpu.memref_squeeze %dma_wait3A_150 : memref<1x80x128xi32, #tpu.memory_space<hbm>> -> memref<80x128xi32, #tpu.memory_space<hbm>>
      %dma_wait3A_152 = arith.constant 40 : i32
      %dma_wait3A_153 = arith.constant 0 : i32
      %dma_wait3A_154 = tpu.memref_slice %dma_wait3A_151[%dma_wait3A_152, %dma_wait3A_153] : memref<80x128xi32, #tpu.memory_space<hbm>> -> memref<40x128xi32, #tpu.memory_space<hbm>>
      %dma_wait3A_155 = arith.constant 0 : i32
      %dma_wait3A_156 = arith.constant 0 : i32
      %dma_wait3A_157 = tpu.memref_slice %arg4[%arg1, %dma_wait3A_155, %dma_wait3A_156] : memref<16x80x128xi32, #tpu.memory_space<hbm>> -> memref<1x80x128xi32, #tpu.memory_space<hbm>>
      %dma_wait3A_158 = tpu.memref_squeeze %dma_wait3A_157 : memref<1x80x128xi32, #tpu.memory_space<hbm>> -> memref<80x128xi32, #tpu.memory_space<hbm>>
      %dma_wait3A_159 = arith.constant 40 : i32
      %dma_wait3A_160 = arith.constant 0 : i32
      %dma_wait3A_161 = tpu.memref_slice %dma_wait3A_158[%dma_wait3A_159, %dma_wait3A_160] : memref<80x128xi32, #tpu.memory_space<hbm>> -> memref<40x128xi32, #tpu.memory_space<hbm>>
      tpu.wait_dma2 semaphore(%run_scoped3A : memref<!tpu.dma_semaphore, #tpu.memory_space<semaphore_mem>>) src(%dma_wait3A_161 : memref<40x128xi32, #tpu.memory_space<hbm>>) dst(%arg7 : memref<40x128xi32, #tpu.memory_space<vmem>>)
      tpu.yield
    }) : () -> ()
    %scan3A_67 = arith.constant 0 : i32
    %scan3A_68 = arith.constant 0 : i32
    %scan3A_69 = arith.constant 40 : i32
    %scan3A_70 = arith.addi %scan3A_68, %scan3A_69 : i32
    %scan3A_71 = arith.constant 1 : i32
    scf.for %scan3A_134 = %scan3A_68 to %scan3A_70 step %scan3A_71  : i32 {
      %scan3A_135 = arith.constant 0 : i32
      %scan3A_136 = arith.constant 8 : i32
      %scan3A_137 = arith.addi %scan3A_135, %scan3A_136 : i32
      %scan3A_138 = arith.constant 1 : i32
      scf.for %scan3A_140 = %scan3A_135 to %scan3A_137 step %scan3A_138  : i32 {
        %mul3A_141 = arith.constant 16 : i32
        %mul3A_142 = arith.muli %scan3A_140, %mul3A_141 : i32
        %get3A = arith.index_cast %scan3A_134 : i32 to index
        %get3A_143 = arith.index_cast %mul3A_142 : i32 to index
        %get3A_144 = tpu.vector_load %arg6[%get3A, %get3A_143] {strides = array<i32>} : memref<40x128xi32, #tpu.memory_space<vmem>>, vector<1x16xi32>,
        %get3A_145 = vector.shape_cast %get3A_144 : vector<1x16xi32> to vector<16xi32>
        %add3A_146 = vector.broadcast %mul3A_3 : i32 to vector<16xi32>
        %add3A_147 = arith.addi %get3A_145, %add3A_146 : vector<16xi32>
        %mul3A_148 = arith.constant 16 : i32
        %mul3A_149 = arith.muli %scan3A_140, %mul3A_148 : i32
        %swap3A = arith.index_cast %scan3A_134 : i32 to index
        %swap3A_150 = arith.index_cast %mul3A_149 : i32 to index
        %swap3A_151 = tpu.vector_load %arg6[%swap3A, %swap3A_150] {strides = array<i32>} : memref<40x128xi32, #tpu.memory_space<vmem>>, vector<1x16xi32>,
        %swap3A_152 = vector.shape_cast %swap3A_151 : vector<1x16xi32> to vector<16xi32>
        %swap3A_153 = vector.shape_cast %add3A_147 : vector<16xi32> to vector<1x16xi32>
        tpu.vector_store %arg6[%swap3A, %swap3A_150], %swap3A_153 {strides = array<i32>} : memref<40x128xi32, #tpu.memory_space<vmem>>, vector<1x16xi32>,
      }
      %scan3A_139 = arith.constant 8 : i32
    }
    %scan3A_72 = arith.constant 40 : i32
    %dma_start3A_73 = arith.constant 0 : i32
    %dma_start3A_74 = arith.constant 0 : i32
    %dma_start3A_75 = arith.constant 0 : i32
    %dma_start3A_76 = arith.constant 0 : i32
    %dma_start3A_77 = tpu.memref_slice %arg8[%dma_start3A_74, %dma_start3A_75, %dma_start3A_76] : memref<2x128x128xf32, #tpu.memory_space<vmem>> -> memref<1x128x128xf32, #tpu.memory_space<vmem>>
    %dma_start3A_78 = tpu.memref_squeeze %dma_start3A_77 : memref<1x128x128xf32, #tpu.memory_space<vmem>> -> memref<128x128xf32, #tpu.memory_space<vmem>>
    %dma_start3A_79 = arith.constant 0 : i32
    %dma_start3A_80 = tpu.memref_slice %arg6[%dma_start3A_73, %dma_start3A_79] : memref<40x128xi32, #tpu.memory_space<vmem>> -> memref<1x128xi32, #tpu.memory_space<vmem>>
    %dma_start3A_81 = tpu.memref_squeeze %dma_start3A_80 : memref<1x128xi32, #tpu.memory_space<vmem>> -> memref<128xi32, #tpu.memory_space<vmem>>
    %dma_start3A_82 = arith.constant 0 : i32
    %dma_start3A_83 = arith.constant 0 : i32
    %dma_start3A_84 = tpu.memref_slice %arg2[%dma_start3A_82, %dma_start3A_83] : memref<20480x128xf32, #tpu.memory_space<hbm>> -> memref<20480x128xf32, #tpu.memory_space<hbm>>
    tpu.enqueue_indirect_dma source(%dma_start3A_84 : memref<20480x128xf32, #tpu.memory_space<hbm>>) target(%dma_start3A_78 : memref<128x128xf32, #tpu.memory_space<vmem>>) offsets(%dma_start3A_81 : memref<128xi32, #tpu.memory_space<vmem>>) semaphore(%arg10 : memref<!tpu.dma_semaphore, #tpu.memory_space<semaphore_mem>>)
    %dma_start3A_85 = arith.constant 1 : i32
    %dma_start3A_86 = arith.constant 1 : i32
    %dma_start3A_87 = arith.constant 0 : i32
    %dma_start3A_88 = arith.constant 0 : i32
    %dma_start3A_89 = tpu.memref_slice %arg8[%dma_start3A_86, %dma_start3A_87, %dma_start3A_88] : memref<2x128x128xf32, #tpu.memory_space<vmem>> -> memref<1x128x128xf32, #tpu.memory_space<vmem>>
    %dma_start3A_90 = tpu.memref_squeeze %dma_start3A_89 : memref<1x128x128xf32, #tpu.memory_space<vmem>> -> memref<128x128xf32, #tpu.memory_space<vmem>>
    %dma_start3A_91 = arith.constant 0 : i32
    %dma_start3A_92 = tpu.memref_slice %arg6[%dma_start3A_85, %dma_start3A_91] : memref<40x128xi32, #tpu.memory_space<vmem>> -> memref<1x128xi32, #tpu.memory_space<vmem>>
    %dma_start3A_93 = tpu.memref_squeeze %dma_start3A_92 : memref<1x128xi32, #tpu.memory_space<vmem>> -> memref<128xi32, #tpu.memory_space<vmem>>
    %dma_start3A_94 = arith.constant 0 : i32
    %dma_start3A_95 = arith.constant 0 : i32
    %dma_start3A_96 = tpu.memref_slice %arg2[%dma_start3A_94, %dma_start3A_95] : memref<20480x128xf32, #tpu.memory_space<hbm>> -> memref<20480x128xf32, #tpu.memory_space<hbm>>
    tpu.enqueue_indirect_dma source(%dma_start3A_96 : memref<20480x128xf32, #tpu.memory_space<hbm>>) target(%dma_start3A_90 : memref<128x128xf32, #tpu.memory_space<vmem>>) offsets(%dma_start3A_93 : memref<128xi32, #tpu.memory_space<vmem>>) semaphore(%arg11 : memref<!tpu.dma_semaphore, #tpu.memory_space<semaphore_mem>>)
    %scan3A_97 = arith.constant 0 : i32
    %scan3A_98 = arith.constant 0 : i32
    %scan3A_99 = arith.constant 20 : i32
    %scan3A_100 = arith.addi %scan3A_98, %scan3A_99 : i32
    %scan3A_101 = arith.constant 1 : i32
    scf.for %scan3A_134 = %scan3A_98 to %scan3A_100 step %scan3A_101  : i32 {
      %mul3A_135 = arith.constant 2 : i32
      %mul3A_136 = arith.muli %mul3A_135, %scan3A_134 : i32
      %add3A_137 = arith.constant 1 : i32
      %add3A_138 = arith.addi %mul3A_136, %add3A_137 : i32
      %dma_wait3A_139 = arith.constant 0 : i32
      %dma_wait3A_140 = arith.constant 0 : i32
      %dma_wait3A_141 = arith.constant 0 : i32
      %dma_wait3A_142 = tpu.memref_slice %arg8[%dma_wait3A_139, %dma_wait3A_140, %dma_wait3A_141] : memref<2x128x128xf32, #tpu.memory_space<vmem>> -> memref<1x128x128xf32, #tpu.memory_space<vmem>>
      %dma_wait3A_143 = tpu.memref_squeeze %dma_wait3A_142 : memref<1x128x128xf32, #tpu.memory_space<vmem>> -> memref<128x128xf32, #tpu.memory_space<vmem>>
      %dma_wait3A_144 = arith.constant 0 : i32
      %dma_wait3A_145 = tpu.memref_slice %arg6[%mul3A_136, %dma_wait3A_144] : memref<40x128xi32, #tpu.memory_space<vmem>> -> memref<1x128xi32, #tpu.memory_space<vmem>>
      %dma_wait3A_146 = tpu.memref_squeeze %dma_wait3A_145 : memref<1x128xi32, #tpu.memory_space<vmem>> -> memref<128xi32, #tpu.memory_space<vmem>>
      %dma_wait3A_147 = arith.constant 0 : i32
      %dma_wait3A_148 = arith.constant 0 : i32
      %dma_wait3A_149 = tpu.memref_slice %arg2[%dma_wait3A_147, %dma_wait3A_148] : memref<20480x128xf32, #tpu.memory_space<hbm>> -> memref<20480x128xf32, #tpu.memory_space<hbm>>
      tpu.wait_indirect_dma semaphore(%arg10 : memref<!tpu.dma_semaphore, #tpu.memory_space<semaphore_mem>>) src(%dma_wait3A_149 : memref<20480x128xf32, #tpu.memory_space<hbm>>) dst(%dma_wait3A_143 : memref<128x128xf32, #tpu.memory_space<vmem>>)
      %dma_start3A_150 = arith.constant 0 : i32
      %dma_start3A_151 = arith.constant 0 : i32
      %dma_start3A_152 = arith.constant 0 : i32
      %dma_start3A_153 = tpu.memref_slice %arg8[%dma_start3A_150, %dma_start3A_151, %dma_start3A_152] : memref<2x128x128xf32, #tpu.memory_space<vmem>> -> memref<1x128x128xf32, #tpu.memory_space<vmem>>
      %dma_start3A_154 = tpu.memref_squeeze %dma_start3A_153 : memref<1x128x128xf32, #tpu.memory_space<vmem>> -> memref<128x128xf32, #tpu.memory_space<vmem>>
      %dma_start3A_155 = arith.constant 0 : i32
      %dma_start3A_156 = tpu.memref_slice %arg7[%mul3A_136, %dma_start3A_155] : memref<40x128xi32, #tpu.memory_space<vmem>> -> memref<1x128xi32, #tpu.memory_space<vmem>>
      %dma_start3A_157 = tpu.memref_squeeze %dma_start3A_156 : memref<1x128xi32, #tpu.memory_space<vmem>> -> memref<128xi32, #tpu.memory_space<vmem>>
      %dma_start3A_158 = arith.constant 0 : i32
      %dma_start3A_159 = arith.constant 0 : i32
      %dma_start3A_160 = tpu.memref_slice %arg9[%dma_start3A_158, %dma_start3A_159] : memref<10240x128xf32, #tpu.memory_space<vmem_shared>> -> memref<10240x128xf32, #tpu.memory_space<vmem_shared>>
      tpu.enqueue_indirect_dma source(%dma_start3A_154 : memref<128x128xf32, #tpu.memory_space<vmem>>) target(%dma_start3A_160 : memref<10240x128xf32, #tpu.memory_space<vmem_shared>>) offsets(%dma_start3A_157 : memref<128xi32, #tpu.memory_space<vmem>>) semaphore(%arg12 : memref<!tpu.dma_semaphore, #tpu.memory_space<semaphore_mem>>) {add = true}
      %dma_wait3A_161 = arith.constant 1 : i32
      %dma_wait3A_162 = arith.constant 0 : i32
      %dma_wait3A_163 = arith.constant 0 : i32
      %dma_wait3A_164 = tpu.memref_slice %arg8[%dma_wait3A_161, %dma_wait3A_162, %dma_wait3A_163] : memref<2x128x128xf32, #tpu.memory_space<vmem>> -> memref<1x128x128xf32, #tpu.memory_space<vmem>>
      %dma_wait3A_165 = tpu.memref_squeeze %dma_wait3A_164 : memref<1x128x128xf32, #tpu.memory_space<vmem>> -> memref<128x128xf32, #tpu.memory_space<vmem>>
      %dma_wait3A_166 = arith.constant 0 : i32
      %dma_wait3A_167 = tpu.memref_slice %arg6[%add3A_138, %dma_wait3A_166] : memref<40x128xi32, #tpu.memory_space<vmem>> -> memref<1x128xi32, #tpu.memory_space<vmem>>
      %dma_wait3A_168 = tpu.memref_squeeze %dma_wait3A_167 : memref<1x128xi32, #tpu.memory_space<vmem>> -> memref<128xi32, #tpu.memory_space<vmem>>
      %dma_wait3A_169 = arith.constant 0 : i32
      %dma_wait3A_170 = arith.constant 0 : i32
      %dma_wait3A_171 = tpu.memref_slice %arg2[%dma_wait3A_169, %dma_wait3A_170] : memref<20480x128xf32, #tpu.memory_space<hbm>> -> memref<20480x128xf32, #tpu.memory_space<hbm>>
      tpu.wait_indirect_dma semaphore(%arg11 : memref<!tpu.dma_semaphore, #tpu.memory_space<semaphore_mem>>) src(%dma_wait3A_171 : memref<20480x128xf32, #tpu.memory_space<hbm>>) dst(%dma_wait3A_165 : memref<128x128xf32, #tpu.memory_space<vmem>>)
      %dma_start3A_172 = arith.constant 1 : i32
      %dma_start3A_173 = arith.constant 0 : i32
      %dma_start3A_174 = arith.constant 0 : i32
      %dma_start3A_175 = tpu.memref_slice %arg8[%dma_start3A_172, %dma_start3A_173, %dma_start3A_174] : memref<2x128x128xf32, #tpu.memory_space<vmem>> -> memref<1x128x128xf32, #tpu.memory_space<vmem>>
      %dma_start3A_176 = tpu.memref_squeeze %dma_start3A_175 : memref<1x128x128xf32, #tpu.memory_space<vmem>> -> memref<128x128xf32, #tpu.memory_space<vmem>>
      %dma_start3A_177 = arith.constant 0 : i32
      %dma_start3A_178 = tpu.memref_slice %arg7[%add3A_138, %dma_start3A_177] : memref<40x128xi32, #tpu.memory_space<vmem>> -> memref<1x128xi32, #tpu.memory_space<vmem>>
      %dma_start3A_179 = tpu.memref_squeeze %dma_start3A_178 : memref<1x128xi32, #tpu.memory_space<vmem>> -> memref<128xi32, #tpu.memory_space<vmem>>
      %dma_start3A_180 = arith.constant 0 : i32
      %dma_start3A_181 = arith.constant 0 : i32
      %dma_start3A_182 = tpu.memref_slice %arg9[%dma_start3A_180, %dma_start3A_181] : memref<10240x128xf32, #tpu.memory_space<vmem_shared>> -> memref<10240x128xf32, #tpu.memory_space<vmem_shared>>
      tpu.enqueue_indirect_dma source(%dma_start3A_176 : memref<128x128xf32, #tpu.memory_space<vmem>>) target(%dma_start3A_182 : memref<10240x128xf32, #tpu.memory_space<vmem_shared>>) offsets(%dma_start3A_179 : memref<128xi32, #tpu.memory_space<vmem>>) semaphore(%arg13 : memref<!tpu.dma_semaphore, #tpu.memory_space<semaphore_mem>>) {add = true}
      %lt3A = arith.constant 19 : i32
      %lt3A_183 = arith.cmpi slt, %scan3A_134, %lt3A : i32
      %convert_element_type3A = arith.extui %lt3A_183 : i1 to i32
      %cond3A = arith.constant 0 : i32
      %cond3A_184 = arith.cmpi ne, %convert_element_type3A, %cond3A : i32
      scf.if %cond3A_184 {
        %dma_wait3A_185 = arith.constant 0 : i32
        %dma_wait3A_186 = arith.constant 0 : i32
        %dma_wait3A_187 = arith.constant 0 : i32
        %dma_wait3A_188 = tpu.memref_slice %arg8[%dma_wait3A_185, %dma_wait3A_186, %dma_wait3A_187] : memref<2x128x128xf32, #tpu.memory_space<vmem>> -> memref<1x128x128xf32, #tpu.memory_space<vmem>>
        %dma_wait3A_189 = tpu.memref_squeeze %dma_wait3A_188 : memref<1x128x128xf32, #tpu.memory_space<vmem>> -> memref<128x128xf32, #tpu.memory_space<vmem>>
        %dma_wait3A_190 = arith.constant 0 : i32
        %dma_wait3A_191 = tpu.memref_slice %arg7[%mul3A_136, %dma_wait3A_190] : memref<40x128xi32, #tpu.memory_space<vmem>> -> memref<1x128xi32, #tpu.memory_space<vmem>>
        %dma_wait3A_192 = tpu.memref_squeeze %dma_wait3A_191 : memref<1x128xi32, #tpu.memory_space<vmem>> -> memref<128xi32, #tpu.memory_space<vmem>>
        %dma_wait3A_193 = arith.constant 0 : i32
        %dma_wait3A_194 = arith.constant 0 : i32
        %dma_wait3A_195 = tpu.memref_slice %arg9[%dma_wait3A_193, %dma_wait3A_194] : memref<10240x128xf32, #tpu.memory_space<vmem_shared>> -> memref<10240x128xf32, #tpu.memory_space<vmem_shared>>
        tpu.wait_indirect_dma semaphore(%arg12 : memref<!tpu.dma_semaphore, #tpu.memory_space<semaphore_mem>>) src(%dma_wait3A_189 : memref<128x128xf32, #tpu.memory_space<vmem>>) dst(%dma_wait3A_195 : memref<10240x128xf32, #tpu.memory_space<vmem_shared>>)
        %add3A_196 = arith.constant 2 : i32
        %add3A_197 = arith.addi %mul3A_136, %add3A_196 : i32
        %dma_start3A_198 = arith.constant 0 : i32
        %dma_start3A_199 = arith.constant 0 : i32
        %dma_start3A_200 = arith.constant 0 : i32
        %dma_start3A_201 = tpu.memref_slice %arg8[%dma_start3A_198, %dma_start3A_199, %dma_start3A_200] : memref<2x128x128xf32, #tpu.memory_space<vmem>> -> memref<1x128x128xf32, #tpu.memory_space<vmem>>
        %dma_start3A_202 = tpu.memref_squeeze %dma_start3A_201 : memref<1x128x128xf32, #tpu.memory_space<vmem>> -> memref<128x128xf32, #tpu.memory_space<vmem>>
        %dma_start3A_203 = arith.constant 0 : i32
        %dma_start3A_204 = tpu.memref_slice %arg6[%add3A_197, %dma_start3A_203] : memref<40x128xi32, #tpu.memory_space<vmem>> -> memref<1x128xi32, #tpu.memory_space<vmem>>
        %dma_start3A_205 = tpu.memref_squeeze %dma_start3A_204 : memref<1x128xi32, #tpu.memory_space<vmem>> -> memref<128xi32, #tpu.memory_space<vmem>>
        %dma_start3A_206 = arith.constant 0 : i32
        %dma_start3A_207 = arith.constant 0 : i32
        %dma_start3A_208 = tpu.memref_slice %arg2[%dma_start3A_206, %dma_start3A_207] : memref<20480x128xf32, #tpu.memory_space<hbm>> -> memref<20480x128xf32, #tpu.memory_space<hbm>>
        tpu.enqueue_indirect_dma source(%dma_start3A_208 : memref<20480x128xf32, #tpu.memory_space<hbm>>) target(%dma_start3A_202 : memref<128x128xf32, #tpu.memory_space<vmem>>) offsets(%dma_start3A_205 : memref<128xi32, #tpu.memory_space<vmem>>) semaphore(%arg10 : memref<!tpu.dma_semaphore, #tpu.memory_space<semaphore_mem>>)
        %dma_wait3A_209 = arith.constant 1 : i32
        %dma_wait3A_210 = arith.constant 0 : i32
        %dma_wait3A_211 = arith.constant 0 : i32
        %dma_wait3A_212 = tpu.memref_slice %arg8[%dma_wait3A_209, %dma_wait3A_210, %dma_wait3A_211] : memref<2x128x128xf32, #tpu.memory_space<vmem>> -> memref<1x128x128xf32, #tpu.memory_space<vmem>>
        %dma_wait3A_213 = tpu.memref_squeeze %dma_wait3A_212 : memref<1x128x128xf32, #tpu.memory_space<vmem>> -> memref<128x128xf32, #tpu.memory_space<vmem>>
        %dma_wait3A_214 = arith.constant 0 : i32
        %dma_wait3A_215 = tpu.memref_slice %arg7[%add3A_138, %dma_wait3A_214] : memref<40x128xi32, #tpu.memory_space<vmem>> -> memref<1x128xi32, #tpu.memory_space<vmem>>
        %dma_wait3A_216 = tpu.memref_squeeze %dma_wait3A_215 : memref<1x128xi32, #tpu.memory_space<vmem>> -> memref<128xi32, #tpu.memory_space<vmem>>
        %dma_wait3A_217 = arith.constant 0 : i32
        %dma_wait3A_218 = arith.constant 0 : i32
        %dma_wait3A_219 = tpu.memref_slice %arg9[%dma_wait3A_217, %dma_wait3A_218] : memref<10240x128xf32, #tpu.memory_space<vmem_shared>> -> memref<10240x128xf32, #tpu.memory_space<vmem_shared>>
        tpu.wait_indirect_dma semaphore(%arg13 : memref<!tpu.dma_semaphore, #tpu.memory_space<semaphore_mem>>) src(%dma_wait3A_213 : memref<128x128xf32, #tpu.memory_space<vmem>>) dst(%dma_wait3A_219 : memref<10240x128xf32, #tpu.memory_space<vmem_shared>>)
        %add3A_220 = arith.constant 2 : i32
        %add3A_221 = arith.addi %add3A_138, %add3A_220 : i32
        %dma_start3A_222 = arith.constant 1 : i32
        %dma_start3A_223 = arith.constant 0 : i32
        %dma_start3A_224 = arith.constant 0 : i32
        %dma_start3A_225 = tpu.memref_slice %arg8[%dma_start3A_222, %dma_start3A_223, %dma_start3A_224] : memref<2x128x128xf32, #tpu.memory_space<vmem>> -> memref<1x128x128xf32, #tpu.memory_space<vmem>>
        %dma_start3A_226 = tpu.memref_squeeze %dma_start3A_225 : memref<1x128x128xf32, #tpu.memory_space<vmem>> -> memref<128x128xf32, #tpu.memory_space<vmem>>
        %dma_start3A_227 = arith.constant 0 : i32
        %dma_start3A_228 = tpu.memref_slice %arg6[%add3A_221, %dma_start3A_227] : memref<40x128xi32, #tpu.memory_space<vmem>> -> memref<1x128xi32, #tpu.memory_space<vmem>>
        %dma_start3A_229 = tpu.memref_squeeze %dma_start3A_228 : memref<1x128xi32, #tpu.memory_space<vmem>> -> memref<128xi32, #tpu.memory_space<vmem>>
        %dma_start3A_230 = arith.constant 0 : i32
        %dma_start3A_231 = arith.constant 0 : i32
        %dma_start3A_232 = tpu.memref_slice %arg2[%dma_start3A_230, %dma_start3A_231] : memref<20480x128xf32, #tpu.memory_space<hbm>> -> memref<20480x128xf32, #tpu.memory_space<hbm>>
        tpu.enqueue_indirect_dma source(%dma_start3A_232 : memref<20480x128xf32, #tpu.memory_space<hbm>>) target(%dma_start3A_226 : memref<128x128xf32, #tpu.memory_space<vmem>>) offsets(%dma_start3A_229 : memref<128xi32, #tpu.memory_space<vmem>>) semaphore(%arg11 : memref<!tpu.dma_semaphore, #tpu.memory_space<semaphore_mem>>)
      } else {
      }
    }
    %scan3A_102 = arith.constant 20 : i32
    %dma_wait3A_103 = arith.constant 0 : i32
    %dma_wait3A_104 = arith.constant 38 : i32
    %dma_wait3A_105 = arith.constant 0 : i32
    %dma_wait3A_106 = arith.constant 0 : i32
    %dma_wait3A_107 = tpu.memref_slice %arg8[%dma_wait3A_103, %dma_wait3A_105, %dma_wait3A_106] : memref<2x128x128xf32, #tpu.memory_space<vmem>> -> memref<1x128x128xf32, #tpu.memory_space<vmem>>
    %dma_wait3A_108 = tpu.memref_squeeze %dma_wait3A_107 : memref<1x128x128xf32, #tpu.memory_space<vmem>> -> memref<128x128xf32, #tpu.memory_space<vmem>>
    %dma_wait3A_109 = arith.constant 0 : i32
    %dma_wait3A_110 = tpu.memref_slice %arg7[%dma_wait3A_104, %dma_wait3A_109] : memref<40x128xi32, #tpu.memory_space<vmem>> -> memref<1x128xi32, #tpu.memory_space<vmem>>
    %dma_wait3A_111 = tpu.memref_squeeze %dma_wait3A_110 : memref<1x128xi32, #tpu.memory_space<vmem>> -> memref<128xi32, #tpu.memory_space<vmem>>
    %dma_wait3A_112 = arith.constant 0 : i32
    %dma_wait3A_113 = arith.constant 0 : i32
    %dma_wait3A_114 = tpu.memref_slice %arg9[%dma_wait3A_112, %dma_wait3A_113] : memref<10240x128xf32, #tpu.memory_space<vmem_shared>> -> memref<10240x128xf32, #tpu.memory_space<vmem_shared>>
    tpu.wait_indirect_dma semaphore(%arg12 : memref<!tpu.dma_semaphore, #tpu.memory_space<semaphore_mem>>) src(%dma_wait3A_108 : memref<128x128xf32, #tpu.memory_space<vmem>>) dst(%dma_wait3A_114 : memref<10240x128xf32, #tpu.memory_space<vmem_shared>>)
    %dma_wait3A_115 = arith.constant 1 : i32
    %dma_wait3A_116 = arith.constant 39 : i32
    %dma_wait3A_117 = arith.constant 0 : i32
    %dma_wait3A_118 = arith.constant 0 : i32
    %dma_wait3A_119 = tpu.memref_slice %arg8[%dma_wait3A_115, %dma_wait3A_117, %dma_wait3A_118] : memref<2x128x128xf32, #tpu.memory_space<vmem>> -> memref<1x128x128xf32, #tpu.memory_space<vmem>>
    %dma_wait3A_120 = tpu.memref_squeeze %dma_wait3A_119 : memref<1x128x128xf32, #tpu.memory_space<vmem>> -> memref<128x128xf32, #tpu.memory_space<vmem>>
    %dma_wait3A_121 = arith.constant 0 : i32
    %dma_wait3A_122 = tpu.memref_slice %arg7[%dma_wait3A_116, %dma_wait3A_121] : memref<40x128xi32, #tpu.memory_space<vmem>> -> memref<1x128xi32, #tpu.memory_space<vmem>>
    %dma_wait3A_123 = tpu.memref_squeeze %dma_wait3A_122 : memref<1x128xi32, #tpu.memory_space<vmem>> -> memref<128xi32, #tpu.memory_space<vmem>>
    %dma_wait3A_124 = arith.constant 0 : i32
    %dma_wait3A_125 = arith.constant 0 : i32
    %dma_wait3A_126 = tpu.memref_slice %arg9[%dma_wait3A_124, %dma_wait3A_125] : memref<10240x128xf32, #tpu.memory_space<vmem_shared>> -> memref<10240x128xf32, #tpu.memory_space<vmem_shared>>
    tpu.wait_indirect_dma semaphore(%arg13 : memref<!tpu.dma_semaphore, #tpu.memory_space<semaphore_mem>>) src(%dma_wait3A_120 : memref<128x128xf32, #tpu.memory_space<vmem>>) dst(%dma_wait3A_126 : memref<10240x128xf32, #tpu.memory_space<vmem_shared>>)
    %barrier3A_127 = arith.constant 0 : index
    tpu.barrier barrier_id(%barrier3A_127)
    %scan3A_128 = arith.constant 0 : i32
    %scan3A_129 = arith.constant 0 : i32
    %scan3A_130 = arith.constant 5 : i32
    %scan3A_131 = arith.addi %scan3A_129, %scan3A_130 : i32
    %scan3A_132 = arith.constant 1 : i32
    scf.for %scan3A_134 = %scan3A_129 to %scan3A_131 step %scan3A_132  : i32 {
      %mul3A_135 = arith.constant 640 : i32
      %mul3A_136 = arith.muli %arg1, %mul3A_135 : i32
      %mul3A_137 = arith.constant 128 : i32
      %mul3A_138 = arith.muli %scan3A_134, %mul3A_137 : i32
      %add3A_139 = arith.addi %mul3A_136, %mul3A_138 : i32
      %run_scoped3A = arith.constant 0 : i32
      "tpu.region"() ({
        %run_scoped3A_147 = tpu.sem_alloc : memref<!tpu.dma_semaphore, #tpu.memory_space<semaphore_mem>>
        %dma_start3A_148 = arith.constant 0 : i32
        %dma_start3A_149 = arith.constant 0 : i32
        %dma_start3A_150 = tpu.memref_slice %arg8[%run_scoped3A, %dma_start3A_148, %dma_start3A_149] : memref<2x128x128xf32, #tpu.memory_space<vmem>> -> memref<1x128x128xf32, #tpu.memory_space<vmem>>
        %dma_start3A_151 = tpu.memref_squeeze %dma_start3A_150 : memref<1x128x128xf32, #tpu.memory_space<vmem>> -> memref<128x128xf32, #tpu.memory_space<vmem>>
        %dma_start3A_152 = arith.constant 0 : i32
        %dma_start3A_153 = tpu.memref_slice %arg9[%add3A_139, %dma_start3A_152] : memref<10240x128xf32, #tpu.memory_space<vmem_shared>> -> memref<128x128xf32, #tpu.memory_space<vmem_shared>>
        %dma_start3A_154 = arith.constant 0 : i32
        %dma_start3A_155 = arith.constant 0 : i32
        %dma_start3A_156 = tpu.memref_slice %arg8[%run_scoped3A, %dma_start3A_154, %dma_start3A_155] : memref<2x128x128xf32, #tpu.memory_space<vmem>> -> memref<1x128x128xf32, #tpu.memory_space<vmem>>
        %dma_start3A_157 = tpu.memref_squeeze %dma_start3A_156 : memref<1x128x128xf32, #tpu.memory_space<vmem>> -> memref<128x128xf32, #tpu.memory_space<vmem>>
        %dma_start3A_158 = arith.constant 0 : i32
        %dma_start3A_159 = tpu.memref_slice %arg9[%add3A_139, %dma_start3A_158] : memref<10240x128xf32, #tpu.memory_space<vmem_shared>> -> memref<128x128xf32, #tpu.memory_space<vmem_shared>>
        tpu.enqueue_dma source(%dma_start3A_159 : memref<128x128xf32, #tpu.memory_space<vmem_shared>>) target(%dma_start3A_157 : memref<128x128xf32, #tpu.memory_space<vmem>>) target_semaphore(%run_scoped3A_147 : memref<!tpu.dma_semaphore, #tpu.memory_space<semaphore_mem>>)
        %dma_wait3A_160 = arith.constant 0 : i32
        %dma_wait3A_161 = arith.constant 0 : i32
        %dma_wait3A_162 = tpu.memref_slice %arg8[%run_scoped3A, %dma_wait3A_160, %dma_wait3A_161] : memref<2x128x128xf32, #tpu.memory_space<vmem>> -> memref<1x128x128xf32, #tpu.memory_space<vmem>>
        %dma_wait3A_163 = tpu.memref_squeeze %dma_wait3A_162 : memref<1x128x128xf32, #tpu.memory_space<vmem>> -> memref<128x128xf32, #tpu.memory_space<vmem>>
        %dma_wait3A_164 = arith.constant 0 : i32
        %dma_wait3A_165 = tpu.memref_slice %arg9[%add3A_139, %dma_wait3A_164] : memref<10240x128xf32, #tpu.memory_space<vmem_shared>> -> memref<128x128xf32, #tpu.memory_space<vmem_shared>>
        %dma_wait3A_166 = arith.constant 0 : i32
        %dma_wait3A_167 = arith.constant 0 : i32
        %dma_wait3A_168 = tpu.memref_slice %arg8[%run_scoped3A, %dma_wait3A_166, %dma_wait3A_167] : memref<2x128x128xf32, #tpu.memory_space<vmem>> -> memref<1x128x128xf32, #tpu.memory_space<vmem>>
        %dma_wait3A_169 = tpu.memref_squeeze %dma_wait3A_168 : memref<1x128x128xf32, #tpu.memory_space<vmem>> -> memref<128x128xf32, #tpu.memory_space<vmem>>
        %dma_wait3A_170 = arith.constant 0 : i32
        %dma_wait3A_171 = tpu.memref_slice %arg9[%add3A_139, %dma_wait3A_170] : memref<10240x128xf32, #tpu.memory_space<vmem_shared>> -> memref<128x128xf32, #tpu.memory_space<vmem_shared>>
        tpu.wait_dma2 semaphore(%run_scoped3A_147 : memref<!tpu.dma_semaphore, #tpu.memory_space<semaphore_mem>>) src(%dma_wait3A_171 : memref<128x128xf32, #tpu.memory_space<vmem_shared>>) dst(%dma_wait3A_169 : memref<128x128xf32, #tpu.memory_space<vmem>>)
        tpu.yield
      }) : () -> ()
      %mul3A_140 = arith.constant 640 : i32
      %mul3A_141 = arith.muli %arg1, %mul3A_140 : i32
      %add3A_142 = arith.addi %mul3A_3, %mul3A_141 : i32
      %mul3A_143 = arith.constant 128 : i32
      %mul3A_144 = arith.muli %scan3A_134, %mul3A_143 : i32
      %add3A_145 = arith.addi %add3A_142, %mul3A_144 : i32
      %run_scoped3A_146 = arith.constant 0 : i32
      "tpu.region"() ({
        %run_scoped3A_147 = tpu.sem_alloc : memref<!tpu.dma_semaphore, #tpu.memory_space<semaphore_mem>>
        %dma_start3A_148 = arith.constant 0 : i32
        %dma_start3A_149 = arith.constant 0 : i32
        %dma_start3A_150 = tpu.memref_slice %arg8[%run_scoped3A_146, %dma_start3A_148, %dma_start3A_149] : memref<2x128x128xf32, #tpu.memory_space<vmem>> -> memref<1x128x128xf32, #tpu.memory_space<vmem>>
        %dma_start3A_151 = tpu.memref_squeeze %dma_start3A_150 : memref<1x128x128xf32, #tpu.memory_space<vmem>> -> memref<128x128xf32, #tpu.memory_space<vmem>>
        %dma_start3A_152 = arith.constant 0 : i32
        %dma_start3A_153 = tpu.memref_slice %arg5[%add3A_145, %dma_start3A_152] : memref<20480x128xf32, #tpu.memory_space<hbm>> -> memref<128x128xf32, #tpu.memory_space<hbm>>
        %dma_start3A_154 = arith.constant 0 : i32
        %dma_start3A_155 = tpu.memref_slice %arg5[%add3A_145, %dma_start3A_154] : memref<20480x128xf32, #tpu.memory_space<hbm>> -> memref<128x128xf32, #tpu.memory_space<hbm>>
        %dma_start3A_156 = arith.constant 0 : i32
        %dma_start3A_157 = arith.constant 0 : i32
        %dma_start3A_158 = tpu.memref_slice %arg8[%run_scoped3A_146, %dma_start3A_156, %dma_start3A_157] : memref<2x128x128xf32, #tpu.memory_space<vmem>> -> memref<1x128x128xf32, #tpu.memory_space<vmem>>
        %dma_start3A_159 = tpu.memref_squeeze %dma_start3A_158 : memref<1x128x128xf32, #tpu.memory_space<vmem>> -> memref<128x128xf32, #tpu.memory_space<vmem>>
        tpu.enqueue_dma source(%dma_start3A_159 : memref<128x128xf32, #tpu.memory_space<vmem>>) target(%dma_start3A_155 : memref<128x128xf32, #tpu.memory_space<hbm>>) target_semaphore(%run_scoped3A_147 : memref<!tpu.dma_semaphore, #tpu.memory_space<semaphore_mem>>)
        %dma_wait3A_160 = arith.constant 0 : i32
        %dma_wait3A_161 = arith.constant 0 : i32
        %dma_wait3A_162 = tpu.memref_slice %arg8[%run_scoped3A_146, %dma_wait3A_160, %dma_wait3A_161] : memref<2x128x128xf32, #tpu.memory_space<vmem>> -> memref<1x128x128xf32, #tpu.memory_space<vmem>>
        %dma_wait3A_163 = tpu.memref_squeeze %dma_wait3A_162 : memref<1x128x128xf32, #tpu.memory_space<vmem>> -> memref<128x128xf32, #tpu.memory_space<vmem>>
        %dma_wait3A_164 = arith.constant 0 : i32
        %dma_wait3A_165 = tpu.memref_slice %arg5[%add3A_145, %dma_wait3A_164] : memref<20480x128xf32, #tpu.memory_space<hbm>> -> memref<128x128xf32, #tpu.memory_space<hbm>>
        %dma_wait3A_166 = arith.constant 0 : i32
        %dma_wait3A_167 = tpu.memref_slice %arg5[%add3A_145, %dma_wait3A_166] : memref<20480x128xf32, #tpu.memory_space<hbm>> -> memref<128x128xf32, #tpu.memory_space<hbm>>
        %dma_wait3A_168 = arith.constant 0 : i32
        %dma_wait3A_169 = arith.constant 0 : i32
        %dma_wait3A_170 = tpu.memref_slice %arg8[%run_scoped3A_146, %dma_wait3A_168, %dma_wait3A_169] : memref<2x128x128xf32, #tpu.memory_space<vmem>> -> memref<1x128x128xf32, #tpu.memory_space<vmem>>
        %dma_wait3A_171 = tpu.memref_squeeze %dma_wait3A_170 : memref<1x128x128xf32, #tpu.memory_space<vmem>> -> memref<128x128xf32, #tpu.memory_space<vmem>>
        tpu.wait_dma2 semaphore(%run_scoped3A_147 : memref<!tpu.dma_semaphore, #tpu.memory_space<semaphore_mem>>) src(%dma_wait3A_171 : memref<128x128xf32, #tpu.memory_space<vmem>>) dst(%dma_wait3A_167 : memref<128x128xf32, #tpu.memory_space<hbm>>)
        tpu.yield
      }) : () -> ()
    }
    %scan3A_133 = arith.constant 5 : i32
    return
  }
}

module attributes {stable_mosaic.version = 14 : i64} {
  func.func @_k0_body(%arg0: i32, %arg1: memref<2x1000x128xf32, #tpu.memory_space<vmem>>, %arg2: memref<1000x256xf32, #tpu.memory_space<vmem>>, %arg3: memref<2x1000x128xf32, #tpu.memory_space<vmem>>) attributes {dimension_semantics = [#tpu.dimension_semantics<arbitrary>], iteration_bounds = array<i64: 10>, scalar_prefetch = 0 : i64, scratch_operands = 0 : i64, tpu.core_type = #tpu.core_type<tc>, window_params = [{transform_indices = @transform_0, window_bounds = array<i64: 2, 1000, 128>}, {transform_indices = @transform_1, window_bounds = array<i64: 1000, 256>}, {transform_indices = @transform_2, window_bounds = array<i64: 2, 1000, 128>}]} {
    %get3A = arith.constant 0 : index
    %get3A_0 = arith.constant 0 : index
    %get3A_1 = arith.constant 0 : index
    %get3A_2 = vector.load %arg1[%get3A, %get3A_0, %get3A_1] : memref<2x1000x128xf32, #tpu.memory_space<vmem>>, vector<1x1000x128xf32>
    %get3A_3 = vector.shape_cast %get3A_2 : vector<1x1000x128xf32> to vector<1000x128xf32>
    %get3A_4 = arith.constant 1 : index
    %get3A_5 = arith.constant 0 : index
    %get3A_6 = arith.constant 0 : index
    %get3A_7 = vector.load %arg1[%get3A_4, %get3A_5, %get3A_6] : memref<2x1000x128xf32, #tpu.memory_space<vmem>>, vector<1x1000x128xf32>
    %get3A_8 = vector.shape_cast %get3A_7 : vector<1x1000x128xf32> to vector<1000x128xf32>
    %add3A = arith.addf %get3A_3, %get3A_8 : vector<1000x128xf32>
    %reduce_sum3A = arith.constant dense<0.000000e+00> : vector<1000xf32>
    %reduce_sum3A_9 = vector.multi_reduction <add>, %add3A, %reduce_sum3A [1] : vector<1000x128xf32> to vector<1000xf32>
    %mul3A = arith.constant 7.812500e-03 : f32
    %mul3A_10 = vector.broadcast %mul3A : f32 to vector<1000xf32>
    %mul3A_11 = arith.mulf %reduce_sum3A_9, %mul3A_10 : vector<1000xf32>
    %add3A_12 = arith.constant 1.000000e+00 : f32
    %add3A_13 = vector.broadcast %add3A_12 : f32 to vector<1000xf32>
    %add3A_14 = arith.addf %mul3A_11, %add3A_13 : vector<1000xf32>
    %sqrt3A = math.sqrt %add3A_14 : vector<1000xf32>
    %div3A = arith.constant 1.000000e+00 : f32
    %div3A_15 = vector.broadcast %div3A : f32 to vector<1000xf32>
    %div3A_16 = arith.divf %div3A_15, %sqrt3A : vector<1000xf32>
    %get3A_17 = arith.constant 0 : index
    %get3A_18 = arith.constant 0 : index
    %get3A_19 = vector.load %arg2[%get3A_17, %get3A_18] : memref<1000x256xf32, #tpu.memory_space<vmem>>, vector<1000x256xf32>
    %broadcast_in_dim3A = vector.shape_cast %div3A_16 : vector<1000xf32> to vector<1000x1xf32>
    %mul3A_20 = vector.broadcast %broadcast_in_dim3A : vector<1000x1xf32> to vector<1000x256xf32>
    %mul3A_21 = arith.mulf %get3A_19, %mul3A_20 : vector<1000x256xf32>
    %slice3A = vector.extract_strided_slice %mul3A_21 {offsets = [0, 0], sizes = [1000, 128], strides = [1, 1]} : vector<1000x256xf32> to vector<1000x128xf32>
    %swap3A = arith.constant 0 : index
    %swap3A_22 = arith.constant 0 : index
    %swap3A_23 = arith.constant 0 : index
    %swap3A_24 = vector.load %arg3[%swap3A, %swap3A_22, %swap3A_23] : memref<2x1000x128xf32, #tpu.memory_space<vmem>>, vector<1x1000x128xf32>
    %swap3A_25 = vector.shape_cast %swap3A_24 : vector<1x1000x128xf32> to vector<1000x128xf32>
    %swap3A_26 = vector.shape_cast %slice3A : vector<1000x128xf32> to vector<1x1000x128xf32>
    tpu.vector_store %arg3[%swap3A, %swap3A_22, %swap3A_23], %swap3A_26 {strides = array<i32>} : memref<2x1000x128xf32, #tpu.memory_space<vmem>>, vector<1x1000x128xf32>,
    %slice3A_27 = vector.extract_strided_slice %mul3A_21 {offsets = [0, 128], sizes = [1000, 128], strides = [1, 1]} : vector<1000x256xf32> to vector<1000x128xf32>
    %swap3A_28 = arith.constant 1 : index
    %swap3A_29 = arith.constant 0 : index
    %swap3A_30 = arith.constant 0 : index
    %swap3A_31 = vector.load %arg3[%swap3A_28, %swap3A_29, %swap3A_30] : memref<2x1000x128xf32, #tpu.memory_space<vmem>>, vector<1x1000x128xf32>
    %swap3A_32 = vector.shape_cast %swap3A_31 : vector<1x1000x128xf32> to vector<1000x128xf32>
    %swap3A_33 = vector.shape_cast %slice3A_27 : vector<1000x128xf32> to vector<1x1000x128xf32>
    tpu.vector_store %arg3[%swap3A_28, %swap3A_29, %swap3A_30], %swap3A_33 {strides = array<i32>} : memref<2x1000x128xf32, #tpu.memory_space<vmem>>, vector<1x1000x128xf32>,
    return
  }
  func.func @transform_0(%arg0: i32) -> (i32, i32, i32) {
    %c0_i32 = arith.constant 0 : i32
    %c0_i32_0 = arith.constant 0 : i32
    %c0_i32_1 = arith.constant 0 : i32
    return %c0_i32, %arg0, %c0_i32_0 : i32, i32, i32
  }
  func.func @transform_1(%arg0: i32) -> (i32, i32) {
    %c0_i32 = arith.constant 0 : i32
    %c0_i32_0 = arith.constant 0 : i32
    return %arg0, %c0_i32 : i32, i32
  }
  func.func @transform_2(%arg0: i32) -> (i32, i32, i32) {
    %c0_i32 = arith.constant 0 : i32
    %c0_i32_0 = arith.constant 0 : i32
    %c0_i32_1 = arith.constant 0 : i32
    return %c0_i32, %arg0, %c0_i32_0 : i32, i32, i32
  }
}

module attributes {stable_mosaic.version = 14 : i64} {
  func.func @_ka_body(%arg0: i32, %arg1: memref<2x1000x128xf32, #tpu.memory_space<vmem>>, %arg2: memref<2x1000x128xf32, #tpu.memory_space<vmem>>, %arg3: memref<256x512xf32, #tpu.memory_space<vmem>>, %arg4: memref<1x512xf32, #tpu.memory_space<vmem>>, %arg5: memref<512x512xf32, #tpu.memory_space<vmem>>, %arg6: memref<4x1000x128xf32, #tpu.memory_space<vmem>>) attributes {dimension_semantics = [#tpu.dimension_semantics<arbitrary>], iteration_bounds = array<i64: 10>, scalar_prefetch = 0 : i64, scratch_operands = 0 : i64, tpu.core_type = #tpu.core_type<tc>, window_params = [{transform_indices = @transform_0, window_bounds = array<i64: 2, 1000, 128>}, {transform_indices = @transform_1, window_bounds = array<i64: 2, 1000, 128>}, {pipeline_mode = #tpu.pipeline_mode<synchronous>, transform_indices = @transform_2, window_bounds = array<i64: 256, 512>}, {pipeline_mode = #tpu.pipeline_mode<synchronous>, transform_indices = @transform_3, window_bounds = array<i64: 1, 512>}, {pipeline_mode = #tpu.pipeline_mode<synchronous>, transform_indices = @transform_4, window_bounds = array<i64: 512, 512>}, {transform_indices = @transform_5, window_bounds = array<i64: 4, 1000, 128>}]} {
    %get3A = arith.constant 0 : index
    %get3A_0 = arith.constant 0 : index
    %get3A_1 = arith.constant 0 : index
    %get3A_2 = vector.load %arg1[%get3A, %get3A_0, %get3A_1] : memref<2x1000x128xf32, #tpu.memory_space<vmem>>, vector<1x1000x128xf32>
    %get3A_3 = vector.shape_cast %get3A_2 : vector<1x1000x128xf32> to vector<1000x128xf32>
    %get3A_4 = arith.constant 1 : index
    %get3A_5 = arith.constant 0 : index
    %get3A_6 = arith.constant 0 : index
    %get3A_7 = vector.load %arg1[%get3A_4, %get3A_5, %get3A_6] : memref<2x1000x128xf32, #tpu.memory_space<vmem>>, vector<1x1000x128xf32>
    %get3A_8 = vector.shape_cast %get3A_7 : vector<1x1000x128xf32> to vector<1000x128xf32>
    %add3A = arith.addf %get3A_3, %get3A_8 : vector<1000x128xf32>
    %reduce_sum3A = arith.constant dense<0.000000e+00> : vector<1000xf32>
    %reduce_sum3A_9 = vector.multi_reduction <add>, %add3A, %reduce_sum3A [1] : vector<1000x128xf32> to vector<1000xf32>
    %mul3A = arith.constant 7.812500e-03 : f32
    %mul3A_10 = vector.broadcast %mul3A : f32 to vector<1000xf32>
    %mul3A_11 = arith.mulf %reduce_sum3A_9, %mul3A_10 : vector<1000xf32>
    %add3A_12 = arith.constant 1.000000e+00 : f32
    %add3A_13 = vector.broadcast %add3A_12 : f32 to vector<1000xf32>
    %add3A_14 = arith.addf %mul3A_11, %add3A_13 : vector<1000xf32>
    %sqrt3A = math.sqrt %add3A_14 : vector<1000xf32>
    %div3A = arith.constant 1.000000e+00 : f32
    %div3A_15 = vector.broadcast %div3A : f32 to vector<1000xf32>
    %div3A_16 = arith.divf %div3A_15, %sqrt3A : vector<1000xf32>
    %get3A_17 = arith.constant 0 : index
    %get3A_18 = arith.constant 0 : index
    %get3A_19 = arith.constant 0 : index
    %get3A_20 = vector.load %arg2[%get3A_17, %get3A_18, %get3A_19] : memref<2x1000x128xf32, #tpu.memory_space<vmem>>, vector<1x1000x128xf32>
    %get3A_21 = vector.shape_cast %get3A_20 : vector<1x1000x128xf32> to vector<1000x128xf32>
    %get3A_22 = arith.constant 1 : index
    %get3A_23 = arith.constant 0 : index
    %get3A_24 = arith.constant 0 : index
    %get3A_25 = vector.load %arg2[%get3A_22, %get3A_23, %get3A_24] : memref<2x1000x128xf32, #tpu.memory_space<vmem>>, vector<1x1000x128xf32>
    %get3A_26 = vector.shape_cast %get3A_25 : vector<1x1000x128xf32> to vector<1000x128xf32>
    %concatenate3A = tpu.concatenate %get3A_21, %get3A_26 in 1 : vector<1000x128xf32>, vector<1000x128xf32> -> vector<1000x256xf32>
    %broadcast_in_dim3A = vector.shape_cast %div3A_16 : vector<1000xf32> to vector<1000x1xf32>
    %mul3A_27 = vector.broadcast %broadcast_in_dim3A : vector<1000x1xf32> to vector<1000x256xf32>
    %mul3A_28 = arith.mulf %concatenate3A, %mul3A_27 : vector<1000x256xf32>
    %convert_element_type3A = arith.truncf %mul3A_28 : vector<1000x256xf32> to vector<1000x256xbf16>
    %get3A_29 = arith.constant 0 : index
    %get3A_30 = arith.constant 0 : index
    %get3A_31 = vector.load %arg3[%get3A_29, %get3A_30] : memref<256x512xf32, #tpu.memory_space<vmem>>, vector<256x512xf32>
    %convert_element_type3A_32 = arith.truncf %get3A_31 : vector<256x512xf32> to vector<256x512xbf16>
    %dot_general3A = arith.constant dense<0.000000e+00> : vector<1000x512xf32>
    %dot_general3A_33 = tpu.matmul %convert_element_type3A, %convert_element_type3A_32, %dot_general3A {dimension_numbers = #tpu.dot_dimension_numbers<[1], [0], [0], [1], [0, 0, 1, 1], [], []>, transpose_lhs_hint = false} : vector<1000x256xbf16>, vector<256x512xbf16>, vector<1000x512xf32> -> vector<1000x512xf32>
    %get3A_34 = arith.constant 0 : index
    %get3A_35 = arith.constant 0 : index
    %get3A_36 = vector.load %arg4[%get3A_34, %get3A_35] : memref<1x512xf32, #tpu.memory_space<vmem>>, vector<1x512xf32>
    %add3A_37 = vector.broadcast %get3A_36 : vector<1x512xf32> to vector<1000x512xf32>
    %add3A_38 = arith.addf %dot_general3A_33, %add3A_37 : vector<1000x512xf32>
    %max3A = arith.constant 0.000000e+00 : f32
    %max3A_39 = vector.broadcast %max3A : f32 to vector<1000x512xf32>
    %max3A_40 = arith.maximumf %add3A_38, %max3A_39 : vector<1000x512xf32>
    %convert_element_type3A_41 = arith.truncf %max3A_40 : vector<1000x512xf32> to vector<1000x512xbf16>
    %get3A_42 = arith.constant 0 : index
    %get3A_43 = arith.constant 0 : index
    %get3A_44 = vector.load %arg5[%get3A_42, %get3A_43] : memref<512x512xf32, #tpu.memory_space<vmem>>, vector<512x512xf32>
    %convert_element_type3A_45 = arith.truncf %get3A_44 : vector<512x512xf32> to vector<512x512xbf16>
    %dot_general3A_46 = arith.constant dense<0.000000e+00> : vector<1000x512xf32>
    %dot_general3A_47 = tpu.matmul %convert_element_type3A_41, %convert_element_type3A_45, %dot_general3A_46 {dimension_numbers = #tpu.dot_dimension_numbers<[1], [0], [0], [1], [0, 0, 1, 1], [], []>, transpose_lhs_hint = false} : vector<1000x512xbf16>, vector<512x512xbf16>, vector<1000x512xf32> -> vector<1000x512xf32>
    %broadcast_in_dim3A_48 = vector.shape_cast %div3A_16 : vector<1000xf32> to vector<1000x1xf32>
    %mul3A_49 = vector.broadcast %broadcast_in_dim3A_48 : vector<1000x1xf32> to vector<1000x512xf32>
    %mul3A_50 = arith.mulf %dot_general3A_47, %mul3A_49 : vector<1000x512xf32>
    %slice3A = vector.extract_strided_slice %mul3A_50 {offsets = [0, 0], sizes = [1000, 128], strides = [1, 1]} : vector<1000x512xf32> to vector<1000x128xf32>
    %swap3A = arith.constant 0 : index
    %swap3A_51 = arith.constant 0 : index
    %swap3A_52 = arith.constant 0 : index
    %swap3A_53 = vector.load %arg6[%swap3A, %swap3A_51, %swap3A_52] : memref<4x1000x128xf32, #tpu.memory_space<vmem>>, vector<1x1000x128xf32>
    %swap3A_54 = vector.shape_cast %swap3A_53 : vector<1x1000x128xf32> to vector<1000x128xf32>
    %swap3A_55 = vector.shape_cast %slice3A : vector<1000x128xf32> to vector<1x1000x128xf32>
    tpu.vector_store %arg6[%swap3A, %swap3A_51, %swap3A_52], %swap3A_55 {strides = array<i32>} : memref<4x1000x128xf32, #tpu.memory_space<vmem>>, vector<1x1000x128xf32>,
    %slice3A_56 = vector.extract_strided_slice %mul3A_50 {offsets = [0, 128], sizes = [1000, 128], strides = [1, 1]} : vector<1000x512xf32> to vector<1000x128xf32>
    %swap3A_57 = arith.constant 1 : index
    %swap3A_58 = arith.constant 0 : index
    %swap3A_59 = arith.constant 0 : index
    %swap3A_60 = vector.load %arg6[%swap3A_57, %swap3A_58, %swap3A_59] : memref<4x1000x128xf32, #tpu.memory_space<vmem>>, vector<1x1000x128xf32>
    %swap3A_61 = vector.shape_cast %swap3A_60 : vector<1x1000x128xf32> to vector<1000x128xf32>
    %swap3A_62 = vector.shape_cast %slice3A_56 : vector<1000x128xf32> to vector<1x1000x128xf32>
    tpu.vector_store %arg6[%swap3A_57, %swap3A_58, %swap3A_59], %swap3A_62 {strides = array<i32>} : memref<4x1000x128xf32, #tpu.memory_space<vmem>>, vector<1x1000x128xf32>,
    %slice3A_63 = vector.extract_strided_slice %mul3A_50 {offsets = [0, 256], sizes = [1000, 128], strides = [1, 1]} : vector<1000x512xf32> to vector<1000x128xf32>
    %swap3A_64 = arith.constant 2 : index
    %swap3A_65 = arith.constant 0 : index
    %swap3A_66 = arith.constant 0 : index
    %swap3A_67 = vector.load %arg6[%swap3A_64, %swap3A_65, %swap3A_66] : memref<4x1000x128xf32, #tpu.memory_space<vmem>>, vector<1x1000x128xf32>
    %swap3A_68 = vector.shape_cast %swap3A_67 : vector<1x1000x128xf32> to vector<1000x128xf32>
    %swap3A_69 = vector.shape_cast %slice3A_63 : vector<1000x128xf32> to vector<1x1000x128xf32>
    tpu.vector_store %arg6[%swap3A_64, %swap3A_65, %swap3A_66], %swap3A_69 {strides = array<i32>} : memref<4x1000x128xf32, #tpu.memory_space<vmem>>, vector<1x1000x128xf32>,
    %slice3A_70 = vector.extract_strided_slice %mul3A_50 {offsets = [0, 384], sizes = [1000, 128], strides = [1, 1]} : vector<1000x512xf32> to vector<1000x128xf32>
    %swap3A_71 = arith.constant 3 : index
    %swap3A_72 = arith.constant 0 : index
    %swap3A_73 = arith.constant 0 : index
    %swap3A_74 = vector.load %arg6[%swap3A_71, %swap3A_72, %swap3A_73] : memref<4x1000x128xf32, #tpu.memory_space<vmem>>, vector<1x1000x128xf32>
    %swap3A_75 = vector.shape_cast %swap3A_74 : vector<1x1000x128xf32> to vector<1000x128xf32>
    %swap3A_76 = vector.shape_cast %slice3A_70 : vector<1000x128xf32> to vector<1x1000x128xf32>
    tpu.vector_store %arg6[%swap3A_71, %swap3A_72, %swap3A_73], %swap3A_76 {strides = array<i32>} : memref<4x1000x128xf32, #tpu.memory_space<vmem>>, vector<1x1000x128xf32>,
    return
  }
  func.func @transform_0(%arg0: i32) -> (i32, i32, i32) {
    %c0_i32 = arith.constant 0 : i32
    %c0_i32_0 = arith.constant 0 : i32
    %c0_i32_1 = arith.constant 0 : i32
    return %c0_i32, %arg0, %c0_i32_0 : i32, i32, i32
  }
  func.func @transform_1(%arg0: i32) -> (i32, i32, i32) {
    %c0_i32 = arith.constant 0 : i32
    %c0_i32_0 = arith.constant 0 : i32
    %c0_i32_1 = arith.constant 0 : i32
    return %c0_i32, %arg0, %c0_i32_0 : i32, i32, i32
  }
  func.func @transform_2(%arg0: i32) -> (i32, i32) {
    %c0_i32 = arith.constant 0 : i32
    %c0_i32_0 = arith.constant 0 : i32
    %c0_i32_1 = arith.constant 0 : i32
    return %c0_i32, %c0_i32_0 : i32, i32
  }
  func.func @transform_3(%arg0: i32) -> (i32, i32) {
    %c0_i32 = arith.constant 0 : i32
    %c0_i32_0 = arith.constant 0 : i32
    %c0_i32_1 = arith.constant 0 : i32
    return %c0_i32, %c0_i32_0 : i32, i32
  }
  func.func @transform_4(%arg0: i32) -> (i32, i32) {
    %c0_i32 = arith.constant 0 : i32
    %c0_i32_0 = arith.constant 0 : i32
    %c0_i32_1 = arith.constant 0 : i32
    return %c0_i32, %c0_i32_0 : i32, i32
  }
  func.func @transform_5(%arg0: i32) -> (i32, i32, i32) {
    %c0_i32 = arith.constant 0 : i32
    %c0_i32_0 = arith.constant 0 : i32
    %c0_i32_1 = arith.constant 0 : i32
    return %c0_i32, %arg0, %c0_i32_0 : i32, i32, i32
  }
}

module attributes {stable_mosaic.version = 14 : i64} {
  func.func @_kb_body(%arg0: i32, %arg1: memref<2x1000x128xf32, #tpu.memory_space<vmem>>, %arg2: memref<4x1000x128xf32, #tpu.memory_space<vmem>>, %arg3: memref<1x512xf32, #tpu.memory_space<vmem>>, %arg4: memref<100x512xf32, #tpu.memory_space<vmem>>, %arg5: memref<1x1xf32, #tpu.memory_space<vmem>>, %arg6: memref<1x10x128xf32, #tpu.memory_space<vmem>>) attributes {dimension_semantics = [#tpu.dimension_semantics<arbitrary>], iteration_bounds = array<i64: 10>, scalar_prefetch = 0 : i64, scratch_operands = 0 : i64, tpu.core_type = #tpu.core_type<tc>, window_params = [{transform_indices = @transform_0, window_bounds = array<i64: 2, 1000, 128>}, {transform_indices = @transform_1, window_bounds = array<i64: 4, 1000, 128>}, {pipeline_mode = #tpu.pipeline_mode<synchronous>, transform_indices = @transform_2, window_bounds = array<i64: 1, 512>}, {pipeline_mode = #tpu.pipeline_mode<synchronous>, transform_indices = @transform_3, window_bounds = array<i64: 100, 512>}, {pipeline_mode = #tpu.pipeline_mode<synchronous>, transform_indices = @transform_4, window_bounds = array<i64: 1, 1>}, {transform_indices = @transform_5, window_bounds = array<i64: 1, 10, 128>}]} {
    %get3A = arith.constant 0 : index
    %get3A_0 = arith.constant 0 : index
    %get3A_1 = arith.constant 0 : index
    %get3A_2 = vector.load %arg1[%get3A, %get3A_0, %get3A_1] : memref<2x1000x128xf32, #tpu.memory_space<vmem>>, vector<1x1000x128xf32>
    %get3A_3 = vector.shape_cast %get3A_2 : vector<1x1000x128xf32> to vector<1000x128xf32>
    %get3A_4 = arith.constant 1 : index
    %get3A_5 = arith.constant 0 : index
    %get3A_6 = arith.constant 0 : index
    %get3A_7 = vector.load %arg1[%get3A_4, %get3A_5, %get3A_6] : memref<2x1000x128xf32, #tpu.memory_space<vmem>>, vector<1x1000x128xf32>
    %get3A_8 = vector.shape_cast %get3A_7 : vector<1x1000x128xf32> to vector<1000x128xf32>
    %add3A = arith.addf %get3A_3, %get3A_8 : vector<1000x128xf32>
    %reduce_sum3A = arith.constant dense<0.000000e+00> : vector<1000xf32>
    %reduce_sum3A_9 = vector.multi_reduction <add>, %add3A, %reduce_sum3A [1] : vector<1000x128xf32> to vector<1000xf32>
    %mul3A = arith.constant 7.812500e-03 : f32
    %mul3A_10 = vector.broadcast %mul3A : f32 to vector<1000xf32>
    %mul3A_11 = arith.mulf %reduce_sum3A_9, %mul3A_10 : vector<1000xf32>
    %add3A_12 = arith.constant 1.000000e+00 : f32
    %add3A_13 = vector.broadcast %add3A_12 : f32 to vector<1000xf32>
    %add3A_14 = arith.addf %mul3A_11, %add3A_13 : vector<1000xf32>
    %sqrt3A = math.sqrt %add3A_14 : vector<1000xf32>
    %div3A = arith.constant 1.000000e+00 : f32
    %div3A_15 = vector.broadcast %div3A : f32 to vector<1000xf32>
    %div3A_16 = arith.divf %div3A_15, %sqrt3A : vector<1000xf32>
    %get3A_17 = arith.constant 0 : index
    %get3A_18 = arith.constant 0 : index
    %get3A_19 = arith.constant 0 : index
    %get3A_20 = vector.load %arg2[%get3A_17, %get3A_18, %get3A_19] : memref<4x1000x128xf32, #tpu.memory_space<vmem>>, vector<1x1000x128xf32>
    %get3A_21 = vector.shape_cast %get3A_20 : vector<1x1000x128xf32> to vector<1000x128xf32>
    %get3A_22 = arith.constant 1 : index
    %get3A_23 = arith.constant 0 : index
    %get3A_24 = arith.constant 0 : index
    %get3A_25 = vector.load %arg2[%get3A_22, %get3A_23, %get3A_24] : memref<4x1000x128xf32, #tpu.memory_space<vmem>>, vector<1x1000x128xf32>
    %get3A_26 = vector.shape_cast %get3A_25 : vector<1x1000x128xf32> to vector<1000x128xf32>
    %get3A_27 = arith.constant 2 : index
    %get3A_28 = arith.constant 0 : index
    %get3A_29 = arith.constant 0 : index
    %get3A_30 = vector.load %arg2[%get3A_27, %get3A_28, %get3A_29] : memref<4x1000x128xf32, #tpu.memory_space<vmem>>, vector<1x1000x128xf32>
    %get3A_31 = vector.shape_cast %get3A_30 : vector<1x1000x128xf32> to vector<1000x128xf32>
    %get3A_32 = arith.constant 3 : index
    %get3A_33 = arith.constant 0 : index
    %get3A_34 = arith.constant 0 : index
    %get3A_35 = vector.load %arg2[%get3A_32, %get3A_33, %get3A_34] : memref<4x1000x128xf32, #tpu.memory_space<vmem>>, vector<1x1000x128xf32>
    %get3A_36 = vector.shape_cast %get3A_35 : vector<1x1000x128xf32> to vector<1000x128xf32>
    %concatenate3A = tpu.concatenate %get3A_21, %get3A_26, %get3A_31, %get3A_36 in 1 : vector<1000x128xf32>, vector<1000x128xf32>, vector<1000x128xf32>, vector<1000x128xf32> -> vector<1000x512xf32>
    %broadcast_in_dim3A = vector.shape_cast %div3A_16 : vector<1000xf32> to vector<1000x1xf32>
    %mul3A_37 = vector.broadcast %broadcast_in_dim3A : vector<1000x1xf32> to vector<1000x512xf32>
    %mul3A_38 = arith.mulf %concatenate3A, %mul3A_37 : vector<1000x512xf32>
    %get3A_39 = arith.constant 0 : index
    %get3A_40 = arith.constant 0 : index
    %get3A_41 = vector.load %arg3[%get3A_39, %get3A_40] : memref<1x512xf32, #tpu.memory_space<vmem>>, vector<1x512xf32>
    %add3A_42 = vector.broadcast %get3A_41 : vector<1x512xf32> to vector<1000x512xf32>
    %add3A_43 = arith.addf %mul3A_38, %add3A_42 : vector<1000x512xf32>
    %max3A = arith.constant 0.000000e+00 : f32
    %max3A_44 = vector.broadcast %max3A : f32 to vector<1000x512xf32>
    %max3A_45 = arith.maximumf %add3A_43, %max3A_44 : vector<1000x512xf32>
    %reshape3A = vector.shape_cast %max3A_45 : vector<1000x512xf32> to vector<10x100x512xf32>
    %convert_element_type3A = arith.truncf %reshape3A : vector<10x100x512xf32> to vector<10x100x512xbf16>
    %convert_element_type3A_46 = arith.extf %convert_element_type3A : vector<10x100x512xbf16> to vector<10x100x512xf32>
    %get3A_47 = arith.constant 0 : index
    %get3A_48 = arith.constant 0 : index
    %get3A_49 = vector.load %arg4[%get3A_47, %get3A_48] : memref<100x512xf32, #tpu.memory_space<vmem>>, vector<100x512xf32>
    %convert_element_type3A_50 = arith.truncf %get3A_49 : vector<100x512xf32> to vector<100x512xbf16>
    %convert_element_type3A_51 = arith.extf %convert_element_type3A_50 : vector<100x512xbf16> to vector<100x512xf32>
    %broadcast_in_dim3A_52 = vector.shape_cast %convert_element_type3A_51 : vector<100x512xf32> to vector<1x100x512xf32>
    %mul3A_53 = vector.broadcast %broadcast_in_dim3A_52 : vector<1x100x512xf32> to vector<10x100x512xf32>
    %mul3A_54 = arith.mulf %convert_element_type3A_46, %mul3A_53 : vector<10x100x512xf32>
    %reduce_sum3A_55 = arith.constant dense<0.000000e+00> : vector<10xf32>
    %reduce_sum3A_56 = vector.multi_reduction <add>, %mul3A_54, %reduce_sum3A_55 [1, 2] : vector<10x100x512xf32> to vector<10xf32>
    %broadcast_in_dim3A_57 = vector.shape_cast %reduce_sum3A_56 : vector<10xf32> to vector<10x1xf32>
    %broadcast_in_dim3A_58 = vector.shape_cast %broadcast_in_dim3A_57 : vector<10x1xf32> to vector<10x1xf32>
    %broadcast_in_dim3A_59 = vector.broadcast %broadcast_in_dim3A_58 : vector<10x1xf32> to vector<10x128xf32>
    %get3A_60 = arith.constant 0 : index
    %get3A_61 = arith.constant 0 : index
    %get3A_62 = vector.load %arg5[%get3A_60, %get3A_61] : memref<1x1xf32, #tpu.memory_space<vmem>>, vector<1x1xf32>
    %get3A_63 = vector.extract %get3A_62[0, 0] : f32 from vector<1x1xf32>
    %add3A_64 = vector.broadcast %get3A_63 : f32 to vector<10x128xf32>
    %add3A_65 = arith.addf %broadcast_in_dim3A_59, %add3A_64 : vector<10x128xf32>
    %swap3A = arith.constant 0 : index
    %swap3A_66 = arith.constant 0 : index
    %swap3A_67 = arith.constant 0 : index
    %swap3A_68 = vector.load %arg6[%swap3A, %swap3A_66, %swap3A_67] : memref<1x10x128xf32, #tpu.memory_space<vmem>>, vector<1x10x128xf32>
    %swap3A_69 = vector.shape_cast %swap3A_68 : vector<1x10x128xf32> to vector<10x128xf32>
    %swap3A_70 = vector.shape_cast %add3A_65 : vector<10x128xf32> to vector<1x10x128xf32>
    tpu.vector_store %arg6[%swap3A, %swap3A_66, %swap3A_67], %swap3A_70 {strides = array<i32>} : memref<1x10x128xf32, #tpu.memory_space<vmem>>, vector<1x10x128xf32>,
    return
  }
  func.func @transform_0(%arg0: i32) -> (i32, i32, i32) {
    %c0_i32 = arith.constant 0 : i32
    %c0_i32_0 = arith.constant 0 : i32
    %c0_i32_1 = arith.constant 0 : i32
    return %c0_i32, %arg0, %c0_i32_0 : i32, i32, i32
  }
  func.func @transform_1(%arg0: i32) -> (i32, i32, i32) {
    %c0_i32 = arith.constant 0 : i32
    %c0_i32_0 = arith.constant 0 : i32
    %c0_i32_1 = arith.constant 0 : i32
    return %c0_i32, %arg0, %c0_i32_0 : i32, i32, i32
  }
  func.func @transform_2(%arg0: i32) -> (i32, i32) {
    %c0_i32 = arith.constant 0 : i32
    %c0_i32_0 = arith.constant 0 : i32
    %c0_i32_1 = arith.constant 0 : i32
    return %c0_i32, %c0_i32_0 : i32, i32
  }
  func.func @transform_3(%arg0: i32) -> (i32, i32) {
    %c0_i32 = arith.constant 0 : i32
    %c0_i32_0 = arith.constant 0 : i32
    %c0_i32_1 = arith.constant 0 : i32
    return %c0_i32, %c0_i32_0 : i32, i32
  }
  func.func @transform_4(%arg0: i32) -> (i32, i32) {
    %c0_i32 = arith.constant 0 : i32
    %c0_i32_0 = arith.constant 0 : i32
    %c0_i32_1 = arith.constant 0 : i32
    return %c0_i32, %c0_i32_0 : i32, i32
  }
  func.func @transform_5(%arg0: i32) -> (i32, i32, i32) {
    %c0_i32 = arith.constant 0 : i32
    %c0_i32_0 = arith.constant 0 : i32
    %c0_i32_1 = arith.constant 0 : i32
    return %arg0, %c0_i32, %c0_i32_0 : i32, i32, i32
  }
}

</mosaic_0001>

<sc_bundles>
// kernel: kernel.11.cloned.1.call-start
scs
__scs_entry_jumppad:
0x0: {  	(pc) =	sbr.rel $0x88, $3  }
0x1: {  	(tag) =	ssettag $0x0;
	lr =	simm.s32 $0x1  }
0x2: {  	[smem:$0x3F99] =	sst lr;
	_ =	strace $0xD0000000  }
0x3: {  	_ = 	snop  }
0x4: {  	_ = 	snop  }
0x5: {  	_ = 	snop  }
0x6: {  	_ = 	snop  }
0x7: {  	_ = 	snop  }
__scs_overlays_trampoline_lowered:
0x8: {  	[smem:$0x3FA8] =	sst s0  }
0x9: {  	[smem:$0x3FA9] =	sst s1  }
0xa: {  	[smem:$0x3FAA] =	sst s2  }
0xb: {  	[smem:$0x3FAB] =	sst s3  }
0xc: {  	[smem:$0x3FAC] =	sst s4  }
0xd: {  	[smem:$0x3FAD] =	sst s5  }
0xe: {  	[smem:$0x3FAE] =	sst s6  }
0xf: {  	[smem:$0x3FAF] =	sst s7  }
0x10: {  	[smem:$0x3FB0] =	sst s8  }
0x11: {  	[smem:$0x3FB1] =	sst s9;
	s0 =	simm.s32 @!p0 $0x0  }
0x12: {  	s1 =	sld [smem:$0x3F97];
	s0 =	simm.s32 @p0 $0x1  }
0x13: {  	[smem:$0x3FB2] =	sst s0;
	s0 =	simm.s32 @!p1 $0x0  }
0x14: {  	s2 =	sld [smem:$0x3F96];
	s0 =	simm.s32 @p1 $0x1  }
0x15: {  	[smem:$0x3FB3] =	sst s0;
	s0 =	simm.s32 @!p2 $0x0  }
0x16: {  	s3 =	sld [smem:$0x3FDB];
	s0 =	simm.s32 @p2 $0x1  }
0x17: {  	s4 =	simm.s32 $0x1BF5;
	[smem:$0x3FB5] =	sst s0  }
0x18: {  	s0 =	sld [smem:$0x3F98];
	_ =	swait.ge [sflag:s4], $0x0  }
0x19: {  	s7 =	sld [smem:$0x3F99]  }
0x1a: {  	s8 =	sadd.s32 $0xFFFFE003, lr  }
0x1b: {  	s9 =	sadd.s32 $0xFFFFFEF7, lr;
	s5 =	simm.s32 $0xFFFFFFFF;
	p2 =	slt.u32 s8, $0xFFFFF086  }
0x1c: {  	p1 =	slt.u32 s9, $0xF7A;
	s5 =	simm.s32 @!p2 $0x0  }
0x1d: {  	s5 =	simm.s32 @p1 $0x1;
	p0 =	seq.s32 s7, s2  }
0x1e: {  	s7 =	smul.u32 @!p0 $0xF7A, s2;
	p2 =	seq.s32 @!p0 s5, $0x0  }
0x1f: {  	s9 =	smul.u32 $0xF7A, s1;
	s8 =	simm.s32 @!p0 $0x1BF5;
	p2 =	por !p2, p0  }
0x20: {  	[sflag:s8] =	ssyncset.s32 @!p0 $0xFFFFF086;
	s6 =	sadd.s32 @!p0 s3, s7;
	s7 =	simm.s32 @!p0 $0x108  }
0x21: {  	s3 =	sadd.s32 s3, s9;
	s6 =	sadd.s32 @!p0 $0x88, s6;
	s7 =	simm.s32 @p2 $0x1082  }
0x22: {  	[simem:s7], [sflag:s8] =	dma.local @!p0 [hbm:s6], $0xF7A  }
0x23: {  	s9 =	sor.u32 $0xD0000000, s2;
	s6 =	simm.s32 $0x108;
	_ =	swait.ge @!p0 [sflag:s8], $0x0  }
0x24: {  	s3 =	sadd.s32 $0x88, s3;
	s6 =	simm.s32 @!p1 $0x1082;
	[sflag:s4] =	ssyncset.s32 $0xFFFFF086  }
0x25: {  	[simem:s6], [sflag:s4] =	dma.local [hbm:s3], $0xF7A  }
0x26: {  	[smem:$0x3F99] =	sst s1;
	(tag) =	ssettag s2;
	_ =	strace s9  }
0x27: {  	s1 =	sld [smem:$0x3FA9]  }
0x28: {  	s2 =	sld [smem:$0x3FAA]  }
0x29: {  	s4 =	sld [smem:$0x3FAC]  }
0x2a: {  	p0 =	seq.s32 s5, $0x0;
	s5 =	sld [smem:$0x3FAD]  }
0x2b: {  	s6 =	sld [smem:$0x3FAE]  }
0x2c: {  	s7 =	sld [smem:$0x3FAF]  }
0x2d: {  	s3 =	simm.s32 $0x108;
	s8 =	sld [smem:$0x3FB0]  }
0x2e: {  	s3 =	simm.s32 @!p0 $0x1082;
	s9 =	sld [smem:$0x3FB1]  }
0x2f: {  	lr =	sadd.s32 s0, s3;
	s0 =	sld [smem:$0x3FA8]  }
0x30: {  	s3 =	sld [smem:$0x3FAB]  }
0x31: {  	[smem:$0x3FB4] =	sst s10  }
0x32: {  	s10 =	sld [smem:$0x3FB2];
	_ =	sdelay $0x3  }
0x33: {  	p0 =	seq.s32 s10, $0x1;
	s10 =	sld [smem:$0x3FB4];
	_ =	sdelay $0x3  }
0x34: {  	[smem:$0x3FB4] =	sst s10  }
0x35: {  	s10 =	sld [smem:$0x3FB3];
	_ =	sdelay $0x3  }
0x36: {  	p1 =	seq.s32 s10, $0x1;
	s10 =	sld [smem:$0x3FB4];
	_ =	sdelay $0x3  }
0x37: {  	[smem:$0x3FB4] =	sst s10  }
0x38: {  	s10 =	sld [smem:$0x3FB5]  }
0x39: {  	_ = 	snop;
	(pc) =	sbr.ind lr, $3  }
0x3a: {  	_ = 	snop  }
0x3b: {  	_ = 	snop  }
0x3c: {  	p2 =	seq.s32 s10, $0x1;
	s10 =	sld [smem:$0x3FB4]  }
0x3d: {  	_ =	shalt  }
0x3e: {  	_ =	shalt  }
0x3f: {  	_ =	shalt  }
0x40: {  	_ =	shalt  }
0x41: {  	_ =	shalt  }
0x42: {  	_ =	shalt  }
0x43: {  	_ =	shalt  }
0x44: {  	_ =	shalt  }
0x45: {  	_ =	shalt  }
0x46: {  	_ =	shalt  }
0x47: {  	_ =	shalt  }
0x48: {  	_ =	shalt  }
0x49: {  	_ =	shalt  }
0x4a: {  	_ =	shalt  }
0x4b: {  	_ =	shalt  }
0x4c: {  	_ =	shalt  }
0x4d: {  	_ =	shalt  }
0x4e: {  	_ =	shalt  }
0x4f: {  	_ =	shalt  }
0x50: {  	_ =	shalt  }
0x51: {  	_ =	shalt  }
0x52: {  	_ =	shalt  }
0x53: {  	_ =	shalt  }
0x54: {  	_ =	shalt  }
0x55: {  	_ =	shalt  }
0x56: {  	_ =	shalt  }
0x57: {  	_ =	shalt  }
0x58: {  	_ =	shalt  }
0x59: {  	_ =	shalt  }
0x5a: {  	_ =	shalt  }
0x5b: {  	_ =	shalt  }
0x5c: {  	_ =	shalt  }
0x5d: {  	_ =	shalt  }
0x5e: {  	_ =	shalt  }
0x5f: {  	_ =	shalt  }
0x60: {  	_ =	shalt  }
0x61: {  	_ =	shalt  }
0x62: {  	_ =	shalt  }
0x63: {  	_ =	shalt  }
0x64: {  	_ =	shalt  }
0x65: {  	_ =	shalt  }
0x66: {  	_ =	shalt  }
0x67: {  	_ =	shalt  }
0x68: {  	_ =	shalt  }
0x69: {  	_ =	shalt  }
0x6a: {  	_ =	shalt  }
0x6b: {  	_ =	shalt  }
0x6c: {  	_ =	shalt  }
0x6d: {  	_ =	shalt  }
0x6e: {  	_ =	shalt  }
0x6f: {  	_ =	shalt  }
0x70: {  	_ =	shalt  }
0x71: {  	_ =	shalt  }
0x72: {  	_ =	shalt  }
0x73: {  	_ =	shalt  }
0x74: {  	_ =	shalt  }
0x75: {  	_ =	shalt  }
0x76: {  	_ =	shalt  }
0x77: {  	_ =	shalt  }
0x78: {  	_ =	shalt  }
0x79: {  	_ =	shalt  }
0x7a: {  	_ =	shalt  }
0x7b: {  	_ =	shalt  }
0x7c: {  	_ =	shalt  }
0x7d: {  	_ =	shalt  }
0x7e: {  	_ =	shalt  }
0x7f: {  	_ =	shalt  }
0x80: {  	_ =	shalt  }
0x81: {  	_ =	shalt  }
0x82: {  	_ =	shalt  }
0x83: {  	_ =	shalt  }
0x84: {  	_ =	shalt  }
0x85: {  	_ =	shalt  }
0x86: {  	_ =	shalt  }
0x87: {  	_ =	shalt  }
.Lfunc_end0:
.L_simem_size_0:
called_computation.1_lowered:
.L_overlay_start_0:
0x88: {  	s2 =	sld [smem:$0x3FD9]  }
0x89: {  	s3 =	sld [smem:$0x3FFE];
	_ =	sdelay $0x1  }
0x8a: {  	s1 =	srdreg.scid  }
0x8b: {  	s0 =	sand.u32 $0x1, s1  }
0x8c: {  	s16 =	sshll.u32 s0, $0xA;
	s2 =	sadd.s32 s3, s2  }
0x8d: {  	s2 =	sadd.s32 s2, s16  }
0x8e: {  	[smem:$0x3FC0] =	sst s2  }
0x8f: {  	_ = 	snop  }
0x90: {  	(tm) =	ssettm $0x1  }
0x91: {  	s17 =	sld [smem:$0x3FFB];
	_ =	sdelay $0x3  }
0x92: {  	_ =	strace s17  }
0x93: {  	s2 =	sld [smem:$0x3FFC];
	_ =	sdelay $0x3  }
0x94: {  	_ =	strace s2  }
0x95: {  	s2 =	sld [smem:$0x3FFD];
	_ =	sdelay $0x3  }
0x96: {  	_ =	strace s2  }
0x97: {  	_ =	strace $0x8FFFFFFF  }
0x98: {  	s18 =	sld [smem:$0x3FDB];
	_ =	sdelay $0x1  }
0x99: {  	s19 =	simm.s32 $_scs_section_size  }
0x9a: {  	s4 =	simm.s32 $_size__tile_overlayer_lowered;
	s5 =	simm.s32 $_tile_overlayer_lowered  }
0x9b: {  	s22 =	simm.s32 $0x1BFF;
	s21 =	sshll.u32 s5, $0x1;
	s2 =	sadd.s32 s19, s18  }
0x9c: {  	s6 =	simm.s32 $0x0;
	s20 =	sshll.u32 s4, $0x1;
	s4 =	sadd.s32 s21, s2  }
0x9d: {  	[timem:s6], [sflag:s22] =	dma.local [hbm:s4], s20  }
0x9e: {  	_ =	swait.ge [sflag:s22], s20  }
0x9f: {  	s3 =	ssub.s32 $0x0, s20;
	[sflag:s22] =	ssyncset.done $0x0  }
0xa0: {  	[sflag:s22] =	ssyncadd.s32 s3;
	_ =	sdelay $0x1  }
0xa1: {  	s23 =	simm.s32 $0x1B8B  }
0xa2: {  	_ =	swait.ge [sflag:s23], $0x1  }
0xa3: {  	[sflag:s23] =	ssyncset.done $0x0  }
0xa4: {  	s25 =	simm.s32 $0x1B8E;
	s24 =	sld [smem:$0x3FFE];
	[sflag:s23] =	ssyncadd.s32 $0xFFFFFFFF  }
0xa5: {  	s26 =	simm.s32 $execute0_lowered;
	[smem:$0x3FD2] =	sst s25  }
0xa6: {  	s4 =	sshll.u32 s26, $0x1;
	_ =	strace $0x80000049;
	[dreg:$0x1] =	wrdreg $0xFFFFFFFF  }
0xa7: {  	s28 =	simm.s32 $_size_execute0_lowered;
	s2 =	sadd.s32 s2, s4;
	[dreg:$0x0] =	wrdreg $0x0  }
0xa8: {  	s4 =	sshll.u32 s28, $0x1;
	[dreg:$0x2] =	wrdreg s2  }
0xa9: {  	[dreg:$0x3] =	wrdreg s4  }
0xaa: {  	[dreg:$0x4] =	wrdreg $0xC0  }
0xab: {  	_ =	task [dreg:s6], $0x5FFFF  }
0xac: {  	[dreg:$0x1] =	wrdreg $0xFFFFFFFF  }
0xad: {  	[dreg:$0x0] =	wrdreg $0x60  }
0xae: {  	[dreg:$0x2] =	wrdreg s24  }
0xaf: {  	[dreg:$0x3] =	wrdreg $0xA8000  }
0xb0: {  	[dreg:$0x4] =	wrdreg $0x9  }
0xb1: {  	_ =	task.clear_ibuf [dreg:s6], $0x5FFFF;
	_ =	strace $0x90000049  }
0xb2: {  	s29 =	simm.s32 $0x9;
	_ =	strace $0x8000004B  }
0xb3: {  	_ =	swait.ge [sflag:s29], $0x1  }
0xb4: {  	[sflag:s29] =	ssyncadd.s32 $0xFFFFFFFF  }
0xb5: {  	_ =	strace $0x9000004B  }
0xb6: {  	_ =	sfence  }
0xb7: {  	s30 =	sld [smem:$0x0];
	_ =	sdelay $0x2  }
0xb8: {  	s31 =	sshll.u32 s1, $0xD;
	s1 =	sshrl.u32 s1, $0x2  }
0xb9: {  	s3 =	sand.u32 $0x4000, s31;
	s1 =	sadd.s32 s1, s30  }
0xba: {  	s0 =	sor.u32 s3, s0;
	s1 =	sshll.u32 s1, $0x11  }
0xbb: {  	s0 =	sor.u32 s1, s0  }
0xbc: {  	s0 =	sadd.s32 $0x8F2B, s0  }
0xbd: {  	[sflag:s0] =	ssyncadd.remote.s32 $0x1  }
0xbe: {  	_ =	sfence.sel $0xFFFF  }
0xbf: {  	[dreg:$0x0] =	wrdreg $0xFFFFFFFF;
	(pc) =	sbr.abs _section_cstart, $3  }
0xc0: {  	[dreg:$0x1] =	wrdreg $0xFFFFFFFF  }
0xc1: {  	_ =	task.clear_ibuf [dreg:s6], $0x2FFFF;
	_ =	strace $0x9FFFFFFF  }
0xc2: {  	(tm) =	ssettm $0x7FFFFFFF  }
0xc3: {  	_ =	shalt  }
tec
execute0_lowered:
.L_overlay_start_1:
0x0: {  	(tag) =	ssettag $0x1  }
0x1: {  	s0 =	rddreg [dreg:$0x0]  }
0x2: {  	s2 =	rddreg [dreg:$0x1];
	s3 =	simm.s32 $0x0  }
0x3: {  	s9 =	stileid.u32;
	s1 =	srdreg.scid;
	s28 =	simm.s32 $0x6800  }
0x4: {  	s29 =	simm.s32 $0x1;
	s30 =	simm.s32 $0x2;
	s5 =	smul.u32 $0x500, s9  }
0x5: {  	s31 =	simm.s32 $0x3;
	[smem:$0x7FF] =	sst s3;
	s6 =	smul.u32 $0x280, s9  }
0x6: {  	s1 =	sand.u32 $0x1, s1;
	s4 =	sadd.s32 $0x5D400, s0;
	s9 =	smul.u32 $0x50000, s9  }
0x7: {  	_ =	strace $0x8000004A;
	s8 =	smul.u32 $0x2800, s1;
	s1 =	ssub.s32 $0x2, s1  }
0x8: {  	s7 =	sadd.s32 s5, s0;
	s21 =	sshrl.u32 s1, $0x1;
	s0 =	sadd.s32 $0xAD400, s0  }
0x9: {  	s22 =	sshrl.u32 s9, $0x2;
	s9 =	simm.s32 $0x0;
	s1 =	ssub.s32 s1, s21  }
0xa: {  	s10 =	sadd.s32 s6, s8;
	s5 =	sadd.s32 $0x58400, s7;
	s6 =	sadd.s32 $0x2400, s7  }
0xb: {  	s7 =	sadd.s32 s22, s2;
	v0 =	vmov s8;
	s8 =	simm.s32 $0x2780;
	s1 =	smax.u32 s1, $0x1  }
0xc: {  	s23 =	sshll.u32 s10, $0x4;
	s13 =	sadd.s32 $0x8000, s7;
	s15 =	sadd.s32 $0xC000, s7  }
0xd: {  	s17 =	sadd.s32 $0x10000, s7;
	[dreg:$0x3] =	wrdreg s1;
	s24 =	sadd.s32 s4, s23  }
0xe: {  	s25 =	sadd.s32 $0x800, s23;
	s10 =	sadd.s32 $0x1000, s23;
	s26 =	sadd.s32 $0x1800, s23  }
0xf: {  	s22 =	sadd.s32 $0x2000, s23;
	s18 =	sadd.s32 s0, s23;
	s23 =	simm.s32 $0x2800  }
0x10: {  	s1 =	simm.s32 $0x2700;
	[dreg:$0x4] =	wrdreg s24;
	s11 =	sadd.s32 s4, s25  }
0x11: {  	s12 =	sadd.s32 s4, s10;
	s14 =	sadd.s32 s4, s26;
	s16 =	sadd.s32 s4, s22  }
0x12: {  	s19 =	sadd.s32 s0, s25;
	s20 =	sadd.s32 s0, s10;
	s21 =	sadd.s32 s0, s26  }
0x13: {  	s22 =	sadd.s32 s0, s22;
	s24 =	simm.s32 $0x5;
	[dreg:$0x5] =	wrdreg s11  }
0x14: {  	s25 =	simm.s32 $0x1400;
	s26 =	simm.s32 $0x80;
	[dreg:$0x6] =	wrdreg s12  }
0x15: {  	s0 =	simm.s32 $0x4;
	s11 =	sadd.s32 $0x4000, s7;
	[dreg:$0x7] =	wrdreg s14  }
.LBB2_1:
0x16: {  	s10 =	rddreg [dreg:$0x4]  }
0x17: {  	[tilespmem:s23], [sflag:$0x5] =	stream.linear.gather [hbm4b:s10+s3], $0x4000, $0x38;
	[tilespmem:$0x1E800] =	vst v63  }
0x18: {  	_ =	swait.ge [sflag:s24], $0x4000  }
0x19: {  	[sflag:s24] =	ssyncset.done $0x0  }
0x1a: {  	[sflag:s24] =	ssyncadd.s32 $0xFFFFC000  }
0x1b: {  	[spmem:s7] =	stream.linear.scatter [tilespmem:s23], [sflag:$0x5], $0x4000, $0x38;
	[tilespmem:$0x1E800] =	vst v63  }
0x1c: {  	_ =	swait.ge [sflag:s24], $0x4000  }
0x1d: {  	[sflag:s24] =	ssyncset.done $0x0  }
0x1e: {  	s14 =	rddreg [dreg:$0x5];
	[sflag:s24] =	ssyncadd.s32 $0xFFFFC000  }
0x1f: {  	[tilespmem:s23], [sflag:$0x5] =	stream.linear.gather [hbm4b:s14+s3], $0x4000, $0x38;
	[tilespmem:$0x1E800] =	vst v63  }
0x20: {  	_ =	swait.ge [sflag:s24], $0x4000  }
0x21: {  	[sflag:s24] =	ssyncset.done $0x0  }
0x22: {  	[sflag:s24] =	ssyncadd.s32 $0xFFFFC000  }
0x23: {  	[spmem:s11] =	stream.linear.scatter [tilespmem:s23], [sflag:$0x5], $0x4000, $0x38;
	[tilespmem:$0x1E800] =	vst v63  }
0x24: {  	_ =	swait.ge [sflag:s24], $0x4000  }
0x25: {  	[sflag:s24] =	ssyncset.done $0x0  }
0x26: {  	s12 =	rddreg [dreg:$0x6];
	[sflag:s24] =	ssyncadd.s32 $0xFFFFC000  }
0x27: {  	[tilespmem:s23], [sflag:$0x5] =	stream.linear.gather [hbm4b:s12+s3], $0x4000, $0x38;
	[tilespmem:$0x1E800] =	vst v63  }
0x28: {  	_ =	swait.ge [sflag:s24], $0x4000  }
0x29: {  	[sflag:s24] =	ssyncset.done $0x0  }
0x2a: {  	[sflag:s24] =	ssyncadd.s32 $0xFFFFC000  }
0x2b: {  	[spmem:s13] =	stream.linear.scatter [tilespmem:s23], [sflag:$0x5], $0x4000, $0x38;
	[tilespmem:$0x1E800] =	vst v63  }
0x2c: {  	_ =	swait.ge [sflag:s24], $0x4000  }
0x2d: {  	[sflag:s24] =	ssyncset.done $0x0  }
0x2e: {  	s14 =	rddreg [dreg:$0x7];
	[sflag:s24] =	ssyncadd.s32 $0xFFFFC000  }
0x2f: {  	[tilespmem:s23], [sflag:$0x5] =	stream.linear.gather [hbm4b:s14+s3], $0x4000, $0x38;
	[tilespmem:$0x1E800] =	vst v63  }
0x30: {  	_ =	swait.ge [sflag:s24], $0x4000  }
0x31: {  	[sflag:s24] =	ssyncset.done $0x0  }
0x32: {  	[sflag:s24] =	ssyncadd.s32 $0xFFFFC000  }
0x33: {  	[spmem:s15] =	stream.linear.scatter [tilespmem:s23], [sflag:$0x5], $0x4000, $0x38;
	[tilespmem:$0x1E800] =	vst v63  }
0x34: {  	_ =	swait.ge [sflag:s24], $0x4000  }
0x35: {  	[sflag:s24] =	ssyncset.done $0x0  }
0x36: {  	[sflag:s24] =	ssyncadd.s32 $0xFFFFC000  }
0x37: {  	[tilespmem:s23], [sflag:$0x5] =	stream.linear.gather [hbm4b:s16+s3], $0x4000, $0x38;
	[tilespmem:$0x1E800] =	vst v63  }
0x38: {  	_ =	swait.ge [sflag:s24], $0x4000  }
0x39: {  	[sflag:s24] =	ssyncset.done $0x0  }
0x3a: {  	[sflag:s24] =	ssyncadd.s32 $0xFFFFC000  }
0x3b: {  	[spmem:s17] =	stream.linear.scatter [tilespmem:s23], [sflag:$0x5], $0x4000, $0x38;
	[tilespmem:$0x1E800] =	vst v63  }
0x3c: {  	_ =	swait.ge [sflag:s24], $0x4000  }
0x3d: {  	[sflag:s24] =	ssyncset.done $0x0  }
0x3e: {  	[sflag:s24] =	ssyncadd.s32 $0xFFFFC000  }
0x3f: {  	[bflag:$0x0] =	sbarrier.arrive $0xFFFF  }
0x40: {  	[tilespmem:s3], [sflag:$0x5] =	stream.linear.gather [hbm4b:s5+s3], $0x1400, $0x38;
	[tilespmem:$0x1E800] =	vst v63  }
0x41: {  	_ =	swait.ge [sflag:s24], $0x1400  }
0x42: {  	[sflag:s24] =	ssyncset.done $0x0  }
0x43: {  	[sflag:s24] =	ssyncadd.s32 $0xFFFFEC00  }
0x44: {  	[tilespmem:s25], [sflag:$0x5] =	stream.linear.gather [hbm4b:s6+s3], $0x1400, $0x38;
	[tilespmem:$0x1E800] =	vst v63  }
0x45: {  	_ =	swait.ge [sflag:s24], $0x1400  }
0x46: {  	[sflag:s24] =	ssyncset.done $0x0  }
0x47: {  	s10 =	simm.s32 $0x70;
	[sflag:s24] =	ssyncadd.s32 $0xFFFFEC00  }
0x48: {  	v3 =	vld [tilespmem:s10+$0xFFFFFF90]  }
0x49: {  	v5 =	vld [tilespmem:s10+$0xFFFFFFA0]  }
0x4a: {  	v4 =	vld [tilespmem:s10+$0xFFFFFFB0]  }
0x4b: {  	v2 =	vld [tilespmem:s10+$0xFFFFFFC0]  }
0x4c: {  	v1 =	vld [tilespmem:s10+$0xFFFFFFD0]  }
0x4d: {  	s12 =	simm.s32 $0x3C0;
	v6 =	vadd.s32 v0, v3;
	v3 =	vld [tilespmem:s10+$0xFFFFFFE0]  }
.LBB2_2:
0x4e: {  	p0 =	sne.s32 s12, $0x4FC0;
	[tilespmem:s10+$0xFFFFFF90] =	vst v6;
	v5 =	vadd.s32 v0, v5;
	v6 =	vld [tilespmem:s10+$0x0]  }
0x4f: {  	s14 =	sshra.s32 s12, $0x2;
	[tilespmem:s10+$0xFFFFFFA0] =	vst v5;
	v4 =	vadd.s32 v0, v4;
	v7 =	vld [tilespmem:s10+$0xFFFFFFF0]  }
0x50: {  	v8 =	vld [tilespmem:s14+$0xFFFFFF90];
	[tilespmem:s10+$0xFFFFFFB0] =	vst v4;
	v2 =	vadd.s32 v0, v2  }
.Ltmp0:
0x51: {  	v5 =	vld [tilespmem:s14+$0xFFFFFFA0];
	[tilespmem:s10+$0xFFFFFFC0] =	vst v2;
	v1 =	vadd.s32 v0, v1;
	(pc) =	sbr.rel @p0 .LBB2_2-.Ltmp0, $4  }
0x52: {  	v4 =	vld [tilespmem:s14+$0xFFFFFFB0];
	[tilespmem:s10+$0xFFFFFFD0] =	vst v1;
	v1 =	vadd.s32 v0, v3  }
0x53: {  	v2 =	vld [tilespmem:s14+$0xFFFFFFC0];
	[tilespmem:s10+$0xFFFFFFE0] =	vst v1;
	v3 =	vadd.s32 v0, v6  }
0x54: {  	v1 =	vld [tilespmem:s14+$0xFFFFFFD0];
	v7 =	vadd.s32 v0, v7;
	[tilespmem:s10+$0x0] =	vst v3  }
0x55: {  	s12 =	sadd.s32 $0x200, s12;
	v6 =	vadd.s32 v0, v8;
	v3 =	vld [tilespmem:s14+$0xFFFFFFE0];
	[tilespmem:s10+$0xFFFFFFF0] =	vst v7;
	s10 =	smov.u32 s14  }
0x56: {  	[tilespmem:s10+$0xFFFFFF90] =	vst v6;
	v5 =	vadd.s32 v0, v5;
	v62 =	vld [tilespmem:s10+$0x0]  }
0x57: {  	v63 =	vld [tilespmem:s10+$0xFFFFFFF0];
	[tilespmem:s10+$0xFFFFFFA0] =	vst v5;
	v4 =	vadd.s32 v0, v4  }
0x58: {  	[tilespmem:s10+$0xFFFFFFB0] =	vst v4;
	v2 =	vadd.s32 v0, v2  }
0x59: {  	[tilespmem:s10+$0xFFFFFFC0] =	vst v2;
	v1 =	vadd.s32 v0, v1  }
0x5a: {  	[tilespmem:s10+$0xFFFFFFD0] =	vst v1;
	v1 =	vadd.s32 v0, v3  }
0x5b: {  	[tilespmem:s10+$0xFFFFFFE0] =	vst v1;
	v1 =	vadd.s32 v0, v62  }
0x5c: {  	v2 =	vadd.s32 v0, v63;
	[tilespmem:s10+$0x0] =	vst v1  }
0x5d: {  	s12 =	simm.s32 $0x0;
	[tilespmem:s10+$0xFFFFFFF0] =	vst v2  }
0x5e: {  	[tilespmem:s23], [sflag:$0x1] =	stream.indirect.gather [hbm4b:s4+s26], $0x80, s12, s26, $0xb8;
	[tilespmem:$0x1E800] =	vst v63  }
0x5f: {  	_ = 	snop  }
0x60: {  	[tilespmem:s28], [sflag:$0x2] =	stream.indirect.gather [hbm4b:s4+s26], $0x80, s26, s26, $0xb8;
	[tilespmem:$0x1E800] =	vst v63  }
0x61: {  	_ =	swait.ge [sflag:s29], $0x4000  }
0x62: {  	[sflag:s29] =	ssyncset.done $0x0  }
0x63: {  	s14 =	simm.s32 $0x1400;
	[sflag:s29] =	ssyncadd.s32 $0xFFFFC000  }
0x64: {  	[spmem:s2] =	stream.indirect.scatter.add.f32 [tilespmem:s23], [sflag:$0x3], $0x80, s14, s26, $0xb8;
	[tilespmem:$0x1E800] =	vst v63  }
0x65: {  	_ =	swait.ge [sflag:s30], $0x4000  }
0x66: {  	[sflag:s30] =	ssyncset.done $0x0  }
0x67: {  	s12 =	simm.s32 $0x1480;
	[sflag:s30] =	ssyncadd.s32 $0xFFFFC000  }
0x68: {  	[spmem:s2] =	stream.indirect.scatter.add.f32 [tilespmem:s28], [sflag:$0x4], $0x80, s12, s26, $0xb8;
	[tilespmem:$0x1E800] =	vst v63  }
0x69: {  	_ =	swait.ge [sflag:s31], $0x4000  }
0x6a: {  	[sflag:s31] =	ssyncset.done $0x0  }
0x6b: {  	s14 =	simm.s32 $0x100;
	[sflag:s31] =	ssyncadd.s32 $0xFFFFC000  }
0x6c: {  	[tilespmem:s23], [sflag:$0x1] =	stream.indirect.gather [hbm4b:s4+s26], $0x80, s14, s26, $0xb8;
	[tilespmem:$0x1E800] =	vst v63  }
0x6d: {  	_ =	swait.ge [sflag:s0], $0x4000  }
0x6e: {  	[sflag:s0] =	ssyncset.done $0x0  }
0x6f: {  	s10 =	simm.s32 $0x400;
	s12 =	simm.s32 $0x180;
	[sflag:s0] =	ssyncadd.s32 $0xFFFFC000  }
.LBB2_4:
0x70: {  	[tilespmem:s28], [sflag:$0x2] =	stream.indirect.gather [hbm4b:s4+s26], $0x80, s12, s26, $0xb8;
	[tilespmem:$0x1E800] =	vst v63  }
0x71: {  	s12 =	smov.u32 s10  }
0x72: {  	p0 =	sne.s32 s10, $0x4800;
	s10 =	sadd.s32 $0x400, s10;
	_ =	swait.ge [sflag:s29], $0x4000  }
0x73: {  	s12 =	sshra.s32 s12, $0x2;
	[sflag:s29] =	ssyncset.done $0x0  }
0x74: {  	s14 =	sadd.s32 $0x1400, s12;
	[sflag:s29] =	ssyncadd.s32 $0xFFFFC000  }
0x75: {  	[spmem:s2] =	stream.indirect.scatter.add.f32 [tilespmem:s23], [sflag:$0x3], $0x80, s14, s26, $0xb8;
	[tilespmem:$0x1E800] =	vst v63  }
0x76: {  	_ =	swait.ge [sflag:s30], $0x4000  }
0x77: {  	[sflag:s30] =	ssyncset.done $0x0  }
0x78: {  	s14 =	sadd.s32 $0x1480, s12;
	[sflag:s30] =	ssyncadd.s32 $0xFFFFC000  }
0x79: {  	[spmem:s2] =	stream.indirect.scatter.add.f32 [tilespmem:s28], [sflag:$0x4], $0x80, s14, s26, $0xb8;
	[tilespmem:$0x1E800] =	vst v63  }
0x7a: {  	_ =	swait.ge [sflag:s31], $0x4000  }
0x7b: {  	[sflag:s31] =	ssyncset.done $0x0  }
.Ltmp1:
0x7c: {  	s14 =	sadd.s32 $0x100, s12;
	[sflag:s31] =	ssyncadd.s32 $0xFFFFC000;
	(pc) =	sbr.rel @p0 .LBB2_4-.Ltmp1, $4  }
0x7d: {  	[tilespmem:s23], [sflag:$0x1] =	stream.indirect.gather [hbm4b:s4+s26], $0x80, s14, s26, $0xb8;
	[tilespmem:$0x1E800] =	vst v63  }
0x7e: {  	_ =	swait.ge [sflag:s0], $0x4000  }
0x7f: {  	[sflag:s0] =	ssyncset.done $0x0  }
0x80: {  	s12 =	sadd.s32 $0x180, s12;
	[sflag:s0] =	ssyncadd.s32 $0xFFFFC000  }
0x81: {  	[tilespmem:s28], [sflag:$0x2] =	stream.indirect.gather [hbm4b:s4+s26], $0x80, s12, s26, $0xb8;
	[tilespmem:$0x1E800] =	vst v63  }
0x82: {  	_ =	swait.ge [sflag:s29], $0x4000  }
0x83: {  	[sflag:s29] =	ssyncset.done $0x0  }
0x84: {  	[sflag:s29] =	ssyncadd.s32 $0xFFFFC000  }
0x85: {  	[spmem:s2] =	stream.indirect.scatter.add.f32 [tilespmem:s23], [sflag:$0x3], $0x80, s1, s26, $0xb8;
	[tilespmem:$0x1E800] =	vst v63  }
0x86: {  	_ =	swait.ge [sflag:s30], $0x4000  }
0x87: {  	[sflag:s30] =	ssyncset.done $0x0  }
0x88: {  	[sflag:s30] =	ssyncadd.s32 $0xFFFFC000  }
0x89: {  	[spmem:s2] =	stream.indirect.scatter.add.f32 [tilespmem:s28], [sflag:$0x4], $0x80, s8, s26, $0xb8;
	[tilespmem:$0x1E800] =	vst v63  }
0x8a: {  	_ =	swait.ge [sflag:s31], $0x4000  }
0x8b: {  	[sflag:s31] =	ssyncset.done $0x0  }
0x8c: {  	[sflag:s31] =	ssyncadd.s32 $0xFFFFC000  }
0x8d: {  	_ =	swait.ge [sflag:s0], $0x4000  }
0x8e: {  	[sflag:s0] =	ssyncset.done $0x0  }
0x8f: {  	s10 =	sadd.s32 $0x280, s5;
	[sflag:s0] =	ssyncadd.s32 $0xFFFFC000  }
0x90: {  	[tilespmem:s3], [sflag:$0x5] =	stream.linear.gather [hbm4b:s10+s3], $0x1400, $0x38;
	[tilespmem:$0x1E800] =	vst v63  }
0x91: {  	_ =	swait.ge [sflag:s24], $0x1400  }
0x92: {  	[sflag:s24] =	ssyncset.done $0x0  }
0x93: {  	s14 =	sadd.s32 $0x280, s6;
	[sflag:s24] =	ssyncadd.s32 $0xFFFFEC00  }
0x94: {  	[tilespmem:s25], [sflag:$0x5] =	stream.linear.gather [hbm4b:s14+s3], $0x1400, $0x38;
	[tilespmem:$0x1E800] =	vst v63  }
0x95: {  	_ =	swait.ge [sflag:s24], $0x1400  }
0x96: {  	[sflag:s24] =	ssyncset.done $0x0  }
0x97: {  	s10 =	simm.s32 $0x70;
	[sflag:s24] =	ssyncadd.s32 $0xFFFFEC00  }
0x98: {  	v3 =	vld [tilespmem:s10+$0xFFFFFF90]  }
0x99: {  	v5 =	vld [tilespmem:s10+$0xFFFFFFA0]  }
0x9a: {  	v4 =	vld [tilespmem:s10+$0xFFFFFFB0]  }
0x9b: {  	v2 =	vld [tilespmem:s10+$0xFFFFFFC0]  }
0x9c: {  	v1 =	vld [tilespmem:s10+$0xFFFFFFD0]  }
0x9d: {  	s12 =	simm.s32 $0x3C0;
	v6 =	vadd.s32 v0, v3;
	v3 =	vld [tilespmem:s10+$0xFFFFFFE0]  }
.LBB2_6:
0x9e: {  	p0 =	sne.s32 s12, $0x4FC0;
	[tilespmem:s10+$0xFFFFFF90] =	vst v6;
	v5 =	vadd.s32 v0, v5;
	v6 =	vld [tilespmem:s10+$0x0]  }
0x9f: {  	s14 =	sshra.s32 s12, $0x2;
	[tilespmem:s10+$0xFFFFFFA0] =	vst v5;
	v4 =	vadd.s32 v0, v4;
	v7 =	vld [tilespmem:s10+$0xFFFFFFF0]  }
0xa0: {  	v8 =	vld [tilespmem:s14+$0xFFFFFF90];
	[tilespmem:s10+$0xFFFFFFB0] =	vst v4;
	v2 =	vadd.s32 v0, v2  }
.Ltmp2:
0xa1: {  	v5 =	vld [tilespmem:s14+$0xFFFFFFA0];
	[tilespmem:s10+$0xFFFFFFC0] =	vst v2;
	v1 =	vadd.s32 v0, v1;
	(pc) =	sbr.rel @p0 .LBB2_6-.Ltmp2, $4  }
0xa2: {  	v4 =	vld [tilespmem:s14+$0xFFFFFFB0];
	[tilespmem:s10+$0xFFFFFFD0] =	vst v1;
	v1 =	vadd.s32 v0, v3  }
0xa3: {  	v2 =	vld [tilespmem:s14+$0xFFFFFFC0];
	[tilespmem:s10+$0xFFFFFFE0] =	vst v1;
	v3 =	vadd.s32 v0, v6  }
0xa4: {  	v1 =	vld [tilespmem:s14+$0xFFFFFFD0];
	v7 =	vadd.s32 v0, v7;
	[tilespmem:s10+$0x0] =	vst v3  }
0xa5: {  	s12 =	sadd.s32 $0x200, s12;
	v6 =	vadd.s32 v0, v8;
	v3 =	vld [tilespmem:s14+$0xFFFFFFE0];
	[tilespmem:s10+$0xFFFFFFF0] =	vst v7;
	s10 =	smov.u32 s14  }
0xa6: {  	[tilespmem:s10+$0xFFFFFF90] =	vst v6;
	v5 =	vadd.s32 v0, v5;
	v62 =	vld [tilespmem:s10+$0x0]  }
0xa7: {  	v63 =	vld [tilespmem:s10+$0xFFFFFFF0];
	[tilespmem:s10+$0xFFFFFFA0] =	vst v5;
	v4 =	vadd.s32 v0, v4  }
0xa8: {  	[tilespmem:s10+$0xFFFFFFB0] =	vst v4;
	v2 =	vadd.s32 v0, v2  }
0xa9: {  	[tilespmem:s10+$0xFFFFFFC0] =	vst v2;
	v1 =	vadd.s32 v0, v1  }
0xaa: {  	[tilespmem:s10+$0xFFFFFFD0] =	vst v1;
	v1 =	vadd.s32 v0, v3  }
0xab: {  	[tilespmem:s10+$0xFFFFFFE0] =	vst v1;
	v1 =	vadd.s32 v0, v62  }
0xac: {  	v2 =	vadd.s32 v0, v63;
	[tilespmem:s10+$0x0] =	vst v1  }
0xad: {  	s12 =	simm.s32 $0x0;
	[tilespmem:s10+$0xFFFFFFF0] =	vst v2  }
0xae: {  	[tilespmem:s23], [sflag:$0x1] =	stream.indirect.gather [hbm4b:s4+s26], $0x80, s12, s26, $0xb8;
	[tilespmem:$0x1E800] =	vst v63  }
0xaf: {  	_ = 	snop  }
0xb0: {  	[tilespmem:s28], [sflag:$0x2] =	stream.indirect.gather [hbm4b:s4+s26], $0x80, s26, s26, $0xb8;
	[tilespmem:$0x1E800] =	vst v63  }
0xb1: {  	_ =	swait.ge [sflag:s29], $0x4000  }
0xb2: {  	[sflag:s29] =	ssyncset.done $0x0  }
0xb3: {  	s14 =	simm.s32 $0x1400;
	[sflag:s29] =	ssyncadd.s32 $0xFFFFC000  }
0xb4: {  	[spmem:s2] =	stream.indirect.scatter.add.f32 [tilespmem:s23], [sflag:$0x3], $0x80, s14, s26, $0xb8;
	[tilespmem:$0x1E800] =	vst v63  }
0xb5: {  	_ =	swait.ge [sflag:s30], $0x4000  }
0xb6: {  	[sflag:s30] =	ssyncset.done $0x0  }
0xb7: {  	s12 =	simm.s32 $0x1480;
	[sflag:s30] =	ssyncadd.s32 $0xFFFFC000  }
0xb8: {  	[spmem:s2] =	stream.indirect.scatter.add.f32 [tilespmem:s28], [sflag:$0x4], $0x80, s12, s26, $0xb8;
	[tilespmem:$0x1E800] =	vst v63  }
0xb9: {  	_ =	swait.ge [sflag:s31], $0x4000  }
0xba: {  	[sflag:s31] =	ssyncset.done $0x0  }
0xbb: {  	s14 =	simm.s32 $0x100;
	[sflag:s31] =	ssyncadd.s32 $0xFFFFC000  }
0xbc: {  	[tilespmem:s23], [sflag:$0x1] =	stream.indirect.gather [hbm4b:s4+s26], $0x80, s14, s26, $0xb8;
	[tilespmem:$0x1E800] =	vst v63  }
0xbd: {  	_ =	swait.ge [sflag:s0], $0x4000  }
0xbe: {  	[sflag:s0] =	ssyncset.done $0x0  }
0xbf: {  	s10 =	simm.s32 $0x400;
	s12 =	simm.s32 $0x180;
	[sflag:s0] =	ssyncadd.s32 $0xFFFFC000  }
.LBB2_8:
0xc0: {  	[tilespmem:s28], [sflag:$0x2] =	stream.indirect.gather [hbm4b:s4+s26], $0x80, s12, s26, $0xb8;
	[tilespmem:$0x1E800] =	vst v63  }
0xc1: {  	s12 =	smov.u32 s10  }
0xc2: {  	p0 =	sne.s32 s10, $0x4800;
	s10 =	sadd.s32 $0x400, s10;
	_ =	swait.ge [sflag:s29], $0x4000  }
0xc3: {  	s12 =	sshra.s32 s12, $0x2;
	[sflag:s29] =	ssyncset.done $0x0  }
0xc4: {  	s14 =	sadd.s32 $0x1400, s12;
	[sflag:s29] =	ssyncadd.s32 $0xFFFFC000  }
0xc5: {  	[spmem:s2] =	stream.indirect.scatter.add.f32 [tilespmem:s23], [sflag:$0x3], $0x80, s14, s26, $0xb8;
	[tilespmem:$0x1E800] =	vst v63  }
0xc6: {  	_ =	swait.ge [sflag:s30], $0x4000  }
0xc7: {  	[sflag:s30] =	ssyncset.done $0x0  }
0xc8: {  	s14 =	sadd.s32 $0x1480, s12;
	[sflag:s30] =	ssyncadd.s32 $0xFFFFC000  }
0xc9: {  	[spmem:s2] =	stream.indirect.scatter.add.f32 [tilespmem:s28], [sflag:$0x4], $0x80, s14, s26, $0xb8;
	[tilespmem:$0x1E800] =	vst v63  }
0xca: {  	_ =	swait.ge [sflag:s31], $0x4000  }
0xcb: {  	[sflag:s31] =	ssyncset.done $0x0  }
.Ltmp3:
0xcc: {  	s14 =	sadd.s32 $0x100, s12;
	[sflag:s31] =	ssyncadd.s32 $0xFFFFC000;
	(pc) =	sbr.rel @p0 .LBB2_8-.Ltmp3, $4  }
0xcd: {  	[tilespmem:s23], [sflag:$0x1] =	stream.indirect.gather [hbm4b:s4+s26], $0x80, s14, s26, $0xb8;
	[tilespmem:$0x1E800] =	vst v63  }
0xce: {  	_ =	swait.ge [sflag:s0], $0x4000  }
0xcf: {  	[sflag:s0] =	ssyncset.done $0x0  }
0xd0: {  	s12 =	sadd.s32 $0x180, s12;
	[sflag:s0] =	ssyncadd.s32 $0xFFFFC000  }
0xd1: {  	[tilespmem:s28], [sflag:$0x2] =	stream.indirect.gather [hbm4b:s4+s26], $0x80, s12, s26, $0xb8;
	[tilespmem:$0x1E800] =	vst v63  }
0xd2: {  	_ =	swait.ge [sflag:s29], $0x4000  }
0xd3: {  	[sflag:s29] =	ssyncset.done $0x0  }
0xd4: {  	[sflag:s29] =	ssyncadd.s32 $0xFFFFC000  }
0xd5: {  	[spmem:s2] =	stream.indirect.scatter.add.f32 [tilespmem:s23], [sflag:$0x3], $0x80, s1, s26, $0xb8;
	[tilespmem:$0x1E800] =	vst v63  }
0xd6: {  	_ =	swait.ge [sflag:s30], $0x4000  }
0xd7: {  	[sflag:s30] =	ssyncset.done $0x0  }
0xd8: {  	[sflag:s30] =	ssyncadd.s32 $0xFFFFC000  }
0xd9: {  	[spmem:s2] =	stream.indirect.scatter.add.f32 [tilespmem:s28], [sflag:$0x4], $0x80, s8, s26, $0xb8;
	[tilespmem:$0x1E800] =	vst v63  }
0xda: {  	_ =	swait.ge [sflag:s31], $0x4000  }
0xdb: {  	[sflag:s31] =	ssyncset.done $0x0  }
0xdc: {  	[sflag:s31] =	ssyncadd.s32 $0xFFFFC000  }
0xdd: {  	_ =	swait.ge [sflag:s0], $0x4000  }
0xde: {  	[sflag:s0] =	ssyncset.done $0x0  }
0xdf: {  	[sflag:s0] =	ssyncadd.s32 $0xFFFFC000  }
0xe0: {  	[bflag:$0x0] =	sbarrier.arrive $0xFFFF  }
0xe1: {  	[tilespmem:s23], [sflag:$0x5] =	stream.linear.gather [spmem:s7], $0x4000, $0x38;
	[tilespmem:$0x1E800] =	vst v63  }
0xe2: {  	_ =	swait.ge [sflag:s24], $0x4000  }
0xe3: {  	[sflag:s24] =	ssyncset.done $0x0  }
0xe4: {  	[sflag:s24] =	ssyncadd.s32 $0xFFFFC000  }
0xe5: {  	[hbm4b:s18+s3] =	stream.linear.scatter [tilespmem:s23], [sflag:$0x5], $0x4000, $0x38;
	[tilespmem:$0x1E800] =	vst v63  }
0xe6: {  	_ =	swait.ge [sflag:s24], $0x4000  }
0xe7: {  	[sflag:s24] =	ssyncset.done $0x0  }
0xe8: {  	[sflag:s24] =	ssyncadd.s32 $0xFFFFC000  }
0xe9: {  	[tilespmem:s23], [sflag:$0x5] =	stream.linear.gather [spmem:s11], $0x4000, $0x38;
	[tilespmem:$0x1E800] =	vst v63  }
0xea: {  	_ =	swait.ge [sflag:s24], $0x4000  }
0xeb: {  	[sflag:s24] =	ssyncset.done $0x0  }
0xec: {  	[sflag:s24] =	ssyncadd.s32 $0xFFFFC000  }
0xed: {  	[hbm4b:s19+s3] =	stream.linear.scatter [tilespmem:s23], [sflag:$0x5], $0x4000, $0x38;
	[tilespmem:$0x1E800] =	vst v63  }
0xee: {  	_ =	swait.ge [sflag:s24], $0x4000  }
0xef: {  	[sflag:s24] =	ssyncset.done $0x0  }
0xf0: {  	[sflag:s24] =	ssyncadd.s32 $0xFFFFC000  }
0xf1: {  	[tilespmem:s23], [sflag:$0x5] =	stream.linear.gather [spmem:s13], $0x4000, $0x38;
	[tilespmem:$0x1E800] =	vst v63  }
0xf2: {  	_ =	swait.ge [sflag:s24], $0x4000  }
0xf3: {  	[sflag:s24] =	ssyncset.done $0x0  }
0xf4: {  	[sflag:s24] =	ssyncadd.s32 $0xFFFFC000  }
0xf5: {  	[hbm4b:s20+s3] =	stream.linear.scatter [tilespmem:s23], [sflag:$0x5], $0x4000, $0x38;
	[tilespmem:$0x1E800] =	vst v63  }
0xf6: {  	_ =	swait.ge [sflag:s24], $0x4000  }
0xf7: {  	[sflag:s24] =	ssyncset.done $0x0  }
0xf8: {  	[sflag:s24] =	ssyncadd.s32 $0xFFFFC000  }
0xf9: {  	[tilespmem:s23], [sflag:$0x5] =	stream.linear.gather [spmem:s15], $0x4000, $0x38;
	[tilespmem:$0x1E800] =	vst v63  }
0xfa: {  	_ =	swait.ge [sflag:s24], $0x4000  }
0xfb: {  	[sflag:s24] =	ssyncset.done $0x0  }
0xfc: {  	[sflag:s24] =	ssyncadd.s32 $0xFFFFC000  }
0xfd: {  	[hbm4b:s21+s3] =	stream.linear.scatter [tilespmem:s23], [sflag:$0x5], $0x4000, $0x38;
	[tilespmem:$0x1E800] =	vst v63  }
0xfe: {  	_ =	swait.ge [sflag:s24], $0x4000  }
0xff: {  	[sflag:s24] =	ssyncset.done $0x0  }
0x100: {  	[sflag:s24] =	ssyncadd.s32 $0xFFFFC000  }
0x101: {  	[tilespmem:s23], [sflag:$0x5] =	stream.linear.gather [spmem:s17], $0x4000, $0x38;
	[tilespmem:$0x1E800] =	vst v63  }
0x102: {  	_ =	swait.ge [sflag:s24], $0x4000  }
0x103: {  	[sflag:s24] =	ssyncset.done $0x0  }
0x104: {  	[sflag:s24] =	ssyncadd.s32 $0xFFFFC000  }
0x105: {  	[hbm4b:s22+s3] =	stream.linear.scatter [tilespmem:s23], [sflag:$0x5], $0x4000, $0x38;
	[tilespmem:$0x1E800] =	vst v63  }
0x106: {  	_ =	swait.ge [sflag:s24], $0x4000  }
0x107: {  	s9 =	sadd.s32 $0x1, s9;
	s10 =	rddreg [dreg:$0x3]  }
0x108: {  	p0 =	sne.s32 s9, s10  }
.Ltmp4:
0x109: {  	_ = 	snop;
	(pc) =	sbr.rel @p0 .LBB2_1-.Ltmp4, $3  }
0x10a: {  	_ =	sdelay $0x1  }
0x10b: {  	[sflag:s24] =	ssyncset.done $0x0  }
0x10c: {  	[sflag:s24] =	ssyncadd.s32 $0xFFFFC000  }
0x10d: {  	_ =	sfence.sel $0x180000  }
0x10e: {  	[bflag:$0x0] =	sbarrier.arrive $0xFFFF  }
0x10f: {  	_ =	strace $0x9000004A  }
0x110: {  	s0 =	stileid.u32;
	[bflag:$0x2] =	sbarrier.arrive $0xFFFF  }
0x111: {  	p0 =	sne.s32 s0, $0x0;
	s0 =	rddreg [dreg:$0x2]  }
0x112: {  	s0 =	sadd.s32 @!p0 $0x100000, s0  }
0x113: {  	[sflag:s0] =	ssyncadd.tile.s32 @!p0 $0x1;
	_ =	shalt  }
.Lfunc_end2:
_tile_overlayer_lowered:
.L_overlay_start_2:
0x114: {  	(tag) =	ssettag $0x2  }
0x115: {  	s0 =	rddreg [dreg:$0x0];
	s2 =	stileid.u32  }
0x116: {  	s1 =	rddreg [dreg:$0x1];
	p0 =	sne.s32 s2, $0x0  }
0x117: {  	s3 =	rddreg [dreg:$0x2];
	[bflag:$0x3] =	sbarrier.arrive $0xFFFF;
	s2 =	simm.s32 @!p0 $0x1C05  }
0x118: {  	[timem:s3], [sflag:s2] =	dma.local @!p0 [hbm:s0], s1  }
0x119: {  	s0 =	simm.s32 @!p0 $0x5  }
0x11a: {  	_ =	swait.ge @!p0 [sflag:s0], s1  }
0x11b: {  	s1 =	ssub.s32 @!p0 $0x0, s1;
	[sflag:s0] =	ssyncset.done @!p0 $0x0  }
0x11c: {  	[sflag:s0] =	ssyncadd.s32 @!p0 s1  }
0x11d: {  	[bflag:$0x3] =	sbarrier.arrive $0xFFFF  }
0x11e: {  	_ =	shalt  }

// kernel: kernel.14.cloned.1.call-start
scs
__scs_entry_jumppad:
0x0: {  	(pc) =	sbr.rel $0x88, $3  }
0x1: {  	(tag) =	ssettag $0x0;
	lr =	simm.s32 $0x1  }
0x2: {  	[smem:$0x3F99] =	sst lr;
	_ =	strace $0xD0000000  }
0x3: {  	_ = 	snop  }
0x4: {  	_ = 	snop  }
0x5: {  	_ = 	snop  }
0x6: {  	_ = 	snop  }
0x7: {  	_ = 	snop  }
__scs_overlays_trampoline_lowered:
0x8: {  	[smem:$0x3FA8] =	sst s0  }
0x9: {  	[smem:$0x3FA9] =	sst s1  }
0xa: {  	[smem:$0x3FAA] =	sst s2  }
0xb: {  	[smem:$0x3FAB] =	sst s3  }
0xc: {  	[smem:$0x3FAC] =	sst s4  }
0xd: {  	[smem:$0x3FAD] =	sst s5  }
0xe: {  	[smem:$0x3FAE] =	sst s6  }
0xf: {  	[smem:$0x3FAF] =	sst s7  }
0x10: {  	[smem:$0x3FB0] =	sst s8  }
0x11: {  	[smem:$0x3FB1] =	sst s9;
	s0 =	simm.s32 @!p0 $0x0  }
0x12: {  	s1 =	sld [smem:$0x3F97];
	s0 =	simm.s32 @p0 $0x1  }
0x13: {  	[smem:$0x3FB2] =	sst s0;
	s0 =	simm.s32 @!p1 $0x0  }
0x14: {  	s2 =	sld [smem:$0x3F96];
	s0 =	simm.s32 @p1 $0x1  }
0x15: {  	[smem:$0x3FB3] =	sst s0;
	s0 =	simm.s32 @!p2 $0x0  }
0x16: {  	s3 =	sld [smem:$0x3FDB];
	s0 =	simm.s32 @p2 $0x1  }
0x17: {  	s4 =	simm.s32 $0x1BF5;
	[smem:$0x3FB5] =	sst s0  }
0x18: {  	s0 =	sld [smem:$0x3F98];
	_ =	swait.ge [sflag:s4], $0x0  }
0x19: {  	s7 =	sld [smem:$0x3F99]  }
0x1a: {  	s8 =	sadd.s32 $0xFFFFE003, lr  }
0x1b: {  	s9 =	sadd.s32 $0xFFFFFEF7, lr;
	s5 =	simm.s32 $0xFFFFFFFF;
	p2 =	slt.u32 s8, $0xFFFFF086  }
0x1c: {  	p1 =	slt.u32 s9, $0xF7A;
	s5 =	simm.s32 @!p2 $0x0  }
0x1d: {  	s5 =	simm.s32 @p1 $0x1;
	p0 =	seq.s32 s7, s2  }
0x1e: {  	s7 =	smul.u32 @!p0 $0xF7A, s2;
	p2 =	seq.s32 @!p0 s5, $0x0  }
0x1f: {  	s9 =	smul.u32 $0xF7A, s1;
	s8 =	simm.s32 @!p0 $0x1BF5;
	p2 =	por !p2, p0  }
0x20: {  	[sflag:s8] =	ssyncset.s32 @!p0 $0xFFFFF086;
	s6 =	sadd.s32 @!p0 s3, s7;
	s7 =	simm.s32 @!p0 $0x108  }
0x21: {  	s3 =	sadd.s32 s3, s9;
	s6 =	sadd.s32 @!p0 $0x88, s6;
	s7 =	simm.s32 @p2 $0x1082  }
0x22: {  	[simem:s7], [sflag:s8] =	dma.local @!p0 [hbm:s6], $0xF7A  }
0x23: {  	s9 =	sor.u32 $0xD0000000, s2;
	s6 =	simm.s32 $0x108;
	_ =	swait.ge @!p0 [sflag:s8], $0x0  }
0x24: {  	s3 =	sadd.s32 $0x88, s3;
	s6 =	simm.s32 @!p1 $0x1082;
	[sflag:s4] =	ssyncset.s32 $0xFFFFF086  }
0x25: {  	[simem:s6], [sflag:s4] =	dma.local [hbm:s3], $0xF7A  }
0x26: {  	[smem:$0x3F99] =	sst s1;
	(tag) =	ssettag s2;
	_ =	strace s9  }
0x27: {  	s1 =	sld [smem:$0x3FA9]  }
0x28: {  	s2 =	sld [smem:$0x3FAA]  }
0x29: {  	s4 =	sld [smem:$0x3FAC]  }
0x2a: {  	p0 =	seq.s32 s5, $0x0;
	s5 =	sld [smem:$0x3FAD]  }
0x2b: {  	s6 =	sld [smem:$0x3FAE]  }
0x2c: {  	s7 =	sld [smem:$0x3FAF]  }
0x2d: {  	s3 =	simm.s32 $0x108;
	s8 =	sld [smem:$0x3FB0]  }
0x2e: {  	s3 =	simm.s32 @!p0 $0x1082;
	s9 =	sld [smem:$0x3FB1]  }
0x2f: {  	lr =	sadd.s32 s0, s3;
	s0 =	sld [smem:$0x3FA8]  }
0x30: {  	s3 =	sld [smem:$0x3FAB]  }
0x31: {  	[smem:$0x3FB4] =	sst s10  }
0x32: {  	s10 =	sld [smem:$0x3FB2];
	_ =	sdelay $0x3  }
0x33: {  	p0 =	seq.s32 s10, $0x1;
	s10 =	sld [smem:$0x3FB4];
	_ =	sdelay $0x3  }
0x34: {  	[smem:$0x3FB4] =	sst s10  }
0x35: {  	s10 =	sld [smem:$0x3FB3];
	_ =	sdelay $0x3  }
0x36: {  	p1 =	seq.s32 s10, $0x1;
	s10 =	sld [smem:$0x3FB4];
	_ =	sdelay $0x3  }
0x37: {  	[smem:$0x3FB4] =	sst s10  }
0x38: {  	s10 =	sld [smem:$0x3FB5]  }
0x39: {  	_ = 	snop;
	(pc) =	sbr.ind lr, $3  }
0x3a: {  	_ = 	snop  }
0x3b: {  	_ = 	snop  }
0x3c: {  	p2 =	seq.s32 s10, $0x1;
	s10 =	sld [smem:$0x3FB4]  }
0x3d: {  	_ =	shalt  }
0x3e: {  	_ =	shalt  }
0x3f: {  	_ =	shalt  }
0x40: {  	_ =	shalt  }
0x41: {  	_ =	shalt  }
0x42: {  	_ =	shalt  }
0x43: {  	_ =	shalt  }
0x44: {  	_ =	shalt  }
0x45: {  	_ =	shalt  }
0x46: {  	_ =	shalt  }
0x47: {  	_ =	shalt  }
0x48: {  	_ =	shalt  }
0x49: {  	_ =	shalt  }
0x4a: {  	_ =	shalt  }
0x4b: {  	_ =	shalt  }
0x4c: {  	_ =	shalt  }
0x4d: {  	_ =	shalt  }
0x4e: {  	_ =	shalt  }
0x4f: {  	_ =	shalt  }
0x50: {  	_ =	shalt  }
0x51: {  	_ =	shalt  }
0x52: {  	_ =	shalt  }
0x53: {  	_ =	shalt  }
0x54: {  	_ =	shalt  }
0x55: {  	_ =	shalt  }
0x56: {  	_ =	shalt  }
0x57: {  	_ =	shalt  }
0x58: {  	_ =	shalt  }
0x59: {  	_ =	shalt  }
0x5a: {  	_ =	shalt  }
0x5b: {  	_ =	shalt  }
0x5c: {  	_ =	shalt  }
0x5d: {  	_ =	shalt  }
0x5e: {  	_ =	shalt  }
0x5f: {  	_ =	shalt  }
0x60: {  	_ =	shalt  }
0x61: {  	_ =	shalt  }
0x62: {  	_ =	shalt  }
0x63: {  	_ =	shalt  }
0x64: {  	_ =	shalt  }
0x65: {  	_ =	shalt  }
0x66: {  	_ =	shalt  }
0x67: {  	_ =	shalt  }
0x68: {  	_ =	shalt  }
0x69: {  	_ =	shalt  }
0x6a: {  	_ =	shalt  }
0x6b: {  	_ =	shalt  }
0x6c: {  	_ =	shalt  }
0x6d: {  	_ =	shalt  }
0x6e: {  	_ =	shalt  }
0x6f: {  	_ =	shalt  }
0x70: {  	_ =	shalt  }
0x71: {  	_ =	shalt  }
0x72: {  	_ =	shalt  }
0x73: {  	_ =	shalt  }
0x74: {  	_ =	shalt  }
0x75: {  	_ =	shalt  }
0x76: {  	_ =	shalt  }
0x77: {  	_ =	shalt  }
0x78: {  	_ =	shalt  }
0x79: {  	_ =	shalt  }
0x7a: {  	_ =	shalt  }
0x7b: {  	_ =	shalt  }
0x7c: {  	_ =	shalt  }
0x7d: {  	_ =	shalt  }
0x7e: {  	_ =	shalt  }
0x7f: {  	_ =	shalt  }
0x80: {  	_ =	shalt  }
0x81: {  	_ =	shalt  }
0x82: {  	_ =	shalt  }
0x83: {  	_ =	shalt  }
0x84: {  	_ =	shalt  }
0x85: {  	_ =	shalt  }
0x86: {  	_ =	shalt  }
0x87: {  	_ =	shalt  }
.Lfunc_end0:
.L_simem_size_0:
called_computation.2_lowered:
.L_overlay_start_0:
0x88: {  	s2 =	sld [smem:$0x3FD9]  }
0x89: {  	s3 =	sld [smem:$0x3FFE];
	_ =	sdelay $0x1  }
0x8a: {  	s1 =	srdreg.scid  }
0x8b: {  	s0 =	sand.u32 $0x1, s1  }
0x8c: {  	s16 =	sshll.u32 s0, $0xA;
	s2 =	sadd.s32 s3, s2  }
0x8d: {  	s2 =	sadd.s32 s2, s16  }
0x8e: {  	[smem:$0x3FC0] =	sst s2  }
0x8f: {  	_ = 	snop  }
0x90: {  	(tm) =	ssettm $0x1  }
0x91: {  	s17 =	sld [smem:$0x3FFB];
	_ =	sdelay $0x3  }
0x92: {  	_ =	strace s17  }
0x93: {  	s2 =	sld [smem:$0x3FFC];
	_ =	sdelay $0x3  }
0x94: {  	_ =	strace s2  }
0x95: {  	s2 =	sld [smem:$0x3FFD];
	_ =	sdelay $0x3  }
0x96: {  	_ =	strace s2  }
0x97: {  	_ =	strace $0x8FFFFFFF  }
0x98: {  	s18 =	sld [smem:$0x3FDB];
	_ =	sdelay $0x1  }
0x99: {  	s19 =	simm.s32 $_scs_section_size  }
0x9a: {  	s4 =	simm.s32 $_size__tile_overlayer_lowered;
	s5 =	simm.s32 $_tile_overlayer_lowered  }
0x9b: {  	s22 =	simm.s32 $0x1BFF;
	s21 =	sshll.u32 s5, $0x1;
	s2 =	sadd.s32 s19, s18  }
0x9c: {  	s6 =	simm.s32 $0x0;
	s20 =	sshll.u32 s4, $0x1;
	s4 =	sadd.s32 s21, s2  }
0x9d: {  	[timem:s6], [sflag:s22] =	dma.local [hbm:s4], s20  }
0x9e: {  	_ =	swait.ge [sflag:s22], s20  }
0x9f: {  	s3 =	ssub.s32 $0x0, s20;
	[sflag:s22] =	ssyncset.done $0x0  }
0xa0: {  	[sflag:s22] =	ssyncadd.s32 s3;
	_ =	sdelay $0x1  }
0xa1: {  	s23 =	simm.s32 $0x1B8B  }
0xa2: {  	_ =	swait.ge [sflag:s23], $0x1  }
0xa3: {  	[sflag:s23] =	ssyncset.done $0x0  }
0xa4: {  	s25 =	simm.s32 $0x1B8E;
	s24 =	sld [smem:$0x3FFE];
	[sflag:s23] =	ssyncadd.s32 $0xFFFFFFFF  }
0xa5: {  	s26 =	simm.s32 $execute0_lowered;
	[smem:$0x3FD2] =	sst s25  }
0xa6: {  	s4 =	sshll.u32 s26, $0x1;
	_ =	strace $0x8000004C;
	[dreg:$0x1] =	wrdreg $0xFFFFFFFF  }
0xa7: {  	s28 =	simm.s32 $_size_execute0_lowered;
	s2 =	sadd.s32 s2, s4;
	[dreg:$0x0] =	wrdreg $0x0  }
0xa8: {  	s4 =	sshll.u32 s28, $0x1;
	[dreg:$0x2] =	wrdreg s2  }
0xa9: {  	[dreg:$0x3] =	wrdreg s4  }
0xaa: {  	[dreg:$0x4] =	wrdreg $0xC0  }
0xab: {  	_ =	task [dreg:s6], $0x5FFFF  }
0xac: {  	[dreg:$0x1] =	wrdreg $0xFFFFFFFF  }
0xad: {  	[dreg:$0x0] =	wrdreg $0x60  }
0xae: {  	[dreg:$0x2] =	wrdreg s24  }
0xaf: {  	[dreg:$0x3] =	wrdreg $0xA8000  }
0xb0: {  	[dreg:$0x4] =	wrdreg $0x9  }
0xb1: {  	_ =	task.clear_ibuf [dreg:s6], $0x5FFFF;
	_ =	strace $0x9000004C  }
0xb2: {  	s29 =	simm.s32 $0x9;
	_ =	strace $0x8000004E  }
0xb3: {  	_ =	swait.ge [sflag:s29], $0x1  }
0xb4: {  	[sflag:s29] =	ssyncadd.s32 $0xFFFFFFFF  }
0xb5: {  	_ =	strace $0x9000004E  }
0xb6: {  	_ =	sfence  }
0xb7: {  	s30 =	sld [smem:$0x0];
	_ =	sdelay $0x2  }
0xb8: {  	s31 =	sshll.u32 s1, $0xD;
	s1 =	sshrl.u32 s1, $0x2  }
0xb9: {  	s3 =	sand.u32 $0x4000, s31;
	s1 =	sadd.s32 s1, s30  }
0xba: {  	s0 =	sor.u32 s3, s0;
	s1 =	sshll.u32 s1, $0x11  }
0xbb: {  	s0 =	sor.u32 s1, s0  }
0xbc: {  	s0 =	sadd.s32 $0x8F2B, s0  }
0xbd: {  	[sflag:s0] =	ssyncadd.remote.s32 $0x1  }
0xbe: {  	_ =	sfence.sel $0xFFFF  }
0xbf: {  	[dreg:$0x0] =	wrdreg $0xFFFFFFFF;
	(pc) =	sbr.abs _section_cstart, $3  }
0xc0: {  	[dreg:$0x1] =	wrdreg $0xFFFFFFFF  }
0xc1: {  	_ =	task.clear_ibuf [dreg:s6], $0x2FFFF;
	_ =	strace $0x9FFFFFFF  }
0xc2: {  	(tm) =	ssettm $0x7FFFFFFF  }
0xc3: {  	_ =	shalt  }
tec
execute0_lowered:
.L_overlay_start_1:
0x0: {  	(tag) =	ssettag $0x1  }
0x1: {  	s0 =	rddreg [dreg:$0x0]  }
0x2: {  	s2 =	rddreg [dreg:$0x1];
	s9 =	stileid.u32  }
0x3: {  	s3 =	simm.s32 $0x0;
	s1 =	srdreg.scid;
	s5 =	smul.u32 $0x500, s9  }
0x4: {  	[smem:$0x7FF] =	sst s3;
	s7 =	smul.u32 $0x280, s9  }
0x5: {  	s1 =	sand.u32 $0x1, s1;
	s4 =	sadd.s32 $0x5D400, s0;
	s9 =	smul.u32 $0x50000, s9  }
0x6: {  	_ =	strace $0x8000004D;
	s6 =	ssub.s32 $0x2, s1;
	s17 =	smul.u32 $0x5000, s1  }
0x7: {  	s14 =	sadd.s32 s5, s0;
	s15 =	sshrl.u32 s6, $0x1;
	s0 =	sadd.s32 $0xFD400, s0  }
0x8: {  	s16 =	sshrl.u32 s9, $0x2;
	s8 =	ssub.s32 s6, s15;
	s10 =	sadd.s32 s7, s17  }
0x9: {  	s5 =	sadd.s32 $0x58400, s14;
	s6 =	sadd.s32 $0x2400, s14;
	s18 =	sadd.s32 $0x2800, s17  }
0xa: {  	v0 =	vmov s17;
	s17 =	simm.s32 $0x2700;
	s19 =	sshll.u32 s10, $0x4;
	s20 =	sadd.s32 s7, s18  }
0xb: {  	s7 =	sadd.s32 s16, s2;
	s8 =	smax.u32 s8, $0x1;
	v1 =	vmov s18;
	s18 =	simm.s32 $0x2780  }
0xc: {  	s21 =	sadd.s32 $0x800, s19;
	[dreg:$0x3] =	wrdreg s8;
	s22 =	sadd.s32 s4, s19  }
0xd: {  	s24 =	sadd.s32 $0x1000, s19;
	s11 =	sadd.s32 $0x1800, s19;
	s12 =	sadd.s32 $0x2000, s19  }
0xe: {  	s9 =	sadd.s32 s0, s19;
	s16 =	sshll.u32 s20, $0x4;
	[dreg:$0x4] =	wrdreg s22  }
0xf: {  	s30 =	sadd.s32 $0x4000, s7;
	s23 =	sadd.s32 s4, s21;
	[dreg:$0x9] =	wrdreg s9  }
0x10: {  	s31 =	sadd.s32 $0x8000, s7;
	s13 =	sadd.s32 s4, s24;
	[dreg:$0x5] =	wrdreg s23  }
0x11: {  	s8 =	simm.s32 $0x2800;
	s25 =	sadd.s32 s4, s11;
	[dreg:$0x6] =	wrdreg s13  }
0x12: {  	s26 =	sadd.s32 s4, s12;
	s1 =	sadd.s32 s0, s21;
	[dreg:$0x7] =	wrdreg s25  }
0x13: {  	s14 =	sadd.s32 s0, s11;
	s15 =	sadd.s32 s0, s12;
	[dreg:$0x8] =	wrdreg s26  }
0x14: {  	s19 =	sadd.s32 s4, s16;
	s20 =	sadd.s32 $0x800, s16;
	[dreg:$0xa] =	wrdreg s1  }
0x15: {  	s21 =	sadd.s32 $0x1000, s16;
	s10 =	sadd.s32 $0x1800, s16;
	[dreg:$0xc] =	wrdreg s14  }
0x16: {  	s22 =	sadd.s32 $0x2000, s16;
	s9 =	simm.s32 $0x5;
	[dreg:$0xd] =	wrdreg s15  }
0x17: {  	s11 =	simm.s32 $0x80;
	s13 =	sadd.s32 s0, s24;
	[dreg:$0xe] =	wrdreg s19  }
0x18: {  	s12 =	simm.s32 $0x6800;
	s1 =	sadd.s32 s0, s16;
	[dreg:$0xb] =	wrdreg s13  }
0x19: {  	s23 =	sadd.s32 s4, s20;
	s24 =	sadd.s32 s0, s20;
	[dreg:$0xf] =	wrdreg s1  }
0x1a: {  	s25 =	sadd.s32 s4, s21;
	s26 =	sadd.s32 s0, s21;
	[dreg:$0x10] =	wrdreg s23  }
0x1b: {  	s28 =	sadd.s32 s0, s22;
	s29 =	sadd.s32 s4, s22;
	[dreg:$0x11] =	wrdreg s24  }
0x1c: {  	s14 =	simm.s32 $0x2;
	s15 =	simm.s32 $0x3;
	[dreg:$0x12] =	wrdreg s25  }
0x1d: {  	s16 =	simm.s32 $0x4;
	s19 =	simm.s32 $0x0;
	[dreg:$0x13] =	wrdreg s26  }
0x1e: {  	s25 =	sadd.s32 s4, s10;
	s26 =	sadd.s32 s0, s10;
	s0 =	sadd.s32 $0xC000, s7  }
0x1f: {  	s1 =	sadd.s32 $0x10000, s7;
	s10 =	simm.s32 $0x1400;
	s13 =	simm.s32 $0x1  }
.LBB2_1:
0x20: {  	s20 =	rddreg [dreg:$0x4]  }
0x21: {  	[tilespmem:s8], [sflag:$0x5] =	stream.linear.gather [hbm4b:s20+s3], $0x4000, $0x38;
	[tilespmem:$0x1E800] =	vst v63  }
0x22: {  	_ =	swait.ge [sflag:s9], $0x4000  }
0x23: {  	[sflag:s9] =	ssyncset.done $0x0  }
0x24: {  	[sflag:s9] =	ssyncadd.s32 $0xFFFFC000  }
0x25: {  	[spmem:s7] =	stream.linear.scatter [tilespmem:s8], [sflag:$0x5], $0x4000, $0x38;
	[tilespmem:$0x1E800] =	vst v63  }
0x26: {  	_ =	swait.ge [sflag:s9], $0x4000  }
0x27: {  	[sflag:s9] =	ssyncset.done $0x0  }
0x28: {  	s21 =	rddreg [dreg:$0x5];
	[sflag:s9] =	ssyncadd.s32 $0xFFFFC000  }
0x29: {  	[tilespmem:s8], [sflag:$0x5] =	stream.linear.gather [hbm4b:s21+s3], $0x4000, $0x38;
	[tilespmem:$0x1E800] =	vst v63  }
0x2a: {  	_ =	swait.ge [sflag:s9], $0x4000  }
0x2b: {  	[sflag:s9] =	ssyncset.done $0x0  }
0x2c: {  	[sflag:s9] =	ssyncadd.s32 $0xFFFFC000  }
0x2d: {  	[spmem:s30] =	stream.linear.scatter [tilespmem:s8], [sflag:$0x5], $0x4000, $0x38;
	[tilespmem:$0x1E800] =	vst v63  }
0x2e: {  	_ =	swait.ge [sflag:s9], $0x4000  }
0x2f: {  	[sflag:s9] =	ssyncset.done $0x0  }
0x30: {  	s22 =	rddreg [dreg:$0x6];
	[sflag:s9] =	ssyncadd.s32 $0xFFFFC000  }
0x31: {  	[tilespmem:s8], [sflag:$0x5] =	stream.linear.gather [hbm4b:s22+s3], $0x4000, $0x38;
	[tilespmem:$0x1E800] =	vst v63  }
0x32: {  	_ =	swait.ge [sflag:s9], $0x4000  }
0x33: {  	[sflag:s9] =	ssyncset.done $0x0  }
0x34: {  	[sflag:s9] =	ssyncadd.s32 $0xFFFFC000  }
0x35: {  	[spmem:s31] =	stream.linear.scatter [tilespmem:s8], [sflag:$0x5], $0x4000, $0x38;
	[tilespmem:$0x1E800] =	vst v63  }
0x36: {  	_ =	swait.ge [sflag:s9], $0x4000  }
0x37: {  	[sflag:s9] =	ssyncset.done $0x0  }
0x38: {  	s23 =	rddreg [dreg:$0x7];
	[sflag:s9] =	ssyncadd.s32 $0xFFFFC000  }
0x39: {  	[tilespmem:s8], [sflag:$0x5] =	stream.linear.gather [hbm4b:s23+s3], $0x4000, $0x38;
	[tilespmem:$0x1E800] =	vst v63  }
0x3a: {  	_ =	swait.ge [sflag:s9], $0x4000  }
0x3b: {  	[sflag:s9] =	ssyncset.done $0x0  }
0x3c: {  	[sflag:s9] =	ssyncadd.s32 $0xFFFFC000  }
0x3d: {  	[spmem:s0] =	stream.linear.scatter [tilespmem:s8], [sflag:$0x5], $0x4000, $0x38;
	[tilespmem:$0x1E800] =	vst v63  }
0x3e: {  	_ =	swait.ge [sflag:s9], $0x4000  }
0x3f: {  	[sflag:s9] =	ssyncset.done $0x0  }
0x40: {  	s24 =	rddreg [dreg:$0x8];
	[sflag:s9] =	ssyncadd.s32 $0xFFFFC000  }
0x41: {  	[tilespmem:s8], [sflag:$0x5] =	stream.linear.gather [hbm4b:s24+s3], $0x4000, $0x38;
	[tilespmem:$0x1E800] =	vst v63  }
0x42: {  	_ =	swait.ge [sflag:s9], $0x4000  }
0x43: {  	[sflag:s9] =	ssyncset.done $0x0  }
0x44: {  	[sflag:s9] =	ssyncadd.s32 $0xFFFFC000  }
0x45: {  	[spmem:s1] =	stream.linear.scatter [tilespmem:s8], [sflag:$0x5], $0x4000, $0x38;
	[tilespmem:$0x1E800] =	vst v63  }
0x46: {  	_ =	swait.ge [sflag:s9], $0x4000  }
0x47: {  	[sflag:s9] =	ssyncset.done $0x0  }
0x48: {  	[sflag:s9] =	ssyncadd.s32 $0xFFFFC000  }
0x49: {  	[bflag:$0x0] =	sbarrier.arrive $0xFFFF  }
0x4a: {  	[tilespmem:s3], [sflag:$0x5] =	stream.linear.gather [hbm4b:s5+s3], $0x1400, $0x38;
	[tilespmem:$0x1E800] =	vst v63  }
0x4b: {  	_ =	swait.ge [sflag:s9], $0x1400  }
0x4c: {  	[sflag:s9] =	ssyncset.done $0x0  }
0x4d: {  	[sflag:s9] =	ssyncadd.s32 $0xFFFFEC00  }
0x4e: {  	[tilespmem:s10], [sflag:$0x5] =	stream.linear.gather [hbm4b:s6+s3], $0x1400, $0x38;
	[tilespmem:$0x1E800] =	vst v63  }
0x4f: {  	_ =	swait.ge [sflag:s9], $0x1400  }
0x50: {  	[sflag:s9] =	ssyncset.done $0x0  }
0x51: {  	s20 =	simm.s32 $0x70;
	[sflag:s9] =	ssyncadd.s32 $0xFFFFEC00  }
0x52: {  	v4 =	vld [tilespmem:s20+$0xFFFFFF90]  }
0x53: {  	v6 =	vld [tilespmem:s20+$0xFFFFFFA0]  }
0x54: {  	v5 =	vld [tilespmem:s20+$0xFFFFFFB0]  }
0x55: {  	v3 =	vld [tilespmem:s20+$0xFFFFFFC0]  }
0x56: {  	v2 =	vld [tilespmem:s20+$0xFFFFFFD0]  }
0x57: {  	s21 =	simm.s32 $0x3C0;
	v7 =	vadd.s32 v0, v4;
	v4 =	vld [tilespmem:s20+$0xFFFFFFE0]  }
.LBB2_2:
0x58: {  	p0 =	sne.s32 s21, $0x4FC0;
	[tilespmem:s20+$0xFFFFFF90] =	vst v7;
	v6 =	vadd.s32 v0, v6;
	v7 =	vld [tilespmem:s20+$0x0]  }
0x59: {  	s22 =	sshra.s32 s21, $0x2;
	[tilespmem:s20+$0xFFFFFFA0] =	vst v6;
	v5 =	vadd.s32 v0, v5;
	v8 =	vld [tilespmem:s20+$0xFFFFFFF0]  }
0x5a: {  	v9 =	vld [tilespmem:s22+$0xFFFFFF90];
	[tilespmem:s20+$0xFFFFFFB0] =	vst v5;
	v3 =	vadd.s32 v0, v3  }
.Ltmp0:
0x5b: {  	v6 =	vld [tilespmem:s22+$0xFFFFFFA0];
	[tilespmem:s20+$0xFFFFFFC0] =	vst v3;
	v2 =	vadd.s32 v0, v2;
	(pc) =	sbr.rel @p0 .LBB2_2-.Ltmp0, $4  }
0x5c: {  	v5 =	vld [tilespmem:s22+$0xFFFFFFB0];
	[tilespmem:s20+$0xFFFFFFD0] =	vst v2;
	v2 =	vadd.s32 v0, v4  }
0x5d: {  	v3 =	vld [tilespmem:s22+$0xFFFFFFC0];
	[tilespmem:s20+$0xFFFFFFE0] =	vst v2;
	v4 =	vadd.s32 v0, v7  }
0x5e: {  	v2 =	vld [tilespmem:s22+$0xFFFFFFD0];
	v8 =	vadd.s32 v0, v8;
	[tilespmem:s20+$0x0] =	vst v4  }
0x5f: {  	s21 =	sadd.s32 $0x200, s21;
	v7 =	vadd.s32 v0, v9;
	v4 =	vld [tilespmem:s22+$0xFFFFFFE0];
	[tilespmem:s20+$0xFFFFFFF0] =	vst v8;
	s20 =	smov.u32 s22  }
0x60: {  	[tilespmem:s20+$0xFFFFFF90] =	vst v7;
	v6 =	vadd.s32 v0, v6;
	v62 =	vld [tilespmem:s20+$0x0]  }
0x61: {  	v63 =	vld [tilespmem:s20+$0xFFFFFFF0];
	[tilespmem:s20+$0xFFFFFFA0] =	vst v6;
	v5 =	vadd.s32 v0, v5  }
0x62: {  	[tilespmem:s20+$0xFFFFFFB0] =	vst v5;
	v3 =	vadd.s32 v0, v3  }
0x63: {  	[tilespmem:s20+$0xFFFFFFC0] =	vst v3;
	v2 =	vadd.s32 v0, v2  }
0x64: {  	[tilespmem:s20+$0xFFFFFFD0] =	vst v2;
	v2 =	vadd.s32 v0, v4  }
0x65: {  	[tilespmem:s20+$0xFFFFFFE0] =	vst v2;
	v2 =	vadd.s32 v0, v62  }
0x66: {  	v3 =	vadd.s32 v0, v63;
	[tilespmem:s20+$0x0] =	vst v2  }
0x67: {  	s21 =	simm.s32 $0x0;
	[tilespmem:s20+$0xFFFFFFF0] =	vst v3  }
0x68: {  	[tilespmem:s8], [sflag:$0x1] =	stream.indirect.gather [hbm4b:s4+s11], $0x80, s21, s11, $0xb8;
	[tilespmem:$0x1E800] =	vst v63  }
0x69: {  	_ = 	snop  }
0x6a: {  	[tilespmem:s12], [sflag:$0x2] =	stream.indirect.gather [hbm4b:s4+s11], $0x80, s11, s11, $0xb8;
	[tilespmem:$0x1E800] =	vst v63  }
0x6b: {  	_ =	swait.ge [sflag:s13], $0x4000  }
0x6c: {  	[sflag:s13] =	ssyncset.done $0x0  }
0x6d: {  	s22 =	simm.s32 $0x1400;
	[sflag:s13] =	ssyncadd.s32 $0xFFFFC000  }
0x6e: {  	[spmem:s2] =	stream.indirect.scatter.add.f32 [tilespmem:s8], [sflag:$0x3], $0x80, s22, s11, $0xb8;
	[tilespmem:$0x1E800] =	vst v63  }
0x6f: {  	_ =	swait.ge [sflag:s14], $0x4000  }
0x70: {  	[sflag:s14] =	ssyncset.done $0x0  }
0x71: {  	s23 =	simm.s32 $0x1480;
	[sflag:s14] =	ssyncadd.s32 $0xFFFFC000  }
0x72: {  	[spmem:s2] =	stream.indirect.scatter.add.f32 [tilespmem:s12], [sflag:$0x4], $0x80, s23, s11, $0xb8;
	[tilespmem:$0x1E800] =	vst v63  }
0x73: {  	_ =	swait.ge [sflag:s15], $0x4000  }
0x74: {  	[sflag:s15] =	ssyncset.done $0x0  }
0x75: {  	s24 =	simm.s32 $0x100;
	[sflag:s15] =	ssyncadd.s32 $0xFFFFC000  }
0x76: {  	[tilespmem:s8], [sflag:$0x1] =	stream.indirect.gather [hbm4b:s4+s11], $0x80, s24, s11, $0xb8;
	[tilespmem:$0x1E800] =	vst v63  }
0x77: {  	_ =	swait.ge [sflag:s16], $0x4000  }
0x78: {  	[sflag:s16] =	ssyncset.done $0x0  }
0x79: {  	s20 =	simm.s32 $0x400;
	s21 =	simm.s32 $0x180;
	[sflag:s16] =	ssyncadd.s32 $0xFFFFC000  }
.LBB2_4:
0x7a: {  	[tilespmem:s12], [sflag:$0x2] =	stream.indirect.gather [hbm4b:s4+s11], $0x80, s21, s11, $0xb8;
	[tilespmem:$0x1E800] =	vst v63  }
0x7b: {  	s21 =	smov.u32 s20  }
0x7c: {  	p0 =	sne.s32 s20, $0x4800;
	s20 =	sadd.s32 $0x400, s20;
	_ =	swait.ge [sflag:s13], $0x4000  }
0x7d: {  	s21 =	sshra.s32 s21, $0x2;
	[sflag:s13] =	ssyncset.done $0x0  }
0x7e: {  	s22 =	sadd.s32 $0x1400, s21;
	[sflag:s13] =	ssyncadd.s32 $0xFFFFC000  }
0x7f: {  	[spmem:s2] =	stream.indirect.scatter.add.f32 [tilespmem:s8], [sflag:$0x3], $0x80, s22, s11, $0xb8;
	[tilespmem:$0x1E800] =	vst v63  }
0x80: {  	_ =	swait.ge [sflag:s14], $0x4000  }
0x81: {  	[sflag:s14] =	ssyncset.done $0x0  }
0x82: {  	s22 =	sadd.s32 $0x1480, s21;
	[sflag:s14] =	ssyncadd.s32 $0xFFFFC000  }
0x83: {  	[spmem:s2] =	stream.indirect.scatter.add.f32 [tilespmem:s12], [sflag:$0x4], $0x80, s22, s11, $0xb8;
	[tilespmem:$0x1E800] =	vst v63  }
0x84: {  	_ =	swait.ge [sflag:s15], $0x4000  }
0x85: {  	[sflag:s15] =	ssyncset.done $0x0  }
.Ltmp1:
0x86: {  	s22 =	sadd.s32 $0x100, s21;
	[sflag:s15] =	ssyncadd.s32 $0xFFFFC000;
	(pc) =	sbr.rel @p0 .LBB2_4-.Ltmp1, $4  }
0x87: {  	[tilespmem:s8], [sflag:$0x1] =	stream.indirect.gather [hbm4b:s4+s11], $0x80, s22, s11, $0xb8;
	[tilespmem:$0x1E800] =	vst v63  }
0x88: {  	_ =	swait.ge [sflag:s16], $0x4000  }
0x89: {  	[sflag:s16] =	ssyncset.done $0x0  }
0x8a: {  	s21 =	sadd.s32 $0x180, s21;
	[sflag:s16] =	ssyncadd.s32 $0xFFFFC000  }
0x8b: {  	[tilespmem:s12], [sflag:$0x2] =	stream.indirect.gather [hbm4b:s4+s11], $0x80, s21, s11, $0xb8;
	[tilespmem:$0x1E800] =	vst v63  }
0x8c: {  	_ =	swait.ge [sflag:s13], $0x4000  }
0x8d: {  	[sflag:s13] =	ssyncset.done $0x0  }
0x8e: {  	[sflag:s13] =	ssyncadd.s32 $0xFFFFC000  }
0x8f: {  	[spmem:s2] =	stream.indirect.scatter.add.f32 [tilespmem:s8], [sflag:$0x3], $0x80, s17, s11, $0xb8;
	[tilespmem:$0x1E800] =	vst v63  }
0x90: {  	_ =	swait.ge [sflag:s14], $0x4000  }
0x91: {  	[sflag:s14] =	ssyncset.done $0x0  }
0x92: {  	[sflag:s14] =	ssyncadd.s32 $0xFFFFC000  }
0x93: {  	[spmem:s2] =	stream.indirect.scatter.add.f32 [tilespmem:s12], [sflag:$0x4], $0x80, s18, s11, $0xb8;
	[tilespmem:$0x1E800] =	vst v63  }
0x94: {  	_ =	swait.ge [sflag:s15], $0x4000  }
0x95: {  	[sflag:s15] =	ssyncset.done $0x0  }
0x96: {  	[sflag:s15] =	ssyncadd.s32 $0xFFFFC000  }
0x97: {  	_ =	swait.ge [sflag:s16], $0x4000  }
0x98: {  	[sflag:s16] =	ssyncset.done $0x0  }
0x99: {  	s20 =	sadd.s32 $0x280, s5;
	[sflag:s16] =	ssyncadd.s32 $0xFFFFC000  }
0x9a: {  	[tilespmem:s3], [sflag:$0x5] =	stream.linear.gather [hbm4b:s20+s3], $0x1400, $0x38;
	[tilespmem:$0x1E800] =	vst v63  }
0x9b: {  	_ =	swait.ge [sflag:s9], $0x1400  }
0x9c: {  	[sflag:s9] =	ssyncset.done $0x0  }
0x9d: {  	s21 =	sadd.s32 $0x280, s6;
	[sflag:s9] =	ssyncadd.s32 $0xFFFFEC00  }
0x9e: {  	[tilespmem:s10], [sflag:$0x5] =	stream.linear.gather [hbm4b:s21+s3], $0x1400, $0x38;
	[tilespmem:$0x1E800] =	vst v63  }
0x9f: {  	_ =	swait.ge [sflag:s9], $0x1400  }
0xa0: {  	[sflag:s9] =	ssyncset.done $0x0  }
0xa1: {  	s22 =	simm.s32 $0x70;
	[sflag:s9] =	ssyncadd.s32 $0xFFFFEC00  }
0xa2: {  	v4 =	vld [tilespmem:s22+$0xFFFFFF90]  }
0xa3: {  	v6 =	vld [tilespmem:s22+$0xFFFFFFA0]  }
0xa4: {  	v5 =	vld [tilespmem:s22+$0xFFFFFFB0]  }
0xa5: {  	v3 =	vld [tilespmem:s22+$0xFFFFFFC0]  }
0xa6: {  	v2 =	vld [tilespmem:s22+$0xFFFFFFD0]  }
0xa7: {  	s23 =	simm.s32 $0x3C0;
	v7 =	vadd.s32 v0, v4;
	v4 =	vld [tilespmem:s22+$0xFFFFFFE0]  }
.LBB2_6:
0xa8: {  	p0 =	sne.s32 s23, $0x4FC0;
	[tilespmem:s22+$0xFFFFFF90] =	vst v7;
	v6 =	vadd.s32 v0, v6;
	v7 =	vld [tilespmem:s22+$0x0]  }
0xa9: {  	s24 =	sshra.s32 s23, $0x2;
	[tilespmem:s22+$0xFFFFFFA0] =	vst v6;
	v5 =	vadd.s32 v0, v5;
	v8 =	vld [tilespmem:s22+$0xFFFFFFF0]  }
0xaa: {  	v9 =	vld [tilespmem:s24+$0xFFFFFF90];
	[tilespmem:s22+$0xFFFFFFB0] =	vst v5;
	v3 =	vadd.s32 v0, v3  }
.Ltmp2:
0xab: {  	v6 =	vld [tilespmem:s24+$0xFFFFFFA0];
	[tilespmem:s22+$0xFFFFFFC0] =	vst v3;
	v2 =	vadd.s32 v0, v2;
	(pc) =	sbr.rel @p0 .LBB2_6-.Ltmp2, $4  }
0xac: {  	v5 =	vld [tilespmem:s24+$0xFFFFFFB0];
	[tilespmem:s22+$0xFFFFFFD0] =	vst v2;
	v2 =	vadd.s32 v0, v4  }
0xad: {  	v3 =	vld [tilespmem:s24+$0xFFFFFFC0];
	[tilespmem:s22+$0xFFFFFFE0] =	vst v2;
	v4 =	vadd.s32 v0, v7  }
0xae: {  	v2 =	vld [tilespmem:s24+$0xFFFFFFD0];
	v8 =	vadd.s32 v0, v8;
	[tilespmem:s22+$0x0] =	vst v4  }
0xaf: {  	s23 =	sadd.s32 $0x200, s23;
	v7 =	vadd.s32 v0, v9;
	v4 =	vld [tilespmem:s24+$0xFFFFFFE0];
	[tilespmem:s22+$0xFFFFFFF0] =	vst v8;
	s22 =	smov.u32 s24  }
0xb0: {  	[tilespmem:s22+$0xFFFFFF90] =	vst v7;
	v6 =	vadd.s32 v0, v6;
	v62 =	vld [tilespmem:s22+$0x0]  }
0xb1: {  	v63 =	vld [tilespmem:s22+$0xFFFFFFF0];
	[tilespmem:s22+$0xFFFFFFA0] =	vst v6;
	v5 =	vadd.s32 v0, v5  }
0xb2: {  	[tilespmem:s22+$0xFFFFFFB0] =	vst v5;
	v3 =	vadd.s32 v0, v3  }
0xb3: {  	[tilespmem:s22+$0xFFFFFFC0] =	vst v3;
	v2 =	vadd.s32 v0, v2  }
0xb4: {  	[tilespmem:s22+$0xFFFFFFD0] =	vst v2;
	v2 =	vadd.s32 v0, v4  }
0xb5: {  	[tilespmem:s22+$0xFFFFFFE0] =	vst v2;
	v2 =	vadd.s32 v0, v62  }
0xb6: {  	v3 =	vadd.s32 v0, v63;
	[tilespmem:s22+$0x0] =	vst v2  }
0xb7: {  	s23 =	simm.s32 $0x0;
	[tilespmem:s22+$0xFFFFFFF0] =	vst v3  }
0xb8: {  	[tilespmem:s8], [sflag:$0x1] =	stream.indirect.gather [hbm4b:s4+s11], $0x80, s23, s11, $0xb8;
	[tilespmem:$0x1E800] =	vst v63  }
0xb9: {  	_ = 	snop  }
0xba: {  	[tilespmem:s12], [sflag:$0x2] =	stream.indirect.gather [hbm4b:s4+s11], $0x80, s11, s11, $0xb8;
	[tilespmem:$0x1E800] =	vst v63  }
0xbb: {  	_ =	swait.ge [sflag:s13], $0x4000  }
0xbc: {  	[sflag:s13] =	ssyncset.done $0x0  }
0xbd: {  	s24 =	simm.s32 $0x1400;
	[sflag:s13] =	ssyncadd.s32 $0xFFFFC000  }
0xbe: {  	[spmem:s2] =	stream.indirect.scatter.add.f32 [tilespmem:s8], [sflag:$0x3], $0x80, s24, s11, $0xb8;
	[tilespmem:$0x1E800] =	vst v63  }
0xbf: {  	_ =	swait.ge [sflag:s14], $0x4000  }
0xc0: {  	[sflag:s14] =	ssyncset.done $0x0  }
0xc1: {  	s23 =	simm.s32 $0x1480;
	[sflag:s14] =	ssyncadd.s32 $0xFFFFC000  }
0xc2: {  	[spmem:s2] =	stream.indirect.scatter.add.f32 [tilespmem:s12], [sflag:$0x4], $0x80, s23, s11, $0xb8;
	[tilespmem:$0x1E800] =	vst v63  }
0xc3: {  	_ =	swait.ge [sflag:s15], $0x4000  }
0xc4: {  	[sflag:s15] =	ssyncset.done $0x0  }
0xc5: {  	s24 =	simm.s32 $0x100;
	[sflag:s15] =	ssyncadd.s32 $0xFFFFC000  }
0xc6: {  	[tilespmem:s8], [sflag:$0x1] =	stream.indirect.gather [hbm4b:s4+s11], $0x80, s24, s11, $0xb8;
	[tilespmem:$0x1E800] =	vst v63  }
0xc7: {  	_ =	swait.ge [sflag:s16], $0x4000  }
0xc8: {  	[sflag:s16] =	ssyncset.done $0x0  }
0xc9: {  	s22 =	simm.s32 $0x400;
	s23 =	simm.s32 $0x180;
	[sflag:s16] =	ssyncadd.s32 $0xFFFFC000  }
.LBB2_8:
0xca: {  	[tilespmem:s12], [sflag:$0x2] =	stream.indirect.gather [hbm4b:s4+s11], $0x80, s23, s11, $0xb8;
	[tilespmem:$0x1E800] =	vst v63  }
0xcb: {  	s23 =	smov.u32 s22  }
0xcc: {  	p0 =	sne.s32 s22, $0x4800;
	s22 =	sadd.s32 $0x400, s22;
	_ =	swait.ge [sflag:s13], $0x4000  }
0xcd: {  	s23 =	sshra.s32 s23, $0x2;
	[sflag:s13] =	ssyncset.done $0x0  }
0xce: {  	s24 =	sadd.s32 $0x1400, s23;
	[sflag:s13] =	ssyncadd.s32 $0xFFFFC000  }
0xcf: {  	[spmem:s2] =	stream.indirect.scatter.add.f32 [tilespmem:s8], [sflag:$0x3], $0x80, s24, s11, $0xb8;
	[tilespmem:$0x1E800] =	vst v63  }
0xd0: {  	_ =	swait.ge [sflag:s14], $0x4000  }
0xd1: {  	[sflag:s14] =	ssyncset.done $0x0  }
0xd2: {  	s24 =	sadd.s32 $0x1480, s23;
	[sflag:s14] =	ssyncadd.s32 $0xFFFFC000  }
0xd3: {  	[spmem:s2] =	stream.indirect.scatter.add.f32 [tilespmem:s12], [sflag:$0x4], $0x80, s24, s11, $0xb8;
	[tilespmem:$0x1E800] =	vst v63  }
0xd4: {  	_ =	swait.ge [sflag:s15], $0x4000  }
0xd5: {  	[sflag:s15] =	ssyncset.done $0x0  }
.Ltmp3:
0xd6: {  	s24 =	sadd.s32 $0x100, s23;
	[sflag:s15] =	ssyncadd.s32 $0xFFFFC000;
	(pc) =	sbr.rel @p0 .LBB2_8-.Ltmp3, $4  }
0xd7: {  	[tilespmem:s8], [sflag:$0x1] =	stream.indirect.gather [hbm4b:s4+s11], $0x80, s24, s11, $0xb8;
	[tilespmem:$0x1E800] =	vst v63  }
0xd8: {  	_ =	swait.ge [sflag:s16], $0x4000  }
0xd9: {  	[sflag:s16] =	ssyncset.done $0x0  }
0xda: {  	s23 =	sadd.s32 $0x180, s23;
	[sflag:s16] =	ssyncadd.s32 $0xFFFFC000  }
0xdb: {  	[tilespmem:s12], [sflag:$0x2] =	stream.indirect.gather [hbm4b:s4+s11], $0x80, s23, s11, $0xb8;
	[tilespmem:$0x1E800] =	vst v63  }
0xdc: {  	_ =	swait.ge [sflag:s13], $0x4000  }
0xdd: {  	[sflag:s13] =	ssyncset.done $0x0  }
0xde: {  	[sflag:s13] =	ssyncadd.s32 $0xFFFFC000  }
0xdf: {  	[spmem:s2] =	stream.indirect.scatter.add.f32 [tilespmem:s8], [sflag:$0x3], $0x80, s17, s11, $0xb8;
	[tilespmem:$0x1E800] =	vst v63  }
0xe0: {  	_ =	swait.ge [sflag:s14], $0x4000  }
0xe1: {  	[sflag:s14] =	ssyncset.done $0x0  }
0xe2: {  	[sflag:s14] =	ssyncadd.s32 $0xFFFFC000  }
0xe3: {  	[spmem:s2] =	stream.indirect.scatter.add.f32 [tilespmem:s12], [sflag:$0x4], $0x80, s18, s11, $0xb8;
	[tilespmem:$0x1E800] =	vst v63  }
0xe4: {  	_ =	swait.ge [sflag:s15], $0x4000  }
0xe5: {  	[sflag:s15] =	ssyncset.done $0x0  }
0xe6: {  	[sflag:s15] =	ssyncadd.s32 $0xFFFFC000  }
0xe7: {  	_ =	swait.ge [sflag:s16], $0x4000  }
0xe8: {  	[sflag:s16] =	ssyncset.done $0x0  }
0xe9: {  	[sflag:s16] =	ssyncadd.s32 $0xFFFFC000  }
0xea: {  	[bflag:$0x0] =	sbarrier.arrive $0xFFFF  }
0xeb: {  	[tilespmem:s8], [sflag:$0x5] =	stream.linear.gather [spmem:s7], $0x4000, $0x38;
	[tilespmem:$0x1E800] =	vst v63  }
0xec: {  	_ =	swait.ge [sflag:s9], $0x4000  }
0xed: {  	[sflag:s9] =	ssyncset.done $0x0  }
0xee: {  	s22 =	rddreg [dreg:$0x9];
	[sflag:s9] =	ssyncadd.s32 $0xFFFFC000  }
0xef: {  	[hbm4b:s22+s3] =	stream.linear.scatter [tilespmem:s8], [sflag:$0x5], $0x4000, $0x38;
	[tilespmem:$0x1E800] =	vst v63  }
0xf0: {  	_ =	swait.ge [sflag:s9], $0x4000  }
0xf1: {  	[sflag:s9] =	ssyncset.done $0x0  }
0xf2: {  	[sflag:s9] =	ssyncadd.s32 $0xFFFFC000  }
0xf3: {  	[tilespmem:s8], [sflag:$0x5] =	stream.linear.gather [spmem:s30], $0x4000, $0x38;
	[tilespmem:$0x1E800] =	vst v63  }
0xf4: {  	_ =	swait.ge [sflag:s9], $0x4000  }
0xf5: {  	[sflag:s9] =	ssyncset.done $0x0  }
0xf6: {  	s24 =	rddreg [dreg:$0xa];
	[sflag:s9] =	ssyncadd.s32 $0xFFFFC000  }
0xf7: {  	[hbm4b:s24+s3] =	stream.linear.scatter [tilespmem:s8], [sflag:$0x5], $0x4000, $0x38;
	[tilespmem:$0x1E800] =	vst v63  }
0xf8: {  	_ =	swait.ge [sflag:s9], $0x4000  }
0xf9: {  	[sflag:s9] =	ssyncset.done $0x0  }
0xfa: {  	[sflag:s9] =	ssyncadd.s32 $0xFFFFC000  }
0xfb: {  	[tilespmem:s8], [sflag:$0x5] =	stream.linear.gather [spmem:s31], $0x4000, $0x38;
	[tilespmem:$0x1E800] =	vst v63  }
0xfc: {  	_ =	swait.ge [sflag:s9], $0x4000  }
0xfd: {  	[sflag:s9] =	ssyncset.done $0x0  }
0xfe: {  	s23 =	rddreg [dreg:$0xb];
	[sflag:s9] =	ssyncadd.s32 $0xFFFFC000  }
0xff: {  	[hbm4b:s23+s3] =	stream.linear.scatter [tilespmem:s8], [sflag:$0x5], $0x4000, $0x38;
	[tilespmem:$0x1E800] =	vst v63  }
0x100: {  	_ =	swait.ge [sflag:s9], $0x4000  }
0x101: {  	[sflag:s9] =	ssyncset.done $0x0  }
0x102: {  	[sflag:s9] =	ssyncadd.s32 $0xFFFFC000  }
0x103: {  	[tilespmem:s8], [sflag:$0x5] =	stream.linear.gather [spmem:s0], $0x4000, $0x38;
	[tilespmem:$0x1E800] =	vst v63  }
0x104: {  	_ =	swait.ge [sflag:s9], $0x4000  }
0x105: {  	[sflag:s9] =	ssyncset.done $0x0  }
0x106: {  	s24 =	rddreg [dreg:$0xc];
	[sflag:s9] =	ssyncadd.s32 $0xFFFFC000  }
0x107: {  	[hbm4b:s24+s3] =	stream.linear.scatter [tilespmem:s8], [sflag:$0x5], $0x4000, $0x38;
	[tilespmem:$0x1E800] =	vst v63  }
0x108: {  	_ =	swait.ge [sflag:s9], $0x4000  }
0x109: {  	[sflag:s9] =	ssyncset.done $0x0  }
0x10a: {  	[sflag:s9] =	ssyncadd.s32 $0xFFFFC000  }
0x10b: {  	[tilespmem:s8], [sflag:$0x5] =	stream.linear.gather [spmem:s1], $0x4000, $0x38;
	[tilespmem:$0x1E800] =	vst v63  }
0x10c: {  	_ =	swait.ge [sflag:s9], $0x4000  }
0x10d: {  	[sflag:s9] =	ssyncset.done $0x0  }
0x10e: {  	s23 =	rddreg [dreg:$0xd];
	[sflag:s9] =	ssyncadd.s32 $0xFFFFC000  }
0x10f: {  	[hbm4b:s23+s3] =	stream.linear.scatter [tilespmem:s8], [sflag:$0x5], $0x4000, $0x38;
	[tilespmem:$0x1E800] =	vst v63  }
0x110: {  	_ =	swait.ge [sflag:s9], $0x4000  }
0x111: {  	[sflag:s9] =	ssyncset.done $0x0  }
0x112: {  	s24 =	rddreg [dreg:$0xe];
	[sflag:s9] =	ssyncadd.s32 $0xFFFFC000  }
0x113: {  	[tilespmem:s8], [sflag:$0x5] =	stream.linear.gather [hbm4b:s24+s3], $0x4000, $0x38;
	[tilespmem:$0x1E800] =	vst v63  }
0x114: {  	_ =	swait.ge [sflag:s9], $0x4000  }
0x115: {  	[sflag:s9] =	ssyncset.done $0x0  }
0x116: {  	[sflag:s9] =	ssyncadd.s32 $0xFFFFC000  }
0x117: {  	[spmem:s7] =	stream.linear.scatter [tilespmem:s8], [sflag:$0x5], $0x4000, $0x38;
	[tilespmem:$0x1E800] =	vst v63  }
0x118: {  	_ =	swait.ge [sflag:s9], $0x4000  }
0x119: {  	[sflag:s9] =	ssyncset.done $0x0  }
0x11a: {  	s23 =	rddreg [dreg:$0x10];
	[sflag:s9] =	ssyncadd.s32 $0xFFFFC000  }
0x11b: {  	[tilespmem:s8], [sflag:$0x5] =	stream.linear.gather [hbm4b:s23+s3], $0x4000, $0x38;
	[tilespmem:$0x1E800] =	vst v63  }
0x11c: {  	_ =	swait.ge [sflag:s9], $0x4000  }
0x11d: {  	[sflag:s9] =	ssyncset.done $0x0  }
0x11e: {  	[sflag:s9] =	ssyncadd.s32 $0xFFFFC000  }
0x11f: {  	[spmem:s30] =	stream.linear.scatter [tilespmem:s8], [sflag:$0x5], $0x4000, $0x38;
	[tilespmem:$0x1E800] =	vst v63  }
0x120: {  	_ =	swait.ge [sflag:s9], $0x4000  }
0x121: {  	[sflag:s9] =	ssyncset.done $0x0  }
0x122: {  	s24 =	rddreg [dreg:$0x12];
	[sflag:s9] =	ssyncadd.s32 $0xFFFFC000  }
0x123: {  	[tilespmem:s8], [sflag:$0x5] =	stream.linear.gather [hbm4b:s24+s3], $0x4000, $0x38;
	[tilespmem:$0x1E800] =	vst v63  }
0x124: {  	_ =	swait.ge [sflag:s9], $0x4000  }
0x125: {  	[sflag:s9] =	ssyncset.done $0x0  }
0x126: {  	[sflag:s9] =	ssyncadd.s32 $0xFFFFC000  }
0x127: {  	[spmem:s31] =	stream.linear.scatter [tilespmem:s8], [sflag:$0x5], $0x4000, $0x38;
	[tilespmem:$0x1E800] =	vst v63  }
0x128: {  	_ =	swait.ge [sflag:s9], $0x4000  }
0x129: {  	[sflag:s9] =	ssyncset.done $0x0  }
0x12a: {  	[sflag:s9] =	ssyncadd.s32 $0xFFFFC000  }
0x12b: {  	[tilespmem:s8], [sflag:$0x5] =	stream.linear.gather [hbm4b:s25+s3], $0x4000, $0x38;
	[tilespmem:$0x1E800] =	vst v63  }
0x12c: {  	_ =	swait.ge [sflag:s9], $0x4000  }
0x12d: {  	[sflag:s9] =	ssyncset.done $0x0  }
0x12e: {  	[sflag:s9] =	ssyncadd.s32 $0xFFFFC000  }
0x12f: {  	[spmem:s0] =	stream.linear.scatter [tilespmem:s8], [sflag:$0x5], $0x4000, $0x38;
	[tilespmem:$0x1E800] =	vst v63  }
0x130: {  	_ =	swait.ge [sflag:s9], $0x4000  }
0x131: {  	[sflag:s9] =	ssyncset.done $0x0  }
0x132: {  	[sflag:s9] =	ssyncadd.s32 $0xFFFFC000  }
0x133: {  	[tilespmem:s8], [sflag:$0x5] =	stream.linear.gather [hbm4b:s29+s3], $0x4000, $0x38;
	[tilespmem:$0x1E800] =	vst v63  }
0x134: {  	_ =	swait.ge [sflag:s9], $0x4000  }
0x135: {  	[sflag:s9] =	ssyncset.done $0x0  }
0x136: {  	[sflag:s9] =	ssyncadd.s32 $0xFFFFC000  }
0x137: {  	[spmem:s1] =	stream.linear.scatter [tilespmem:s8], [sflag:$0x5], $0x4000, $0x38;
	[tilespmem:$0x1E800] =	vst v63  }
0x138: {  	_ =	swait.ge [sflag:s9], $0x4000  }
0x139: {  	[sflag:s9] =	ssyncset.done $0x0  }
0x13a: {  	[sflag:s9] =	ssyncadd.s32 $0xFFFFC000  }
0x13b: {  	[bflag:$0x0] =	sbarrier.arrive $0xFFFF  }
0x13c: {  	[tilespmem:s3], [sflag:$0x5] =	stream.linear.gather [hbm4b:s5+s3], $0x1400, $0x38;
	[tilespmem:$0x1E800] =	vst v63  }
0x13d: {  	_ =	swait.ge [sflag:s9], $0x1400  }
0x13e: {  	[sflag:s9] =	ssyncset.done $0x0  }
0x13f: {  	[sflag:s9] =	ssyncadd.s32 $0xFFFFEC00  }
0x140: {  	[tilespmem:s10], [sflag:$0x5] =	stream.linear.gather [hbm4b:s6+s3], $0x1400, $0x38;
	[tilespmem:$0x1E800] =	vst v63  }
0x141: {  	_ =	swait.ge [sflag:s9], $0x1400  }
0x142: {  	[sflag:s9] =	ssyncset.done $0x0  }
0x143: {  	s22 =	simm.s32 $0x70;
	[sflag:s9] =	ssyncadd.s32 $0xFFFFEC00  }
0x144: {  	v4 =	vld [tilespmem:s22+$0xFFFFFF90]  }
0x145: {  	v6 =	vld [tilespmem:s22+$0xFFFFFFA0]  }
0x146: {  	v5 =	vld [tilespmem:s22+$0xFFFFFFB0]  }
0x147: {  	v3 =	vld [tilespmem:s22+$0xFFFFFFC0]  }
0x148: {  	v2 =	vld [tilespmem:s22+$0xFFFFFFD0]  }
0x149: {  	s23 =	simm.s32 $0x3C0;
	v7 =	vadd.s32 v1, v4;
	v4 =	vld [tilespmem:s22+$0xFFFFFFE0]  }
.LBB2_10:
0x14a: {  	p0 =	sne.s32 s23, $0x4FC0;
	[tilespmem:s22+$0xFFFFFF90] =	vst v7;
	v6 =	vadd.s32 v1, v6;
	v7 =	vld [tilespmem:s22+$0x0]  }
0x14b: {  	s24 =	sshra.s32 s23, $0x2;
	[tilespmem:s22+$0xFFFFFFA0] =	vst v6;
	v5 =	vadd.s32 v1, v5;
	v8 =	vld [tilespmem:s22+$0xFFFFFFF0]  }
0x14c: {  	v9 =	vld [tilespmem:s24+$0xFFFFFF90];
	[tilespmem:s22+$0xFFFFFFB0] =	vst v5;
	v3 =	vadd.s32 v1, v3  }
.Ltmp4:
0x14d: {  	v6 =	vld [tilespmem:s24+$0xFFFFFFA0];
	[tilespmem:s22+$0xFFFFFFC0] =	vst v3;
	v2 =	vadd.s32 v1, v2;
	(pc) =	sbr.rel @p0 .LBB2_10-.Ltmp4, $4  }
0x14e: {  	v5 =	vld [tilespmem:s24+$0xFFFFFFB0];
	[tilespmem:s22+$0xFFFFFFD0] =	vst v2;
	v2 =	vadd.s32 v1, v4  }
0x14f: {  	v3 =	vld [tilespmem:s24+$0xFFFFFFC0];
	[tilespmem:s22+$0xFFFFFFE0] =	vst v2;
	v4 =	vadd.s32 v1, v7  }
0x150: {  	v2 =	vld [tilespmem:s24+$0xFFFFFFD0];
	v8 =	vadd.s32 v1, v8;
	[tilespmem:s22+$0x0] =	vst v4  }
0x151: {  	s23 =	sadd.s32 $0x200, s23;
	v7 =	vadd.s32 v1, v9;
	v4 =	vld [tilespmem:s24+$0xFFFFFFE0];
	[tilespmem:s22+$0xFFFFFFF0] =	vst v8;
	s22 =	smov.u32 s24  }
0x152: {  	[tilespmem:s22+$0xFFFFFF90] =	vst v7;
	v6 =	vadd.s32 v1, v6;
	v62 =	vld [tilespmem:s22+$0x0]  }
0x153: {  	v63 =	vld [tilespmem:s22+$0xFFFFFFF0];
	[tilespmem:s22+$0xFFFFFFA0] =	vst v6;
	v5 =	vadd.s32 v1, v5  }
0x154: {  	[tilespmem:s22+$0xFFFFFFB0] =	vst v5;
	v3 =	vadd.s32 v1, v3  }
0x155: {  	[tilespmem:s22+$0xFFFFFFC0] =	vst v3;
	v2 =	vadd.s32 v1, v2  }
0x156: {  	[tilespmem:s22+$0xFFFFFFD0] =	vst v2;
	v2 =	vadd.s32 v1, v4  }
0x157: {  	[tilespmem:s22+$0xFFFFFFE0] =	vst v2;
	v2 =	vadd.s32 v1, v62  }
0x158: {  	v3 =	vadd.s32 v1, v63;
	[tilespmem:s22+$0x0] =	vst v2  }
0x159: {  	s23 =	simm.s32 $0x0;
	[tilespmem:s22+$0xFFFFFFF0] =	vst v3  }
0x15a: {  	[tilespmem:s8], [sflag:$0x1] =	stream.indirect.gather [hbm4b:s4+s11], $0x80, s23, s11, $0xb8;
	[tilespmem:$0x1E800] =	vst v63  }
0x15b: {  	_ = 	snop  }
0x15c: {  	[tilespmem:s12], [sflag:$0x2] =	stream.indirect.gather [hbm4b:s4+s11], $0x80, s11, s11, $0xb8;
	[tilespmem:$0x1E800] =	vst v63  }
0x15d: {  	_ =	swait.ge [sflag:s13], $0x4000  }
0x15e: {  	[sflag:s13] =	ssyncset.done $0x0  }
0x15f: {  	s24 =	simm.s32 $0x1400;
	[sflag:s13] =	ssyncadd.s32 $0xFFFFC000  }
0x160: {  	[spmem:s2] =	stream.indirect.scatter.add.f32 [tilespmem:s8], [sflag:$0x3], $0x80, s24, s11, $0xb8;
	[tilespmem:$0x1E800] =	vst v63  }
0x161: {  	_ =	swait.ge [sflag:s14], $0x4000  }
0x162: {  	[sflag:s14] =	ssyncset.done $0x0  }
0x163: {  	s23 =	simm.s32 $0x1480;
	[sflag:s14] =	ssyncadd.s32 $0xFFFFC000  }
0x164: {  	[spmem:s2] =	stream.indirect.scatter.add.f32 [tilespmem:s12], [sflag:$0x4], $0x80, s23, s11, $0xb8;
	[tilespmem:$0x1E800] =	vst v63  }
0x165: {  	_ =	swait.ge [sflag:s15], $0x4000  }
0x166: {  	[sflag:s15] =	ssyncset.done $0x0  }
0x167: {  	s24 =	simm.s32 $0x100;
	[sflag:s15] =	ssyncadd.s32 $0xFFFFC000  }
0x168: {  	[tilespmem:s8], [sflag:$0x1] =	stream.indirect.gather [hbm4b:s4+s11], $0x80, s24, s11, $0xb8;
	[tilespmem:$0x1E800] =	vst v63  }
0x169: {  	_ =	swait.ge [sflag:s16], $0x4000  }
0x16a: {  	[sflag:s16] =	ssyncset.done $0x0  }
0x16b: {  	s22 =	simm.s32 $0x400;
	s23 =	simm.s32 $0x180;
	[sflag:s16] =	ssyncadd.s32 $0xFFFFC000  }
.LBB2_12:
0x16c: {  	[tilespmem:s12], [sflag:$0x2] =	stream.indirect.gather [hbm4b:s4+s11], $0x80, s23, s11, $0xb8;
	[tilespmem:$0x1E800] =	vst v63  }
0x16d: {  	s23 =	smov.u32 s22  }
0x16e: {  	p0 =	sne.s32 s22, $0x4800;
	s22 =	sadd.s32 $0x400, s22;
	_ =	swait.ge [sflag:s13], $0x4000  }
0x16f: {  	s23 =	sshra.s32 s23, $0x2;
	[sflag:s13] =	ssyncset.done $0x0  }
0x170: {  	s24 =	sadd.s32 $0x1400, s23;
	[sflag:s13] =	ssyncadd.s32 $0xFFFFC000  }
0x171: {  	[spmem:s2] =	stream.indirect.scatter.add.f32 [tilespmem:s8], [sflag:$0x3], $0x80, s24, s11, $0xb8;
	[tilespmem:$0x1E800] =	vst v63  }
0x172: {  	_ =	swait.ge [sflag:s14], $0x4000  }
0x173: {  	[sflag:s14] =	ssyncset.done $0x0  }
0x174: {  	s24 =	sadd.s32 $0x1480, s23;
	[sflag:s14] =	ssyncadd.s32 $0xFFFFC000  }
0x175: {  	[spmem:s2] =	stream.indirect.scatter.add.f32 [tilespmem:s12], [sflag:$0x4], $0x80, s24, s11, $0xb8;
	[tilespmem:$0x1E800] =	vst v63  }
0x176: {  	_ =	swait.ge [sflag:s15], $0x4000  }
0x177: {  	[sflag:s15] =	ssyncset.done $0x0  }
.Ltmp5:
0x178: {  	s24 =	sadd.s32 $0x100, s23;
	[sflag:s15] =	ssyncadd.s32 $0xFFFFC000;
	(pc) =	sbr.rel @p0 .LBB2_12-.Ltmp5, $4  }
0x179: {  	[tilespmem:s8], [sflag:$0x1] =	stream.indirect.gather [hbm4b:s4+s11], $0x80, s24, s11, $0xb8;
	[tilespmem:$0x1E800] =	vst v63  }
0x17a: {  	_ =	swait.ge [sflag:s16], $0x4000  }
0x17b: {  	[sflag:s16] =	ssyncset.done $0x0  }
0x17c: {  	s23 =	sadd.s32 $0x180, s23;
	[sflag:s16] =	ssyncadd.s32 $0xFFFFC000  }
0x17d: {  	[tilespmem:s12], [sflag:$0x2] =	stream.indirect.gather [hbm4b:s4+s11], $0x80, s23, s11, $0xb8;
	[tilespmem:$0x1E800] =	vst v63  }
0x17e: {  	_ =	swait.ge [sflag:s13], $0x4000  }
0x17f: {  	[sflag:s13] =	ssyncset.done $0x0  }
0x180: {  	[sflag:s13] =	ssyncadd.s32 $0xFFFFC000  }
0x181: {  	[spmem:s2] =	stream.indirect.scatter.add.f32 [tilespmem:s8], [sflag:$0x3], $0x80, s17, s11, $0xb8;
	[tilespmem:$0x1E800] =	vst v63  }
0x182: {  	_ =	swait.ge [sflag:s14], $0x4000  }
0x183: {  	[sflag:s14] =	ssyncset.done $0x0  }
0x184: {  	[sflag:s14] =	ssyncadd.s32 $0xFFFFC000  }
0x185: {  	[spmem:s2] =	stream.indirect.scatter.add.f32 [tilespmem:s12], [sflag:$0x4], $0x80, s18, s11, $0xb8;
	[tilespmem:$0x1E800] =	vst v63  }
0x186: {  	_ =	swait.ge [sflag:s15], $0x4000  }
0x187: {  	[sflag:s15] =	ssyncset.done $0x0  }
0x188: {  	[sflag:s15] =	ssyncadd.s32 $0xFFFFC000  }
0x189: {  	_ =	swait.ge [sflag:s16], $0x4000  }
0x18a: {  	[sflag:s16] =	ssyncset.done $0x0  }
0x18b: {  	[sflag:s16] =	ssyncadd.s32 $0xFFFFC000  }
0x18c: {  	[tilespmem:s3], [sflag:$0x5] =	stream.linear.gather [hbm4b:s20+s3], $0x1400, $0x38;
	[tilespmem:$0x1E800] =	vst v63  }
0x18d: {  	_ =	swait.ge [sflag:s9], $0x1400  }
0x18e: {  	[sflag:s9] =	ssyncset.done $0x0  }
0x18f: {  	[sflag:s9] =	ssyncadd.s32 $0xFFFFEC00  }
0x190: {  	[tilespmem:s10], [sflag:$0x5] =	stream.linear.gather [hbm4b:s21+s3], $0x1400, $0x38;
	[tilespmem:$0x1E800] =	vst v63  }
0x191: {  	_ =	swait.ge [sflag:s9], $0x1400  }
0x192: {  	[sflag:s9] =	ssyncset.done $0x0  }
0x193: {  	s20 =	simm.s32 $0x70;
	[sflag:s9] =	ssyncadd.s32 $0xFFFFEC00  }
0x194: {  	v4 =	vld [tilespmem:s20+$0xFFFFFF90]  }
0x195: {  	v6 =	vld [tilespmem:s20+$0xFFFFFFA0]  }
0x196: {  	v5 =	vld [tilespmem:s20+$0xFFFFFFB0]  }
0x197: {  	v3 =	vld [tilespmem:s20+$0xFFFFFFC0]  }
0x198: {  	v2 =	vld [tilespmem:s20+$0xFFFFFFD0]  }
0x199: {  	s21 =	simm.s32 $0x3C0;
	v7 =	vadd.s32 v1, v4;
	v4 =	vld [tilespmem:s20+$0xFFFFFFE0]  }
.LBB2_14:
0x19a: {  	p0 =	sne.s32 s21, $0x4FC0;
	[tilespmem:s20+$0xFFFFFF90] =	vst v7;
	v6 =	vadd.s32 v1, v6;
	v7 =	vld [tilespmem:s20+$0x0]  }
0x19b: {  	s22 =	sshra.s32 s21, $0x2;
	[tilespmem:s20+$0xFFFFFFA0] =	vst v6;
	v5 =	vadd.s32 v1, v5;
	v8 =	vld [tilespmem:s20+$0xFFFFFFF0]  }
0x19c: {  	v9 =	vld [tilespmem:s22+$0xFFFFFF90];
	[tilespmem:s20+$0xFFFFFFB0] =	vst v5;
	v3 =	vadd.s32 v1, v3  }
.Ltmp6:
0x19d: {  	v6 =	vld [tilespmem:s22+$0xFFFFFFA0];
	[tilespmem:s20+$0xFFFFFFC0] =	vst v3;
	v2 =	vadd.s32 v1, v2;
	(pc) =	sbr.rel @p0 .LBB2_14-.Ltmp6, $4  }
0x19e: {  	v5 =	vld [tilespmem:s22+$0xFFFFFFB0];
	[tilespmem:s20+$0xFFFFFFD0] =	vst v2;
	v2 =	vadd.s32 v1, v4  }
0x19f: {  	v3 =	vld [tilespmem:s22+$0xFFFFFFC0];
	[tilespmem:s20+$0xFFFFFFE0] =	vst v2;
	v4 =	vadd.s32 v1, v7  }
0x1a0: {  	v2 =	vld [tilespmem:s22+$0xFFFFFFD0];
	v8 =	vadd.s32 v1, v8;
	[tilespmem:s20+$0x0] =	vst v4  }
0x1a1: {  	s21 =	sadd.s32 $0x200, s21;
	v7 =	vadd.s32 v1, v9;
	v4 =	vld [tilespmem:s22+$0xFFFFFFE0];
	[tilespmem:s20+$0xFFFFFFF0] =	vst v8;
	s20 =	smov.u32 s22  }
0x1a2: {  	[tilespmem:s20+$0xFFFFFF90] =	vst v7;
	v6 =	vadd.s32 v1, v6;
	v62 =	vld [tilespmem:s20+$0x0]  }
0x1a3: {  	v63 =	vld [tilespmem:s20+$0xFFFFFFF0];
	[tilespmem:s20+$0xFFFFFFA0] =	vst v6;
	v5 =	vadd.s32 v1, v5  }
0x1a4: {  	[tilespmem:s20+$0xFFFFFFB0] =	vst v5;
	v3 =	vadd.s32 v1, v3  }
0x1a5: {  	[tilespmem:s20+$0xFFFFFFC0] =	vst v3;
	v2 =	vadd.s32 v1, v2  }
0x1a6: {  	[tilespmem:s20+$0xFFFFFFD0] =	vst v2;
	v2 =	vadd.s32 v1, v4  }
0x1a7: {  	[tilespmem:s20+$0xFFFFFFE0] =	vst v2;
	v2 =	vadd.s32 v1, v62  }
0x1a8: {  	v3 =	vadd.s32 v1, v63;
	[tilespmem:s20+$0x0] =	vst v2  }
0x1a9: {  	s21 =	simm.s32 $0x0;
	[tilespmem:s20+$0xFFFFFFF0] =	vst v3  }
0x1aa: {  	[tilespmem:s8], [sflag:$0x1] =	stream.indirect.gather [hbm4b:s4+s11], $0x80, s21, s11, $0xb8;
	[tilespmem:$0x1E800] =	vst v63  }
0x1ab: {  	_ = 	snop  }
0x1ac: {  	[tilespmem:s12], [sflag:$0x2] =	stream.indirect.gather [hbm4b:s4+s11], $0x80, s11, s11, $0xb8;
	[tilespmem:$0x1E800] =	vst v63  }
0x1ad: {  	_ =	swait.ge [sflag:s13], $0x4000  }
0x1ae: {  	[sflag:s13] =	ssyncset.done $0x0  }
0x1af: {  	s22 =	simm.s32 $0x1400;
	[sflag:s13] =	ssyncadd.s32 $0xFFFFC000  }
0x1b0: {  	[spmem:s2] =	stream.indirect.scatter.add.f32 [tilespmem:s8], [sflag:$0x3], $0x80, s22, s11, $0xb8;
	[tilespmem:$0x1E800] =	vst v63  }
0x1b1: {  	_ =	swait.ge [sflag:s14], $0x4000  }
0x1b2: {  	[sflag:s14] =	ssyncset.done $0x0  }
0x1b3: {  	s23 =	simm.s32 $0x1480;
	[sflag:s14] =	ssyncadd.s32 $0xFFFFC000  }
0x1b4: {  	[spmem:s2] =	stream.indirect.scatter.add.f32 [tilespmem:s12], [sflag:$0x4], $0x80, s23, s11, $0xb8;
	[tilespmem:$0x1E800] =	vst v63  }
0x1b5: {  	_ =	swait.ge [sflag:s15], $0x4000  }
0x1b6: {  	[sflag:s15] =	ssyncset.done $0x0  }
0x1b7: {  	s24 =	simm.s32 $0x100;
	[sflag:s15] =	ssyncadd.s32 $0xFFFFC000  }
0x1b8: {  	[tilespmem:s8], [sflag:$0x1] =	stream.indirect.gather [hbm4b:s4+s11], $0x80, s24, s11, $0xb8;
	[tilespmem:$0x1E800] =	vst v63  }
0x1b9: {  	_ =	swait.ge [sflag:s16], $0x4000  }
0x1ba: {  	[sflag:s16] =	ssyncset.done $0x0  }
0x1bb: {  	s20 =	simm.s32 $0x400;
	s21 =	simm.s32 $0x180;
	[sflag:s16] =	ssyncadd.s32 $0xFFFFC000  }
.LBB2_16:
0x1bc: {  	[tilespmem:s12], [sflag:$0x2] =	stream.indirect.gather [hbm4b:s4+s11], $0x80, s21, s11, $0xb8;
	[tilespmem:$0x1E800] =	vst v63  }
0x1bd: {  	s21 =	smov.u32 s20  }
0x1be: {  	p0 =	sne.s32 s20, $0x4800;
	s20 =	sadd.s32 $0x400, s20;
	_ =	swait.ge [sflag:s13], $0x4000  }
0x1bf: {  	s21 =	sshra.s32 s21, $0x2;
	[sflag:s13] =	ssyncset.done $0x0  }
0x1c0: {  	s22 =	sadd.s32 $0x1400, s21;
	[sflag:s13] =	ssyncadd.s32 $0xFFFFC000  }
0x1c1: {  	[spmem:s2] =	stream.indirect.scatter.add.f32 [tilespmem:s8], [sflag:$0x3], $0x80, s22, s11, $0xb8;
	[tilespmem:$0x1E800] =	vst v63  }
0x1c2: {  	_ =	swait.ge [sflag:s14], $0x4000  }
0x1c3: {  	[sflag:s14] =	ssyncset.done $0x0  }
0x1c4: {  	s22 =	sadd.s32 $0x1480, s21;
	[sflag:s14] =	ssyncadd.s32 $0xFFFFC000  }
0x1c5: {  	[spmem:s2] =	stream.indirect.scatter.add.f32 [tilespmem:s12], [sflag:$0x4], $0x80, s22, s11, $0xb8;
	[tilespmem:$0x1E800] =	vst v63  }
0x1c6: {  	_ =	swait.ge [sflag:s15], $0x4000  }
0x1c7: {  	[sflag:s15] =	ssyncset.done $0x0  }
.Ltmp7:
0x1c8: {  	s22 =	sadd.s32 $0x100, s21;
	[sflag:s15] =	ssyncadd.s32 $0xFFFFC000;
	(pc) =	sbr.rel @p0 .LBB2_16-.Ltmp7, $4  }
0x1c9: {  	[tilespmem:s8], [sflag:$0x1] =	stream.indirect.gather [hbm4b:s4+s11], $0x80, s22, s11, $0xb8;
	[tilespmem:$0x1E800] =	vst v63  }
0x1ca: {  	_ =	swait.ge [sflag:s16], $0x4000  }
0x1cb: {  	[sflag:s16] =	ssyncset.done $0x0  }
0x1cc: {  	s21 =	sadd.s32 $0x180, s21;
	[sflag:s16] =	ssyncadd.s32 $0xFFFFC000  }
0x1cd: {  	[tilespmem:s12], [sflag:$0x2] =	stream.indirect.gather [hbm4b:s4+s11], $0x80, s21, s11, $0xb8;
	[tilespmem:$0x1E800] =	vst v63  }
0x1ce: {  	_ =	swait.ge [sflag:s13], $0x4000  }
0x1cf: {  	[sflag:s13] =	ssyncset.done $0x0  }
0x1d0: {  	[sflag:s13] =	ssyncadd.s32 $0xFFFFC000  }
0x1d1: {  	[spmem:s2] =	stream.indirect.scatter.add.f32 [tilespmem:s8], [sflag:$0x3], $0x80, s17, s11, $0xb8;
	[tilespmem:$0x1E800] =	vst v63  }
0x1d2: {  	_ =	swait.ge [sflag:s14], $0x4000  }
0x1d3: {  	[sflag:s14] =	ssyncset.done $0x0  }
0x1d4: {  	[sflag:s14] =	ssyncadd.s32 $0xFFFFC000  }
0x1d5: {  	[spmem:s2] =	stream.indirect.scatter.add.f32 [tilespmem:s12], [sflag:$0x4], $0x80, s18, s11, $0xb8;
	[tilespmem:$0x1E800] =	vst v63  }
0x1d6: {  	_ =	swait.ge [sflag:s15], $0x4000  }
0x1d7: {  	[sflag:s15] =	ssyncset.done $0x0  }
0x1d8: {  	[sflag:s15] =	ssyncadd.s32 $0xFFFFC000  }
0x1d9: {  	_ =	swait.ge [sflag:s16], $0x4000  }
0x1da: {  	[sflag:s16] =	ssyncset.done $0x0  }
0x1db: {  	[sflag:s16] =	ssyncadd.s32 $0xFFFFC000  }
0x1dc: {  	[bflag:$0x0] =	sbarrier.arrive $0xFFFF  }
0x1dd: {  	[tilespmem:s8], [sflag:$0x5] =	stream.linear.gather [spmem:s7], $0x4000, $0x38;
	[tilespmem:$0x1E800] =	vst v63  }
0x1de: {  	_ =	swait.ge [sflag:s9], $0x4000  }
0x1df: {  	[sflag:s9] =	ssyncset.done $0x0  }
0x1e0: {  	s20 =	rddreg [dreg:$0xf];
	[sflag:s9] =	ssyncadd.s32 $0xFFFFC000  }
0x1e1: {  	[hbm4b:s20+s3] =	stream.linear.scatter [tilespmem:s8], [sflag:$0x5], $0x4000, $0x38;
	[tilespmem:$0x1E800] =	vst v63  }
0x1e2: {  	_ =	swait.ge [sflag:s9], $0x4000  }
0x1e3: {  	[sflag:s9] =	ssyncset.done $0x0  }
0x1e4: {  	[sflag:s9] =	ssyncadd.s32 $0xFFFFC000  }
0x1e5: {  	[tilespmem:s8], [sflag:$0x5] =	stream.linear.gather [spmem:s30], $0x4000, $0x38;
	[tilespmem:$0x1E800] =	vst v63  }
0x1e6: {  	_ =	swait.ge [sflag:s9], $0x4000  }
0x1e7: {  	[sflag:s9] =	ssyncset.done $0x0  }
0x1e8: {  	s22 =	rddreg [dreg:$0x11];
	[sflag:s9] =	ssyncadd.s32 $0xFFFFC000  }
0x1e9: {  	[hbm4b:s22+s3] =	stream.linear.scatter [tilespmem:s8], [sflag:$0x5], $0x4000, $0x38;
	[tilespmem:$0x1E800] =	vst v63  }
0x1ea: {  	_ =	swait.ge [sflag:s9], $0x4000  }
0x1eb: {  	[sflag:s9] =	ssyncset.done $0x0  }
0x1ec: {  	[sflag:s9] =	ssyncadd.s32 $0xFFFFC000  }
0x1ed: {  	[tilespmem:s8], [sflag:$0x5] =	stream.linear.gather [spmem:s31], $0x4000, $0x38;
	[tilespmem:$0x1E800] =	vst v63  }
0x1ee: {  	_ =	swait.ge [sflag:s9], $0x4000  }
0x1ef: {  	[sflag:s9] =	ssyncset.done $0x0  }
0x1f0: {  	s23 =	rddreg [dreg:$0x13];
	[sflag:s9] =	ssyncadd.s32 $0xFFFFC000  }
0x1f1: {  	[hbm4b:s23+s3] =	stream.linear.scatter [tilespmem:s8], [sflag:$0x5], $0x4000, $0x38;
	[tilespmem:$0x1E800] =	vst v63  }
0x1f2: {  	_ =	swait.ge [sflag:s9], $0x4000  }
0x1f3: {  	[sflag:s9] =	ssyncset.done $0x0  }
0x1f4: {  	[sflag:s9] =	ssyncadd.s32 $0xFFFFC000  }
0x1f5: {  	[tilespmem:s8], [sflag:$0x5] =	stream.linear.gather [spmem:s0], $0x4000, $0x38;
	[tilespmem:$0x1E800] =	vst v63  }
0x1f6: {  	_ =	swait.ge [sflag:s9], $0x4000  }
0x1f7: {  	[sflag:s9] =	ssyncset.done $0x0  }
0x1f8: {  	[sflag:s9] =	ssyncadd.s32 $0xFFFFC000  }
0x1f9: {  	[hbm4b:s26+s3] =	stream.linear.scatter [tilespmem:s8], [sflag:$0x5], $0x4000, $0x38;
	[tilespmem:$0x1E800] =	vst v63  }
0x1fa: {  	_ =	swait.ge [sflag:s9], $0x4000  }
0x1fb: {  	[sflag:s9] =	ssyncset.done $0x0  }
0x1fc: {  	[sflag:s9] =	ssyncadd.s32 $0xFFFFC000  }
0x1fd: {  	[tilespmem:s8], [sflag:$0x5] =	stream.linear.gather [spmem:s1], $0x4000, $0x38;
	[tilespmem:$0x1E800] =	vst v63  }
0x1fe: {  	_ =	swait.ge [sflag:s9], $0x4000  }
0x1ff: {  	[sflag:s9] =	ssyncset.done $0x0  }
0x200: {  	[sflag:s9] =	ssyncadd.s32 $0xFFFFC000  }
0x201: {  	[hbm4b:s28+s3] =	stream.linear.scatter [tilespmem:s8], [sflag:$0x5], $0x4000, $0x38;
	[tilespmem:$0x1E800] =	vst v63  }
0x202: {  	_ =	swait.ge [sflag:s9], $0x4000  }
0x203: {  	s19 =	sadd.s32 $0x1, s19;
	s24 =	rddreg [dreg:$0x3]  }
0x204: {  	p0 =	sne.s32 s19, s24  }
.Ltmp8:
0x205: {  	_ = 	snop;
	(pc) =	sbr.rel @p0 .LBB2_1-.Ltmp8, $3  }
0x206: {  	_ =	sdelay $0x1  }
0x207: {  	[sflag:s9] =	ssyncset.done $0x0  }
0x208: {  	[sflag:s9] =	ssyncadd.s32 $0xFFFFC000  }
0x209: {  	_ =	sfence.sel $0x180000  }
0x20a: {  	[bflag:$0x0] =	sbarrier.arrive $0xFFFF  }
0x20b: {  	_ =	strace $0x9000004D  }
0x20c: {  	s0 =	stileid.u32;
	[bflag:$0x2] =	sbarrier.arrive $0xFFFF  }
0x20d: {  	p0 =	sne.s32 s0, $0x0;
	s0 =	rddreg [dreg:$0x2]  }
0x20e: {  	s0 =	sadd.s32 @!p0 $0x100000, s0  }
0x20f: {  	[sflag:s0] =	ssyncadd.tile.s32 @!p0 $0x1;
	_ =	shalt  }
.Lfunc_end2:
_tile_overlayer_lowered:
.L_overlay_start_2:
0x210: {  	(tag) =	ssettag $0x2  }
0x211: {  	s0 =	rddreg [dreg:$0x0];
	s2 =	stileid.u32  }
0x212: {  	s1 =	rddreg [dreg:$0x1];
	p0 =	sne.s32 s2, $0x0  }
0x213: {  	s3 =	rddreg [dreg:$0x2];
	[bflag:$0x3] =	sbarrier.arrive $0xFFFF;
	s2 =	simm.s32 @!p0 $0x1C05  }
0x214: {  	[timem:s3], [sflag:s2] =	dma.local @!p0 [hbm:s0], s1  }
0x215: {  	s0 =	simm.s32 @!p0 $0x5  }
0x216: {  	_ =	swait.ge @!p0 [sflag:s0], s1  }
0x217: {  	s1 =	ssub.s32 @!p0 $0x0, s1;
	[sflag:s0] =	ssyncset.done @!p0 $0x0  }
0x218: {  	[sflag:s0] =	ssyncadd.s32 @!p0 s1  }
0x219: {  	[bflag:$0x3] =	sbarrier.arrive $0xFFFF  }
0x21a: {  	_ =	shalt  }

// kernel: kernel.8.cloned.1.call-start
scs
__scs_entry_jumppad:
0x0: {  	(pc) =	sbr.rel $0x88, $3  }
0x1: {  	(tag) =	ssettag $0x0;
	lr =	simm.s32 $0x1  }
0x2: {  	[smem:$0x3F99] =	sst lr;
	_ =	strace $0xD0000000  }
0x3: {  	_ = 	snop  }
0x4: {  	_ = 	snop  }
0x5: {  	_ = 	snop  }
0x6: {  	_ = 	snop  }
0x7: {  	_ = 	snop  }
__scs_overlays_trampoline_lowered:
0x8: {  	[smem:$0x3FA8] =	sst s0  }
0x9: {  	[smem:$0x3FA9] =	sst s1  }
0xa: {  	[smem:$0x3FAA] =	sst s2  }
0xb: {  	[smem:$0x3FAB] =	sst s3  }
0xc: {  	[smem:$0x3FAC] =	sst s4  }
0xd: {  	[smem:$0x3FAD] =	sst s5  }
0xe: {  	[smem:$0x3FAE] =	sst s6  }
0xf: {  	[smem:$0x3FAF] =	sst s7  }
0x10: {  	[smem:$0x3FB0] =	sst s8  }
0x11: {  	[smem:$0x3FB1] =	sst s9;
	s0 =	simm.s32 @!p0 $0x0  }
0x12: {  	s1 =	sld [smem:$0x3F97];
	s0 =	simm.s32 @p0 $0x1  }
0x13: {  	[smem:$0x3FB2] =	sst s0;
	s0 =	simm.s32 @!p1 $0x0  }
0x14: {  	s2 =	sld [smem:$0x3F96];
	s0 =	simm.s32 @p1 $0x1  }
0x15: {  	[smem:$0x3FB3] =	sst s0;
	s0 =	simm.s32 @!p2 $0x0  }
0x16: {  	s3 =	sld [smem:$0x3FDB];
	s0 =	simm.s32 @p2 $0x1  }
0x17: {  	s4 =	simm.s32 $0x1BF5;
	[smem:$0x3FB5] =	sst s0  }
0x18: {  	s0 =	sld [smem:$0x3F98];
	_ =	swait.ge [sflag:s4], $0x0  }
0x19: {  	s7 =	sld [smem:$0x3F99]  }
0x1a: {  	s8 =	sadd.s32 $0xFFFFE003, lr  }
0x1b: {  	s9 =	sadd.s32 $0xFFFFFEF7, lr;
	s5 =	simm.s32 $0xFFFFFFFF;
	p2 =	slt.u32 s8, $0xFFFFF086  }
0x1c: {  	p1 =	slt.u32 s9, $0xF7A;
	s5 =	simm.s32 @!p2 $0x0  }
0x1d: {  	s5 =	simm.s32 @p1 $0x1;
	p0 =	seq.s32 s7, s2  }
0x1e: {  	s7 =	smul.u32 @!p0 $0xF7A, s2;
	p2 =	seq.s32 @!p0 s5, $0x0  }
0x1f: {  	s9 =	smul.u32 $0xF7A, s1;
	s8 =	simm.s32 @!p0 $0x1BF5;
	p2 =	por !p2, p0  }
0x20: {  	[sflag:s8] =	ssyncset.s32 @!p0 $0xFFFFF086;
	s6 =	sadd.s32 @!p0 s3, s7;
	s7 =	simm.s32 @!p0 $0x108  }
0x21: {  	s3 =	sadd.s32 s3, s9;
	s6 =	sadd.s32 @!p0 $0x88, s6;
	s7 =	simm.s32 @p2 $0x1082  }
0x22: {  	[simem:s7], [sflag:s8] =	dma.local @!p0 [hbm:s6], $0xF7A  }
0x23: {  	s9 =	sor.u32 $0xD0000000, s2;
	s6 =	simm.s32 $0x108;
	_ =	swait.ge @!p0 [sflag:s8], $0x0  }
0x24: {  	s3 =	sadd.s32 $0x88, s3;
	s6 =	simm.s32 @!p1 $0x1082;
	[sflag:s4] =	ssyncset.s32 $0xFFFFF086  }
0x25: {  	[simem:s6], [sflag:s4] =	dma.local [hbm:s3], $0xF7A  }
0x26: {  	[smem:$0x3F99] =	sst s1;
	(tag) =	ssettag s2;
	_ =	strace s9  }
0x27: {  	s1 =	sld [smem:$0x3FA9]  }
0x28: {  	s2 =	sld [smem:$0x3FAA]  }
0x29: {  	s4 =	sld [smem:$0x3FAC]  }
0x2a: {  	p0 =	seq.s32 s5, $0x0;
	s5 =	sld [smem:$0x3FAD]  }
0x2b: {  	s6 =	sld [smem:$0x3FAE]  }
0x2c: {  	s7 =	sld [smem:$0x3FAF]  }
0x2d: {  	s3 =	simm.s32 $0x108;
	s8 =	sld [smem:$0x3FB0]  }
0x2e: {  	s3 =	simm.s32 @!p0 $0x1082;
	s9 =	sld [smem:$0x3FB1]  }
0x2f: {  	lr =	sadd.s32 s0, s3;
	s0 =	sld [smem:$0x3FA8]  }
0x30: {  	s3 =	sld [smem:$0x3FAB]  }
0x31: {  	[smem:$0x3FB4] =	sst s10  }
0x32: {  	s10 =	sld [smem:$0x3FB2];
	_ =	sdelay $0x3  }
0x33: {  	p0 =	seq.s32 s10, $0x1;
	s10 =	sld [smem:$0x3FB4];
	_ =	sdelay $0x3  }
0x34: {  	[smem:$0x3FB4] =	sst s10  }
0x35: {  	s10 =	sld [smem:$0x3FB3];
	_ =	sdelay $0x3  }
0x36: {  	p1 =	seq.s32 s10, $0x1;
	s10 =	sld [smem:$0x3FB4];
	_ =	sdelay $0x3  }
0x37: {  	[smem:$0x3FB4] =	sst s10  }
0x38: {  	s10 =	sld [smem:$0x3FB5]  }
0x39: {  	_ = 	snop;
	(pc) =	sbr.ind lr, $3  }
0x3a: {  	_ = 	snop  }
0x3b: {  	_ = 	snop  }
0x3c: {  	p2 =	seq.s32 s10, $0x1;
	s10 =	sld [smem:$0x3FB4]  }
0x3d: {  	_ =	shalt  }
0x3e: {  	_ =	shalt  }
0x3f: {  	_ =	shalt  }
0x40: {  	_ =	shalt  }
0x41: {  	_ =	shalt  }
0x42: {  	_ =	shalt  }
0x43: {  	_ =	shalt  }
0x44: {  	_ =	shalt  }
0x45: {  	_ =	shalt  }
0x46: {  	_ =	shalt  }
0x47: {  	_ =	shalt  }
0x48: {  	_ =	shalt  }
0x49: {  	_ =	shalt  }
0x4a: {  	_ =	shalt  }
0x4b: {  	_ =	shalt  }
0x4c: {  	_ =	shalt  }
0x4d: {  	_ =	shalt  }
0x4e: {  	_ =	shalt  }
0x4f: {  	_ =	shalt  }
0x50: {  	_ =	shalt  }
0x51: {  	_ =	shalt  }
0x52: {  	_ =	shalt  }
0x53: {  	_ =	shalt  }
0x54: {  	_ =	shalt  }
0x55: {  	_ =	shalt  }
0x56: {  	_ =	shalt  }
0x57: {  	_ =	shalt  }
0x58: {  	_ =	shalt  }
0x59: {  	_ =	shalt  }
0x5a: {  	_ =	shalt  }
0x5b: {  	_ =	shalt  }
0x5c: {  	_ =	shalt  }
0x5d: {  	_ =	shalt  }
0x5e: {  	_ =	shalt  }
0x5f: {  	_ =	shalt  }
0x60: {  	_ =	shalt  }
0x61: {  	_ =	shalt  }
0x62: {  	_ =	shalt  }
0x63: {  	_ =	shalt  }
0x64: {  	_ =	shalt  }
0x65: {  	_ =	shalt  }
0x66: {  	_ =	shalt  }
0x67: {  	_ =	shalt  }
0x68: {  	_ =	shalt  }
0x69: {  	_ =	shalt  }
0x6a: {  	_ =	shalt  }
0x6b: {  	_ =	shalt  }
0x6c: {  	_ =	shalt  }
0x6d: {  	_ =	shalt  }
0x6e: {  	_ =	shalt  }
0x6f: {  	_ =	shalt  }
0x70: {  	_ =	shalt  }
0x71: {  	_ =	shalt  }
0x72: {  	_ =	shalt  }
0x73: {  	_ =	shalt  }
0x74: {  	_ =	shalt  }
0x75: {  	_ =	shalt  }
0x76: {  	_ =	shalt  }
0x77: {  	_ =	shalt  }
0x78: {  	_ =	shalt  }
0x79: {  	_ =	shalt  }
0x7a: {  	_ =	shalt  }
0x7b: {  	_ =	shalt  }
0x7c: {  	_ =	shalt  }
0x7d: {  	_ =	shalt  }
0x7e: {  	_ =	shalt  }
0x7f: {  	_ =	shalt  }
0x80: {  	_ =	shalt  }
0x81: {  	_ =	shalt  }
0x82: {  	_ =	shalt  }
0x83: {  	_ =	shalt  }
0x84: {  	_ =	shalt  }
0x85: {  	_ =	shalt  }
0x86: {  	_ =	shalt  }
0x87: {  	_ =	shalt  }
.Lfunc_end0:
.L_simem_size_0:
called_computation_lowered:
.L_overlay_start_0:
0x88: {  	s2 =	sld [smem:$0x3FD9]  }
0x89: {  	s3 =	sld [smem:$0x3FFE];
	_ =	sdelay $0x1  }
0x8a: {  	s1 =	srdreg.scid  }
0x8b: {  	s0 =	sand.u32 $0x1, s1  }
0x8c: {  	s16 =	sshll.u32 s0, $0xA;
	s2 =	sadd.s32 s3, s2  }
0x8d: {  	s2 =	sadd.s32 s2, s16  }
0x8e: {  	[smem:$0x3FC0] =	sst s2  }
0x8f: {  	_ = 	snop  }
0x90: {  	(tm) =	ssettm $0x1  }
0x91: {  	s17 =	sld [smem:$0x3FFB];
	_ =	sdelay $0x3  }
0x92: {  	_ =	strace s17  }
0x93: {  	s2 =	sld [smem:$0x3FFC];
	_ =	sdelay $0x3  }
0x94: {  	_ =	strace s2  }
0x95: {  	s2 =	sld [smem:$0x3FFD];
	_ =	sdelay $0x3  }
0x96: {  	_ =	strace s2  }
0x97: {  	_ =	strace $0x8FFFFFFF  }
0x98: {  	s18 =	sld [smem:$0x3FDB];
	_ =	sdelay $0x1  }
0x99: {  	s19 =	simm.s32 $_scs_section_size  }
0x9a: {  	s4 =	simm.s32 $_size__tile_overlayer_lowered;
	s5 =	simm.s32 $_tile_overlayer_lowered  }
0x9b: {  	s22 =	simm.s32 $0x1BFF;
	s21 =	sshll.u32 s5, $0x1;
	s2 =	sadd.s32 s19, s18  }
0x9c: {  	s6 =	simm.s32 $0x0;
	s20 =	sshll.u32 s4, $0x1;
	s4 =	sadd.s32 s21, s2  }
0x9d: {  	[timem:s6], [sflag:s22] =	dma.local [hbm:s4], s20  }
0x9e: {  	_ =	swait.ge [sflag:s22], s20  }
0x9f: {  	s3 =	ssub.s32 $0x0, s20;
	[sflag:s22] =	ssyncset.done $0x0  }
0xa0: {  	[sflag:s22] =	ssyncadd.s32 s3;
	_ =	sdelay $0x1  }
0xa1: {  	s23 =	simm.s32 $0x1B8B  }
0xa2: {  	_ =	swait.ge [sflag:s23], $0x1  }
0xa3: {  	[sflag:s23] =	ssyncset.done $0x0  }
0xa4: {  	s25 =	simm.s32 $0x1B8E;
	s24 =	sld [smem:$0x3FFE];
	[sflag:s23] =	ssyncadd.s32 $0xFFFFFFFF  }
0xa5: {  	s26 =	simm.s32 $execute0_lowered;
	[smem:$0x3FD2] =	sst s25  }
0xa6: {  	s4 =	sshll.u32 s26, $0x1;
	_ =	strace $0x80000046;
	[dreg:$0x1] =	wrdreg $0xFFFFFFFF  }
0xa7: {  	s28 =	simm.s32 $_size_execute0_lowered;
	s2 =	sadd.s32 s2, s4;
	[dreg:$0x0] =	wrdreg $0x0  }
0xa8: {  	s4 =	sshll.u32 s28, $0x1;
	[dreg:$0x2] =	wrdreg s2  }
0xa9: {  	[dreg:$0x3] =	wrdreg s4  }
0xaa: {  	[dreg:$0x4] =	wrdreg $0xC0  }
0xab: {  	_ =	task [dreg:s6], $0x5FFFF  }
0xac: {  	[dreg:$0x1] =	wrdreg $0xFFFFFFFF  }
0xad: {  	[dreg:$0x0] =	wrdreg $0x60  }
0xae: {  	[dreg:$0x2] =	wrdreg s24  }
0xaf: {  	[dreg:$0x3] =	wrdreg $0x94000  }
0xb0: {  	[dreg:$0x4] =	wrdreg $0x9  }
0xb1: {  	_ =	task.clear_ibuf [dreg:s6], $0x5FFFF;
	_ =	strace $0x90000046  }
0xb2: {  	s29 =	simm.s32 $0x9;
	_ =	strace $0x80000048  }
0xb3: {  	_ =	swait.ge [sflag:s29], $0x1  }
0xb4: {  	[sflag:s29] =	ssyncadd.s32 $0xFFFFFFFF  }
0xb5: {  	_ =	strace $0x90000048  }
0xb6: {  	_ =	sfence  }
0xb7: {  	s30 =	sld [smem:$0x0];
	_ =	sdelay $0x2  }
0xb8: {  	s31 =	sshll.u32 s1, $0xD;
	s1 =	sshrl.u32 s1, $0x2  }
0xb9: {  	s3 =	sand.u32 $0x4000, s31;
	s1 =	sadd.s32 s1, s30  }
0xba: {  	s0 =	sor.u32 s3, s0;
	s1 =	sshll.u32 s1, $0x11  }
0xbb: {  	s0 =	sor.u32 s1, s0  }
0xbc: {  	s0 =	sadd.s32 $0x8F2B, s0  }
0xbd: {  	[sflag:s0] =	ssyncadd.remote.s32 $0x1  }
0xbe: {  	_ =	sfence.sel $0xFFFF  }
0xbf: {  	[dreg:$0x0] =	wrdreg $0xFFFFFFFF;
	(pc) =	sbr.abs _section_cstart, $3  }
0xc0: {  	[dreg:$0x1] =	wrdreg $0xFFFFFFFF  }
0xc1: {  	_ =	task.clear_ibuf [dreg:s6], $0x2FFFF;
	_ =	strace $0x9FFFFFFF  }
0xc2: {  	(tm) =	ssettm $0x7FFFFFFF  }
0xc3: {  	_ =	shalt  }
tec
execute0_lowered:
.L_overlay_start_1:
0x0: {  	(tag) =	ssettag $0x1  }
0x1: {  	s7 =	rddreg [dreg:$0x0]  }
0x2: {  	s0 =	srdreg.scid;
	s2 =	rddreg [dreg:$0x1]  }
0x3: {  	s3 =	simm.s32 $0x0;
	s18 =	simm.s32 $0x1;
	s19 =	simm.s32 $0x1400  }
0x4: {  	s20 =	simm.s32 $0x5400;
	s6 =	sand.u32 $0x1, s0;
	s0 =	stileid.u32  }
0x5: {  	s21 =	simm.s32 $0x80;
	s22 =	simm.s32 $0x0;
	s5 =	smul.u32 $0x280, s0  }
0x6: {  	[smem:$0x7FF] =	sst s3;
	s1 =	sshll.u32 s6, $0x4;
	s8 =	smul.u32 $0x2800, s6  }
0x7: {  	s10 =	smul.u32 $0x50000, s0;
	s6 =	ssub.s32 $0x2, s6;
	s1 =	sor.u32 s0, s1  }
0x8: {  	s29 =	sshrl.u32 s6, $0x1;
	s4 =	smul.u32 $0x280, s1;
	s1 =	rddreg [dreg:$0x2]  }
0x9: {  	_ =	strace $0x80000047;
	s8 =	sadd.s32 s8, s5;
	s5 =	sadd.s32 $0x7400, s7  }
0xa: {  	s30 =	sshrl.u32 s10, $0x2;
	s31 =	ssub.s32 s6, s29;
	s8 =	sshll.u32 s8, $0x4  }
0xb: {  	s9 =	sadd.s32 s4, s7;
	s4 =	sadd.s32 $0x7C00, s7;
	s17 =	sadd.s32 s8, s7  }
0xc: {  	s7 =	sadd.s32 s30, s2;
	s8 =	smax.u32 s31, $0x1;
	s6 =	sadd.s32 $0x2400, s9  }
0xd: {  	s9 =	sadd.s32 $0x4000, s7;
	s10 =	sadd.s32 $0x8000, s7;
	s11 =	sadd.s32 $0xC000, s7  }
0xe: {  	s12 =	sadd.s32 $0x10000, s7;
	s13 =	sadd.s32 $0x8400, s17;
	s14 =	sadd.s32 $0x8C00, s17  }
0xf: {  	s15 =	sadd.s32 $0x9400, s17;
	s16 =	sadd.s32 $0x9C00, s17;
	s17 =	sadd.s32 $0xA400, s17  }
.LBB2_1:
0x10: {  	[tilespmem:s3], [sflag:$0x1] =	stream.linear.gather [hbm4b:s6+s3], $0x1400, $0x38;
	[tilespmem:$0x1D400] =	vst v63  }
0x11: {  	_ =	swait.ge [sflag:s18], $0x1400  }
0x12: {  	[sflag:s18] =	ssyncset.done $0x0  }
0x13: {  	[sflag:s18] =	ssyncadd.s32 $0xFFFFEC00  }
0x14: {  	[tilespmem:s19], [sflag:$0x1] =	stream.linear.gather [hbm4b:s4+s3], $0x4000, $0x38;
	[tilespmem:$0x1D400] =	vst v63  }
0x15: {  	_ =	swait.ge [sflag:s18], $0x4000  }
0x16: {  	[sflag:s18] =	ssyncset.done $0x0  }
0x17: {  	[sflag:s18] =	ssyncadd.s32 $0xFFFFC000  }
0x18: {  	[tilespmem:s20], [sflag:$0x1] =	stream.linear.gather [hbm4b:s5+s3], $0x4000, $0x38;
	[tilespmem:$0x1D400] =	vst v63  }
0x19: {  	_ =	swait.ge [sflag:s18], $0x4000  }
0x1a: {  	[sflag:s18] =	ssyncset.done $0x0  }
0x1b: {  	[sflag:s18] =	ssyncadd.s32 $0xFFFFC000  }
0x1c: {  	[spmem:s7] =	stream.linear.scatter [tilespmem:s20], [sflag:$0x1], $0x4000, $0x38;
	[tilespmem:$0x1D400] =	vst v63  }
0x1d: {  	_ =	swait.ge [sflag:s18], $0x4000  }
0x1e: {  	[sflag:s18] =	ssyncset.done $0x0  }
0x1f: {  	[sflag:s18] =	ssyncadd.s32 $0xFFFFC000  }
0x20: {  	[spmem:s9] =	stream.linear.scatter [tilespmem:s20], [sflag:$0x1], $0x4000, $0x38;
	[tilespmem:$0x1D400] =	vst v63  }
0x21: {  	_ =	swait.ge [sflag:s18], $0x4000  }
0x22: {  	[sflag:s18] =	ssyncset.done $0x0  }
0x23: {  	[sflag:s18] =	ssyncadd.s32 $0xFFFFC000  }
0x24: {  	[spmem:s10] =	stream.linear.scatter [tilespmem:s20], [sflag:$0x1], $0x4000, $0x38;
	[tilespmem:$0x1D400] =	vst v63  }
0x25: {  	_ =	swait.ge [sflag:s18], $0x4000  }
0x26: {  	[sflag:s18] =	ssyncset.done $0x0  }
0x27: {  	[sflag:s18] =	ssyncadd.s32 $0xFFFFC000  }
0x28: {  	[spmem:s11] =	stream.linear.scatter [tilespmem:s20], [sflag:$0x1], $0x4000, $0x38;
	[tilespmem:$0x1D400] =	vst v63  }
0x29: {  	_ =	swait.ge [sflag:s18], $0x4000  }
0x2a: {  	[sflag:s18] =	ssyncset.done $0x0  }
0x2b: {  	[sflag:s18] =	ssyncadd.s32 $0xFFFFC000  }
0x2c: {  	[spmem:s12] =	stream.linear.scatter [tilespmem:s20], [sflag:$0x1], $0x4000, $0x38;
	[tilespmem:$0x1D400] =	vst v63  }
0x2d: {  	_ =	swait.ge [sflag:s18], $0x4000  }
0x2e: {  	[sflag:s18] =	ssyncset.done $0x0  }
0x2f: {  	[sflag:s18] =	ssyncadd.s32 $0xFFFFC000  }
0x30: {  	s23 =	simm.s32 $0x0;
	[bflag:$0x0] =	sbarrier.arrive $0xFFFF  }
0x31: {  	[spmem:s2] =	stream.indirect.scatter.add.f32 [tilespmem:s19], [sflag:$0x1], $0x80, s23, s21, $0xb8;
	[tilespmem:$0x1D400] =	vst v63  }
0x32: {  	_ =	swait.ge [sflag:s18], $0x4000  }
0x33: {  	s23 =	simm.s32 $0x200;
	[sflag:s18] =	ssyncset.done $0x0  }
.LBB2_2:
0x34: {  	s24 =	sshra.s32 s23, $0x2;
	[sflag:s18] =	ssyncadd.s32 $0xFFFFC000;
	p0 =	sne.s32 s23, $0x4E00  }
0x35: {  	[spmem:s2] =	stream.indirect.scatter.add.f32 [tilespmem:s19], [sflag:$0x1], $0x80, s24, s21, $0xb8;
	[tilespmem:$0x1D400] =	vst v63  }
.Ltmp0:
0x36: {  	_ = 	snop;
	(pc) =	sbr.rel @p0 .LBB2_2-.Ltmp0, $4  }
0x37: {  	_ = 	snop  }
0x38: {  	s23 =	sadd.s32 $0x200, s23  }
0x39: {  	_ =	swait.ge [sflag:s18], $0x4000  }
0x3a: {  	[sflag:s18] =	ssyncset.done $0x0  }
0x3b: {  	[sflag:s18] =	ssyncadd.s32 $0xFFFFC000  }
0x3c: {  	[bflag:$0x0] =	sbarrier.arrive $0xFFFF  }
0x3d: {  	[tilespmem:s20], [sflag:$0x1] =	stream.linear.gather [spmem:s7], $0x4000, $0x38;
	[tilespmem:$0x1D400] =	vst v63  }
0x3e: {  	_ =	swait.ge [sflag:s18], $0x4000  }
0x3f: {  	[sflag:s18] =	ssyncset.done $0x0  }
0x40: {  	[sflag:s18] =	ssyncadd.s32 $0xFFFFC000  }
0x41: {  	[hbm4b:s13+s3] =	stream.linear.scatter [tilespmem:s20], [sflag:$0x1], $0x4000, $0x38;
	[tilespmem:$0x1D400] =	vst v63  }
0x42: {  	_ =	swait.ge [sflag:s18], $0x4000  }
0x43: {  	[sflag:s18] =	ssyncset.done $0x0  }
0x44: {  	[sflag:s18] =	ssyncadd.s32 $0xFFFFC000  }
0x45: {  	[tilespmem:s20], [sflag:$0x1] =	stream.linear.gather [spmem:s9], $0x4000, $0x38;
	[tilespmem:$0x1D400] =	vst v63  }
0x46: {  	_ =	swait.ge [sflag:s18], $0x4000  }
0x47: {  	[sflag:s18] =	ssyncset.done $0x0  }
0x48: {  	[sflag:s18] =	ssyncadd.s32 $0xFFFFC000  }
0x49: {  	[hbm4b:s14+s3] =	stream.linear.scatter [tilespmem:s20], [sflag:$0x1], $0x4000, $0x38;
	[tilespmem:$0x1D400] =	vst v63  }
0x4a: {  	_ =	swait.ge [sflag:s18], $0x4000  }
0x4b: {  	[sflag:s18] =	ssyncset.done $0x0  }
0x4c: {  	[sflag:s18] =	ssyncadd.s32 $0xFFFFC000  }
0x4d: {  	[tilespmem:s20], [sflag:$0x1] =	stream.linear.gather [spmem:s10], $0x4000, $0x38;
	[tilespmem:$0x1D400] =	vst v63  }
0x4e: {  	_ =	swait.ge [sflag:s18], $0x4000  }
0x4f: {  	[sflag:s18] =	ssyncset.done $0x0  }
0x50: {  	[sflag:s18] =	ssyncadd.s32 $0xFFFFC000  }
0x51: {  	[hbm4b:s15+s3] =	stream.linear.scatter [tilespmem:s20], [sflag:$0x1], $0x4000, $0x38;
	[tilespmem:$0x1D400] =	vst v63  }
0x52: {  	_ =	swait.ge [sflag:s18], $0x4000  }
0x53: {  	[sflag:s18] =	ssyncset.done $0x0  }
0x54: {  	[sflag:s18] =	ssyncadd.s32 $0xFFFFC000  }
0x55: {  	[tilespmem:s20], [sflag:$0x1] =	stream.linear.gather [spmem:s11], $0x4000, $0x38;
	[tilespmem:$0x1D400] =	vst v63  }
0x56: {  	_ =	swait.ge [sflag:s18], $0x4000  }
0x57: {  	[sflag:s18] =	ssyncset.done $0x0  }
0x58: {  	[sflag:s18] =	ssyncadd.s32 $0xFFFFC000  }
0x59: {  	[hbm4b:s16+s3] =	stream.linear.scatter [tilespmem:s20], [sflag:$0x1], $0x4000, $0x38;
	[tilespmem:$0x1D400] =	vst v63  }
0x5a: {  	_ =	swait.ge [sflag:s18], $0x4000  }
0x5b: {  	[sflag:s18] =	ssyncset.done $0x0  }
0x5c: {  	[sflag:s18] =	ssyncadd.s32 $0xFFFFC000  }
0x5d: {  	[tilespmem:s20], [sflag:$0x1] =	stream.linear.gather [spmem:s12], $0x4000, $0x38;
	[tilespmem:$0x1D400] =	vst v63  }
0x5e: {  	s22 =	sadd.s32 $0x1, s22;
	_ =	swait.ge [sflag:s18], $0x4000  }
0x5f: {  	p0 =	sne.s32 s22, s8;
	[sflag:s18] =	ssyncset.done $0x0  }
.Ltmp1:
0x60: {  	[sflag:s18] =	ssyncadd.s32 $0xFFFFC000;
	(pc) =	sbr.rel @p0 .LBB2_1-.Ltmp1, $4  }
0x61: {  	[hbm4b:s17+s3] =	stream.linear.scatter [tilespmem:s20], [sflag:$0x1], $0x4000, $0x38;
	[tilespmem:$0x1D400] =	vst v63  }
0x62: {  	_ =	swait.ge [sflag:s18], $0x4000  }
0x63: {  	[sflag:s18] =	ssyncset.done $0x0  }
0x64: {  	[sflag:s18] =	ssyncadd.s32 $0xFFFFC000  }
0x65: {  	_ =	sfence.sel $0x180000  }
0x66: {  	[bflag:$0x0] =	sbarrier.arrive $0xFFFF  }
0x67: {  	p0 =	sne.s32 s0, $0x0;
	_ =	strace $0x90000047  }
0x68: {  	s0 =	sadd.s32 @!p0 $0x100000, s1;
	[bflag:$0x2] =	sbarrier.arrive $0xFFFF  }
0x69: {  	[sflag:s0] =	ssyncadd.tile.s32 @!p0 $0x1;
	_ =	shalt  }
.Lfunc_end2:
_tile_overlayer_lowered:
.L_overlay_start_2:
0x6a: {  	(tag) =	ssettag $0x2  }
0x6b: {  	s0 =	rddreg [dreg:$0x0];
	s2 =	stileid.u32  }
0x6c: {  	s1 =	rddreg [dreg:$0x1];
	p0 =	sne.s32 s2, $0x0  }
0x6d: {  	s3 =	rddreg [dreg:$0x2];
	[bflag:$0x3] =	sbarrier.arrive $0xFFFF;
	s2 =	simm.s32 @!p0 $0x1C01  }
0x6e: {  	[timem:s3], [sflag:s2] =	dma.local @!p0 [hbm:s0], s1  }
0x6f: {  	s0 =	simm.s32 @!p0 $0x1  }
0x70: {  	_ =	swait.ge @!p0 [sflag:s0], s1  }
0x71: {  	s1 =	ssub.s32 @!p0 $0x0, s1;
	[sflag:s0] =	ssyncset.done @!p0 $0x0  }
0x72: {  	[sflag:s0] =	ssyncadd.s32 @!p0 s1  }
0x73: {  	[bflag:$0x3] =	sbarrier.arrive $0xFFFF  }
0x74: {  	_ =	shalt  }

</sc_bundles>
